<compile_context>
chip_gen: v7x
topology: tpu7x:2x2x1
jax: 0.10.2.dev20260603
libtpu: 0.0.44.dev20260713+nightly
codegen_flags: <defaults>
</compile_context>

<pallas_src>
import functools

import jax
import jax.numpy as jnp
from jax import lax
from jax.experimental import pallas as pl
from jax.experimental.pallas import tpu as pltpu
from jax.experimental.pallas import tpu_sc as plsc

_N = 100000
_E = 3200000
NP = 106496
EP = 3211264
SUB = 128
ROWS = 4
EB = ROWS * SUB
EPR = EP // SUB
NBLKG = EPR // ROWS + 2
RPT = NP // 16
ZR = 512
RBL = 8192
NBLK_TC = NP // RBL

_mesh = plsc.VectorSubcoreMesh(core_axis_name="c", subcore_axis_name="s")


def _edge_pass(F, mode):
    shape = (NP,) if F == 0 else (NP, F)
    rows_shape = (EB,) if F == 0 else (EB, F)
    nblk = EP // EB // (16 if mode == "split" else 32)
    nj = nblk // 2

    IR = ROWS if mode == "deg" else 2 * ROWS

    @functools.partial(
        pl.kernel,
        out_type=jax.ShapeDtypeStruct((2,) + shape, jnp.float32),
        mesh=_mesh,
        compiler_params=pltpu.CompilerParams(use_tc_tiling_on_sc=False),
        scratch_types=[
            pltpu.VMEM((IR, SUB), jnp.int32),
            pltpu.VMEM((IR, SUB), jnp.int32),
            pltpu.VMEM(rows_shape, jnp.float32),
            pltpu.VMEM(rows_shape, jnp.float32),
            pltpu.VMEM_SHARED(shape, jnp.float32),
            pltpu.SemaphoreType.DMA,
            pltpu.SemaphoreType.DMA,
            pltpu.SemaphoreType.DMA,
            pltpu.SemaphoreType.DMA,
        ],
    )
    def k(*refs):
        if mode == "deg":
            (cidx, out, cA, cB, rowsA, rowsB, acc_sh,
             gsA, gsB, isA, isB) = refs
            g = None
        else:
            (g, cidx, out, cA, cB, rowsA, rowsB,
             acc_sh, gsA, gsB, isA, isB) = refs
        c = lax.axis_index("c")
        s = lax.axis_index("s")
        r0 = s * RPT

        def zfill(rows_v, val):
            vec = jnp.full((16,), val, jnp.float32)
            n16 = (EB // 16) if F == 0 else EB * F // 16

            def fz(i, _):
                if F == 0:
                    rows_v[pl.ds(i * 16, 16)] = vec
                else:
                    r = i // (F // 16)
                    q = i % (F // 16)
                    rows_v[r, pl.ds(q * 16, 16)] = vec
                return 0
            lax.fori_loop(0, n16, fz, 0)

        def zinit():
            zsrc = rowsA.at[pl.ds(0, ZR)]
            for i in range(RPT // ZR):
                pltpu.sync_copy(zsrc, acc_sh.at[pl.ds(r0 + i * ZR, ZR)])

        if mode == "split":
            pltpu.sync_copy(g.at[c].at[pl.ds(r0, RPT)], acc_sh.at[pl.ds(r0, RPT)])
        elif mode == "dup":
            zfill(rowsA, 0.0)

            @pl.when(c == 0)
            def _():
                pltpu.sync_copy(g.at[pl.ds(r0, RPT)], acc_sh.at[pl.ds(r0, RPT)])

            @pl.when(c == 1)
            def _():
                zinit()
        else:
            zfill(rowsA, 0.0)
            zinit()
            zfill(rowsA, 1.0)

        plsc.subcore_barrier()

        if mode == "split":
            tile_blk0 = s * nblk
        else:
            tile_blk0 = (c * 16 + s) * nblk

        def firei(blk, cbuf, sem):
            pltpu.async_copy(cidx.at[pl.ds((tile_blk0 + blk) * IR, IR)],
                             cbuf, sem)

        def waiti(cbuf, sem):
            pltpu.make_async_copy(cidx.at[pl.ds(0, IR)], cbuf, sem).wait()

        if mode == "deg":
            def scat1(cbuf):
                for k2 in range(ROWS):
                    pltpu.sync_copy(rowsA.at[pl.ds(k2 * SUB, SUB)],
                                    acc_sh.at[cbuf.at[k2]], add=True)

            firei(0, cA, isA)
            waiti(cA, isA)
            firei(1, cB, isB)

            def body(j, _):
                waiti(cB, isB)
                scat1(cA)
                firei(2 * j + 2, cA, isA)
                scat1(cB)
                waiti(cA, isA)
                firei(2 * j + 3, cB, isB)
                return 0

            lax.fori_loop(0, nj, body, 0)
            waiti(cB, isB)
        else:
            gsrc = (lambda: g.at[c]) if mode == "split" else (lambda: g)
            glin = g.at[0] if mode == "split" else g

            def fire(cbuf, rows_v, sem):
                for k2 in range(ROWS):
                    pltpu.async_copy(gsrc().at[cbuf.at[k2]],
                                     rows_v.at[pl.ds(k2 * SUB, SUB)], sem)

            def drain(rows_v, sem):
                for k2 in range(ROWS):
                    pltpu.make_async_copy(glin.at[pl.ds(0, SUB)],
                                          rows_v.at[pl.ds(k2 * SUB, SUB)],
                                          sem).wait()

            def scat(rows_v, cbuf):
                for k2 in range(ROWS):
                    pltpu.sync_copy(rows_v.at[pl.ds(k2 * SUB, SUB)],
                                    acc_sh.at[cbuf.at[ROWS + k2]], add=True)

            firei(0, cA, isA)
            waiti(cA, isA)
            fire(cA, rowsA, gsA)
            firei(1, cB, isB)

            def body(j, _):
                waiti(cB, isB)
                fire(cB, rowsB, gsB)
                drain(rowsA, gsA)
                scat(rowsA, cA)
                firei(2 * j + 2, cA, isA)
                drain(rowsB, gsB)
                scat(rowsB, cB)
                waiti(cA, isA)
                fire(cA, rowsA, gsA)
                firei(2 * j + 3, cB, isB)
                return 0

            lax.fori_loop(0, nj, body, 0)
            drain(rowsA, gsA)
            waiti(cB, isB)

        plsc.subcore_barrier()
        pltpu.sync_copy(acc_sh.at[pl.ds(r0, RPT)], out.at[c].at[pl.ds(r0, RPT)])

    return k


_deg_pass = _edge_pass(0, "deg")
_l1_pass = _edge_pass(16, "dup")
_l2_pass = _edge_pass(16, "split")
_l3_pass = _edge_pass(0, "dup")



def _tc0(degp_ref, xT_ref, disT_ref, t1T_ref):
    d = 1.0 + degp_ref[0] + degp_ref[1]
    dis = lax.rsqrt(d)
    disT_ref[...] = dis[None]
    t1T_ref[...] = jnp.concatenate(
        [dis[None] * xT_ref[...], jnp.zeros((12, RBL), jnp.float32)], axis=0)


def _tc1(a1T_ref, disT_ref, w1t_ref, b1c_ref, t2sT_ref):
    dis = disT_ref[...]
    out1 = (dis * (a1T_ref[0] + a1T_ref[1]))[:4]
    h = jnp.maximum(jnp.dot(w1t_ref[...], out1,
                            preferred_element_type=jnp.float32) + b1c_ref[...], 0.0)
    t2 = dis * h
    t2sT_ref[0] = t2[:16]
    t2sT_ref[1] = t2[16:]


def _tc2(a2T_ref, disT_ref, w2t_ref, b2c_ref, w3t_ref, t3T_ref):
    dis = disT_ref[...]
    out2 = dis * jnp.concatenate([a2T_ref[0], a2T_ref[1]], axis=0)
    h = jnp.maximum(jnp.dot(w2t_ref[...], out2,
                            preferred_element_type=jnp.float32) + b2c_ref[...], 0.0)
    t3T_ref[...] = dis * jnp.dot(w3t_ref[...], h,
                                 preferred_element_type=jnp.float32)


def _tc3(a3_ref, disT_ref, b3_ref, yT_ref):
    yT_ref[...] = disT_ref[...] * (a3_ref[0] + a3_ref[1])[None] + b3_ref[...]


def _lanespec(F):
    return pl.BlockSpec((F, RBL), lambda i: (0, i))


def _stacklanespec(F):
    return pl.BlockSpec((2, F, RBL), lambda i: (0, 0, i))


def _pairspec():
    return pl.BlockSpec((2, RBL), lambda i: (0, i))


def _fullspec(a, b):
    return pl.BlockSpec((a, b), lambda i: (0, 0))


def kernel(x, edge_index, W1, b1, W2, b2, W3, b3):
    f32 = jnp.float32
    src = edge_index[0].astype(jnp.int32)
    dst = edge_index[1].astype(jnp.int32)
    pad = _N + (jnp.arange(EP - _E, dtype=jnp.int32) % (NP - _N))
    taile = jnp.arange(2 * EB, dtype=jnp.int32) % _N
    sa = jnp.concatenate([src, pad, taile]).reshape(NBLKG, ROWS, SUB)
    da = jnp.concatenate([dst, pad, taile]).reshape(NBLKG, ROWS, SUB)
    cidx = jnp.concatenate([sa, da], axis=1).reshape(NBLKG * 2 * ROWS, SUB)
    dcidx = da.reshape(NBLKG * ROWS, SUB)

    xT_pad = jnp.concatenate([x.T, jnp.zeros((4, NP - _N), f32)], axis=1)

    degp = _deg_pass(dcidx)

    disT, t1T = pl.pallas_call(
        _tc0,
        grid=(NBLK_TC,),
        in_specs=[_pairspec(), _lanespec(4)],
        out_specs=[_lanespec(1), _lanespec(16)],
        out_shape=[jax.ShapeDtypeStruct((1, NP), f32),
                   jax.ShapeDtypeStruct((16, NP), f32)],
    )(degp, xT_pad)

    a1 = _l1_pass(t1T.T, cidx)

    t2sT = pl.pallas_call(
        _tc1,
        grid=(NBLK_TC,),
        in_specs=[_stacklanespec(16), _lanespec(1), _fullspec(32, 4),
                  _fullspec(32, 1)],
        out_specs=_stacklanespec(16),
        out_shape=jax.ShapeDtypeStruct((2, 16, NP), f32),
    )(jnp.transpose(a1, (0, 2, 1)), disT, W1.T, b1.reshape(32, 1))

    a2 = _l2_pass(jnp.transpose(t2sT, (0, 2, 1)), cidx)

    t3T = pl.pallas_call(
        _tc2,
        grid=(NBLK_TC,),
        in_specs=[_stacklanespec(16), _lanespec(1), _fullspec(32, 32),
                  _fullspec(32, 1), _fullspec(1, 32)],
        out_specs=_lanespec(1),
        out_shape=jax.ShapeDtypeStruct((1, NP), f32),
    )(jnp.transpose(a2, (0, 2, 1)), disT, W2.T, b2.reshape(32, 1), W3.T)

    a3 = _l3_pass(t3T.reshape(NP), cidx)

    yT = pl.pallas_call(
        _tc3,
        grid=(NBLK_TC,),
        in_specs=[_pairspec(), _lanespec(1), _fullspec(1, 1)],
        out_specs=_lanespec(1),
        out_shape=jax.ShapeDtypeStruct((1, NP), f32),
    )(a3, disT, b3.reshape(1, 1))

    return yT.reshape(NP, 1)[:_N]

# --- scband reference (transcript-rebuilt; emitter-appended) ---
"""Pipeline reference for scband-net-46849503265411 (READ-ONLY COPY).

The authoritative reference and input builder live on the scoring server;
editing this copy changes nothing except your own understanding.
"""

import jax, jax.numpy as jnp
import numpy as np

N_NODES = 100000
N_EDGES = 3200000

def _glorot(key, shape):
    fan_in, fan_out = shape[0], shape[1]
    lim = jnp.sqrt(6.0 / (fan_in + fan_out))
    return jax.random.uniform(key, shape, minval=-lim, maxval=lim, dtype=jnp.float32)

def setup_inputs(seed: int = 0) -> dict:
    key = jax.random.key(seed)
    k_x, k_e, k1, k2, k3 = jax.random.split(key, 5)
    x = jax.random.normal(k_x, (N_NODES, 4), dtype=jnp.float32)
    edge_index = jax.random.randint(k_e, (2, N_EDGES), 0, N_NODES, dtype=jnp.int64)
    W1 = _glorot(k1, (4, 32)); b1 = jnp.zeros((32,), jnp.float32)
    W2 = _glorot(k2, (32, 32)); b2 = jnp.zeros((32,), jnp.float32)
    W3 = _glorot(k3, (32, 1)); b3 = jnp.zeros((1,), jnp.float32)
    return {"x": x, "edge_index": edge_index, "W1": W1, "b1": b1, "W2": W2, "b2": b2, "W3": W3, "b3": b3}

def _gcn_conv(x, src, dst, n, W, b):
    # GCNConv: x' = D^{-1/2} (A + I) D^{-1/2} (x W) + b  (self-loops added)
    h = x @ W
    loop = jnp.arange(n, dtype=src.dtype)
    s = jnp.concatenate([src, loop], axis=0)
    d = jnp.concatenate([dst, loop], axis=0)
    deg = jnp.zeros((n,), jnp.float32).at[d].add(1.0)
    dis = jnp.where(deg > 0, jax.lax.rsqrt(deg), 0.0)
    norm = dis[s] * dis[d]
    msg = h[s] * norm[:, None]
    out = jax.ops.segment_sum(msg, d, num_segments=n)
    return out + b

def reference(x, edge_index, W1, b1, W2, b2, W3, b3):
    n = x.shape[0]
    src, dst = edge_index[0], edge_index[1]
    h = _gcn_conv(x, src, dst, n, W1, b1)
    h = jax.nn.relu(h)
    h = _gcn_conv(h, src, dst, n, W2, b2)
    h = jax.nn.relu(h)
    h = _gcn_conv(h, src, dst, n, W3, b3)
    return h

if __name__ == "__main__":
    import jax
    _d = setup_inputs()
    print(jax.jit(kernel)(*tuple(_d.values())))

</pallas_src>

<mosaic_0001>
#map = affine_map<(d0, d1) -> (0, 0)>
#map1 = affine_map<(d0, d1) -> (0, 0, 0)>
module attributes {stable_mosaic.version = 14 : i64} {
  func.func @k(%arg0: i32, %arg1: i32, %arg2: memref<106496x16xf32, #tpu.memory_space<hbm>>, %arg3: memref<50192x128xi32, #tpu.memory_space<hbm>>, %arg4: memref<2x106496x16xf32, #tpu.memory_space<hbm>>, %arg5: memref<8x128xi32, #tpu.memory_space<vmem>>, %arg6: memref<8x128xi32, #tpu.memory_space<vmem>>, %arg7: memref<512x16xf32, #tpu.memory_space<vmem>>, %arg8: memref<512x16xf32, #tpu.memory_space<vmem>>, %arg9: memref<106496x16xf32, #tpu.memory_space<vmem_shared>>, %arg10: memref<!tpu.dma_semaphore, #tpu.memory_space<semaphore_mem>>, %arg11: memref<!tpu.dma_semaphore, #tpu.memory_space<semaphore_mem>>, %arg12: memref<!tpu.dma_semaphore, #tpu.memory_space<semaphore_mem>>, %arg13: memref<!tpu.dma_semaphore, #tpu.memory_space<semaphore_mem>>) attributes {dimension_semantics = [#tpu.dimension_semantics<core_parallel>, #tpu.dimension_semantics<subcore_parallel>], iteration_bounds = array<i64: 2, 16>, scalar_prefetch = 0 : i64, scratch_operands = 9 : i64, tpu.core_type = #tpu.core_type<sc_vector_subcore>, window_params = [{transform_indices = #map}, {transform_indices = #map}, {transform_indices = #map1}]} {
    %mul3A = arith.constant 6656 : i32
    %mul3A_0 = arith.muli %arg1, %mul3A : i32
    %broadcast_in_dim3A = arith.constant 0.000000e+00 : f32
    %broadcast_in_dim3A_1 = vector.broadcast %broadcast_in_dim3A : f32 to vector<16xf32>
    %scan3A = arith.constant 0 : i32
    %scan3A_2 = arith.constant 0 : i32
    %scan3A_3 = arith.constant 512 : i32
    %scan3A_4 = arith.addi %scan3A_2, %scan3A_3 : i32
    %scan3A_5 = arith.constant 1 : i32
    %scan3A_6 = scf.for %scan3A_141 = %scan3A_2 to %scan3A_4 step %scan3A_5 iter_args(%scan3A_142 = %scan3A) -> (i32)  : i32 {
      %jit3A = arith.constant 1 : i32
      %div3A = arith.divsi %scan3A_141, %jit3A : i32
      %sign3A = arith.constant 0 : i32
      %sign3A_143 = arith.cmpi sgt, %scan3A_141, %sign3A : i32
      %sign3A_144 = arith.extui %sign3A_143 : i1 to i32
      %sign3A_145 = arith.constant 0 : i32
      %sign3A_146 = arith.cmpi slt, %scan3A_141, %sign3A_145 : i32
      %sign3A_147 = arith.extui %sign3A_146 : i1 to i32
      %sign3A_148 = arith.subi %sign3A_144, %sign3A_147 : i32
      %sign3A_149 = arith.constant 0 : i32
      %sign3A_150 = arith.cmpi sgt, %jit3A, %sign3A_149 : i32
      %sign3A_151 = arith.extui %sign3A_150 : i1 to i32
      %sign3A_152 = arith.constant 0 : i32
      %sign3A_153 = arith.cmpi slt, %jit3A, %sign3A_152 : i32
      %sign3A_154 = arith.extui %sign3A_153 : i1 to i32
      %sign3A_155 = arith.subi %sign3A_151, %sign3A_154 : i32
      %ne3A = arith.cmpi ne, %sign3A_148, %sign3A_155 : i32
      %rem3A = arith.remsi %scan3A_141, %jit3A : i32
      %ne3A_156 = arith.constant 0 : i32
      %ne3A_157 = arith.cmpi ne, %rem3A, %ne3A_156 : i32
      %and3A = arith.andi %ne3A, %ne3A_157 : i1
      %sub3A = arith.constant 1 : i32
      %sub3A_158 = arith.subi %div3A, %sub3A : i32
      %select_n3A = arith.select %and3A, %sub3A_158, %div3A : i32
      %jit3A_159 = arith.constant 1 : i32
      %eq3A_160 = arith.constant 0 : i32
      %eq3A_161 = arith.cmpi eq, %jit3A_159, %eq3A_160 : i32
      %jit3A_162 = arith.constant 1 : i32
      %select_n3A_163 = arith.select %eq3A_161, %jit3A_162, %jit3A_159 : i32
      %rem3A_164 = arith.remsi %scan3A_141, %select_n3A_163 : i32
      %ne3A_165 = arith.constant 0 : i32
      %ne3A_166 = arith.cmpi ne, %rem3A_164, %ne3A_165 : i32
      %lt3A = arith.constant 0 : i32
      %lt3A_167 = arith.cmpi slt, %rem3A_164, %lt3A : i32
      %lt3A_168 = arith.constant 0 : i32
      %lt3A_169 = arith.cmpi slt, %select_n3A_163, %lt3A_168 : i32
      %ne3A_170 = arith.xori %lt3A_167, %lt3A_169 : i1
      %and3A_171 = arith.andi %ne3A_170, %ne3A_166 : i1
      %add3A_172 = arith.addi %rem3A_164, %select_n3A_163 : i32
      %select_n3A_173 = arith.select %and3A_171, %add3A_172, %rem3A_164 : i32
      %mul3A_174 = arith.constant 16 : i32
      %mul3A_175 = arith.muli %select_n3A_173, %mul3A_174 : i32
      %swap3A = arith.index_cast %select_n3A : i32 to index
      %swap3A_176 = arith.index_cast %mul3A_175 : i32 to index
      %swap3A_177 = tpu.vector_load %arg7[%swap3A, %swap3A_176] {strides = array<i32>} : memref<512x16xf32, #tpu.memory_space<vmem>>, vector<1x16xf32>,
      %swap3A_178 = vector.shape_cast %swap3A_177 : vector<1x16xf32> to vector<16xf32>
      %swap3A_179 = vector.shape_cast %broadcast_in_dim3A_1 : vector<16xf32> to vector<1x16xf32>
      tpu.vector_store %arg7[%swap3A, %swap3A_176], %swap3A_179 {strides = array<i32>} : memref<512x16xf32, #tpu.memory_space<vmem>>, vector<1x16xf32>,
      %scan3A_180 = arith.constant 0 : i32
      scf.yield %scan3A_180 : i32
    }
    %scan3A_7 = arith.constant 512 : i32
    %eq3A = arith.constant 0 : i32
    %eq3A_8 = arith.cmpi eq, %arg0, %eq3A : i32
    %convert_element_type3A = arith.extui %eq3A_8 : i1 to i32
    %cond3A = arith.constant 0 : i32
    %cond3A_9 = arith.cmpi ne, %convert_element_type3A, %cond3A : i32
    scf.if %cond3A_9 {
      "tpu.region"() ({
        %run_scoped3A = tpu.sem_alloc : memref<!tpu.dma_semaphore, #tpu.memory_space<semaphore_mem>>
        %dma_start3A_141 = arith.constant 0 : i32
        %dma_start3A_142 = tpu.memref_slice %arg9[%mul3A_0, %dma_start3A_141] : memref<106496x16xf32, #tpu.memory_space<vmem_shared>> -> memref<6656x16xf32, #tpu.memory_space<vmem_shared>>
        %dma_start3A_143 = arith.constant 0 : i32
        %dma_start3A_144 = tpu.memref_slice %arg2[%mul3A_0, %dma_start3A_143] : memref<106496x16xf32, #tpu.memory_space<hbm>> -> memref<6656x16xf32, #tpu.memory_space<hbm>>
        tpu.enqueue_dma source(%dma_start3A_144 : memref<6656x16xf32, #tpu.memory_space<hbm>>) target(%dma_start3A_142 : memref<6656x16xf32, #tpu.memory_space<vmem_shared>>) target_semaphore(%run_scoped3A : memref<!tpu.dma_semaphore, #tpu.memory_space<semaphore_mem>>)
        %dma_wait3A_145 = arith.constant 0 : i32
        %dma_wait3A_146 = tpu.memref_slice %arg9[%mul3A_0, %dma_wait3A_145] : memref<106496x16xf32, #tpu.memory_space<vmem_shared>> -> memref<6656x16xf32, #tpu.memory_space<vmem_shared>>
        %dma_wait3A_147 = arith.constant 0 : i32
        %dma_wait3A_148 = tpu.memref_slice %arg2[%mul3A_0, %dma_wait3A_147] : memref<106496x16xf32, #tpu.memory_space<hbm>> -> memref<6656x16xf32, #tpu.memory_space<hbm>>
        tpu.wait_dma2 semaphore(%run_scoped3A : memref<!tpu.dma_semaphore, #tpu.memory_space<semaphore_mem>>) src(%dma_wait3A_148 : memref<6656x16xf32, #tpu.memory_space<hbm>>) dst(%dma_wait3A_146 : memref<6656x16xf32, #tpu.memory_space<vmem_shared>>)
        tpu.yield
      }) : () -> ()
    } else {
    }
    %eq3A_10 = arith.constant 1 : i32
    %eq3A_11 = arith.cmpi eq, %arg0, %eq3A_10 : i32
    %convert_element_type3A_12 = arith.extui %eq3A_11 : i1 to i32
    %cond3A_13 = arith.constant 0 : i32
    %cond3A_14 = arith.cmpi ne, %convert_element_type3A_12, %cond3A_13 : i32
    scf.if %cond3A_14 {
      %add3A_141 = arith.constant 0 : i32
      %add3A_142 = arith.addi %mul3A_0, %add3A_141 : i32
      "tpu.region"() ({
        %run_scoped3A = tpu.sem_alloc : memref<!tpu.dma_semaphore, #tpu.memory_space<semaphore_mem>>
        %dma_start3A_167 = arith.constant 0 : i32
        %dma_start3A_168 = arith.constant 0 : i32
        %dma_start3A_169 = tpu.memref_slice %arg7[%dma_start3A_167, %dma_start3A_168] : memref<512x16xf32, #tpu.memory_space<vmem>> -> memref<512x16xf32, #tpu.memory_space<vmem>>
        %dma_start3A_170 = arith.constant 0 : i32
        %dma_start3A_171 = tpu.memref_slice %arg9[%add3A_142, %dma_start3A_170] : memref<106496x16xf32, #tpu.memory_space<vmem_shared>> -> memref<512x16xf32, #tpu.memory_space<vmem_shared>>
        %dma_start3A_172 = arith.constant 0 : i32
        %dma_start3A_173 = tpu.memref_slice %arg9[%add3A_142, %dma_start3A_172] : memref<106496x16xf32, #tpu.memory_space<vmem_shared>> -> memref<512x16xf32, #tpu.memory_space<vmem_shared>>
        %dma_start3A_174 = arith.constant 0 : i32
        %dma_start3A_175 = arith.constant 0 : i32
        %dma_start3A_176 = tpu.memref_slice %arg7[%dma_start3A_174, %dma_start3A_175] : memref<512x16xf32, #tpu.memory_space<vmem>> -> memref<512x16xf32, #tpu.memory_space<vmem>>
        tpu.enqueue_dma source(%dma_start3A_176 : memref<512x16xf32, #tpu.memory_space<vmem>>) target(%dma_start3A_173 : memref<512x16xf32, #tpu.memory_space<vmem_shared>>) target_semaphore(%run_scoped3A : memref<!tpu.dma_semaphore, #tpu.memory_space<semaphore_mem>>)
        %dma_wait3A_177 = arith.constant 0 : i32
        %dma_wait3A_178 = arith.constant 0 : i32
        %dma_wait3A_179 = tpu.memref_slice %arg7[%dma_wait3A_177, %dma_wait3A_178] : memref<512x16xf32, #tpu.memory_space<vmem>> -> memref<512x16xf32, #tpu.memory_space<vmem>>
        %dma_wait3A_180 = arith.constant 0 : i32
        %dma_wait3A_181 = tpu.memref_slice %arg9[%add3A_142, %dma_wait3A_180] : memref<106496x16xf32, #tpu.memory_space<vmem_shared>> -> memref<512x16xf32, #tpu.memory_space<vmem_shared>>
        %dma_wait3A_182 = arith.constant 0 : i32
        %dma_wait3A_183 = tpu.memref_slice %arg9[%add3A_142, %dma_wait3A_182] : memref<106496x16xf32, #tpu.memory_space<vmem_shared>> -> memref<512x16xf32, #tpu.memory_space<vmem_shared>>
        %dma_wait3A_184 = arith.constant 0 : i32
        %dma_wait3A_185 = arith.constant 0 : i32
        %dma_wait3A_186 = tpu.memref_slice %arg7[%dma_wait3A_184, %dma_wait3A_185] : memref<512x16xf32, #tpu.memory_space<vmem>> -> memref<512x16xf32, #tpu.memory_space<vmem>>
        tpu.wait_dma2 semaphore(%run_scoped3A : memref<!tpu.dma_semaphore, #tpu.memory_space<semaphore_mem>>) src(%dma_wait3A_186 : memref<512x16xf32, #tpu.memory_space<vmem>>) dst(%dma_wait3A_183 : memref<512x16xf32, #tpu.memory_space<vmem_shared>>)
        tpu.yield
      }) : () -> ()
      %add3A_143 = arith.constant 512 : i32
      %add3A_144 = arith.addi %mul3A_0, %add3A_143 : i32
      "tpu.region"() ({
        %run_scoped3A = tpu.sem_alloc : memref<!tpu.dma_semaphore, #tpu.memory_space<semaphore_mem>>
        %dma_start3A_167 = arith.constant 0 : i32
        %dma_start3A_168 = arith.constant 0 : i32
        %dma_start3A_169 = tpu.memref_slice %arg7[%dma_start3A_167, %dma_start3A_168] : memref<512x16xf32, #tpu.memory_space<vmem>> -> memref<512x16xf32, #tpu.memory_space<vmem>>
        %dma_start3A_170 = arith.constant 0 : i32
        %dma_start3A_171 = tpu.memref_slice %arg9[%add3A_144, %dma_start3A_170] : memref<106496x16xf32, #tpu.memory_space<vmem_shared>> -> memref<512x16xf32, #tpu.memory_space<vmem_shared>>
        %dma_start3A_172 = arith.constant 0 : i32
        %dma_start3A_173 = tpu.memref_slice %arg9[%add3A_144, %dma_start3A_172] : memref<106496x16xf32, #tpu.memory_space<vmem_shared>> -> memref<512x16xf32, #tpu.memory_space<vmem_shared>>
        %dma_start3A_174 = arith.constant 0 : i32
        %dma_start3A_175 = arith.constant 0 : i32
        %dma_start3A_176 = tpu.memref_slice %arg7[%dma_start3A_174, %dma_start3A_175] : memref<512x16xf32, #tpu.memory_space<vmem>> -> memref<512x16xf32, #tpu.memory_space<vmem>>
        tpu.enqueue_dma source(%dma_start3A_176 : memref<512x16xf32, #tpu.memory_space<vmem>>) target(%dma_start3A_173 : memref<512x16xf32, #tpu.memory_space<vmem_shared>>) target_semaphore(%run_scoped3A : memref<!tpu.dma_semaphore, #tpu.memory_space<semaphore_mem>>)
        %dma_wait3A_177 = arith.constant 0 : i32
        %dma_wait3A_178 = arith.constant 0 : i32
        %dma_wait3A_179 = tpu.memref_slice %arg7[%dma_wait3A_177, %dma_wait3A_178] : memref<512x16xf32, #tpu.memory_space<vmem>> -> memref<512x16xf32, #tpu.memory_space<vmem>>
        %dma_wait3A_180 = arith.constant 0 : i32
        %dma_wait3A_181 = tpu.memref_slice %arg9[%add3A_144, %dma_wait3A_180] : memref<106496x16xf32, #tpu.memory_space<vmem_shared>> -> memref<512x16xf32, #tpu.memory_space<vmem_shared>>
        %dma_wait3A_182 = arith.constant 0 : i32
        %dma_wait3A_183 = tpu.memref_slice %arg9[%add3A_144, %dma_wait3A_182] : memref<106496x16xf32, #tpu.memory_space<vmem_shared>> -> memref<512x16xf32, #tpu.memory_space<vmem_shared>>
        %dma_wait3A_184 = arith.constant 0 : i32
        %dma_wait3A_185 = arith.constant 0 : i32
        %dma_wait3A_186 = tpu.memref_slice %arg7[%dma_wait3A_184, %dma_wait3A_185] : memref<512x16xf32, #tpu.memory_space<vmem>> -> memref<512x16xf32, #tpu.memory_space<vmem>>
        tpu.wait_dma2 semaphore(%run_scoped3A : memref<!tpu.dma_semaphore, #tpu.memory_space<semaphore_mem>>) src(%dma_wait3A_186 : memref<512x16xf32, #tpu.memory_space<vmem>>) dst(%dma_wait3A_183 : memref<512x16xf32, #tpu.memory_space<vmem_shared>>)
        tpu.yield
      }) : () -> ()
      %add3A_145 = arith.constant 1024 : i32
      %add3A_146 = arith.addi %mul3A_0, %add3A_145 : i32
      "tpu.region"() ({
        %run_scoped3A = tpu.sem_alloc : memref<!tpu.dma_semaphore, #tpu.memory_space<semaphore_mem>>
        %dma_start3A_167 = arith.constant 0 : i32
        %dma_start3A_168 = arith.constant 0 : i32
        %dma_start3A_169 = tpu.memref_slice %arg7[%dma_start3A_167, %dma_start3A_168] : memref<512x16xf32, #tpu.memory_space<vmem>> -> memref<512x16xf32, #tpu.memory_space<vmem>>
        %dma_start3A_170 = arith.constant 0 : i32
        %dma_start3A_171 = tpu.memref_slice %arg9[%add3A_146, %dma_start3A_170] : memref<106496x16xf32, #tpu.memory_space<vmem_shared>> -> memref<512x16xf32, #tpu.memory_space<vmem_shared>>
        %dma_start3A_172 = arith.constant 0 : i32
        %dma_start3A_173 = tpu.memref_slice %arg9[%add3A_146, %dma_start3A_172] : memref<106496x16xf32, #tpu.memory_space<vmem_shared>> -> memref<512x16xf32, #tpu.memory_space<vmem_shared>>
        %dma_start3A_174 = arith.constant 0 : i32
        %dma_start3A_175 = arith.constant 0 : i32
        %dma_start3A_176 = tpu.memref_slice %arg7[%dma_start3A_174, %dma_start3A_175] : memref<512x16xf32, #tpu.memory_space<vmem>> -> memref<512x16xf32, #tpu.memory_space<vmem>>
        tpu.enqueue_dma source(%dma_start3A_176 : memref<512x16xf32, #tpu.memory_space<vmem>>) target(%dma_start3A_173 : memref<512x16xf32, #tpu.memory_space<vmem_shared>>) target_semaphore(%run_scoped3A : memref<!tpu.dma_semaphore, #tpu.memory_space<semaphore_mem>>)
        %dma_wait3A_177 = arith.constant 0 : i32
        %dma_wait3A_178 = arith.constant 0 : i32
        %dma_wait3A_179 = tpu.memref_slice %arg7[%dma_wait3A_177, %dma_wait3A_178] : memref<512x16xf32, #tpu.memory_space<vmem>> -> memref<512x16xf32, #tpu.memory_space<vmem>>
        %dma_wait3A_180 = arith.constant 0 : i32
        %dma_wait3A_181 = tpu.memref_slice %arg9[%add3A_146, %dma_wait3A_180] : memref<106496x16xf32, #tpu.memory_space<vmem_shared>> -> memref<512x16xf32, #tpu.memory_space<vmem_shared>>
        %dma_wait3A_182 = arith.constant 0 : i32
        %dma_wait3A_183 = tpu.memref_slice %arg9[%add3A_146, %dma_wait3A_182] : memref<106496x16xf32, #tpu.memory_space<vmem_shared>> -> memref<512x16xf32, #tpu.memory_space<vmem_shared>>
        %dma_wait3A_184 = arith.constant 0 : i32
        %dma_wait3A_185 = arith.constant 0 : i32
        %dma_wait3A_186 = tpu.memref_slice %arg7[%dma_wait3A_184, %dma_wait3A_185] : memref<512x16xf32, #tpu.memory_space<vmem>> -> memref<512x16xf32, #tpu.memory_space<vmem>>
        tpu.wait_dma2 semaphore(%run_scoped3A : memref<!tpu.dma_semaphore, #tpu.memory_space<semaphore_mem>>) src(%dma_wait3A_186 : memref<512x16xf32, #tpu.memory_space<vmem>>) dst(%dma_wait3A_183 : memref<512x16xf32, #tpu.memory_space<vmem_shared>>)
        tpu.yield
      }) : () -> ()
      %add3A_147 = arith.constant 1536 : i32
      %add3A_148 = arith.addi %mul3A_0, %add3A_147 : i32
      "tpu.region"() ({
        %run_scoped3A = tpu.sem_alloc : memref<!tpu.dma_semaphore, #tpu.memory_space<semaphore_mem>>
        %dma_start3A_167 = arith.constant 0 : i32
        %dma_start3A_168 = arith.constant 0 : i32
        %dma_start3A_169 = tpu.memref_slice %arg7[%dma_start3A_167, %dma_start3A_168] : memref<512x16xf32, #tpu.memory_space<vmem>> -> memref<512x16xf32, #tpu.memory_space<vmem>>
        %dma_start3A_170 = arith.constant 0 : i32
        %dma_start3A_171 = tpu.memref_slice %arg9[%add3A_148, %dma_start3A_170] : memref<106496x16xf32, #tpu.memory_space<vmem_shared>> -> memref<512x16xf32, #tpu.memory_space<vmem_shared>>
        %dma_start3A_172 = arith.constant 0 : i32
        %dma_start3A_173 = tpu.memref_slice %arg9[%add3A_148, %dma_start3A_172] : memref<106496x16xf32, #tpu.memory_space<vmem_shared>> -> memref<512x16xf32, #tpu.memory_space<vmem_shared>>
        %dma_start3A_174 = arith.constant 0 : i32
        %dma_start3A_175 = arith.constant 0 : i32
        %dma_start3A_176 = tpu.memref_slice %arg7[%dma_start3A_174, %dma_start3A_175] : memref<512x16xf32, #tpu.memory_space<vmem>> -> memref<512x16xf32, #tpu.memory_space<vmem>>
        tpu.enqueue_dma source(%dma_start3A_176 : memref<512x16xf32, #tpu.memory_space<vmem>>) target(%dma_start3A_173 : memref<512x16xf32, #tpu.memory_space<vmem_shared>>) target_semaphore(%run_scoped3A : memref<!tpu.dma_semaphore, #tpu.memory_space<semaphore_mem>>)
        %dma_wait3A_177 = arith.constant 0 : i32
        %dma_wait3A_178 = arith.constant 0 : i32
        %dma_wait3A_179 = tpu.memref_slice %arg7[%dma_wait3A_177, %dma_wait3A_178] : memref<512x16xf32, #tpu.memory_space<vmem>> -> memref<512x16xf32, #tpu.memory_space<vmem>>
        %dma_wait3A_180 = arith.constant 0 : i32
        %dma_wait3A_181 = tpu.memref_slice %arg9[%add3A_148, %dma_wait3A_180] : memref<106496x16xf32, #tpu.memory_space<vmem_shared>> -> memref<512x16xf32, #tpu.memory_space<vmem_shared>>
        %dma_wait3A_182 = arith.constant 0 : i32
        %dma_wait3A_183 = tpu.memref_slice %arg9[%add3A_148, %dma_wait3A_182] : memref<106496x16xf32, #tpu.memory_space<vmem_shared>> -> memref<512x16xf32, #tpu.memory_space<vmem_shared>>
        %dma_wait3A_184 = arith.constant 0 : i32
        %dma_wait3A_185 = arith.constant 0 : i32
        %dma_wait3A_186 = tpu.memref_slice %arg7[%dma_wait3A_184, %dma_wait3A_185] : memref<512x16xf32, #tpu.memory_space<vmem>> -> memref<512x16xf32, #tpu.memory_space<vmem>>
        tpu.wait_dma2 semaphore(%run_scoped3A : memref<!tpu.dma_semaphore, #tpu.memory_space<semaphore_mem>>) src(%dma_wait3A_186 : memref<512x16xf32, #tpu.memory_space<vmem>>) dst(%dma_wait3A_183 : memref<512x16xf32, #tpu.memory_space<vmem_shared>>)
        tpu.yield
      }) : () -> ()
      %add3A_149 = arith.constant 2048 : i32
      %add3A_150 = arith.addi %mul3A_0, %add3A_149 : i32
      "tpu.region"() ({
        %run_scoped3A = tpu.sem_alloc : memref<!tpu.dma_semaphore, #tpu.memory_space<semaphore_mem>>
        %dma_start3A_167 = arith.constant 0 : i32
        %dma_start3A_168 = arith.constant 0 : i32
        %dma_start3A_169 = tpu.memref_slice %arg7[%dma_start3A_167, %dma_start3A_168] : memref<512x16xf32, #tpu.memory_space<vmem>> -> memref<512x16xf32, #tpu.memory_space<vmem>>
        %dma_start3A_170 = arith.constant 0 : i32
        %dma_start3A_171 = tpu.memref_slice %arg9[%add3A_150, %dma_start3A_170] : memref<106496x16xf32, #tpu.memory_space<vmem_shared>> -> memref<512x16xf32, #tpu.memory_space<vmem_shared>>
        %dma_start3A_172 = arith.constant 0 : i32
        %dma_start3A_173 = tpu.memref_slice %arg9[%add3A_150, %dma_start3A_172] : memref<106496x16xf32, #tpu.memory_space<vmem_shared>> -> memref<512x16xf32, #tpu.memory_space<vmem_shared>>
        %dma_start3A_174 = arith.constant 0 : i32
        %dma_start3A_175 = arith.constant 0 : i32
        %dma_start3A_176 = tpu.memref_slice %arg7[%dma_start3A_174, %dma_start3A_175] : memref<512x16xf32, #tpu.memory_space<vmem>> -> memref<512x16xf32, #tpu.memory_space<vmem>>
        tpu.enqueue_dma source(%dma_start3A_176 : memref<512x16xf32, #tpu.memory_space<vmem>>) target(%dma_start3A_173 : memref<512x16xf32, #tpu.memory_space<vmem_shared>>) target_semaphore(%run_scoped3A : memref<!tpu.dma_semaphore, #tpu.memory_space<semaphore_mem>>)
        %dma_wait3A_177 = arith.constant 0 : i32
        %dma_wait3A_178 = arith.constant 0 : i32
        %dma_wait3A_179 = tpu.memref_slice %arg7[%dma_wait3A_177, %dma_wait3A_178] : memref<512x16xf32, #tpu.memory_space<vmem>> -> memref<512x16xf32, #tpu.memory_space<vmem>>
        %dma_wait3A_180 = arith.constant 0 : i32
        %dma_wait3A_181 = tpu.memref_slice %arg9[%add3A_150, %dma_wait3A_180] : memref<106496x16xf32, #tpu.memory_space<vmem_shared>> -> memref<512x16xf32, #tpu.memory_space<vmem_shared>>
        %dma_wait3A_182 = arith.constant 0 : i32
        %dma_wait3A_183 = tpu.memref_slice %arg9[%add3A_150, %dma_wait3A_182] : memref<106496x16xf32, #tpu.memory_space<vmem_shared>> -> memref<512x16xf32, #tpu.memory_space<vmem_shared>>
        %dma_wait3A_184 = arith.constant 0 : i32
        %dma_wait3A_185 = arith.constant 0 : i32
        %dma_wait3A_186 = tpu.memref_slice %arg7[%dma_wait3A_184, %dma_wait3A_185] : memref<512x16xf32, #tpu.memory_space<vmem>> -> memref<512x16xf32, #tpu.memory_space<vmem>>
        tpu.wait_dma2 semaphore(%run_scoped3A : memref<!tpu.dma_semaphore, #tpu.memory_space<semaphore_mem>>) src(%dma_wait3A_186 : memref<512x16xf32, #tpu.memory_space<vmem>>) dst(%dma_wait3A_183 : memref<512x16xf32, #tpu.memory_space<vmem_shared>>)
        tpu.yield
      }) : () -> ()
      %add3A_151 = arith.constant 2560 : i32
      %add3A_152 = arith.addi %mul3A_0, %add3A_151 : i32
      "tpu.region"() ({
        %run_scoped3A = tpu.sem_alloc : memref<!tpu.dma_semaphore, #tpu.memory_space<semaphore_mem>>
        %dma_start3A_167 = arith.constant 0 : i32
        %dma_start3A_168 = arith.constant 0 : i32
        %dma_start3A_169 = tpu.memref_slice %arg7[%dma_start3A_167, %dma_start3A_168] : memref<512x16xf32, #tpu.memory_space<vmem>> -> memref<512x16xf32, #tpu.memory_space<vmem>>
        %dma_start3A_170 = arith.constant 0 : i32
        %dma_start3A_171 = tpu.memref_slice %arg9[%add3A_152, %dma_start3A_170] : memref<106496x16xf32, #tpu.memory_space<vmem_shared>> -> memref<512x16xf32, #tpu.memory_space<vmem_shared>>
        %dma_start3A_172 = arith.constant 0 : i32
        %dma_start3A_173 = tpu.memref_slice %arg9[%add3A_152, %dma_start3A_172] : memref<106496x16xf32, #tpu.memory_space<vmem_shared>> -> memref<512x16xf32, #tpu.memory_space<vmem_shared>>
        %dma_start3A_174 = arith.constant 0 : i32
        %dma_start3A_175 = arith.constant 0 : i32
        %dma_start3A_176 = tpu.memref_slice %arg7[%dma_start3A_174, %dma_start3A_175] : memref<512x16xf32, #tpu.memory_space<vmem>> -> memref<512x16xf32, #tpu.memory_space<vmem>>
        tpu.enqueue_dma source(%dma_start3A_176 : memref<512x16xf32, #tpu.memory_space<vmem>>) target(%dma_start3A_173 : memref<512x16xf32, #tpu.memory_space<vmem_shared>>) target_semaphore(%run_scoped3A : memref<!tpu.dma_semaphore, #tpu.memory_space<semaphore_mem>>)
        %dma_wait3A_177 = arith.constant 0 : i32
        %dma_wait3A_178 = arith.constant 0 : i32
        %dma_wait3A_179 = tpu.memref_slice %arg7[%dma_wait3A_177, %dma_wait3A_178] : memref<512x16xf32, #tpu.memory_space<vmem>> -> memref<512x16xf32, #tpu.memory_space<vmem>>
        %dma_wait3A_180 = arith.constant 0 : i32
        %dma_wait3A_181 = tpu.memref_slice %arg9[%add3A_152, %dma_wait3A_180] : memref<106496x16xf32, #tpu.memory_space<vmem_shared>> -> memref<512x16xf32, #tpu.memory_space<vmem_shared>>
        %dma_wait3A_182 = arith.constant 0 : i32
        %dma_wait3A_183 = tpu.memref_slice %arg9[%add3A_152, %dma_wait3A_182] : memref<106496x16xf32, #tpu.memory_space<vmem_shared>> -> memref<512x16xf32, #tpu.memory_space<vmem_shared>>
        %dma_wait3A_184 = arith.constant 0 : i32
        %dma_wait3A_185 = arith.constant 0 : i32
        %dma_wait3A_186 = tpu.memref_slice %arg7[%dma_wait3A_184, %dma_wait3A_185] : memref<512x16xf32, #tpu.memory_space<vmem>> -> memref<512x16xf32, #tpu.memory_space<vmem>>
        tpu.wait_dma2 semaphore(%run_scoped3A : memref<!tpu.dma_semaphore, #tpu.memory_space<semaphore_mem>>) src(%dma_wait3A_186 : memref<512x16xf32, #tpu.memory_space<vmem>>) dst(%dma_wait3A_183 : memref<512x16xf32, #tpu.memory_space<vmem_shared>>)
        tpu.yield
      }) : () -> ()
      %add3A_153 = arith.constant 3072 : i32
      %add3A_154 = arith.addi %mul3A_0, %add3A_153 : i32
      "tpu.region"() ({
        %run_scoped3A = tpu.sem_alloc : memref<!tpu.dma_semaphore, #tpu.memory_space<semaphore_mem>>
        %dma_start3A_167 = arith.constant 0 : i32
        %dma_start3A_168 = arith.constant 0 : i32
        %dma_start3A_169 = tpu.memref_slice %arg7[%dma_start3A_167, %dma_start3A_168] : memref<512x16xf32, #tpu.memory_space<vmem>> -> memref<512x16xf32, #tpu.memory_space<vmem>>
        %dma_start3A_170 = arith.constant 0 : i32
        %dma_start3A_171 = tpu.memref_slice %arg9[%add3A_154, %dma_start3A_170] : memref<106496x16xf32, #tpu.memory_space<vmem_shared>> -> memref<512x16xf32, #tpu.memory_space<vmem_shared>>
        %dma_start3A_172 = arith.constant 0 : i32
        %dma_start3A_173 = tpu.memref_slice %arg9[%add3A_154, %dma_start3A_172] : memref<106496x16xf32, #tpu.memory_space<vmem_shared>> -> memref<512x16xf32, #tpu.memory_space<vmem_shared>>
        %dma_start3A_174 = arith.constant 0 : i32
        %dma_start3A_175 = arith.constant 0 : i32
        %dma_start3A_176 = tpu.memref_slice %arg7[%dma_start3A_174, %dma_start3A_175] : memref<512x16xf32, #tpu.memory_space<vmem>> -> memref<512x16xf32, #tpu.memory_space<vmem>>
        tpu.enqueue_dma source(%dma_start3A_176 : memref<512x16xf32, #tpu.memory_space<vmem>>) target(%dma_start3A_173 : memref<512x16xf32, #tpu.memory_space<vmem_shared>>) target_semaphore(%run_scoped3A : memref<!tpu.dma_semaphore, #tpu.memory_space<semaphore_mem>>)
        %dma_wait3A_177 = arith.constant 0 : i32
        %dma_wait3A_178 = arith.constant 0 : i32
        %dma_wait3A_179 = tpu.memref_slice %arg7[%dma_wait3A_177, %dma_wait3A_178] : memref<512x16xf32, #tpu.memory_space<vmem>> -> memref<512x16xf32, #tpu.memory_space<vmem>>
        %dma_wait3A_180 = arith.constant 0 : i32
        %dma_wait3A_181 = tpu.memref_slice %arg9[%add3A_154, %dma_wait3A_180] : memref<106496x16xf32, #tpu.memory_space<vmem_shared>> -> memref<512x16xf32, #tpu.memory_space<vmem_shared>>
        %dma_wait3A_182 = arith.constant 0 : i32
        %dma_wait3A_183 = tpu.memref_slice %arg9[%add3A_154, %dma_wait3A_182] : memref<106496x16xf32, #tpu.memory_space<vmem_shared>> -> memref<512x16xf32, #tpu.memory_space<vmem_shared>>
        %dma_wait3A_184 = arith.constant 0 : i32
        %dma_wait3A_185 = arith.constant 0 : i32
        %dma_wait3A_186 = tpu.memref_slice %arg7[%dma_wait3A_184, %dma_wait3A_185] : memref<512x16xf32, #tpu.memory_space<vmem>> -> memref<512x16xf32, #tpu.memory_space<vmem>>
        tpu.wait_dma2 semaphore(%run_scoped3A : memref<!tpu.dma_semaphore, #tpu.memory_space<semaphore_mem>>) src(%dma_wait3A_186 : memref<512x16xf32, #tpu.memory_space<vmem>>) dst(%dma_wait3A_183 : memref<512x16xf32, #tpu.memory_space<vmem_shared>>)
        tpu.yield
      }) : () -> ()
      %add3A_155 = arith.constant 3584 : i32
      %add3A_156 = arith.addi %mul3A_0, %add3A_155 : i32
      "tpu.region"() ({
        %run_scoped3A = tpu.sem_alloc : memref<!tpu.dma_semaphore, #tpu.memory_space<semaphore_mem>>
        %dma_start3A_167 = arith.constant 0 : i32
        %dma_start3A_168 = arith.constant 0 : i32
        %dma_start3A_169 = tpu.memref_slice %arg7[%dma_start3A_167, %dma_start3A_168] : memref<512x16xf32, #tpu.memory_space<vmem>> -> memref<512x16xf32, #tpu.memory_space<vmem>>
        %dma_start3A_170 = arith.constant 0 : i32
        %dma_start3A_171 = tpu.memref_slice %arg9[%add3A_156, %dma_start3A_170] : memref<106496x16xf32, #tpu.memory_space<vmem_shared>> -> memref<512x16xf32, #tpu.memory_space<vmem_shared>>
        %dma_start3A_172 = arith.constant 0 : i32
        %dma_start3A_173 = tpu.memref_slice %arg9[%add3A_156, %dma_start3A_172] : memref<106496x16xf32, #tpu.memory_space<vmem_shared>> -> memref<512x16xf32, #tpu.memory_space<vmem_shared>>
        %dma_start3A_174 = arith.constant 0 : i32
        %dma_start3A_175 = arith.constant 0 : i32
        %dma_start3A_176 = tpu.memref_slice %arg7[%dma_start3A_174, %dma_start3A_175] : memref<512x16xf32, #tpu.memory_space<vmem>> -> memref<512x16xf32, #tpu.memory_space<vmem>>
        tpu.enqueue_dma source(%dma_start3A_176 : memref<512x16xf32, #tpu.memory_space<vmem>>) target(%dma_start3A_173 : memref<512x16xf32, #tpu.memory_space<vmem_shared>>) target_semaphore(%run_scoped3A : memref<!tpu.dma_semaphore, #tpu.memory_space<semaphore_mem>>)
        %dma_wait3A_177 = arith.constant 0 : i32
        %dma_wait3A_178 = arith.constant 0 : i32
        %dma_wait3A_179 = tpu.memref_slice %arg7[%dma_wait3A_177, %dma_wait3A_178] : memref<512x16xf32, #tpu.memory_space<vmem>> -> memref<512x16xf32, #tpu.memory_space<vmem>>
        %dma_wait3A_180 = arith.constant 0 : i32
        %dma_wait3A_181 = tpu.memref_slice %arg9[%add3A_156, %dma_wait3A_180] : memref<106496x16xf32, #tpu.memory_space<vmem_shared>> -> memref<512x16xf32, #tpu.memory_space<vmem_shared>>
        %dma_wait3A_182 = arith.constant 0 : i32
        %dma_wait3A_183 = tpu.memref_slice %arg9[%add3A_156, %dma_wait3A_182] : memref<106496x16xf32, #tpu.memory_space<vmem_shared>> -> memref<512x16xf32, #tpu.memory_space<vmem_shared>>
        %dma_wait3A_184 = arith.constant 0 : i32
        %dma_wait3A_185 = arith.constant 0 : i32
        %dma_wait3A_186 = tpu.memref_slice %arg7[%dma_wait3A_184, %dma_wait3A_185] : memref<512x16xf32, #tpu.memory_space<vmem>> -> memref<512x16xf32, #tpu.memory_space<vmem>>
        tpu.wait_dma2 semaphore(%run_scoped3A : memref<!tpu.dma_semaphore, #tpu.memory_space<semaphore_mem>>) src(%dma_wait3A_186 : memref<512x16xf32, #tpu.memory_space<vmem>>) dst(%dma_wait3A_183 : memref<512x16xf32, #tpu.memory_space<vmem_shared>>)
        tpu.yield
      }) : () -> ()
      %add3A_157 = arith.constant 4096 : i32
      %add3A_158 = arith.addi %mul3A_0, %add3A_157 : i32
      "tpu.region"() ({
        %run_scoped3A = tpu.sem_alloc : memref<!tpu.dma_semaphore, #tpu.memory_space<semaphore_mem>>
        %dma_start3A_167 = arith.constant 0 : i32
        %dma_start3A_168 = arith.constant 0 : i32
        %dma_start3A_169 = tpu.memref_slice %arg7[%dma_start3A_167, %dma_start3A_168] : memref<512x16xf32, #tpu.memory_space<vmem>> -> memref<512x16xf32, #tpu.memory_space<vmem>>
        %dma_start3A_170 = arith.constant 0 : i32
        %dma_start3A_171 = tpu.memref_slice %arg9[%add3A_158, %dma_start3A_170] : memref<106496x16xf32, #tpu.memory_space<vmem_shared>> -> memref<512x16xf32, #tpu.memory_space<vmem_shared>>
        %dma_start3A_172 = arith.constant 0 : i32
        %dma_start3A_173 = tpu.memref_slice %arg9[%add3A_158, %dma_start3A_172] : memref<106496x16xf32, #tpu.memory_space<vmem_shared>> -> memref<512x16xf32, #tpu.memory_space<vmem_shared>>
        %dma_start3A_174 = arith.constant 0 : i32
        %dma_start3A_175 = arith.constant 0 : i32
        %dma_start3A_176 = tpu.memref_slice %arg7[%dma_start3A_174, %dma_start3A_175] : memref<512x16xf32, #tpu.memory_space<vmem>> -> memref<512x16xf32, #tpu.memory_space<vmem>>
        tpu.enqueue_dma source(%dma_start3A_176 : memref<512x16xf32, #tpu.memory_space<vmem>>) target(%dma_start3A_173 : memref<512x16xf32, #tpu.memory_space<vmem_shared>>) target_semaphore(%run_scoped3A : memref<!tpu.dma_semaphore, #tpu.memory_space<semaphore_mem>>)
        %dma_wait3A_177 = arith.constant 0 : i32
        %dma_wait3A_178 = arith.constant 0 : i32
        %dma_wait3A_179 = tpu.memref_slice %arg7[%dma_wait3A_177, %dma_wait3A_178] : memref<512x16xf32, #tpu.memory_space<vmem>> -> memref<512x16xf32, #tpu.memory_space<vmem>>
        %dma_wait3A_180 = arith.constant 0 : i32
        %dma_wait3A_181 = tpu.memref_slice %arg9[%add3A_158, %dma_wait3A_180] : memref<106496x16xf32, #tpu.memory_space<vmem_shared>> -> memref<512x16xf32, #tpu.memory_space<vmem_shared>>
        %dma_wait3A_182 = arith.constant 0 : i32
        %dma_wait3A_183 = tpu.memref_slice %arg9[%add3A_158, %dma_wait3A_182] : memref<106496x16xf32, #tpu.memory_space<vmem_shared>> -> memref<512x16xf32, #tpu.memory_space<vmem_shared>>
        %dma_wait3A_184 = arith.constant 0 : i32
        %dma_wait3A_185 = arith.constant 0 : i32
        %dma_wait3A_186 = tpu.memref_slice %arg7[%dma_wait3A_184, %dma_wait3A_185] : memref<512x16xf32, #tpu.memory_space<vmem>> -> memref<512x16xf32, #tpu.memory_space<vmem>>
        tpu.wait_dma2 semaphore(%run_scoped3A : memref<!tpu.dma_semaphore, #tpu.memory_space<semaphore_mem>>) src(%dma_wait3A_186 : memref<512x16xf32, #tpu.memory_space<vmem>>) dst(%dma_wait3A_183 : memref<512x16xf32, #tpu.memory_space<vmem_shared>>)
        tpu.yield
      }) : () -> ()
      %add3A_159 = arith.constant 4608 : i32
      %add3A_160 = arith.addi %mul3A_0, %add3A_159 : i32
      "tpu.region"() ({
        %run_scoped3A = tpu.sem_alloc : memref<!tpu.dma_semaphore, #tpu.memory_space<semaphore_mem>>
        %dma_start3A_167 = arith.constant 0 : i32
        %dma_start3A_168 = arith.constant 0 : i32
        %dma_start3A_169 = tpu.memref_slice %arg7[%dma_start3A_167, %dma_start3A_168] : memref<512x16xf32, #tpu.memory_space<vmem>> -> memref<512x16xf32, #tpu.memory_space<vmem>>
        %dma_start3A_170 = arith.constant 0 : i32
        %dma_start3A_171 = tpu.memref_slice %arg9[%add3A_160, %dma_start3A_170] : memref<106496x16xf32, #tpu.memory_space<vmem_shared>> -> memref<512x16xf32, #tpu.memory_space<vmem_shared>>
        %dma_start3A_172 = arith.constant 0 : i32
        %dma_start3A_173 = tpu.memref_slice %arg9[%add3A_160, %dma_start3A_172] : memref<106496x16xf32, #tpu.memory_space<vmem_shared>> -> memref<512x16xf32, #tpu.memory_space<vmem_shared>>
        %dma_start3A_174 = arith.constant 0 : i32
        %dma_start3A_175 = arith.constant 0 : i32
        %dma_start3A_176 = tpu.memref_slice %arg7[%dma_start3A_174, %dma_start3A_175] : memref<512x16xf32, #tpu.memory_space<vmem>> -> memref<512x16xf32, #tpu.memory_space<vmem>>
        tpu.enqueue_dma source(%dma_start3A_176 : memref<512x16xf32, #tpu.memory_space<vmem>>) target(%dma_start3A_173 : memref<512x16xf32, #tpu.memory_space<vmem_shared>>) target_semaphore(%run_scoped3A : memref<!tpu.dma_semaphore, #tpu.memory_space<semaphore_mem>>)
        %dma_wait3A_177 = arith.constant 0 : i32
        %dma_wait3A_178 = arith.constant 0 : i32
        %dma_wait3A_179 = tpu.memref_slice %arg7[%dma_wait3A_177, %dma_wait3A_178] : memref<512x16xf32, #tpu.memory_space<vmem>> -> memref<512x16xf32, #tpu.memory_space<vmem>>
        %dma_wait3A_180 = arith.constant 0 : i32
        %dma_wait3A_181 = tpu.memref_slice %arg9[%add3A_160, %dma_wait3A_180] : memref<106496x16xf32, #tpu.memory_space<vmem_shared>> -> memref<512x16xf32, #tpu.memory_space<vmem_shared>>
        %dma_wait3A_182 = arith.constant 0 : i32
        %dma_wait3A_183 = tpu.memref_slice %arg9[%add3A_160, %dma_wait3A_182] : memref<106496x16xf32, #tpu.memory_space<vmem_shared>> -> memref<512x16xf32, #tpu.memory_space<vmem_shared>>
        %dma_wait3A_184 = arith.constant 0 : i32
        %dma_wait3A_185 = arith.constant 0 : i32
        %dma_wait3A_186 = tpu.memref_slice %arg7[%dma_wait3A_184, %dma_wait3A_185] : memref<512x16xf32, #tpu.memory_space<vmem>> -> memref<512x16xf32, #tpu.memory_space<vmem>>
        tpu.wait_dma2 semaphore(%run_scoped3A : memref<!tpu.dma_semaphore, #tpu.memory_space<semaphore_mem>>) src(%dma_wait3A_186 : memref<512x16xf32, #tpu.memory_space<vmem>>) dst(%dma_wait3A_183 : memref<512x16xf32, #tpu.memory_space<vmem_shared>>)
        tpu.yield
      }) : () -> ()
      %add3A_161 = arith.constant 5120 : i32
      %add3A_162 = arith.addi %mul3A_0, %add3A_161 : i32
      "tpu.region"() ({
        %run_scoped3A = tpu.sem_alloc : memref<!tpu.dma_semaphore, #tpu.memory_space<semaphore_mem>>
        %dma_start3A_167 = arith.constant 0 : i32
        %dma_start3A_168 = arith.constant 0 : i32
        %dma_start3A_169 = tpu.memref_slice %arg7[%dma_start3A_167, %dma_start3A_168] : memref<512x16xf32, #tpu.memory_space<vmem>> -> memref<512x16xf32, #tpu.memory_space<vmem>>
        %dma_start3A_170 = arith.constant 0 : i32
        %dma_start3A_171 = tpu.memref_slice %arg9[%add3A_162, %dma_start3A_170] : memref<106496x16xf32, #tpu.memory_space<vmem_shared>> -> memref<512x16xf32, #tpu.memory_space<vmem_shared>>
        %dma_start3A_172 = arith.constant 0 : i32
        %dma_start3A_173 = tpu.memref_slice %arg9[%add3A_162, %dma_start3A_172] : memref<106496x16xf32, #tpu.memory_space<vmem_shared>> -> memref<512x16xf32, #tpu.memory_space<vmem_shared>>
        %dma_start3A_174 = arith.constant 0 : i32
        %dma_start3A_175 = arith.constant 0 : i32
        %dma_start3A_176 = tpu.memref_slice %arg7[%dma_start3A_174, %dma_start3A_175] : memref<512x16xf32, #tpu.memory_space<vmem>> -> memref<512x16xf32, #tpu.memory_space<vmem>>
        tpu.enqueue_dma source(%dma_start3A_176 : memref<512x16xf32, #tpu.memory_space<vmem>>) target(%dma_start3A_173 : memref<512x16xf32, #tpu.memory_space<vmem_shared>>) target_semaphore(%run_scoped3A : memref<!tpu.dma_semaphore, #tpu.memory_space<semaphore_mem>>)
        %dma_wait3A_177 = arith.constant 0 : i32
        %dma_wait3A_178 = arith.constant 0 : i32
        %dma_wait3A_179 = tpu.memref_slice %arg7[%dma_wait3A_177, %dma_wait3A_178] : memref<512x16xf32, #tpu.memory_space<vmem>> -> memref<512x16xf32, #tpu.memory_space<vmem>>
        %dma_wait3A_180 = arith.constant 0 : i32
        %dma_wait3A_181 = tpu.memref_slice %arg9[%add3A_162, %dma_wait3A_180] : memref<106496x16xf32, #tpu.memory_space<vmem_shared>> -> memref<512x16xf32, #tpu.memory_space<vmem_shared>>
        %dma_wait3A_182 = arith.constant 0 : i32
        %dma_wait3A_183 = tpu.memref_slice %arg9[%add3A_162, %dma_wait3A_182] : memref<106496x16xf32, #tpu.memory_space<vmem_shared>> -> memref<512x16xf32, #tpu.memory_space<vmem_shared>>
        %dma_wait3A_184 = arith.constant 0 : i32
        %dma_wait3A_185 = arith.constant 0 : i32
        %dma_wait3A_186 = tpu.memref_slice %arg7[%dma_wait3A_184, %dma_wait3A_185] : memref<512x16xf32, #tpu.memory_space<vmem>> -> memref<512x16xf32, #tpu.memory_space<vmem>>
        tpu.wait_dma2 semaphore(%run_scoped3A : memref<!tpu.dma_semaphore, #tpu.memory_space<semaphore_mem>>) src(%dma_wait3A_186 : memref<512x16xf32, #tpu.memory_space<vmem>>) dst(%dma_wait3A_183 : memref<512x16xf32, #tpu.memory_space<vmem_shared>>)
        tpu.yield
      }) : () -> ()
      %add3A_163 = arith.constant 5632 : i32
      %add3A_164 = arith.addi %mul3A_0, %add3A_163 : i32
      "tpu.region"() ({
        %run_scoped3A = tpu.sem_alloc : memref<!tpu.dma_semaphore, #tpu.memory_space<semaphore_mem>>
        %dma_start3A_167 = arith.constant 0 : i32
        %dma_start3A_168 = arith.constant 0 : i32
        %dma_start3A_169 = tpu.memref_slice %arg7[%dma_start3A_167, %dma_start3A_168] : memref<512x16xf32, #tpu.memory_space<vmem>> -> memref<512x16xf32, #tpu.memory_space<vmem>>
        %dma_start3A_170 = arith.constant 0 : i32
        %dma_start3A_171 = tpu.memref_slice %arg9[%add3A_164, %dma_start3A_170] : memref<106496x16xf32, #tpu.memory_space<vmem_shared>> -> memref<512x16xf32, #tpu.memory_space<vmem_shared>>
        %dma_start3A_172 = arith.constant 0 : i32
        %dma_start3A_173 = tpu.memref_slice %arg9[%add3A_164, %dma_start3A_172] : memref<106496x16xf32, #tpu.memory_space<vmem_shared>> -> memref<512x16xf32, #tpu.memory_space<vmem_shared>>
        %dma_start3A_174 = arith.constant 0 : i32
        %dma_start3A_175 = arith.constant 0 : i32
        %dma_start3A_176 = tpu.memref_slice %arg7[%dma_start3A_174, %dma_start3A_175] : memref<512x16xf32, #tpu.memory_space<vmem>> -> memref<512x16xf32, #tpu.memory_space<vmem>>
        tpu.enqueue_dma source(%dma_start3A_176 : memref<512x16xf32, #tpu.memory_space<vmem>>) target(%dma_start3A_173 : memref<512x16xf32, #tpu.memory_space<vmem_shared>>) target_semaphore(%run_scoped3A : memref<!tpu.dma_semaphore, #tpu.memory_space<semaphore_mem>>)
        %dma_wait3A_177 = arith.constant 0 : i32
        %dma_wait3A_178 = arith.constant 0 : i32
        %dma_wait3A_179 = tpu.memref_slice %arg7[%dma_wait3A_177, %dma_wait3A_178] : memref<512x16xf32, #tpu.memory_space<vmem>> -> memref<512x16xf32, #tpu.memory_space<vmem>>
        %dma_wait3A_180 = arith.constant 0 : i32
        %dma_wait3A_181 = tpu.memref_slice %arg9[%add3A_164, %dma_wait3A_180] : memref<106496x16xf32, #tpu.memory_space<vmem_shared>> -> memref<512x16xf32, #tpu.memory_space<vmem_shared>>
        %dma_wait3A_182 = arith.constant 0 : i32
        %dma_wait3A_183 = tpu.memref_slice %arg9[%add3A_164, %dma_wait3A_182] : memref<106496x16xf32, #tpu.memory_space<vmem_shared>> -> memref<512x16xf32, #tpu.memory_space<vmem_shared>>
        %dma_wait3A_184 = arith.constant 0 : i32
        %dma_wait3A_185 = arith.constant 0 : i32
        %dma_wait3A_186 = tpu.memref_slice %arg7[%dma_wait3A_184, %dma_wait3A_185] : memref<512x16xf32, #tpu.memory_space<vmem>> -> memref<512x16xf32, #tpu.memory_space<vmem>>
        tpu.wait_dma2 semaphore(%run_scoped3A : memref<!tpu.dma_semaphore, #tpu.memory_space<semaphore_mem>>) src(%dma_wait3A_186 : memref<512x16xf32, #tpu.memory_space<vmem>>) dst(%dma_wait3A_183 : memref<512x16xf32, #tpu.memory_space<vmem_shared>>)
        tpu.yield
      }) : () -> ()
      %add3A_165 = arith.constant 6144 : i32
      %add3A_166 = arith.addi %mul3A_0, %add3A_165 : i32
      "tpu.region"() ({
        %run_scoped3A = tpu.sem_alloc : memref<!tpu.dma_semaphore, #tpu.memory_space<semaphore_mem>>
        %dma_start3A_167 = arith.constant 0 : i32
        %dma_start3A_168 = arith.constant 0 : i32
        %dma_start3A_169 = tpu.memref_slice %arg7[%dma_start3A_167, %dma_start3A_168] : memref<512x16xf32, #tpu.memory_space<vmem>> -> memref<512x16xf32, #tpu.memory_space<vmem>>
        %dma_start3A_170 = arith.constant 0 : i32
        %dma_start3A_171 = tpu.memref_slice %arg9[%add3A_166, %dma_start3A_170] : memref<106496x16xf32, #tpu.memory_space<vmem_shared>> -> memref<512x16xf32, #tpu.memory_space<vmem_shared>>
        %dma_start3A_172 = arith.constant 0 : i32
        %dma_start3A_173 = tpu.memref_slice %arg9[%add3A_166, %dma_start3A_172] : memref<106496x16xf32, #tpu.memory_space<vmem_shared>> -> memref<512x16xf32, #tpu.memory_space<vmem_shared>>
        %dma_start3A_174 = arith.constant 0 : i32
        %dma_start3A_175 = arith.constant 0 : i32
        %dma_start3A_176 = tpu.memref_slice %arg7[%dma_start3A_174, %dma_start3A_175] : memref<512x16xf32, #tpu.memory_space<vmem>> -> memref<512x16xf32, #tpu.memory_space<vmem>>
        tpu.enqueue_dma source(%dma_start3A_176 : memref<512x16xf32, #tpu.memory_space<vmem>>) target(%dma_start3A_173 : memref<512x16xf32, #tpu.memory_space<vmem_shared>>) target_semaphore(%run_scoped3A : memref<!tpu.dma_semaphore, #tpu.memory_space<semaphore_mem>>)
        %dma_wait3A_177 = arith.constant 0 : i32
        %dma_wait3A_178 = arith.constant 0 : i32
        %dma_wait3A_179 = tpu.memref_slice %arg7[%dma_wait3A_177, %dma_wait3A_178] : memref<512x16xf32, #tpu.memory_space<vmem>> -> memref<512x16xf32, #tpu.memory_space<vmem>>
        %dma_wait3A_180 = arith.constant 0 : i32
        %dma_wait3A_181 = tpu.memref_slice %arg9[%add3A_166, %dma_wait3A_180] : memref<106496x16xf32, #tpu.memory_space<vmem_shared>> -> memref<512x16xf32, #tpu.memory_space<vmem_shared>>
        %dma_wait3A_182 = arith.constant 0 : i32
        %dma_wait3A_183 = tpu.memref_slice %arg9[%add3A_166, %dma_wait3A_182] : memref<106496x16xf32, #tpu.memory_space<vmem_shared>> -> memref<512x16xf32, #tpu.memory_space<vmem_shared>>
        %dma_wait3A_184 = arith.constant 0 : i32
        %dma_wait3A_185 = arith.constant 0 : i32
        %dma_wait3A_186 = tpu.memref_slice %arg7[%dma_wait3A_184, %dma_wait3A_185] : memref<512x16xf32, #tpu.memory_space<vmem>> -> memref<512x16xf32, #tpu.memory_space<vmem>>
        tpu.wait_dma2 semaphore(%run_scoped3A : memref<!tpu.dma_semaphore, #tpu.memory_space<semaphore_mem>>) src(%dma_wait3A_186 : memref<512x16xf32, #tpu.memory_space<vmem>>) dst(%dma_wait3A_183 : memref<512x16xf32, #tpu.memory_space<vmem_shared>>)
        tpu.yield
      }) : () -> ()
    } else {
    }
    %barrier3A = arith.constant 0 : index
    tpu.barrier barrier_id(%barrier3A)
    %mul3A_15 = arith.constant 16 : i32
    %mul3A_16 = arith.muli %arg0, %mul3A_15 : i32
    %add3A = arith.addi %mul3A_16, %arg1 : i32
    %mul3A_17 = arith.constant 196 : i32
    %mul3A_18 = arith.muli %add3A, %mul3A_17 : i32
    %add3A_19 = arith.constant 0 : i32
    %add3A_20 = arith.addi %mul3A_18, %add3A_19 : i32
    %mul3A_21 = arith.constant 8 : i32
    %mul3A_22 = arith.muli %add3A_20, %mul3A_21 : i32
    %dma_start3A = arith.constant 0 : i32
    %dma_start3A_23 = tpu.memref_slice %arg3[%mul3A_22, %dma_start3A] : memref<50192x128xi32, #tpu.memory_space<hbm>> -> memref<8x128xi32, #tpu.memory_space<hbm>>
    %dma_start3A_24 = arith.constant 0 : i32
    %dma_start3A_25 = tpu.memref_slice %arg3[%mul3A_22, %dma_start3A_24] : memref<50192x128xi32, #tpu.memory_space<hbm>> -> memref<8x128xi32, #tpu.memory_space<hbm>>
    tpu.enqueue_dma source(%dma_start3A_25 : memref<8x128xi32, #tpu.memory_space<hbm>>) target(%arg5 : memref<8x128xi32, #tpu.memory_space<vmem>>) target_semaphore(%arg12 : memref<!tpu.dma_semaphore, #tpu.memory_space<semaphore_mem>>)
    %dma_wait3A = arith.constant 0 : i32
    %dma_wait3A_26 = arith.constant 0 : i32
    %dma_wait3A_27 = tpu.memref_slice %arg3[%dma_wait3A, %dma_wait3A_26] : memref<50192x128xi32, #tpu.memory_space<hbm>> -> memref<8x128xi32, #tpu.memory_space<hbm>>
    %dma_wait3A_28 = arith.constant 0 : i32
    %dma_wait3A_29 = arith.constant 0 : i32
    %dma_wait3A_30 = tpu.memref_slice %arg3[%dma_wait3A_28, %dma_wait3A_29] : memref<50192x128xi32, #tpu.memory_space<hbm>> -> memref<8x128xi32, #tpu.memory_space<hbm>>
    tpu.wait_dma2 semaphore(%arg12 : memref<!tpu.dma_semaphore, #tpu.memory_space<semaphore_mem>>) src(%dma_wait3A_30 : memref<8x128xi32, #tpu.memory_space<hbm>>) dst(%arg5 : memref<8x128xi32, #tpu.memory_space<vmem>>)
    %dma_start3A_31 = arith.constant 0 : i32
    %dma_start3A_32 = arith.constant 0 : i32
    %dma_start3A_33 = arith.constant 0 : i32
    %dma_start3A_34 = tpu.memref_slice %arg7[%dma_start3A_32, %dma_start3A_33] : memref<512x16xf32, #tpu.memory_space<vmem>> -> memref<128x16xf32, #tpu.memory_space<vmem>>
    %dma_start3A_35 = arith.constant 0 : i32
    %dma_start3A_36 = tpu.memref_slice %arg5[%dma_start3A_31, %dma_start3A_35] : memref<8x128xi32, #tpu.memory_space<vmem>> -> memref<1x128xi32, #tpu.memory_space<vmem>>
    %dma_start3A_37 = tpu.memref_squeeze %dma_start3A_36 : memref<1x128xi32, #tpu.memory_space<vmem>> -> memref<128xi32, #tpu.memory_space<vmem>>
    %dma_start3A_38 = arith.constant 0 : i32
    %dma_start3A_39 = arith.constant 0 : i32
    %dma_start3A_40 = tpu.memref_slice %arg2[%dma_start3A_38, %dma_start3A_39] : memref<106496x16xf32, #tpu.memory_space<hbm>> -> memref<106496x16xf32, #tpu.memory_space<hbm>>
    tpu.enqueue_indirect_dma source(%dma_start3A_40 : memref<106496x16xf32, #tpu.memory_space<hbm>>) target(%dma_start3A_34 : memref<128x16xf32, #tpu.memory_space<vmem>>) offsets(%dma_start3A_37 : memref<128xi32, #tpu.memory_space<vmem>>) semaphore(%arg10 : memref<!tpu.dma_semaphore, #tpu.memory_space<semaphore_mem>>)
    %dma_start3A_41 = arith.constant 1 : i32
    %dma_start3A_42 = arith.constant 128 : i32
    %dma_start3A_43 = arith.constant 0 : i32
    %dma_start3A_44 = tpu.memref_slice %arg7[%dma_start3A_42, %dma_start3A_43] : memref<512x16xf32, #tpu.memory_space<vmem>> -> memref<128x16xf32, #tpu.memory_space<vmem>>
    %dma_start3A_45 = arith.constant 0 : i32
    %dma_start3A_46 = tpu.memref_slice %arg5[%dma_start3A_41, %dma_start3A_45] : memref<8x128xi32, #tpu.memory_space<vmem>> -> memref<1x128xi32, #tpu.memory_space<vmem>>
    %dma_start3A_47 = tpu.memref_squeeze %dma_start3A_46 : memref<1x128xi32, #tpu.memory_space<vmem>> -> memref<128xi32, #tpu.memory_space<vmem>>
    %dma_start3A_48 = arith.constant 0 : i32
    %dma_start3A_49 = arith.constant 0 : i32
    %dma_start3A_50 = tpu.memref_slice %arg2[%dma_start3A_48, %dma_start3A_49] : memref<106496x16xf32, #tpu.memory_space<hbm>> -> memref<106496x16xf32, #tpu.memory_space<hbm>>
    tpu.enqueue_indirect_dma source(%dma_start3A_50 : memref<106496x16xf32, #tpu.memory_space<hbm>>) target(%dma_start3A_44 : memref<128x16xf32, #tpu.memory_space<vmem>>) offsets(%dma_start3A_47 : memref<128xi32, #tpu.memory_space<vmem>>) semaphore(%arg10 : memref<!tpu.dma_semaphore, #tpu.memory_space<semaphore_mem>>)
    %dma_start3A_51 = arith.constant 2 : i32
    %dma_start3A_52 = arith.constant 256 : i32
    %dma_start3A_53 = arith.constant 0 : i32
    %dma_start3A_54 = tpu.memref_slice %arg7[%dma_start3A_52, %dma_start3A_53] : memref<512x16xf32, #tpu.memory_space<vmem>> -> memref<128x16xf32, #tpu.memory_space<vmem>>
    %dma_start3A_55 = arith.constant 0 : i32
    %dma_start3A_56 = tpu.memref_slice %arg5[%dma_start3A_51, %dma_start3A_55] : memref<8x128xi32, #tpu.memory_space<vmem>> -> memref<1x128xi32, #tpu.memory_space<vmem>>
    %dma_start3A_57 = tpu.memref_squeeze %dma_start3A_56 : memref<1x128xi32, #tpu.memory_space<vmem>> -> memref<128xi32, #tpu.memory_space<vmem>>
    %dma_start3A_58 = arith.constant 0 : i32
    %dma_start3A_59 = arith.constant 0 : i32
    %dma_start3A_60 = tpu.memref_slice %arg2[%dma_start3A_58, %dma_start3A_59] : memref<106496x16xf32, #tpu.memory_space<hbm>> -> memref<106496x16xf32, #tpu.memory_space<hbm>>
    tpu.enqueue_indirect_dma source(%dma_start3A_60 : memref<106496x16xf32, #tpu.memory_space<hbm>>) target(%dma_start3A_54 : memref<128x16xf32, #tpu.memory_space<vmem>>) offsets(%dma_start3A_57 : memref<128xi32, #tpu.memory_space<vmem>>) semaphore(%arg10 : memref<!tpu.dma_semaphore, #tpu.memory_space<semaphore_mem>>)
    %dma_start3A_61 = arith.constant 3 : i32
    %dma_start3A_62 = arith.constant 384 : i32
    %dma_start3A_63 = arith.constant 0 : i32
    %dma_start3A_64 = tpu.memref_slice %arg7[%dma_start3A_62, %dma_start3A_63] : memref<512x16xf32, #tpu.memory_space<vmem>> -> memref<128x16xf32, #tpu.memory_space<vmem>>
    %dma_start3A_65 = arith.constant 0 : i32
    %dma_start3A_66 = tpu.memref_slice %arg5[%dma_start3A_61, %dma_start3A_65] : memref<8x128xi32, #tpu.memory_space<vmem>> -> memref<1x128xi32, #tpu.memory_space<vmem>>
    %dma_start3A_67 = tpu.memref_squeeze %dma_start3A_66 : memref<1x128xi32, #tpu.memory_space<vmem>> -> memref<128xi32, #tpu.memory_space<vmem>>
    %dma_start3A_68 = arith.constant 0 : i32
    %dma_start3A_69 = arith.constant 0 : i32
    %dma_start3A_70 = tpu.memref_slice %arg2[%dma_start3A_68, %dma_start3A_69] : memref<106496x16xf32, #tpu.memory_space<hbm>> -> memref<106496x16xf32, #tpu.memory_space<hbm>>
    tpu.enqueue_indirect_dma source(%dma_start3A_70 : memref<106496x16xf32, #tpu.memory_space<hbm>>) target(%dma_start3A_64 : memref<128x16xf32, #tpu.memory_space<vmem>>) offsets(%dma_start3A_67 : memref<128xi32, #tpu.memory_space<vmem>>) semaphore(%arg10 : memref<!tpu.dma_semaphore, #tpu.memory_space<semaphore_mem>>)
    %add3A_71 = arith.constant 1 : i32
    %add3A_72 = arith.addi %mul3A_18, %add3A_71 : i32
    %mul3A_73 = arith.constant 8 : i32
    %mul3A_74 = arith.muli %add3A_72, %mul3A_73 : i32
    %dma_start3A_75 = arith.constant 0 : i32
    %dma_start3A_76 = tpu.memref_slice %arg3[%mul3A_74, %dma_start3A_75] : memref<50192x128xi32, #tpu.memory_space<hbm>> -> memref<8x128xi32, #tpu.memory_space<hbm>>
    %dma_start3A_77 = arith.constant 0 : i32
    %dma_start3A_78 = tpu.memref_slice %arg3[%mul3A_74, %dma_start3A_77] : memref<50192x128xi32, #tpu.memory_space<hbm>> -> memref<8x128xi32, #tpu.memory_space<hbm>>
    tpu.enqueue_dma source(%dma_start3A_78 : memref<8x128xi32, #tpu.memory_space<hbm>>) target(%arg6 : memref<8x128xi32, #tpu.memory_space<vmem>>) target_semaphore(%arg13 : memref<!tpu.dma_semaphore, #tpu.memory_space<semaphore_mem>>)
    %scan3A_79 = arith.constant 0 : i32
    %scan3A_80 = arith.constant 0 : i32
    %scan3A_81 = arith.constant 98 : i32
    %scan3A_82 = arith.addi %scan3A_80, %scan3A_81 : i32
    %scan3A_83 = arith.constant 1 : i32
    %scan3A_84 = scf.for %scan3A_141 = %scan3A_80 to %scan3A_82 step %scan3A_83 iter_args(%scan3A_142 = %scan3A_79) -> (i32)  : i32 {
      %dma_wait3A_143 = arith.constant 0 : i32
      %dma_wait3A_144 = arith.constant 0 : i32
      %dma_wait3A_145 = tpu.memref_slice %arg3[%dma_wait3A_143, %dma_wait3A_144] : memref<50192x128xi32, #tpu.memory_space<hbm>> -> memref<8x128xi32, #tpu.memory_space<hbm>>
      %dma_wait3A_146 = arith.constant 0 : i32
      %dma_wait3A_147 = arith.constant 0 : i32
      %dma_wait3A_148 = tpu.memref_slice %arg3[%dma_wait3A_146, %dma_wait3A_147] : memref<50192x128xi32, #tpu.memory_space<hbm>> -> memref<8x128xi32, #tpu.memory_space<hbm>>
      tpu.wait_dma2 semaphore(%arg13 : memref<!tpu.dma_semaphore, #tpu.memory_space<semaphore_mem>>) src(%dma_wait3A_148 : memref<8x128xi32, #tpu.memory_space<hbm>>) dst(%arg6 : memref<8x128xi32, #tpu.memory_space<vmem>>)
      %dma_start3A_149 = arith.constant 0 : i32
      %dma_start3A_150 = arith.constant 0 : i32
      %dma_start3A_151 = arith.constant 0 : i32
      %dma_start3A_152 = tpu.memref_slice %arg8[%dma_start3A_150, %dma_start3A_151] : memref<512x16xf32, #tpu.memory_space<vmem>> -> memref<128x16xf32, #tpu.memory_space<vmem>>
      %dma_start3A_153 = arith.constant 0 : i32
      %dma_start3A_154 = tpu.memref_slice %arg6[%dma_start3A_149, %dma_start3A_153] : memref<8x128xi32, #tpu.memory_space<vmem>> -> memref<1x128xi32, #tpu.memory_space<vmem>>
      %dma_start3A_155 = tpu.memref_squeeze %dma_start3A_154 : memref<1x128xi32, #tpu.memory_space<vmem>> -> memref<128xi32, #tpu.memory_space<vmem>>
      %dma_start3A_156 = arith.constant 0 : i32
      %dma_start3A_157 = arith.constant 0 : i32
      %dma_start3A_158 = tpu.memref_slice %arg2[%dma_start3A_156, %dma_start3A_157] : memref<106496x16xf32, #tpu.memory_space<hbm>> -> memref<106496x16xf32, #tpu.memory_space<hbm>>
      tpu.enqueue_indirect_dma source(%dma_start3A_158 : memref<106496x16xf32, #tpu.memory_space<hbm>>) target(%dma_start3A_152 : memref<128x16xf32, #tpu.memory_space<vmem>>) offsets(%dma_start3A_155 : memref<128xi32, #tpu.memory_space<vmem>>) semaphore(%arg11 : memref<!tpu.dma_semaphore, #tpu.memory_space<semaphore_mem>>)
      %dma_start3A_159 = arith.constant 1 : i32
      %dma_start3A_160 = arith.constant 128 : i32
      %dma_start3A_161 = arith.constant 0 : i32
      %dma_start3A_162 = tpu.memref_slice %arg8[%dma_start3A_160, %dma_start3A_161] : memref<512x16xf32, #tpu.memory_space<vmem>> -> memref<128x16xf32, #tpu.memory_space<vmem>>
      %dma_start3A_163 = arith.constant 0 : i32
      %dma_start3A_164 = tpu.memref_slice %arg6[%dma_start3A_159, %dma_start3A_163] : memref<8x128xi32, #tpu.memory_space<vmem>> -> memref<1x128xi32, #tpu.memory_space<vmem>>
      %dma_start3A_165 = tpu.memref_squeeze %dma_start3A_164 : memref<1x128xi32, #tpu.memory_space<vmem>> -> memref<128xi32, #tpu.memory_space<vmem>>
      %dma_start3A_166 = arith.constant 0 : i32
      %dma_start3A_167 = arith.constant 0 : i32
      %dma_start3A_168 = tpu.memref_slice %arg2[%dma_start3A_166, %dma_start3A_167] : memref<106496x16xf32, #tpu.memory_space<hbm>> -> memref<106496x16xf32, #tpu.memory_space<hbm>>
      tpu.enqueue_indirect_dma source(%dma_start3A_168 : memref<106496x16xf32, #tpu.memory_space<hbm>>) target(%dma_start3A_162 : memref<128x16xf32, #tpu.memory_space<vmem>>) offsets(%dma_start3A_165 : memref<128xi32, #tpu.memory_space<vmem>>) semaphore(%arg11 : memref<!tpu.dma_semaphore, #tpu.memory_space<semaphore_mem>>)
      %dma_start3A_169 = arith.constant 2 : i32
      %dma_start3A_170 = arith.constant 256 : i32
      %dma_start3A_171 = arith.constant 0 : i32
      %dma_start3A_172 = tpu.memref_slice %arg8[%dma_start3A_170, %dma_start3A_171] : memref<512x16xf32, #tpu.memory_space<vmem>> -> memref<128x16xf32, #tpu.memory_space<vmem>>
      %dma_start3A_173 = arith.constant 0 : i32
      %dma_start3A_174 = tpu.memref_slice %arg6[%dma_start3A_169, %dma_start3A_173] : memref<8x128xi32, #tpu.memory_space<vmem>> -> memref<1x128xi32, #tpu.memory_space<vmem>>
      %dma_start3A_175 = tpu.memref_squeeze %dma_start3A_174 : memref<1x128xi32, #tpu.memory_space<vmem>> -> memref<128xi32, #tpu.memory_space<vmem>>
      %dma_start3A_176 = arith.constant 0 : i32
      %dma_start3A_177 = arith.constant 0 : i32
      %dma_start3A_178 = tpu.memref_slice %arg2[%dma_start3A_176, %dma_start3A_177] : memref<106496x16xf32, #tpu.memory_space<hbm>> -> memref<106496x16xf32, #tpu.memory_space<hbm>>
      tpu.enqueue_indirect_dma source(%dma_start3A_178 : memref<106496x16xf32, #tpu.memory_space<hbm>>) target(%dma_start3A_172 : memref<128x16xf32, #tpu.memory_space<vmem>>) offsets(%dma_start3A_175 : memref<128xi32, #tpu.memory_space<vmem>>) semaphore(%arg11 : memref<!tpu.dma_semaphore, #tpu.memory_space<semaphore_mem>>)
      %dma_start3A_179 = arith.constant 3 : i32
      %dma_start3A_180 = arith.constant 384 : i32
      %dma_start3A_181 = arith.constant 0 : i32
      %dma_start3A_182 = tpu.memref_slice %arg8[%dma_start3A_180, %dma_start3A_181] : memref<512x16xf32, #tpu.memory_space<vmem>> -> memref<128x16xf32, #tpu.memory_space<vmem>>
      %dma_start3A_183 = arith.constant 0 : i32
      %dma_start3A_184 = tpu.memref_slice %arg6[%dma_start3A_179, %dma_start3A_183] : memref<8x128xi32, #tpu.memory_space<vmem>> -> memref<1x128xi32, #tpu.memory_space<vmem>>
      %dma_start3A_185 = tpu.memref_squeeze %dma_start3A_184 : memref<1x128xi32, #tpu.memory_space<vmem>> -> memref<128xi32, #tpu.memory_space<vmem>>
      %dma_start3A_186 = arith.constant 0 : i32
      %dma_start3A_187 = arith.constant 0 : i32
      %dma_start3A_188 = tpu.memref_slice %arg2[%dma_start3A_186, %dma_start3A_187] : memref<106496x16xf32, #tpu.memory_space<hbm>> -> memref<106496x16xf32, #tpu.memory_space<hbm>>
      tpu.enqueue_indirect_dma source(%dma_start3A_188 : memref<106496x16xf32, #tpu.memory_space<hbm>>) target(%dma_start3A_182 : memref<128x16xf32, #tpu.memory_space<vmem>>) offsets(%dma_start3A_185 : memref<128xi32, #tpu.memory_space<vmem>>) semaphore(%arg11 : memref<!tpu.dma_semaphore, #tpu.memory_space<semaphore_mem>>)
      %dma_wait3A_189 = arith.constant 0 : i32
      %dma_wait3A_190 = arith.constant 0 : i32
      %dma_wait3A_191 = tpu.memref_slice %arg7[%dma_wait3A_189, %dma_wait3A_190] : memref<512x16xf32, #tpu.memory_space<vmem>> -> memref<128x16xf32, #tpu.memory_space<vmem>>
      %dma_wait3A_192 = arith.constant 0 : i32
      %dma_wait3A_193 = arith.constant 0 : i32
      %dma_wait3A_194 = tpu.memref_slice %arg2[%dma_wait3A_192, %dma_wait3A_193] : memref<106496x16xf32, #tpu.memory_space<hbm>> -> memref<128x16xf32, #tpu.memory_space<hbm>>
      %dma_wait3A_195 = arith.constant 0 : i32
      %dma_wait3A_196 = arith.constant 0 : i32
      %dma_wait3A_197 = tpu.memref_slice %arg7[%dma_wait3A_195, %dma_wait3A_196] : memref<512x16xf32, #tpu.memory_space<vmem>> -> memref<128x16xf32, #tpu.memory_space<vmem>>
      %dma_wait3A_198 = arith.constant 0 : i32
      %dma_wait3A_199 = arith.constant 0 : i32
      %dma_wait3A_200 = tpu.memref_slice %arg2[%dma_wait3A_198, %dma_wait3A_199] : memref<106496x16xf32, #tpu.memory_space<hbm>> -> memref<128x16xf32, #tpu.memory_space<hbm>>
      tpu.wait_dma2 semaphore(%arg10 : memref<!tpu.dma_semaphore, #tpu.memory_space<semaphore_mem>>) src(%dma_wait3A_200 : memref<128x16xf32, #tpu.memory_space<hbm>>) dst(%dma_wait3A_197 : memref<128x16xf32, #tpu.memory_space<vmem>>)
      %dma_wait3A_201 = arith.constant 128 : i32
      %dma_wait3A_202 = arith.constant 0 : i32
      %dma_wait3A_203 = tpu.memref_slice %arg7[%dma_wait3A_201, %dma_wait3A_202] : memref<512x16xf32, #tpu.memory_space<vmem>> -> memref<128x16xf32, #tpu.memory_space<vmem>>
      %dma_wait3A_204 = arith.constant 0 : i32
      %dma_wait3A_205 = arith.constant 0 : i32
      %dma_wait3A_206 = tpu.memref_slice %arg2[%dma_wait3A_204, %dma_wait3A_205] : memref<106496x16xf32, #tpu.memory_space<hbm>> -> memref<128x16xf32, #tpu.memory_space<hbm>>
      %dma_wait3A_207 = arith.constant 128 : i32
      %dma_wait3A_208 = arith.constant 0 : i32
      %dma_wait3A_209 = tpu.memref_slice %arg7[%dma_wait3A_207, %dma_wait3A_208] : memref<512x16xf32, #tpu.memory_space<vmem>> -> memref<128x16xf32, #tpu.memory_space<vmem>>
      %dma_wait3A_210 = arith.constant 0 : i32
      %dma_wait3A_211 = arith.constant 0 : i32
      %dma_wait3A_212 = tpu.memref_slice %arg2[%dma_wait3A_210, %dma_wait3A_211] : memref<106496x16xf32, #tpu.memory_space<hbm>> -> memref<128x16xf32, #tpu.memory_space<hbm>>
      tpu.wait_dma2 semaphore(%arg10 : memref<!tpu.dma_semaphore, #tpu.memory_space<semaphore_mem>>) src(%dma_wait3A_212 : memref<128x16xf32, #tpu.memory_space<hbm>>) dst(%dma_wait3A_209 : memref<128x16xf32, #tpu.memory_space<vmem>>)
      %dma_wait3A_213 = arith.constant 256 : i32
      %dma_wait3A_214 = arith.constant 0 : i32
      %dma_wait3A_215 = tpu.memref_slice %arg7[%dma_wait3A_213, %dma_wait3A_214] : memref<512x16xf32, #tpu.memory_space<vmem>> -> memref<128x16xf32, #tpu.memory_space<vmem>>
      %dma_wait3A_216 = arith.constant 0 : i32
      %dma_wait3A_217 = arith.constant 0 : i32
      %dma_wait3A_218 = tpu.memref_slice %arg2[%dma_wait3A_216, %dma_wait3A_217] : memref<106496x16xf32, #tpu.memory_space<hbm>> -> memref<128x16xf32, #tpu.memory_space<hbm>>
      %dma_wait3A_219 = arith.constant 256 : i32
      %dma_wait3A_220 = arith.constant 0 : i32
      %dma_wait3A_221 = tpu.memref_slice %arg7[%dma_wait3A_219, %dma_wait3A_220] : memref<512x16xf32, #tpu.memory_space<vmem>> -> memref<128x16xf32, #tpu.memory_space<vmem>>
      %dma_wait3A_222 = arith.constant 0 : i32
      %dma_wait3A_223 = arith.constant 0 : i32
      %dma_wait3A_224 = tpu.memref_slice %arg2[%dma_wait3A_222, %dma_wait3A_223] : memref<106496x16xf32, #tpu.memory_space<hbm>> -> memref<128x16xf32, #tpu.memory_space<hbm>>
      tpu.wait_dma2 semaphore(%arg10 : memref<!tpu.dma_semaphore, #tpu.memory_space<semaphore_mem>>) src(%dma_wait3A_224 : memref<128x16xf32, #tpu.memory_space<hbm>>) dst(%dma_wait3A_221 : memref<128x16xf32, #tpu.memory_space<vmem>>)
      %dma_wait3A_225 = arith.constant 384 : i32
      %dma_wait3A_226 = arith.constant 0 : i32
      %dma_wait3A_227 = tpu.memref_slice %arg7[%dma_wait3A_225, %dma_wait3A_226] : memref<512x16xf32, #tpu.memory_space<vmem>> -> memref<128x16xf32, #tpu.memory_space<vmem>>
      %dma_wait3A_228 = arith.constant 0 : i32
      %dma_wait3A_229 = arith.constant 0 : i32
      %dma_wait3A_230 = tpu.memref_slice %arg2[%dma_wait3A_228, %dma_wait3A_229] : memref<106496x16xf32, #tpu.memory_space<hbm>> -> memref<128x16xf32, #tpu.memory_space<hbm>>
      %dma_wait3A_231 = arith.constant 384 : i32
      %dma_wait3A_232 = arith.constant 0 : i32
      %dma_wait3A_233 = tpu.memref_slice %arg7[%dma_wait3A_231, %dma_wait3A_232] : memref<512x16xf32, #tpu.memory_space<vmem>> -> memref<128x16xf32, #tpu.memory_space<vmem>>
      %dma_wait3A_234 = arith.constant 0 : i32
      %dma_wait3A_235 = arith.constant 0 : i32
      %dma_wait3A_236 = tpu.memref_slice %arg2[%dma_wait3A_234, %dma_wait3A_235] : memref<106496x16xf32, #tpu.memory_space<hbm>> -> memref<128x16xf32, #tpu.memory_space<hbm>>
      tpu.wait_dma2 semaphore(%arg10 : memref<!tpu.dma_semaphore, #tpu.memory_space<semaphore_mem>>) src(%dma_wait3A_236 : memref<128x16xf32, #tpu.memory_space<hbm>>) dst(%dma_wait3A_233 : memref<128x16xf32, #tpu.memory_space<vmem>>)
      %run_scoped3A = arith.constant 4 : i32
      "tpu.region"() ({
        %run_scoped3A_361 = tpu.sem_alloc : memref<!tpu.dma_semaphore, #tpu.memory_space<semaphore_mem>>
        %dma_start3A_362 = arith.constant 0 : i32
        %dma_start3A_363 = arith.constant 0 : i32
        %dma_start3A_364 = tpu.memref_slice %arg7[%dma_start3A_362, %dma_start3A_363] : memref<512x16xf32, #tpu.memory_space<vmem>> -> memref<128x16xf32, #tpu.memory_space<vmem>>
        %dma_start3A_365 = arith.constant 0 : i32
        %dma_start3A_366 = tpu.memref_slice %arg5[%run_scoped3A, %dma_start3A_365] : memref<8x128xi32, #tpu.memory_space<vmem>> -> memref<1x128xi32, #tpu.memory_space<vmem>>
        %dma_start3A_367 = tpu.memref_squeeze %dma_start3A_366 : memref<1x128xi32, #tpu.memory_space<vmem>> -> memref<128xi32, #tpu.memory_space<vmem>>
        %dma_start3A_368 = arith.constant 0 : i32
        %dma_start3A_369 = arith.constant 0 : i32
        %dma_start3A_370 = tpu.memref_slice %arg9[%dma_start3A_368, %dma_start3A_369] : memref<106496x16xf32, #tpu.memory_space<vmem_shared>> -> memref<106496x16xf32, #tpu.memory_space<vmem_shared>>
        tpu.enqueue_indirect_dma source(%dma_start3A_364 : memref<128x16xf32, #tpu.memory_space<vmem>>) target(%dma_start3A_370 : memref<106496x16xf32, #tpu.memory_space<vmem_shared>>) offsets(%dma_start3A_367 : memref<128xi32, #tpu.memory_space<vmem>>) semaphore(%run_scoped3A_361 : memref<!tpu.dma_semaphore, #tpu.memory_space<semaphore_mem>>) {add = true}
        %dma_wait3A_371 = arith.constant 0 : i32
        %dma_wait3A_372 = arith.constant 0 : i32
        %dma_wait3A_373 = tpu.memref_slice %arg7[%dma_wait3A_371, %dma_wait3A_372] : memref<512x16xf32, #tpu.memory_space<vmem>> -> memref<128x16xf32, #tpu.memory_space<vmem>>
        %dma_wait3A_374 = arith.constant 0 : i32
        %dma_wait3A_375 = tpu.memref_slice %arg5[%run_scoped3A, %dma_wait3A_374] : memref<8x128xi32, #tpu.memory_space<vmem>> -> memref<1x128xi32, #tpu.memory_space<vmem>>
        %dma_wait3A_376 = tpu.memref_squeeze %dma_wait3A_375 : memref<1x128xi32, #tpu.memory_space<vmem>> -> memref<128xi32, #tpu.memory_space<vmem>>
        %dma_wait3A_377 = arith.constant 0 : i32
        %dma_wait3A_378 = arith.constant 0 : i32
        %dma_wait3A_379 = tpu.memref_slice %arg9[%dma_wait3A_377, %dma_wait3A_378] : memref<106496x16xf32, #tpu.memory_space<vmem_shared>> -> memref<106496x16xf32, #tpu.memory_space<vmem_shared>>
        tpu.wait_indirect_dma semaphore(%run_scoped3A_361 : memref<!tpu.dma_semaphore, #tpu.memory_space<semaphore_mem>>) src(%dma_wait3A_373 : memref<128x16xf32, #tpu.memory_space<vmem>>) dst(%dma_wait3A_379 : memref<106496x16xf32, #tpu.memory_space<vmem_shared>>)
        tpu.yield
      }) : () -> ()
      %run_scoped3A_237 = arith.constant 5 : i32
      "tpu.region"() ({
        %run_scoped3A_361 = tpu.sem_alloc : memref<!tpu.dma_semaphore, #tpu.memory_space<semaphore_mem>>
        %dma_start3A_362 = arith.constant 128 : i32
        %dma_start3A_363 = arith.constant 0 : i32
        %dma_start3A_364 = tpu.memref_slice %arg7[%dma_start3A_362, %dma_start3A_363] : memref<512x16xf32, #tpu.memory_space<vmem>> -> memref<128x16xf32, #tpu.memory_space<vmem>>
        %dma_start3A_365 = arith.constant 0 : i32
        %dma_start3A_366 = tpu.memref_slice %arg5[%run_scoped3A_237, %dma_start3A_365] : memref<8x128xi32, #tpu.memory_space<vmem>> -> memref<1x128xi32, #tpu.memory_space<vmem>>
        %dma_start3A_367 = tpu.memref_squeeze %dma_start3A_366 : memref<1x128xi32, #tpu.memory_space<vmem>> -> memref<128xi32, #tpu.memory_space<vmem>>
        %dma_start3A_368 = arith.constant 0 : i32
        %dma_start3A_369 = arith.constant 0 : i32
        %dma_start3A_370 = tpu.memref_slice %arg9[%dma_start3A_368, %dma_start3A_369] : memref<106496x16xf32, #tpu.memory_space<vmem_shared>> -> memref<106496x16xf32, #tpu.memory_space<vmem_shared>>
        tpu.enqueue_indirect_dma source(%dma_start3A_364 : memref<128x16xf32, #tpu.memory_space<vmem>>) target(%dma_start3A_370 : memref<106496x16xf32, #tpu.memory_space<vmem_shared>>) offsets(%dma_start3A_367 : memref<128xi32, #tpu.memory_space<vmem>>) semaphore(%run_scoped3A_361 : memref<!tpu.dma_semaphore, #tpu.memory_space<semaphore_mem>>) {add = true}
        %dma_wait3A_371 = arith.constant 128 : i32
        %dma_wait3A_372 = arith.constant 0 : i32
        %dma_wait3A_373 = tpu.memref_slice %arg7[%dma_wait3A_371, %dma_wait3A_372] : memref<512x16xf32, #tpu.memory_space<vmem>> -> memref<128x16xf32, #tpu.memory_space<vmem>>
        %dma_wait3A_374 = arith.constant 0 : i32
        %dma_wait3A_375 = tpu.memref_slice %arg5[%run_scoped3A_237, %dma_wait3A_374] : memref<8x128xi32, #tpu.memory_space<vmem>> -> memref<1x128xi32, #tpu.memory_space<vmem>>
        %dma_wait3A_376 = tpu.memref_squeeze %dma_wait3A_375 : memref<1x128xi32, #tpu.memory_space<vmem>> -> memref<128xi32, #tpu.memory_space<vmem>>
        %dma_wait3A_377 = arith.constant 0 : i32
        %dma_wait3A_378 = arith.constant 0 : i32
        %dma_wait3A_379 = tpu.memref_slice %arg9[%dma_wait3A_377, %dma_wait3A_378] : memref<106496x16xf32, #tpu.memory_space<vmem_shared>> -> memref<106496x16xf32, #tpu.memory_space<vmem_shared>>
        tpu.wait_indirect_dma semaphore(%run_scoped3A_361 : memref<!tpu.dma_semaphore, #tpu.memory_space<semaphore_mem>>) src(%dma_wait3A_373 : memref<128x16xf32, #tpu.memory_space<vmem>>) dst(%dma_wait3A_379 : memref<106496x16xf32, #tpu.memory_space<vmem_shared>>)
        tpu.yield
      }) : () -> ()
      %run_scoped3A_238 = arith.constant 6 : i32
      "tpu.region"() ({
        %run_scoped3A_361 = tpu.sem_alloc : memref<!tpu.dma_semaphore, #tpu.memory_space<semaphore_mem>>
        %dma_start3A_362 = arith.constant 256 : i32
        %dma_start3A_363 = arith.constant 0 : i32
        %dma_start3A_364 = tpu.memref_slice %arg7[%dma_start3A_362, %dma_start3A_363] : memref<512x16xf32, #tpu.memory_space<vmem>> -> memref<128x16xf32, #tpu.memory_space<vmem>>
        %dma_start3A_365 = arith.constant 0 : i32
        %dma_start3A_366 = tpu.memref_slice %arg5[%run_scoped3A_238, %dma_start3A_365] : memref<8x128xi32, #tpu.memory_space<vmem>> -> memref<1x128xi32, #tpu.memory_space<vmem>>
        %dma_start3A_367 = tpu.memref_squeeze %dma_start3A_366 : memref<1x128xi32, #tpu.memory_space<vmem>> -> memref<128xi32, #tpu.memory_space<vmem>>
        %dma_start3A_368 = arith.constant 0 : i32
        %dma_start3A_369 = arith.constant 0 : i32
        %dma_start3A_370 = tpu.memref_slice %arg9[%dma_start3A_368, %dma_start3A_369] : memref<106496x16xf32, #tpu.memory_space<vmem_shared>> -> memref<106496x16xf32, #tpu.memory_space<vmem_shared>>
        tpu.enqueue_indirect_dma source(%dma_start3A_364 : memref<128x16xf32, #tpu.memory_space<vmem>>) target(%dma_start3A_370 : memref<106496x16xf32, #tpu.memory_space<vmem_shared>>) offsets(%dma_start3A_367 : memref<128xi32, #tpu.memory_space<vmem>>) semaphore(%run_scoped3A_361 : memref<!tpu.dma_semaphore, #tpu.memory_space<semaphore_mem>>) {add = true}
        %dma_wait3A_371 = arith.constant 256 : i32
        %dma_wait3A_372 = arith.constant 0 : i32
        %dma_wait3A_373 = tpu.memref_slice %arg7[%dma_wait3A_371, %dma_wait3A_372] : memref<512x16xf32, #tpu.memory_space<vmem>> -> memref<128x16xf32, #tpu.memory_space<vmem>>
        %dma_wait3A_374 = arith.constant 0 : i32
        %dma_wait3A_375 = tpu.memref_slice %arg5[%run_scoped3A_238, %dma_wait3A_374] : memref<8x128xi32, #tpu.memory_space<vmem>> -> memref<1x128xi32, #tpu.memory_space<vmem>>
        %dma_wait3A_376 = tpu.memref_squeeze %dma_wait3A_375 : memref<1x128xi32, #tpu.memory_space<vmem>> -> memref<128xi32, #tpu.memory_space<vmem>>
        %dma_wait3A_377 = arith.constant 0 : i32
        %dma_wait3A_378 = arith.constant 0 : i32
        %dma_wait3A_379 = tpu.memref_slice %arg9[%dma_wait3A_377, %dma_wait3A_378] : memref<106496x16xf32, #tpu.memory_space<vmem_shared>> -> memref<106496x16xf32, #tpu.memory_space<vmem_shared>>
        tpu.wait_indirect_dma semaphore(%run_scoped3A_361 : memref<!tpu.dma_semaphore, #tpu.memory_space<semaphore_mem>>) src(%dma_wait3A_373 : memref<128x16xf32, #tpu.memory_space<vmem>>) dst(%dma_wait3A_379 : memref<106496x16xf32, #tpu.memory_space<vmem_shared>>)
        tpu.yield
      }) : () -> ()
      %run_scoped3A_239 = arith.constant 7 : i32
      "tpu.region"() ({
        %run_scoped3A_361 = tpu.sem_alloc : memref<!tpu.dma_semaphore, #tpu.memory_space<semaphore_mem>>
        %dma_start3A_362 = arith.constant 384 : i32
        %dma_start3A_363 = arith.constant 0 : i32
        %dma_start3A_364 = tpu.memref_slice %arg7[%dma_start3A_362, %dma_start3A_363] : memref<512x16xf32, #tpu.memory_space<vmem>> -> memref<128x16xf32, #tpu.memory_space<vmem>>
        %dma_start3A_365 = arith.constant 0 : i32
        %dma_start3A_366 = tpu.memref_slice %arg5[%run_scoped3A_239, %dma_start3A_365] : memref<8x128xi32, #tpu.memory_space<vmem>> -> memref<1x128xi32, #tpu.memory_space<vmem>>
        %dma_start3A_367 = tpu.memref_squeeze %dma_start3A_366 : memref<1x128xi32, #tpu.memory_space<vmem>> -> memref<128xi32, #tpu.memory_space<vmem>>
        %dma_start3A_368 = arith.constant 0 : i32
        %dma_start3A_369 = arith.constant 0 : i32
        %dma_start3A_370 = tpu.memref_slice %arg9[%dma_start3A_368, %dma_start3A_369] : memref<106496x16xf32, #tpu.memory_space<vmem_shared>> -> memref<106496x16xf32, #tpu.memory_space<vmem_shared>>
        tpu.enqueue_indirect_dma source(%dma_start3A_364 : memref<128x16xf32, #tpu.memory_space<vmem>>) target(%dma_start3A_370 : memref<106496x16xf32, #tpu.memory_space<vmem_shared>>) offsets(%dma_start3A_367 : memref<128xi32, #tpu.memory_space<vmem>>) semaphore(%run_scoped3A_361 : memref<!tpu.dma_semaphore, #tpu.memory_space<semaphore_mem>>) {add = true}
        %dma_wait3A_371 = arith.constant 384 : i32
        %dma_wait3A_372 = arith.constant 0 : i32
        %dma_wait3A_373 = tpu.memref_slice %arg7[%dma_wait3A_371, %dma_wait3A_372] : memref<512x16xf32, #tpu.memory_space<vmem>> -> memref<128x16xf32, #tpu.memory_space<vmem>>
        %dma_wait3A_374 = arith.constant 0 : i32
        %dma_wait3A_375 = tpu.memref_slice %arg5[%run_scoped3A_239, %dma_wait3A_374] : memref<8x128xi32, #tpu.memory_space<vmem>> -> memref<1x128xi32, #tpu.memory_space<vmem>>
        %dma_wait3A_376 = tpu.memref_squeeze %dma_wait3A_375 : memref<1x128xi32, #tpu.memory_space<vmem>> -> memref<128xi32, #tpu.memory_space<vmem>>
        %dma_wait3A_377 = arith.constant 0 : i32
        %dma_wait3A_378 = arith.constant 0 : i32
        %dma_wait3A_379 = tpu.memref_slice %arg9[%dma_wait3A_377, %dma_wait3A_378] : memref<106496x16xf32, #tpu.memory_space<vmem_shared>> -> memref<106496x16xf32, #tpu.memory_space<vmem_shared>>
        tpu.wait_indirect_dma semaphore(%run_scoped3A_361 : memref<!tpu.dma_semaphore, #tpu.memory_space<semaphore_mem>>) src(%dma_wait3A_373 : memref<128x16xf32, #tpu.memory_space<vmem>>) dst(%dma_wait3A_379 : memref<106496x16xf32, #tpu.memory_space<vmem_shared>>)
        tpu.yield
      }) : () -> ()
      %mul3A_240 = arith.constant 2 : i32
      %mul3A_241 = arith.muli %mul3A_240, %scan3A_141 : i32
      %add3A_242 = arith.constant 2 : i32
      %add3A_243 = arith.addi %mul3A_241, %add3A_242 : i32
      %add3A_244 = arith.addi %mul3A_18, %add3A_243 : i32
      %mul3A_245 = arith.constant 8 : i32
      %mul3A_246 = arith.muli %add3A_244, %mul3A_245 : i32
      %dma_start3A_247 = arith.constant 0 : i32
      %dma_start3A_248 = tpu.memref_slice %arg3[%mul3A_246, %dma_start3A_247] : memref<50192x128xi32, #tpu.memory_space<hbm>> -> memref<8x128xi32, #tpu.memory_space<hbm>>
      %dma_start3A_249 = arith.constant 0 : i32
      %dma_start3A_250 = tpu.memref_slice %arg3[%mul3A_246, %dma_start3A_249] : memref<50192x128xi32, #tpu.memory_space<hbm>> -> memref<8x128xi32, #tpu.memory_space<hbm>>
      tpu.enqueue_dma source(%dma_start3A_250 : memref<8x128xi32, #tpu.memory_space<hbm>>) target(%arg5 : memref<8x128xi32, #tpu.memory_space<vmem>>) target_semaphore(%arg12 : memref<!tpu.dma_semaphore, #tpu.memory_space<semaphore_mem>>)
      %dma_wait3A_251 = arith.constant 0 : i32
      %dma_wait3A_252 = arith.constant 0 : i32
      %dma_wait3A_253 = tpu.memref_slice %arg8[%dma_wait3A_251, %dma_wait3A_252] : memref<512x16xf32, #tpu.memory_space<vmem>> -> memref<128x16xf32, #tpu.memory_space<vmem>>
      %dma_wait3A_254 = arith.constant 0 : i32
      %dma_wait3A_255 = arith.constant 0 : i32
      %dma_wait3A_256 = tpu.memref_slice %arg2[%dma_wait3A_254, %dma_wait3A_255] : memref<106496x16xf32, #tpu.memory_space<hbm>> -> memref<128x16xf32, #tpu.memory_space<hbm>>
      %dma_wait3A_257 = arith.constant 0 : i32
      %dma_wait3A_258 = arith.constant 0 : i32
      %dma_wait3A_259 = tpu.memref_slice %arg8[%dma_wait3A_257, %dma_wait3A_258] : memref<512x16xf32, #tpu.memory_space<vmem>> -> memref<128x16xf32, #tpu.memory_space<vmem>>
      %dma_wait3A_260 = arith.constant 0 : i32
      %dma_wait3A_261 = arith.constant 0 : i32
      %dma_wait3A_262 = tpu.memref_slice %arg2[%dma_wait3A_260, %dma_wait3A_261] : memref<106496x16xf32, #tpu.memory_space<hbm>> -> memref<128x16xf32, #tpu.memory_space<hbm>>
      tpu.wait_dma2 semaphore(%arg11 : memref<!tpu.dma_semaphore, #tpu.memory_space<semaphore_mem>>) src(%dma_wait3A_262 : memref<128x16xf32, #tpu.memory_space<hbm>>) dst(%dma_wait3A_259 : memref<128x16xf32, #tpu.memory_space<vmem>>)
      %dma_wait3A_263 = arith.constant 128 : i32
      %dma_wait3A_264 = arith.constant 0 : i32
      %dma_wait3A_265 = tpu.memref_slice %arg8[%dma_wait3A_263, %dma_wait3A_264] : memref<512x16xf32, #tpu.memory_space<vmem>> -> memref<128x16xf32, #tpu.memory_space<vmem>>
      %dma_wait3A_266 = arith.constant 0 : i32
      %dma_wait3A_267 = arith.constant 0 : i32
      %dma_wait3A_268 = tpu.memref_slice %arg2[%dma_wait3A_266, %dma_wait3A_267] : memref<106496x16xf32, #tpu.memory_space<hbm>> -> memref<128x16xf32, #tpu.memory_space<hbm>>
      %dma_wait3A_269 = arith.constant 128 : i32
      %dma_wait3A_270 = arith.constant 0 : i32
      %dma_wait3A_271 = tpu.memref_slice %arg8[%dma_wait3A_269, %dma_wait3A_270] : memref<512x16xf32, #tpu.memory_space<vmem>> -> memref<128x16xf32, #tpu.memory_space<vmem>>
      %dma_wait3A_272 = arith.constant 0 : i32
      %dma_wait3A_273 = arith.constant 0 : i32
      %dma_wait3A_274 = tpu.memref_slice %arg2[%dma_wait3A_272, %dma_wait3A_273] : memref<106496x16xf32, #tpu.memory_space<hbm>> -> memref<128x16xf32, #tpu.memory_space<hbm>>
      tpu.wait_dma2 semaphore(%arg11 : memref<!tpu.dma_semaphore, #tpu.memory_space<semaphore_mem>>) src(%dma_wait3A_274 : memref<128x16xf32, #tpu.memory_space<hbm>>) dst(%dma_wait3A_271 : memref<128x16xf32, #tpu.memory_space<vmem>>)
      %dma_wait3A_275 = arith.constant 256 : i32
      %dma_wait3A_276 = arith.constant 0 : i32
      %dma_wait3A_277 = tpu.memref_slice %arg8[%dma_wait3A_275, %dma_wait3A_276] : memref<512x16xf32, #tpu.memory_space<vmem>> -> memref<128x16xf32, #tpu.memory_space<vmem>>
      %dma_wait3A_278 = arith.constant 0 : i32
      %dma_wait3A_279 = arith.constant 0 : i32
      %dma_wait3A_280 = tpu.memref_slice %arg2[%dma_wait3A_278, %dma_wait3A_279] : memref<106496x16xf32, #tpu.memory_space<hbm>> -> memref<128x16xf32, #tpu.memory_space<hbm>>
      %dma_wait3A_281 = arith.constant 256 : i32
      %dma_wait3A_282 = arith.constant 0 : i32
      %dma_wait3A_283 = tpu.memref_slice %arg8[%dma_wait3A_281, %dma_wait3A_282] : memref<512x16xf32, #tpu.memory_space<vmem>> -> memref<128x16xf32, #tpu.memory_space<vmem>>
      %dma_wait3A_284 = arith.constant 0 : i32
      %dma_wait3A_285 = arith.constant 0 : i32
      %dma_wait3A_286 = tpu.memref_slice %arg2[%dma_wait3A_284, %dma_wait3A_285] : memref<106496x16xf32, #tpu.memory_space<hbm>> -> memref<128x16xf32, #tpu.memory_space<hbm>>
      tpu.wait_dma2 semaphore(%arg11 : memref<!tpu.dma_semaphore, #tpu.memory_space<semaphore_mem>>) src(%dma_wait3A_286 : memref<128x16xf32, #tpu.memory_space<hbm>>) dst(%dma_wait3A_283 : memref<128x16xf32, #tpu.memory_space<vmem>>)
      %dma_wait3A_287 = arith.constant 384 : i32
      %dma_wait3A_288 = arith.constant 0 : i32
      %dma_wait3A_289 = tpu.memref_slice %arg8[%dma_wait3A_287, %dma_wait3A_288] : memref<512x16xf32, #tpu.memory_space<vmem>> -> memref<128x16xf32, #tpu.memory_space<vmem>>
      %dma_wait3A_290 = arith.constant 0 : i32
      %dma_wait3A_291 = arith.constant 0 : i32
      %dma_wait3A_292 = tpu.memref_slice %arg2[%dma_wait3A_290, %dma_wait3A_291] : memref<106496x16xf32, #tpu.memory_space<hbm>> -> memref<128x16xf32, #tpu.memory_space<hbm>>
      %dma_wait3A_293 = arith.constant 384 : i32
      %dma_wait3A_294 = arith.constant 0 : i32
      %dma_wait3A_295 = tpu.memref_slice %arg8[%dma_wait3A_293, %dma_wait3A_294] : memref<512x16xf32, #tpu.memory_space<vmem>> -> memref<128x16xf32, #tpu.memory_space<vmem>>
      %dma_wait3A_296 = arith.constant 0 : i32
      %dma_wait3A_297 = arith.constant 0 : i32
      %dma_wait3A_298 = tpu.memref_slice %arg2[%dma_wait3A_296, %dma_wait3A_297] : memref<106496x16xf32, #tpu.memory_space<hbm>> -> memref<128x16xf32, #tpu.memory_space<hbm>>
      tpu.wait_dma2 semaphore(%arg11 : memref<!tpu.dma_semaphore, #tpu.memory_space<semaphore_mem>>) src(%dma_wait3A_298 : memref<128x16xf32, #tpu.memory_space<hbm>>) dst(%dma_wait3A_295 : memref<128x16xf32, #tpu.memory_space<vmem>>)
      %run_scoped3A_299 = arith.constant 4 : i32
      "tpu.region"() ({
        %run_scoped3A_361 = tpu.sem_alloc : memref<!tpu.dma_semaphore, #tpu.memory_space<semaphore_mem>>
        %dma_start3A_362 = arith.constant 0 : i32
        %dma_start3A_363 = arith.constant 0 : i32
        %dma_start3A_364 = tpu.memref_slice %arg8[%dma_start3A_362, %dma_start3A_363] : memref<512x16xf32, #tpu.memory_space<vmem>> -> memref<128x16xf32, #tpu.memory_space<vmem>>
        %dma_start3A_365 = arith.constant 0 : i32
        %dma_start3A_366 = tpu.memref_slice %arg6[%run_scoped3A_299, %dma_start3A_365] : memref<8x128xi32, #tpu.memory_space<vmem>> -> memref<1x128xi32, #tpu.memory_space<vmem>>
        %dma_start3A_367 = tpu.memref_squeeze %dma_start3A_366 : memref<1x128xi32, #tpu.memory_space<vmem>> -> memref<128xi32, #tpu.memory_space<vmem>>
        %dma_start3A_368 = arith.constant 0 : i32
        %dma_start3A_369 = arith.constant 0 : i32
        %dma_start3A_370 = tpu.memref_slice %arg9[%dma_start3A_368, %dma_start3A_369] : memref<106496x16xf32, #tpu.memory_space<vmem_shared>> -> memref<106496x16xf32, #tpu.memory_space<vmem_shared>>
        tpu.enqueue_indirect_dma source(%dma_start3A_364 : memref<128x16xf32, #tpu.memory_space<vmem>>) target(%dma_start3A_370 : memref<106496x16xf32, #tpu.memory_space<vmem_shared>>) offsets(%dma_start3A_367 : memref<128xi32, #tpu.memory_space<vmem>>) semaphore(%run_scoped3A_361 : memref<!tpu.dma_semaphore, #tpu.memory_space<semaphore_mem>>) {add = true}
        %dma_wait3A_371 = arith.constant 0 : i32
        %dma_wait3A_372 = arith.constant 0 : i32
        %dma_wait3A_373 = tpu.memref_slice %arg8[%dma_wait3A_371, %dma_wait3A_372] : memref<512x16xf32, #tpu.memory_space<vmem>> -> memref<128x16xf32, #tpu.memory_space<vmem>>
        %dma_wait3A_374 = arith.constant 0 : i32
        %dma_wait3A_375 = tpu.memref_slice %arg6[%run_scoped3A_299, %dma_wait3A_374] : memref<8x128xi32, #tpu.memory_space<vmem>> -> memref<1x128xi32, #tpu.memory_space<vmem>>
        %dma_wait3A_376 = tpu.memref_squeeze %dma_wait3A_375 : memref<1x128xi32, #tpu.memory_space<vmem>> -> memref<128xi32, #tpu.memory_space<vmem>>
        %dma_wait3A_377 = arith.constant 0 : i32
        %dma_wait3A_378 = arith.constant 0 : i32
        %dma_wait3A_379 = tpu.memref_slice %arg9[%dma_wait3A_377, %dma_wait3A_378] : memref<106496x16xf32, #tpu.memory_space<vmem_shared>> -> memref<106496x16xf32, #tpu.memory_space<vmem_shared>>
        tpu.wait_indirect_dma semaphore(%run_scoped3A_361 : memref<!tpu.dma_semaphore, #tpu.memory_space<semaphore_mem>>) src(%dma_wait3A_373 : memref<128x16xf32, #tpu.memory_space<vmem>>) dst(%dma_wait3A_379 : memref<106496x16xf32, #tpu.memory_space<vmem_shared>>)
        tpu.yield
      }) : () -> ()
      %run_scoped3A_300 = arith.constant 5 : i32
      "tpu.region"() ({
        %run_scoped3A_361 = tpu.sem_alloc : memref<!tpu.dma_semaphore, #tpu.memory_space<semaphore_mem>>
        %dma_start3A_362 = arith.constant 128 : i32
        %dma_start3A_363 = arith.constant 0 : i32
        %dma_start3A_364 = tpu.memref_slice %arg8[%dma_start3A_362, %dma_start3A_363] : memref<512x16xf32, #tpu.memory_space<vmem>> -> memref<128x16xf32, #tpu.memory_space<vmem>>
        %dma_start3A_365 = arith.constant 0 : i32
        %dma_start3A_366 = tpu.memref_slice %arg6[%run_scoped3A_300, %dma_start3A_365] : memref<8x128xi32, #tpu.memory_space<vmem>> -> memref<1x128xi32, #tpu.memory_space<vmem>>
        %dma_start3A_367 = tpu.memref_squeeze %dma_start3A_366 : memref<1x128xi32, #tpu.memory_space<vmem>> -> memref<128xi32, #tpu.memory_space<vmem>>
        %dma_start3A_368 = arith.constant 0 : i32
        %dma_start3A_369 = arith.constant 0 : i32
        %dma_start3A_370 = tpu.memref_slice %arg9[%dma_start3A_368, %dma_start3A_369] : memref<106496x16xf32, #tpu.memory_space<vmem_shared>> -> memref<106496x16xf32, #tpu.memory_space<vmem_shared>>
        tpu.enqueue_indirect_dma source(%dma_start3A_364 : memref<128x16xf32, #tpu.memory_space<vmem>>) target(%dma_start3A_370 : memref<106496x16xf32, #tpu.memory_space<vmem_shared>>) offsets(%dma_start3A_367 : memref<128xi32, #tpu.memory_space<vmem>>) semaphore(%run_scoped3A_361 : memref<!tpu.dma_semaphore, #tpu.memory_space<semaphore_mem>>) {add = true}
        %dma_wait3A_371 = arith.constant 128 : i32
        %dma_wait3A_372 = arith.constant 0 : i32
        %dma_wait3A_373 = tpu.memref_slice %arg8[%dma_wait3A_371, %dma_wait3A_372] : memref<512x16xf32, #tpu.memory_space<vmem>> -> memref<128x16xf32, #tpu.memory_space<vmem>>
        %dma_wait3A_374 = arith.constant 0 : i32
        %dma_wait3A_375 = tpu.memref_slice %arg6[%run_scoped3A_300, %dma_wait3A_374] : memref<8x128xi32, #tpu.memory_space<vmem>> -> memref<1x128xi32, #tpu.memory_space<vmem>>
        %dma_wait3A_376 = tpu.memref_squeeze %dma_wait3A_375 : memref<1x128xi32, #tpu.memory_space<vmem>> -> memref<128xi32, #tpu.memory_space<vmem>>
        %dma_wait3A_377 = arith.constant 0 : i32
        %dma_wait3A_378 = arith.constant 0 : i32
        %dma_wait3A_379 = tpu.memref_slice %arg9[%dma_wait3A_377, %dma_wait3A_378] : memref<106496x16xf32, #tpu.memory_space<vmem_shared>> -> memref<106496x16xf32, #tpu.memory_space<vmem_shared>>
        tpu.wait_indirect_dma semaphore(%run_scoped3A_361 : memref<!tpu.dma_semaphore, #tpu.memory_space<semaphore_mem>>) src(%dma_wait3A_373 : memref<128x16xf32, #tpu.memory_space<vmem>>) dst(%dma_wait3A_379 : memref<106496x16xf32, #tpu.memory_space<vmem_shared>>)
        tpu.yield
      }) : () -> ()
      %run_scoped3A_301 = arith.constant 6 : i32
      "tpu.region"() ({
        %run_scoped3A_361 = tpu.sem_alloc : memref<!tpu.dma_semaphore, #tpu.memory_space<semaphore_mem>>
        %dma_start3A_362 = arith.constant 256 : i32
        %dma_start3A_363 = arith.constant 0 : i32
        %dma_start3A_364 = tpu.memref_slice %arg8[%dma_start3A_362, %dma_start3A_363] : memref<512x16xf32, #tpu.memory_space<vmem>> -> memref<128x16xf32, #tpu.memory_space<vmem>>
        %dma_start3A_365 = arith.constant 0 : i32
        %dma_start3A_366 = tpu.memref_slice %arg6[%run_scoped3A_301, %dma_start3A_365] : memref<8x128xi32, #tpu.memory_space<vmem>> -> memref<1x128xi32, #tpu.memory_space<vmem>>
        %dma_start3A_367 = tpu.memref_squeeze %dma_start3A_366 : memref<1x128xi32, #tpu.memory_space<vmem>> -> memref<128xi32, #tpu.memory_space<vmem>>
        %dma_start3A_368 = arith.constant 0 : i32
        %dma_start3A_369 = arith.constant 0 : i32
        %dma_start3A_370 = tpu.memref_slice %arg9[%dma_start3A_368, %dma_start3A_369] : memref<106496x16xf32, #tpu.memory_space<vmem_shared>> -> memref<106496x16xf32, #tpu.memory_space<vmem_shared>>
        tpu.enqueue_indirect_dma source(%dma_start3A_364 : memref<128x16xf32, #tpu.memory_space<vmem>>) target(%dma_start3A_370 : memref<106496x16xf32, #tpu.memory_space<vmem_shared>>) offsets(%dma_start3A_367 : memref<128xi32, #tpu.memory_space<vmem>>) semaphore(%run_scoped3A_361 : memref<!tpu.dma_semaphore, #tpu.memory_space<semaphore_mem>>) {add = true}
        %dma_wait3A_371 = arith.constant 256 : i32
        %dma_wait3A_372 = arith.constant 0 : i32
        %dma_wait3A_373 = tpu.memref_slice %arg8[%dma_wait3A_371, %dma_wait3A_372] : memref<512x16xf32, #tpu.memory_space<vmem>> -> memref<128x16xf32, #tpu.memory_space<vmem>>
        %dma_wait3A_374 = arith.constant 0 : i32
        %dma_wait3A_375 = tpu.memref_slice %arg6[%run_scoped3A_301, %dma_wait3A_374] : memref<8x128xi32, #tpu.memory_space<vmem>> -> memref<1x128xi32, #tpu.memory_space<vmem>>
        %dma_wait3A_376 = tpu.memref_squeeze %dma_wait3A_375 : memref<1x128xi32, #tpu.memory_space<vmem>> -> memref<128xi32, #tpu.memory_space<vmem>>
        %dma_wait3A_377 = arith.constant 0 : i32
        %dma_wait3A_378 = arith.constant 0 : i32
        %dma_wait3A_379 = tpu.memref_slice %arg9[%dma_wait3A_377, %dma_wait3A_378] : memref<106496x16xf32, #tpu.memory_space<vmem_shared>> -> memref<106496x16xf32, #tpu.memory_space<vmem_shared>>
        tpu.wait_indirect_dma semaphore(%run_scoped3A_361 : memref<!tpu.dma_semaphore, #tpu.memory_space<semaphore_mem>>) src(%dma_wait3A_373 : memref<128x16xf32, #tpu.memory_space<vmem>>) dst(%dma_wait3A_379 : memref<106496x16xf32, #tpu.memory_space<vmem_shared>>)
        tpu.yield
      }) : () -> ()
      %run_scoped3A_302 = arith.constant 7 : i32
      "tpu.region"() ({
        %run_scoped3A_361 = tpu.sem_alloc : memref<!tpu.dma_semaphore, #tpu.memory_space<semaphore_mem>>
        %dma_start3A_362 = arith.constant 384 : i32
        %dma_start3A_363 = arith.constant 0 : i32
        %dma_start3A_364 = tpu.memref_slice %arg8[%dma_start3A_362, %dma_start3A_363] : memref<512x16xf32, #tpu.memory_space<vmem>> -> memref<128x16xf32, #tpu.memory_space<vmem>>
        %dma_start3A_365 = arith.constant 0 : i32
        %dma_start3A_366 = tpu.memref_slice %arg6[%run_scoped3A_302, %dma_start3A_365] : memref<8x128xi32, #tpu.memory_space<vmem>> -> memref<1x128xi32, #tpu.memory_space<vmem>>
        %dma_start3A_367 = tpu.memref_squeeze %dma_start3A_366 : memref<1x128xi32, #tpu.memory_space<vmem>> -> memref<128xi32, #tpu.memory_space<vmem>>
        %dma_start3A_368 = arith.constant 0 : i32
        %dma_start3A_369 = arith.constant 0 : i32
        %dma_start3A_370 = tpu.memref_slice %arg9[%dma_start3A_368, %dma_start3A_369] : memref<106496x16xf32, #tpu.memory_space<vmem_shared>> -> memref<106496x16xf32, #tpu.memory_space<vmem_shared>>
        tpu.enqueue_indirect_dma source(%dma_start3A_364 : memref<128x16xf32, #tpu.memory_space<vmem>>) target(%dma_start3A_370 : memref<106496x16xf32, #tpu.memory_space<vmem_shared>>) offsets(%dma_start3A_367 : memref<128xi32, #tpu.memory_space<vmem>>) semaphore(%run_scoped3A_361 : memref<!tpu.dma_semaphore, #tpu.memory_space<semaphore_mem>>) {add = true}
        %dma_wait3A_371 = arith.constant 384 : i32
        %dma_wait3A_372 = arith.constant 0 : i32
        %dma_wait3A_373 = tpu.memref_slice %arg8[%dma_wait3A_371, %dma_wait3A_372] : memref<512x16xf32, #tpu.memory_space<vmem>> -> memref<128x16xf32, #tpu.memory_space<vmem>>
        %dma_wait3A_374 = arith.constant 0 : i32
        %dma_wait3A_375 = tpu.memref_slice %arg6[%run_scoped3A_302, %dma_wait3A_374] : memref<8x128xi32, #tpu.memory_space<vmem>> -> memref<1x128xi32, #tpu.memory_space<vmem>>
        %dma_wait3A_376 = tpu.memref_squeeze %dma_wait3A_375 : memref<1x128xi32, #tpu.memory_space<vmem>> -> memref<128xi32, #tpu.memory_space<vmem>>
        %dma_wait3A_377 = arith.constant 0 : i32
        %dma_wait3A_378 = arith.constant 0 : i32
        %dma_wait3A_379 = tpu.memref_slice %arg9[%dma_wait3A_377, %dma_wait3A_378] : memref<106496x16xf32, #tpu.memory_space<vmem_shared>> -> memref<106496x16xf32, #tpu.memory_space<vmem_shared>>
        tpu.wait_indirect_dma semaphore(%run_scoped3A_361 : memref<!tpu.dma_semaphore, #tpu.memory_space<semaphore_mem>>) src(%dma_wait3A_373 : memref<128x16xf32, #tpu.memory_space<vmem>>) dst(%dma_wait3A_379 : memref<106496x16xf32, #tpu.memory_space<vmem_shared>>)
        tpu.yield
      }) : () -> ()
      %dma_wait3A_303 = arith.constant 0 : i32
      %dma_wait3A_304 = arith.constant 0 : i32
      %dma_wait3A_305 = tpu.memref_slice %arg3[%dma_wait3A_303, %dma_wait3A_304] : memref<50192x128xi32, #tpu.memory_space<hbm>> -> memref<8x128xi32, #tpu.memory_space<hbm>>
      %dma_wait3A_306 = arith.constant 0 : i32
      %dma_wait3A_307 = arith.constant 0 : i32
      %dma_wait3A_308 = tpu.memref_slice %arg3[%dma_wait3A_306, %dma_wait3A_307] : memref<50192x128xi32, #tpu.memory_space<hbm>> -> memref<8x128xi32, #tpu.memory_space<hbm>>
      tpu.wait_dma2 semaphore(%arg12 : memref<!tpu.dma_semaphore, #tpu.memory_space<semaphore_mem>>) src(%dma_wait3A_308 : memref<8x128xi32, #tpu.memory_space<hbm>>) dst(%arg5 : memref<8x128xi32, #tpu.memory_space<vmem>>)
      %dma_start3A_309 = arith.constant 0 : i32
      %dma_start3A_310 = arith.constant 0 : i32
      %dma_start3A_311 = arith.constant 0 : i32
      %dma_start3A_312 = tpu.memref_slice %arg7[%dma_start3A_310, %dma_start3A_311] : memref<512x16xf32, #tpu.memory_space<vmem>> -> memref<128x16xf32, #tpu.memory_space<vmem>>
      %dma_start3A_313 = arith.constant 0 : i32
      %dma_start3A_314 = tpu.memref_slice %arg5[%dma_start3A_309, %dma_start3A_313] : memref<8x128xi32, #tpu.memory_space<vmem>> -> memref<1x128xi32, #tpu.memory_space<vmem>>
      %dma_start3A_315 = tpu.memref_squeeze %dma_start3A_314 : memref<1x128xi32, #tpu.memory_space<vmem>> -> memref<128xi32, #tpu.memory_space<vmem>>
      %dma_start3A_316 = arith.constant 0 : i32
      %dma_start3A_317 = arith.constant 0 : i32
      %dma_start3A_318 = tpu.memref_slice %arg2[%dma_start3A_316, %dma_start3A_317] : memref<106496x16xf32, #tpu.memory_space<hbm>> -> memref<106496x16xf32, #tpu.memory_space<hbm>>
      tpu.enqueue_indirect_dma source(%dma_start3A_318 : memref<106496x16xf32, #tpu.memory_space<hbm>>) target(%dma_start3A_312 : memref<128x16xf32, #tpu.memory_space<vmem>>) offsets(%dma_start3A_315 : memref<128xi32, #tpu.memory_space<vmem>>) semaphore(%arg10 : memref<!tpu.dma_semaphore, #tpu.memory_space<semaphore_mem>>)
      %dma_start3A_319 = arith.constant 1 : i32
      %dma_start3A_320 = arith.constant 128 : i32
      %dma_start3A_321 = arith.constant 0 : i32
      %dma_start3A_322 = tpu.memref_slice %arg7[%dma_start3A_320, %dma_start3A_321] : memref<512x16xf32, #tpu.memory_space<vmem>> -> memref<128x16xf32, #tpu.memory_space<vmem>>
      %dma_start3A_323 = arith.constant 0 : i32
      %dma_start3A_324 = tpu.memref_slice %arg5[%dma_start3A_319, %dma_start3A_323] : memref<8x128xi32, #tpu.memory_space<vmem>> -> memref<1x128xi32, #tpu.memory_space<vmem>>
      %dma_start3A_325 = tpu.memref_squeeze %dma_start3A_324 : memref<1x128xi32, #tpu.memory_space<vmem>> -> memref<128xi32, #tpu.memory_space<vmem>>
      %dma_start3A_326 = arith.constant 0 : i32
      %dma_start3A_327 = arith.constant 0 : i32
      %dma_start3A_328 = tpu.memref_slice %arg2[%dma_start3A_326, %dma_start3A_327] : memref<106496x16xf32, #tpu.memory_space<hbm>> -> memref<106496x16xf32, #tpu.memory_space<hbm>>
      tpu.enqueue_indirect_dma source(%dma_start3A_328 : memref<106496x16xf32, #tpu.memory_space<hbm>>) target(%dma_start3A_322 : memref<128x16xf32, #tpu.memory_space<vmem>>) offsets(%dma_start3A_325 : memref<128xi32, #tpu.memory_space<vmem>>) semaphore(%arg10 : memref<!tpu.dma_semaphore, #tpu.memory_space<semaphore_mem>>)
      %dma_start3A_329 = arith.constant 2 : i32
      %dma_start3A_330 = arith.constant 256 : i32
      %dma_start3A_331 = arith.constant 0 : i32
      %dma_start3A_332 = tpu.memref_slice %arg7[%dma_start3A_330, %dma_start3A_331] : memref<512x16xf32, #tpu.memory_space<vmem>> -> memref<128x16xf32, #tpu.memory_space<vmem>>
      %dma_start3A_333 = arith.constant 0 : i32
      %dma_start3A_334 = tpu.memref_slice %arg5[%dma_start3A_329, %dma_start3A_333] : memref<8x128xi32, #tpu.memory_space<vmem>> -> memref<1x128xi32, #tpu.memory_space<vmem>>
      %dma_start3A_335 = tpu.memref_squeeze %dma_start3A_334 : memref<1x128xi32, #tpu.memory_space<vmem>> -> memref<128xi32, #tpu.memory_space<vmem>>
      %dma_start3A_336 = arith.constant 0 : i32
      %dma_start3A_337 = arith.constant 0 : i32
      %dma_start3A_338 = tpu.memref_slice %arg2[%dma_start3A_336, %dma_start3A_337] : memref<106496x16xf32, #tpu.memory_space<hbm>> -> memref<106496x16xf32, #tpu.memory_space<hbm>>
      tpu.enqueue_indirect_dma source(%dma_start3A_338 : memref<106496x16xf32, #tpu.memory_space<hbm>>) target(%dma_start3A_332 : memref<128x16xf32, #tpu.memory_space<vmem>>) offsets(%dma_start3A_335 : memref<128xi32, #tpu.memory_space<vmem>>) semaphore(%arg10 : memref<!tpu.dma_semaphore, #tpu.memory_space<semaphore_mem>>)
      %dma_start3A_339 = arith.constant 3 : i32
      %dma_start3A_340 = arith.constant 384 : i32
      %dma_start3A_341 = arith.constant 0 : i32
      %dma_start3A_342 = tpu.memref_slice %arg7[%dma_start3A_340, %dma_start3A_341] : memref<512x16xf32, #tpu.memory_space<vmem>> -> memref<128x16xf32, #tpu.memory_space<vmem>>
      %dma_start3A_343 = arith.constant 0 : i32
      %dma_start3A_344 = tpu.memref_slice %arg5[%dma_start3A_339, %dma_start3A_343] : memref<8x128xi32, #tpu.memory_space<vmem>> -> memref<1x128xi32, #tpu.memory_space<vmem>>
      %dma_start3A_345 = tpu.memref_squeeze %dma_start3A_344 : memref<1x128xi32, #tpu.memory_space<vmem>> -> memref<128xi32, #tpu.memory_space<vmem>>
      %dma_start3A_346 = arith.constant 0 : i32
      %dma_start3A_347 = arith.constant 0 : i32
      %dma_start3A_348 = tpu.memref_slice %arg2[%dma_start3A_346, %dma_start3A_347] : memref<106496x16xf32, #tpu.memory_space<hbm>> -> memref<106496x16xf32, #tpu.memory_space<hbm>>
      tpu.enqueue_indirect_dma source(%dma_start3A_348 : memref<106496x16xf32, #tpu.memory_space<hbm>>) target(%dma_start3A_342 : memref<128x16xf32, #tpu.memory_space<vmem>>) offsets(%dma_start3A_345 : memref<128xi32, #tpu.memory_space<vmem>>) semaphore(%arg10 : memref<!tpu.dma_semaphore, #tpu.memory_space<semaphore_mem>>)
      %mul3A_349 = arith.constant 2 : i32
      %mul3A_350 = arith.muli %mul3A_349, %scan3A_141 : i32
      %add3A_351 = arith.constant 3 : i32
      %add3A_352 = arith.addi %mul3A_350, %add3A_351 : i32
      %add3A_353 = arith.addi %mul3A_18, %add3A_352 : i32
      %mul3A_354 = arith.constant 8 : i32
      %mul3A_355 = arith.muli %add3A_353, %mul3A_354 : i32
      %dma_start3A_356 = arith.constant 0 : i32
      %dma_start3A_357 = tpu.memref_slice %arg3[%mul3A_355, %dma_start3A_356] : memref<50192x128xi32, #tpu.memory_space<hbm>> -> memref<8x128xi32, #tpu.memory_space<hbm>>
      %dma_start3A_358 = arith.constant 0 : i32
      %dma_start3A_359 = tpu.memref_slice %arg3[%mul3A_355, %dma_start3A_358] : memref<50192x128xi32, #tpu.memory_space<hbm>> -> memref<8x128xi32, #tpu.memory_space<hbm>>
      tpu.enqueue_dma source(%dma_start3A_359 : memref<8x128xi32, #tpu.memory_space<hbm>>) target(%arg6 : memref<8x128xi32, #tpu.memory_space<vmem>>) target_semaphore(%arg13 : memref<!tpu.dma_semaphore, #tpu.memory_space<semaphore_mem>>)
      %scan3A_360 = arith.constant 0 : i32
      scf.yield %scan3A_360 : i32
    }
    %scan3A_85 = arith.constant 98 : i32
    %dma_wait3A_86 = arith.constant 0 : i32
    %dma_wait3A_87 = arith.constant 0 : i32
    %dma_wait3A_88 = tpu.memref_slice %arg7[%dma_wait3A_86, %dma_wait3A_87] : memref<512x16xf32, #tpu.memory_space<vmem>> -> memref<128x16xf32, #tpu.memory_space<vmem>>
    %dma_wait3A_89 = arith.constant 0 : i32
    %dma_wait3A_90 = arith.constant 0 : i32
    %dma_wait3A_91 = tpu.memref_slice %arg2[%dma_wait3A_89, %dma_wait3A_90] : memref<106496x16xf32, #tpu.memory_space<hbm>> -> memref<128x16xf32, #tpu.memory_space<hbm>>
    %dma_wait3A_92 = arith.constant 0 : i32
    %dma_wait3A_93 = arith.constant 0 : i32
    %dma_wait3A_94 = tpu.memref_slice %arg7[%dma_wait3A_92, %dma_wait3A_93] : memref<512x16xf32, #tpu.memory_space<vmem>> -> memref<128x16xf32, #tpu.memory_space<vmem>>
    %dma_wait3A_95 = arith.constant 0 : i32
    %dma_wait3A_96 = arith.constant 0 : i32
    %dma_wait3A_97 = tpu.memref_slice %arg2[%dma_wait3A_95, %dma_wait3A_96] : memref<106496x16xf32, #tpu.memory_space<hbm>> -> memref<128x16xf32, #tpu.memory_space<hbm>>
    tpu.wait_dma2 semaphore(%arg10 : memref<!tpu.dma_semaphore, #tpu.memory_space<semaphore_mem>>) src(%dma_wait3A_97 : memref<128x16xf32, #tpu.memory_space<hbm>>) dst(%dma_wait3A_94 : memref<128x16xf32, #tpu.memory_space<vmem>>)
    %dma_wait3A_98 = arith.constant 128 : i32
    %dma_wait3A_99 = arith.constant 0 : i32
    %dma_wait3A_100 = tpu.memref_slice %arg7[%dma_wait3A_98, %dma_wait3A_99] : memref<512x16xf32, #tpu.memory_space<vmem>> -> memref<128x16xf32, #tpu.memory_space<vmem>>
    %dma_wait3A_101 = arith.constant 0 : i32
    %dma_wait3A_102 = arith.constant 0 : i32
    %dma_wait3A_103 = tpu.memref_slice %arg2[%dma_wait3A_101, %dma_wait3A_102] : memref<106496x16xf32, #tpu.memory_space<hbm>> -> memref<128x16xf32, #tpu.memory_space<hbm>>
    %dma_wait3A_104 = arith.constant 128 : i32
    %dma_wait3A_105 = arith.constant 0 : i32
    %dma_wait3A_106 = tpu.memref_slice %arg7[%dma_wait3A_104, %dma_wait3A_105] : memref<512x16xf32, #tpu.memory_space<vmem>> -> memref<128x16xf32, #tpu.memory_space<vmem>>
    %dma_wait3A_107 = arith.constant 0 : i32
    %dma_wait3A_108 = arith.constant 0 : i32
    %dma_wait3A_109 = tpu.memref_slice %arg2[%dma_wait3A_107, %dma_wait3A_108] : memref<106496x16xf32, #tpu.memory_space<hbm>> -> memref<128x16xf32, #tpu.memory_space<hbm>>
    tpu.wait_dma2 semaphore(%arg10 : memref<!tpu.dma_semaphore, #tpu.memory_space<semaphore_mem>>) src(%dma_wait3A_109 : memref<128x16xf32, #tpu.memory_space<hbm>>) dst(%dma_wait3A_106 : memref<128x16xf32, #tpu.memory_space<vmem>>)
    %dma_wait3A_110 = arith.constant 256 : i32
    %dma_wait3A_111 = arith.constant 0 : i32
    %dma_wait3A_112 = tpu.memref_slice %arg7[%dma_wait3A_110, %dma_wait3A_111] : memref<512x16xf32, #tpu.memory_space<vmem>> -> memref<128x16xf32, #tpu.memory_space<vmem>>
    %dma_wait3A_113 = arith.constant 0 : i32
    %dma_wait3A_114 = arith.constant 0 : i32
    %dma_wait3A_115 = tpu.memref_slice %arg2[%dma_wait3A_113, %dma_wait3A_114] : memref<106496x16xf32, #tpu.memory_space<hbm>> -> memref<128x16xf32, #tpu.memory_space<hbm>>
    %dma_wait3A_116 = arith.constant 256 : i32
    %dma_wait3A_117 = arith.constant 0 : i32
    %dma_wait3A_118 = tpu.memref_slice %arg7[%dma_wait3A_116, %dma_wait3A_117] : memref<512x16xf32, #tpu.memory_space<vmem>> -> memref<128x16xf32, #tpu.memory_space<vmem>>
    %dma_wait3A_119 = arith.constant 0 : i32
    %dma_wait3A_120 = arith.constant 0 : i32
    %dma_wait3A_121 = tpu.memref_slice %arg2[%dma_wait3A_119, %dma_wait3A_120] : memref<106496x16xf32, #tpu.memory_space<hbm>> -> memref<128x16xf32, #tpu.memory_space<hbm>>
    tpu.wait_dma2 semaphore(%arg10 : memref<!tpu.dma_semaphore, #tpu.memory_space<semaphore_mem>>) src(%dma_wait3A_121 : memref<128x16xf32, #tpu.memory_space<hbm>>) dst(%dma_wait3A_118 : memref<128x16xf32, #tpu.memory_space<vmem>>)
    %dma_wait3A_122 = arith.constant 384 : i32
    %dma_wait3A_123 = arith.constant 0 : i32
    %dma_wait3A_124 = tpu.memref_slice %arg7[%dma_wait3A_122, %dma_wait3A_123] : memref<512x16xf32, #tpu.memory_space<vmem>> -> memref<128x16xf32, #tpu.memory_space<vmem>>
    %dma_wait3A_125 = arith.constant 0 : i32
    %dma_wait3A_126 = arith.constant 0 : i32
    %dma_wait3A_127 = tpu.memref_slice %arg2[%dma_wait3A_125, %dma_wait3A_126] : memref<106496x16xf32, #tpu.memory_space<hbm>> -> memref<128x16xf32, #tpu.memory_space<hbm>>
    %dma_wait3A_128 = arith.constant 384 : i32
    %dma_wait3A_129 = arith.constant 0 : i32
    %dma_wait3A_130 = tpu.memref_slice %arg7[%dma_wait3A_128, %dma_wait3A_129] : memref<512x16xf32, #tpu.memory_space<vmem>> -> memref<128x16xf32, #tpu.memory_space<vmem>>
    %dma_wait3A_131 = arith.constant 0 : i32
    %dma_wait3A_132 = arith.constant 0 : i32
    %dma_wait3A_133 = tpu.memref_slice %arg2[%dma_wait3A_131, %dma_wait3A_132] : memref<106496x16xf32, #tpu.memory_space<hbm>> -> memref<128x16xf32, #tpu.memory_space<hbm>>
    tpu.wait_dma2 semaphore(%arg10 : memref<!tpu.dma_semaphore, #tpu.memory_space<semaphore_mem>>) src(%dma_wait3A_133 : memref<128x16xf32, #tpu.memory_space<hbm>>) dst(%dma_wait3A_130 : memref<128x16xf32, #tpu.memory_space<vmem>>)
    %dma_wait3A_134 = arith.constant 0 : i32
    %dma_wait3A_135 = arith.constant 0 : i32
    %dma_wait3A_136 = tpu.memref_slice %arg3[%dma_wait3A_134, %dma_wait3A_135] : memref<50192x128xi32, #tpu.memory_space<hbm>> -> memref<8x128xi32, #tpu.memory_space<hbm>>
    %dma_wait3A_137 = arith.constant 0 : i32
    %dma_wait3A_138 = arith.constant 0 : i32
    %dma_wait3A_139 = tpu.memref_slice %arg3[%dma_wait3A_137, %dma_wait3A_138] : memref<50192x128xi32, #tpu.memory_space<hbm>> -> memref<8x128xi32, #tpu.memory_space<hbm>>
    tpu.wait_dma2 semaphore(%arg13 : memref<!tpu.dma_semaphore, #tpu.memory_space<semaphore_mem>>) src(%dma_wait3A_139 : memref<8x128xi32, #tpu.memory_space<hbm>>) dst(%arg6 : memref<8x128xi32, #tpu.memory_space<vmem>>)
    %barrier3A_140 = arith.constant 0 : index
    tpu.barrier barrier_id(%barrier3A_140)
    "tpu.region"() ({
      %run_scoped3A = tpu.sem_alloc : memref<!tpu.dma_semaphore, #tpu.memory_space<semaphore_mem>>
      %dma_start3A_141 = arith.constant 0 : i32
      %dma_start3A_142 = arith.constant 0 : i32
      %dma_start3A_143 = tpu.memref_slice %arg4[%arg0, %dma_start3A_141, %dma_start3A_142] : memref<2x106496x16xf32, #tpu.memory_space<hbm>> -> memref<1x106496x16xf32, #tpu.memory_space<hbm>>
      %dma_start3A_144 = tpu.memref_squeeze %dma_start3A_143 : memref<1x106496x16xf32, #tpu.memory_space<hbm>> -> memref<106496x16xf32, #tpu.memory_space<hbm>>
      %dma_start3A_145 = arith.constant 0 : i32
      %dma_start3A_146 = tpu.memref_slice %dma_start3A_144[%mul3A_0, %dma_start3A_145] : memref<106496x16xf32, #tpu.memory_space<hbm>> -> memref<6656x16xf32, #tpu.memory_space<hbm>>
      %dma_start3A_147 = arith.constant 0 : i32
      %dma_start3A_148 = tpu.memref_slice %arg9[%mul3A_0, %dma_start3A_147] : memref<106496x16xf32, #tpu.memory_space<vmem_shared>> -> memref<6656x16xf32, #tpu.memory_space<vmem_shared>>
      tpu.enqueue_dma source(%dma_start3A_148 : memref<6656x16xf32, #tpu.memory_space<vmem_shared>>) target(%dma_start3A_146 : memref<6656x16xf32, #tpu.memory_space<hbm>>) target_semaphore(%run_scoped3A : memref<!tpu.dma_semaphore, #tpu.memory_space<semaphore_mem>>)
      %dma_wait3A_149 = arith.constant 0 : i32
      %dma_wait3A_150 = arith.constant 0 : i32
      %dma_wait3A_151 = tpu.memref_slice %arg4[%arg0, %dma_wait3A_149, %dma_wait3A_150] : memref<2x106496x16xf32, #tpu.memory_space<hbm>> -> memref<1x106496x16xf32, #tpu.memory_space<hbm>>
      %dma_wait3A_152 = tpu.memref_squeeze %dma_wait3A_151 : memref<1x106496x16xf32, #tpu.memory_space<hbm>> -> memref<106496x16xf32, #tpu.memory_space<hbm>>
      %dma_wait3A_153 = arith.constant 0 : i32
      %dma_wait3A_154 = tpu.memref_slice %dma_wait3A_152[%mul3A_0, %dma_wait3A_153] : memref<106496x16xf32, #tpu.memory_space<hbm>> -> memref<6656x16xf32, #tpu.memory_space<hbm>>
      %dma_wait3A_155 = arith.constant 0 : i32
      %dma_wait3A_156 = tpu.memref_slice %arg9[%mul3A_0, %dma_wait3A_155] : memref<106496x16xf32, #tpu.memory_space<vmem_shared>> -> memref<6656x16xf32, #tpu.memory_space<vmem_shared>>
      tpu.wait_dma2 semaphore(%run_scoped3A : memref<!tpu.dma_semaphore, #tpu.memory_space<semaphore_mem>>) src(%dma_wait3A_156 : memref<6656x16xf32, #tpu.memory_space<vmem_shared>>) dst(%dma_wait3A_154 : memref<6656x16xf32, #tpu.memory_space<hbm>>)
      tpu.yield
    }) : () -> ()
    return
  }
}

#map = affine_map<(d0, d1) -> (0)>
#map1 = affine_map<(d0, d1) -> (0, 0)>
module attributes {stable_mosaic.version = 14 : i64} {
  func.func @k(%arg0: i32, %arg1: i32, %arg2: memref<106496xf32, #tpu.memory_space<hbm>>, %arg3: memref<50192x128xi32, #tpu.memory_space<hbm>>, %arg4: memref<2x106496xf32, #tpu.memory_space<hbm>>, %arg5: memref<8x128xi32, #tpu.memory_space<vmem>>, %arg6: memref<8x128xi32, #tpu.memory_space<vmem>>, %arg7: memref<512xf32, #tpu.memory_space<vmem>>, %arg8: memref<512xf32, #tpu.memory_space<vmem>>, %arg9: memref<106496xf32, #tpu.memory_space<vmem_shared>>, %arg10: memref<!tpu.dma_semaphore, #tpu.memory_space<semaphore_mem>>, %arg11: memref<!tpu.dma_semaphore, #tpu.memory_space<semaphore_mem>>, %arg12: memref<!tpu.dma_semaphore, #tpu.memory_space<semaphore_mem>>, %arg13: memref<!tpu.dma_semaphore, #tpu.memory_space<semaphore_mem>>) attributes {dimension_semantics = [#tpu.dimension_semantics<core_parallel>, #tpu.dimension_semantics<subcore_parallel>], iteration_bounds = array<i64: 2, 16>, scalar_prefetch = 0 : i64, scratch_operands = 9 : i64, tpu.core_type = #tpu.core_type<sc_vector_subcore>, window_params = [{transform_indices = #map}, {transform_indices = #map1}, {transform_indices = #map1}]} {
    %mul3A = arith.constant 6656 : i32
    %mul3A_0 = arith.muli %arg1, %mul3A : i32
    %broadcast_in_dim3A = arith.constant 0.000000e+00 : f32
    %broadcast_in_dim3A_1 = vector.broadcast %broadcast_in_dim3A : f32 to vector<16xf32>
    %scan3A = arith.constant 0 : i32
    %scan3A_2 = arith.constant 0 : i32
    %scan3A_3 = arith.constant 32 : i32
    %scan3A_4 = arith.addi %scan3A_2, %scan3A_3 : i32
    %scan3A_5 = arith.constant 1 : i32
    %scan3A_6 = scf.for %scan3A_117 = %scan3A_2 to %scan3A_4 step %scan3A_5 iter_args(%scan3A_118 = %scan3A) -> (i32)  : i32 {
      %mul3A_119 = arith.constant 16 : i32
      %mul3A_120 = arith.muli %scan3A_117, %mul3A_119 : i32
      %swap3A = arith.index_cast %mul3A_120 : i32 to index
      %swap3A_121 = tpu.vector_load %arg7[%swap3A] {strides = array<i32>} : memref<512xf32, #tpu.memory_space<vmem>>, vector<16xf32>,
      %swap3A_122 = vector.shape_cast %swap3A_121 : vector<16xf32> to vector<16xf32>
      %swap3A_123 = vector.shape_cast %broadcast_in_dim3A_1 : vector<16xf32> to vector<16xf32>
      tpu.vector_store %arg7[%swap3A], %swap3A_123 {strides = array<i32>} : memref<512xf32, #tpu.memory_space<vmem>>, vector<16xf32>,
      %scan3A_124 = arith.constant 0 : i32
      scf.yield %scan3A_124 : i32
    }
    %scan3A_7 = arith.constant 32 : i32
    %eq3A = arith.constant 0 : i32
    %eq3A_8 = arith.cmpi eq, %arg0, %eq3A : i32
    %convert_element_type3A = arith.extui %eq3A_8 : i1 to i32
    %cond3A = arith.constant 0 : i32
    %cond3A_9 = arith.cmpi ne, %convert_element_type3A, %cond3A : i32
    scf.if %cond3A_9 {
      "tpu.region"() ({
        %run_scoped3A = tpu.sem_alloc : memref<!tpu.dma_semaphore, #tpu.memory_space<semaphore_mem>>
        %dma_start3A_117 = tpu.memref_slice %arg9[%mul3A_0] : memref<106496xf32, #tpu.memory_space<vmem_shared>> -> memref<6656xf32, #tpu.memory_space<vmem_shared>>
        %dma_start3A_118 = tpu.memref_slice %arg2[%mul3A_0] : memref<106496xf32, #tpu.memory_space<hbm>> -> memref<6656xf32, #tpu.memory_space<hbm>>
        tpu.enqueue_dma source(%dma_start3A_118 : memref<6656xf32, #tpu.memory_space<hbm>>) target(%dma_start3A_117 : memref<6656xf32, #tpu.memory_space<vmem_shared>>) target_semaphore(%run_scoped3A : memref<!tpu.dma_semaphore, #tpu.memory_space<semaphore_mem>>)
        %dma_wait3A_119 = tpu.memref_slice %arg9[%mul3A_0] : memref<106496xf32, #tpu.memory_space<vmem_shared>> -> memref<6656xf32, #tpu.memory_space<vmem_shared>>
        %dma_wait3A_120 = tpu.memref_slice %arg2[%mul3A_0] : memref<106496xf32, #tpu.memory_space<hbm>> -> memref<6656xf32, #tpu.memory_space<hbm>>
        tpu.wait_dma2 semaphore(%run_scoped3A : memref<!tpu.dma_semaphore, #tpu.memory_space<semaphore_mem>>) src(%dma_wait3A_120 : memref<6656xf32, #tpu.memory_space<hbm>>) dst(%dma_wait3A_119 : memref<6656xf32, #tpu.memory_space<vmem_shared>>)
        tpu.yield
      }) : () -> ()
    } else {
    }
    %eq3A_10 = arith.constant 1 : i32
    %eq3A_11 = arith.cmpi eq, %arg0, %eq3A_10 : i32
    %convert_element_type3A_12 = arith.extui %eq3A_11 : i1 to i32
    %cond3A_13 = arith.constant 0 : i32
    %cond3A_14 = arith.cmpi ne, %convert_element_type3A_12, %cond3A_13 : i32
    scf.if %cond3A_14 {
      %add3A_117 = arith.constant 0 : i32
      %add3A_118 = arith.addi %mul3A_0, %add3A_117 : i32
      "tpu.region"() ({
        %run_scoped3A = tpu.sem_alloc : memref<!tpu.dma_semaphore, #tpu.memory_space<semaphore_mem>>
        %dma_start3A_143 = arith.constant 0 : i32
        %dma_start3A_144 = tpu.memref_slice %arg7[%dma_start3A_143] : memref<512xf32, #tpu.memory_space<vmem>> -> memref<512xf32, #tpu.memory_space<vmem>>
        %dma_start3A_145 = tpu.memref_slice %arg9[%add3A_118] : memref<106496xf32, #tpu.memory_space<vmem_shared>> -> memref<512xf32, #tpu.memory_space<vmem_shared>>
        %dma_start3A_146 = tpu.memref_slice %arg9[%add3A_118] : memref<106496xf32, #tpu.memory_space<vmem_shared>> -> memref<512xf32, #tpu.memory_space<vmem_shared>>
        %dma_start3A_147 = arith.constant 0 : i32
        %dma_start3A_148 = tpu.memref_slice %arg7[%dma_start3A_147] : memref<512xf32, #tpu.memory_space<vmem>> -> memref<512xf32, #tpu.memory_space<vmem>>
        tpu.enqueue_dma source(%dma_start3A_148 : memref<512xf32, #tpu.memory_space<vmem>>) target(%dma_start3A_146 : memref<512xf32, #tpu.memory_space<vmem_shared>>) target_semaphore(%run_scoped3A : memref<!tpu.dma_semaphore, #tpu.memory_space<semaphore_mem>>)
        %dma_wait3A_149 = arith.constant 0 : i32
        %dma_wait3A_150 = tpu.memref_slice %arg7[%dma_wait3A_149] : memref<512xf32, #tpu.memory_space<vmem>> -> memref<512xf32, #tpu.memory_space<vmem>>
        %dma_wait3A_151 = tpu.memref_slice %arg9[%add3A_118] : memref<106496xf32, #tpu.memory_space<vmem_shared>> -> memref<512xf32, #tpu.memory_space<vmem_shared>>
        %dma_wait3A_152 = tpu.memref_slice %arg9[%add3A_118] : memref<106496xf32, #tpu.memory_space<vmem_shared>> -> memref<512xf32, #tpu.memory_space<vmem_shared>>
        %dma_wait3A_153 = arith.constant 0 : i32
        %dma_wait3A_154 = tpu.memref_slice %arg7[%dma_wait3A_153] : memref<512xf32, #tpu.memory_space<vmem>> -> memref<512xf32, #tpu.memory_space<vmem>>
        tpu.wait_dma2 semaphore(%run_scoped3A : memref<!tpu.dma_semaphore, #tpu.memory_space<semaphore_mem>>) src(%dma_wait3A_154 : memref<512xf32, #tpu.memory_space<vmem>>) dst(%dma_wait3A_152 : memref<512xf32, #tpu.memory_space<vmem_shared>>)
        tpu.yield
      }) : () -> ()
      %add3A_119 = arith.constant 512 : i32
      %add3A_120 = arith.addi %mul3A_0, %add3A_119 : i32
      "tpu.region"() ({
        %run_scoped3A = tpu.sem_alloc : memref<!tpu.dma_semaphore, #tpu.memory_space<semaphore_mem>>
        %dma_start3A_143 = arith.constant 0 : i32
        %dma_start3A_144 = tpu.memref_slice %arg7[%dma_start3A_143] : memref<512xf32, #tpu.memory_space<vmem>> -> memref<512xf32, #tpu.memory_space<vmem>>
        %dma_start3A_145 = tpu.memref_slice %arg9[%add3A_120] : memref<106496xf32, #tpu.memory_space<vmem_shared>> -> memref<512xf32, #tpu.memory_space<vmem_shared>>
        %dma_start3A_146 = tpu.memref_slice %arg9[%add3A_120] : memref<106496xf32, #tpu.memory_space<vmem_shared>> -> memref<512xf32, #tpu.memory_space<vmem_shared>>
        %dma_start3A_147 = arith.constant 0 : i32
        %dma_start3A_148 = tpu.memref_slice %arg7[%dma_start3A_147] : memref<512xf32, #tpu.memory_space<vmem>> -> memref<512xf32, #tpu.memory_space<vmem>>
        tpu.enqueue_dma source(%dma_start3A_148 : memref<512xf32, #tpu.memory_space<vmem>>) target(%dma_start3A_146 : memref<512xf32, #tpu.memory_space<vmem_shared>>) target_semaphore(%run_scoped3A : memref<!tpu.dma_semaphore, #tpu.memory_space<semaphore_mem>>)
        %dma_wait3A_149 = arith.constant 0 : i32
        %dma_wait3A_150 = tpu.memref_slice %arg7[%dma_wait3A_149] : memref<512xf32, #tpu.memory_space<vmem>> -> memref<512xf32, #tpu.memory_space<vmem>>
        %dma_wait3A_151 = tpu.memref_slice %arg9[%add3A_120] : memref<106496xf32, #tpu.memory_space<vmem_shared>> -> memref<512xf32, #tpu.memory_space<vmem_shared>>
        %dma_wait3A_152 = tpu.memref_slice %arg9[%add3A_120] : memref<106496xf32, #tpu.memory_space<vmem_shared>> -> memref<512xf32, #tpu.memory_space<vmem_shared>>
        %dma_wait3A_153 = arith.constant 0 : i32
        %dma_wait3A_154 = tpu.memref_slice %arg7[%dma_wait3A_153] : memref<512xf32, #tpu.memory_space<vmem>> -> memref<512xf32, #tpu.memory_space<vmem>>
        tpu.wait_dma2 semaphore(%run_scoped3A : memref<!tpu.dma_semaphore, #tpu.memory_space<semaphore_mem>>) src(%dma_wait3A_154 : memref<512xf32, #tpu.memory_space<vmem>>) dst(%dma_wait3A_152 : memref<512xf32, #tpu.memory_space<vmem_shared>>)
        tpu.yield
      }) : () -> ()
      %add3A_121 = arith.constant 1024 : i32
      %add3A_122 = arith.addi %mul3A_0, %add3A_121 : i32
      "tpu.region"() ({
        %run_scoped3A = tpu.sem_alloc : memref<!tpu.dma_semaphore, #tpu.memory_space<semaphore_mem>>
        %dma_start3A_143 = arith.constant 0 : i32
        %dma_start3A_144 = tpu.memref_slice %arg7[%dma_start3A_143] : memref<512xf32, #tpu.memory_space<vmem>> -> memref<512xf32, #tpu.memory_space<vmem>>
        %dma_start3A_145 = tpu.memref_slice %arg9[%add3A_122] : memref<106496xf32, #tpu.memory_space<vmem_shared>> -> memref<512xf32, #tpu.memory_space<vmem_shared>>
        %dma_start3A_146 = tpu.memref_slice %arg9[%add3A_122] : memref<106496xf32, #tpu.memory_space<vmem_shared>> -> memref<512xf32, #tpu.memory_space<vmem_shared>>
        %dma_start3A_147 = arith.constant 0 : i32
        %dma_start3A_148 = tpu.memref_slice %arg7[%dma_start3A_147] : memref<512xf32, #tpu.memory_space<vmem>> -> memref<512xf32, #tpu.memory_space<vmem>>
        tpu.enqueue_dma source(%dma_start3A_148 : memref<512xf32, #tpu.memory_space<vmem>>) target(%dma_start3A_146 : memref<512xf32, #tpu.memory_space<vmem_shared>>) target_semaphore(%run_scoped3A : memref<!tpu.dma_semaphore, #tpu.memory_space<semaphore_mem>>)
        %dma_wait3A_149 = arith.constant 0 : i32
        %dma_wait3A_150 = tpu.memref_slice %arg7[%dma_wait3A_149] : memref<512xf32, #tpu.memory_space<vmem>> -> memref<512xf32, #tpu.memory_space<vmem>>
        %dma_wait3A_151 = tpu.memref_slice %arg9[%add3A_122] : memref<106496xf32, #tpu.memory_space<vmem_shared>> -> memref<512xf32, #tpu.memory_space<vmem_shared>>
        %dma_wait3A_152 = tpu.memref_slice %arg9[%add3A_122] : memref<106496xf32, #tpu.memory_space<vmem_shared>> -> memref<512xf32, #tpu.memory_space<vmem_shared>>
        %dma_wait3A_153 = arith.constant 0 : i32
        %dma_wait3A_154 = tpu.memref_slice %arg7[%dma_wait3A_153] : memref<512xf32, #tpu.memory_space<vmem>> -> memref<512xf32, #tpu.memory_space<vmem>>
        tpu.wait_dma2 semaphore(%run_scoped3A : memref<!tpu.dma_semaphore, #tpu.memory_space<semaphore_mem>>) src(%dma_wait3A_154 : memref<512xf32, #tpu.memory_space<vmem>>) dst(%dma_wait3A_152 : memref<512xf32, #tpu.memory_space<vmem_shared>>)
        tpu.yield
      }) : () -> ()
      %add3A_123 = arith.constant 1536 : i32
      %add3A_124 = arith.addi %mul3A_0, %add3A_123 : i32
      "tpu.region"() ({
        %run_scoped3A = tpu.sem_alloc : memref<!tpu.dma_semaphore, #tpu.memory_space<semaphore_mem>>
        %dma_start3A_143 = arith.constant 0 : i32
        %dma_start3A_144 = tpu.memref_slice %arg7[%dma_start3A_143] : memref<512xf32, #tpu.memory_space<vmem>> -> memref<512xf32, #tpu.memory_space<vmem>>
        %dma_start3A_145 = tpu.memref_slice %arg9[%add3A_124] : memref<106496xf32, #tpu.memory_space<vmem_shared>> -> memref<512xf32, #tpu.memory_space<vmem_shared>>
        %dma_start3A_146 = tpu.memref_slice %arg9[%add3A_124] : memref<106496xf32, #tpu.memory_space<vmem_shared>> -> memref<512xf32, #tpu.memory_space<vmem_shared>>
        %dma_start3A_147 = arith.constant 0 : i32
        %dma_start3A_148 = tpu.memref_slice %arg7[%dma_start3A_147] : memref<512xf32, #tpu.memory_space<vmem>> -> memref<512xf32, #tpu.memory_space<vmem>>
        tpu.enqueue_dma source(%dma_start3A_148 : memref<512xf32, #tpu.memory_space<vmem>>) target(%dma_start3A_146 : memref<512xf32, #tpu.memory_space<vmem_shared>>) target_semaphore(%run_scoped3A : memref<!tpu.dma_semaphore, #tpu.memory_space<semaphore_mem>>)
        %dma_wait3A_149 = arith.constant 0 : i32
        %dma_wait3A_150 = tpu.memref_slice %arg7[%dma_wait3A_149] : memref<512xf32, #tpu.memory_space<vmem>> -> memref<512xf32, #tpu.memory_space<vmem>>
        %dma_wait3A_151 = tpu.memref_slice %arg9[%add3A_124] : memref<106496xf32, #tpu.memory_space<vmem_shared>> -> memref<512xf32, #tpu.memory_space<vmem_shared>>
        %dma_wait3A_152 = tpu.memref_slice %arg9[%add3A_124] : memref<106496xf32, #tpu.memory_space<vmem_shared>> -> memref<512xf32, #tpu.memory_space<vmem_shared>>
        %dma_wait3A_153 = arith.constant 0 : i32
        %dma_wait3A_154 = tpu.memref_slice %arg7[%dma_wait3A_153] : memref<512xf32, #tpu.memory_space<vmem>> -> memref<512xf32, #tpu.memory_space<vmem>>
        tpu.wait_dma2 semaphore(%run_scoped3A : memref<!tpu.dma_semaphore, #tpu.memory_space<semaphore_mem>>) src(%dma_wait3A_154 : memref<512xf32, #tpu.memory_space<vmem>>) dst(%dma_wait3A_152 : memref<512xf32, #tpu.memory_space<vmem_shared>>)
        tpu.yield
      }) : () -> ()
      %add3A_125 = arith.constant 2048 : i32
      %add3A_126 = arith.addi %mul3A_0, %add3A_125 : i32
      "tpu.region"() ({
        %run_scoped3A = tpu.sem_alloc : memref<!tpu.dma_semaphore, #tpu.memory_space<semaphore_mem>>
        %dma_start3A_143 = arith.constant 0 : i32
        %dma_start3A_144 = tpu.memref_slice %arg7[%dma_start3A_143] : memref<512xf32, #tpu.memory_space<vmem>> -> memref<512xf32, #tpu.memory_space<vmem>>
        %dma_start3A_145 = tpu.memref_slice %arg9[%add3A_126] : memref<106496xf32, #tpu.memory_space<vmem_shared>> -> memref<512xf32, #tpu.memory_space<vmem_shared>>
        %dma_start3A_146 = tpu.memref_slice %arg9[%add3A_126] : memref<106496xf32, #tpu.memory_space<vmem_shared>> -> memref<512xf32, #tpu.memory_space<vmem_shared>>
        %dma_start3A_147 = arith.constant 0 : i32
        %dma_start3A_148 = tpu.memref_slice %arg7[%dma_start3A_147] : memref<512xf32, #tpu.memory_space<vmem>> -> memref<512xf32, #tpu.memory_space<vmem>>
        tpu.enqueue_dma source(%dma_start3A_148 : memref<512xf32, #tpu.memory_space<vmem>>) target(%dma_start3A_146 : memref<512xf32, #tpu.memory_space<vmem_shared>>) target_semaphore(%run_scoped3A : memref<!tpu.dma_semaphore, #tpu.memory_space<semaphore_mem>>)
        %dma_wait3A_149 = arith.constant 0 : i32
        %dma_wait3A_150 = tpu.memref_slice %arg7[%dma_wait3A_149] : memref<512xf32, #tpu.memory_space<vmem>> -> memref<512xf32, #tpu.memory_space<vmem>>
        %dma_wait3A_151 = tpu.memref_slice %arg9[%add3A_126] : memref<106496xf32, #tpu.memory_space<vmem_shared>> -> memref<512xf32, #tpu.memory_space<vmem_shared>>
        %dma_wait3A_152 = tpu.memref_slice %arg9[%add3A_126] : memref<106496xf32, #tpu.memory_space<vmem_shared>> -> memref<512xf32, #tpu.memory_space<vmem_shared>>
        %dma_wait3A_153 = arith.constant 0 : i32
        %dma_wait3A_154 = tpu.memref_slice %arg7[%dma_wait3A_153] : memref<512xf32, #tpu.memory_space<vmem>> -> memref<512xf32, #tpu.memory_space<vmem>>
        tpu.wait_dma2 semaphore(%run_scoped3A : memref<!tpu.dma_semaphore, #tpu.memory_space<semaphore_mem>>) src(%dma_wait3A_154 : memref<512xf32, #tpu.memory_space<vmem>>) dst(%dma_wait3A_152 : memref<512xf32, #tpu.memory_space<vmem_shared>>)
        tpu.yield
      }) : () -> ()
      %add3A_127 = arith.constant 2560 : i32
      %add3A_128 = arith.addi %mul3A_0, %add3A_127 : i32
      "tpu.region"() ({
        %run_scoped3A = tpu.sem_alloc : memref<!tpu.dma_semaphore, #tpu.memory_space<semaphore_mem>>
        %dma_start3A_143 = arith.constant 0 : i32
        %dma_start3A_144 = tpu.memref_slice %arg7[%dma_start3A_143] : memref<512xf32, #tpu.memory_space<vmem>> -> memref<512xf32, #tpu.memory_space<vmem>>
        %dma_start3A_145 = tpu.memref_slice %arg9[%add3A_128] : memref<106496xf32, #tpu.memory_space<vmem_shared>> -> memref<512xf32, #tpu.memory_space<vmem_shared>>
        %dma_start3A_146 = tpu.memref_slice %arg9[%add3A_128] : memref<106496xf32, #tpu.memory_space<vmem_shared>> -> memref<512xf32, #tpu.memory_space<vmem_shared>>
        %dma_start3A_147 = arith.constant 0 : i32
        %dma_start3A_148 = tpu.memref_slice %arg7[%dma_start3A_147] : memref<512xf32, #tpu.memory_space<vmem>> -> memref<512xf32, #tpu.memory_space<vmem>>
        tpu.enqueue_dma source(%dma_start3A_148 : memref<512xf32, #tpu.memory_space<vmem>>) target(%dma_start3A_146 : memref<512xf32, #tpu.memory_space<vmem_shared>>) target_semaphore(%run_scoped3A : memref<!tpu.dma_semaphore, #tpu.memory_space<semaphore_mem>>)
        %dma_wait3A_149 = arith.constant 0 : i32
        %dma_wait3A_150 = tpu.memref_slice %arg7[%dma_wait3A_149] : memref<512xf32, #tpu.memory_space<vmem>> -> memref<512xf32, #tpu.memory_space<vmem>>
        %dma_wait3A_151 = tpu.memref_slice %arg9[%add3A_128] : memref<106496xf32, #tpu.memory_space<vmem_shared>> -> memref<512xf32, #tpu.memory_space<vmem_shared>>
        %dma_wait3A_152 = tpu.memref_slice %arg9[%add3A_128] : memref<106496xf32, #tpu.memory_space<vmem_shared>> -> memref<512xf32, #tpu.memory_space<vmem_shared>>
        %dma_wait3A_153 = arith.constant 0 : i32
        %dma_wait3A_154 = tpu.memref_slice %arg7[%dma_wait3A_153] : memref<512xf32, #tpu.memory_space<vmem>> -> memref<512xf32, #tpu.memory_space<vmem>>
        tpu.wait_dma2 semaphore(%run_scoped3A : memref<!tpu.dma_semaphore, #tpu.memory_space<semaphore_mem>>) src(%dma_wait3A_154 : memref<512xf32, #tpu.memory_space<vmem>>) dst(%dma_wait3A_152 : memref<512xf32, #tpu.memory_space<vmem_shared>>)
        tpu.yield
      }) : () -> ()
      %add3A_129 = arith.constant 3072 : i32
      %add3A_130 = arith.addi %mul3A_0, %add3A_129 : i32
      "tpu.region"() ({
        %run_scoped3A = tpu.sem_alloc : memref<!tpu.dma_semaphore, #tpu.memory_space<semaphore_mem>>
        %dma_start3A_143 = arith.constant 0 : i32
        %dma_start3A_144 = tpu.memref_slice %arg7[%dma_start3A_143] : memref<512xf32, #tpu.memory_space<vmem>> -> memref<512xf32, #tpu.memory_space<vmem>>
        %dma_start3A_145 = tpu.memref_slice %arg9[%add3A_130] : memref<106496xf32, #tpu.memory_space<vmem_shared>> -> memref<512xf32, #tpu.memory_space<vmem_shared>>
        %dma_start3A_146 = tpu.memref_slice %arg9[%add3A_130] : memref<106496xf32, #tpu.memory_space<vmem_shared>> -> memref<512xf32, #tpu.memory_space<vmem_shared>>
        %dma_start3A_147 = arith.constant 0 : i32
        %dma_start3A_148 = tpu.memref_slice %arg7[%dma_start3A_147] : memref<512xf32, #tpu.memory_space<vmem>> -> memref<512xf32, #tpu.memory_space<vmem>>
        tpu.enqueue_dma source(%dma_start3A_148 : memref<512xf32, #tpu.memory_space<vmem>>) target(%dma_start3A_146 : memref<512xf32, #tpu.memory_space<vmem_shared>>) target_semaphore(%run_scoped3A : memref<!tpu.dma_semaphore, #tpu.memory_space<semaphore_mem>>)
        %dma_wait3A_149 = arith.constant 0 : i32
        %dma_wait3A_150 = tpu.memref_slice %arg7[%dma_wait3A_149] : memref<512xf32, #tpu.memory_space<vmem>> -> memref<512xf32, #tpu.memory_space<vmem>>
        %dma_wait3A_151 = tpu.memref_slice %arg9[%add3A_130] : memref<106496xf32, #tpu.memory_space<vmem_shared>> -> memref<512xf32, #tpu.memory_space<vmem_shared>>
        %dma_wait3A_152 = tpu.memref_slice %arg9[%add3A_130] : memref<106496xf32, #tpu.memory_space<vmem_shared>> -> memref<512xf32, #tpu.memory_space<vmem_shared>>
        %dma_wait3A_153 = arith.constant 0 : i32
        %dma_wait3A_154 = tpu.memref_slice %arg7[%dma_wait3A_153] : memref<512xf32, #tpu.memory_space<vmem>> -> memref<512xf32, #tpu.memory_space<vmem>>
        tpu.wait_dma2 semaphore(%run_scoped3A : memref<!tpu.dma_semaphore, #tpu.memory_space<semaphore_mem>>) src(%dma_wait3A_154 : memref<512xf32, #tpu.memory_space<vmem>>) dst(%dma_wait3A_152 : memref<512xf32, #tpu.memory_space<vmem_shared>>)
        tpu.yield
      }) : () -> ()
      %add3A_131 = arith.constant 3584 : i32
      %add3A_132 = arith.addi %mul3A_0, %add3A_131 : i32
      "tpu.region"() ({
        %run_scoped3A = tpu.sem_alloc : memref<!tpu.dma_semaphore, #tpu.memory_space<semaphore_mem>>
        %dma_start3A_143 = arith.constant 0 : i32
        %dma_start3A_144 = tpu.memref_slice %arg7[%dma_start3A_143] : memref<512xf32, #tpu.memory_space<vmem>> -> memref<512xf32, #tpu.memory_space<vmem>>
        %dma_start3A_145 = tpu.memref_slice %arg9[%add3A_132] : memref<106496xf32, #tpu.memory_space<vmem_shared>> -> memref<512xf32, #tpu.memory_space<vmem_shared>>
        %dma_start3A_146 = tpu.memref_slice %arg9[%add3A_132] : memref<106496xf32, #tpu.memory_space<vmem_shared>> -> memref<512xf32, #tpu.memory_space<vmem_shared>>
        %dma_start3A_147 = arith.constant 0 : i32
        %dma_start3A_148 = tpu.memref_slice %arg7[%dma_start3A_147] : memref<512xf32, #tpu.memory_space<vmem>> -> memref<512xf32, #tpu.memory_space<vmem>>
        tpu.enqueue_dma source(%dma_start3A_148 : memref<512xf32, #tpu.memory_space<vmem>>) target(%dma_start3A_146 : memref<512xf32, #tpu.memory_space<vmem_shared>>) target_semaphore(%run_scoped3A : memref<!tpu.dma_semaphore, #tpu.memory_space<semaphore_mem>>)
        %dma_wait3A_149 = arith.constant 0 : i32
        %dma_wait3A_150 = tpu.memref_slice %arg7[%dma_wait3A_149] : memref<512xf32, #tpu.memory_space<vmem>> -> memref<512xf32, #tpu.memory_space<vmem>>
        %dma_wait3A_151 = tpu.memref_slice %arg9[%add3A_132] : memref<106496xf32, #tpu.memory_space<vmem_shared>> -> memref<512xf32, #tpu.memory_space<vmem_shared>>
        %dma_wait3A_152 = tpu.memref_slice %arg9[%add3A_132] : memref<106496xf32, #tpu.memory_space<vmem_shared>> -> memref<512xf32, #tpu.memory_space<vmem_shared>>
        %dma_wait3A_153 = arith.constant 0 : i32
        %dma_wait3A_154 = tpu.memref_slice %arg7[%dma_wait3A_153] : memref<512xf32, #tpu.memory_space<vmem>> -> memref<512xf32, #tpu.memory_space<vmem>>
        tpu.wait_dma2 semaphore(%run_scoped3A : memref<!tpu.dma_semaphore, #tpu.memory_space<semaphore_mem>>) src(%dma_wait3A_154 : memref<512xf32, #tpu.memory_space<vmem>>) dst(%dma_wait3A_152 : memref<512xf32, #tpu.memory_space<vmem_shared>>)
        tpu.yield
      }) : () -> ()
      %add3A_133 = arith.constant 4096 : i32
      %add3A_134 = arith.addi %mul3A_0, %add3A_133 : i32
      "tpu.region"() ({
        %run_scoped3A = tpu.sem_alloc : memref<!tpu.dma_semaphore, #tpu.memory_space<semaphore_mem>>
        %dma_start3A_143 = arith.constant 0 : i32
        %dma_start3A_144 = tpu.memref_slice %arg7[%dma_start3A_143] : memref<512xf32, #tpu.memory_space<vmem>> -> memref<512xf32, #tpu.memory_space<vmem>>
        %dma_start3A_145 = tpu.memref_slice %arg9[%add3A_134] : memref<106496xf32, #tpu.memory_space<vmem_shared>> -> memref<512xf32, #tpu.memory_space<vmem_shared>>
        %dma_start3A_146 = tpu.memref_slice %arg9[%add3A_134] : memref<106496xf32, #tpu.memory_space<vmem_shared>> -> memref<512xf32, #tpu.memory_space<vmem_shared>>
        %dma_start3A_147 = arith.constant 0 : i32
        %dma_start3A_148 = tpu.memref_slice %arg7[%dma_start3A_147] : memref<512xf32, #tpu.memory_space<vmem>> -> memref<512xf32, #tpu.memory_space<vmem>>
        tpu.enqueue_dma source(%dma_start3A_148 : memref<512xf32, #tpu.memory_space<vmem>>) target(%dma_start3A_146 : memref<512xf32, #tpu.memory_space<vmem_shared>>) target_semaphore(%run_scoped3A : memref<!tpu.dma_semaphore, #tpu.memory_space<semaphore_mem>>)
        %dma_wait3A_149 = arith.constant 0 : i32
        %dma_wait3A_150 = tpu.memref_slice %arg7[%dma_wait3A_149] : memref<512xf32, #tpu.memory_space<vmem>> -> memref<512xf32, #tpu.memory_space<vmem>>
        %dma_wait3A_151 = tpu.memref_slice %arg9[%add3A_134] : memref<106496xf32, #tpu.memory_space<vmem_shared>> -> memref<512xf32, #tpu.memory_space<vmem_shared>>
        %dma_wait3A_152 = tpu.memref_slice %arg9[%add3A_134] : memref<106496xf32, #tpu.memory_space<vmem_shared>> -> memref<512xf32, #tpu.memory_space<vmem_shared>>
        %dma_wait3A_153 = arith.constant 0 : i32
        %dma_wait3A_154 = tpu.memref_slice %arg7[%dma_wait3A_153] : memref<512xf32, #tpu.memory_space<vmem>> -> memref<512xf32, #tpu.memory_space<vmem>>
        tpu.wait_dma2 semaphore(%run_scoped3A : memref<!tpu.dma_semaphore, #tpu.memory_space<semaphore_mem>>) src(%dma_wait3A_154 : memref<512xf32, #tpu.memory_space<vmem>>) dst(%dma_wait3A_152 : memref<512xf32, #tpu.memory_space<vmem_shared>>)
        tpu.yield
      }) : () -> ()
      %add3A_135 = arith.constant 4608 : i32
      %add3A_136 = arith.addi %mul3A_0, %add3A_135 : i32
      "tpu.region"() ({
        %run_scoped3A = tpu.sem_alloc : memref<!tpu.dma_semaphore, #tpu.memory_space<semaphore_mem>>
        %dma_start3A_143 = arith.constant 0 : i32
        %dma_start3A_144 = tpu.memref_slice %arg7[%dma_start3A_143] : memref<512xf32, #tpu.memory_space<vmem>> -> memref<512xf32, #tpu.memory_space<vmem>>
        %dma_start3A_145 = tpu.memref_slice %arg9[%add3A_136] : memref<106496xf32, #tpu.memory_space<vmem_shared>> -> memref<512xf32, #tpu.memory_space<vmem_shared>>
        %dma_start3A_146 = tpu.memref_slice %arg9[%add3A_136] : memref<106496xf32, #tpu.memory_space<vmem_shared>> -> memref<512xf32, #tpu.memory_space<vmem_shared>>
        %dma_start3A_147 = arith.constant 0 : i32
        %dma_start3A_148 = tpu.memref_slice %arg7[%dma_start3A_147] : memref<512xf32, #tpu.memory_space<vmem>> -> memref<512xf32, #tpu.memory_space<vmem>>
        tpu.enqueue_dma source(%dma_start3A_148 : memref<512xf32, #tpu.memory_space<vmem>>) target(%dma_start3A_146 : memref<512xf32, #tpu.memory_space<vmem_shared>>) target_semaphore(%run_scoped3A : memref<!tpu.dma_semaphore, #tpu.memory_space<semaphore_mem>>)
        %dma_wait3A_149 = arith.constant 0 : i32
        %dma_wait3A_150 = tpu.memref_slice %arg7[%dma_wait3A_149] : memref<512xf32, #tpu.memory_space<vmem>> -> memref<512xf32, #tpu.memory_space<vmem>>
        %dma_wait3A_151 = tpu.memref_slice %arg9[%add3A_136] : memref<106496xf32, #tpu.memory_space<vmem_shared>> -> memref<512xf32, #tpu.memory_space<vmem_shared>>
        %dma_wait3A_152 = tpu.memref_slice %arg9[%add3A_136] : memref<106496xf32, #tpu.memory_space<vmem_shared>> -> memref<512xf32, #tpu.memory_space<vmem_shared>>
        %dma_wait3A_153 = arith.constant 0 : i32
        %dma_wait3A_154 = tpu.memref_slice %arg7[%dma_wait3A_153] : memref<512xf32, #tpu.memory_space<vmem>> -> memref<512xf32, #tpu.memory_space<vmem>>
        tpu.wait_dma2 semaphore(%run_scoped3A : memref<!tpu.dma_semaphore, #tpu.memory_space<semaphore_mem>>) src(%dma_wait3A_154 : memref<512xf32, #tpu.memory_space<vmem>>) dst(%dma_wait3A_152 : memref<512xf32, #tpu.memory_space<vmem_shared>>)
        tpu.yield
      }) : () -> ()
      %add3A_137 = arith.constant 5120 : i32
      %add3A_138 = arith.addi %mul3A_0, %add3A_137 : i32
      "tpu.region"() ({
        %run_scoped3A = tpu.sem_alloc : memref<!tpu.dma_semaphore, #tpu.memory_space<semaphore_mem>>
        %dma_start3A_143 = arith.constant 0 : i32
        %dma_start3A_144 = tpu.memref_slice %arg7[%dma_start3A_143] : memref<512xf32, #tpu.memory_space<vmem>> -> memref<512xf32, #tpu.memory_space<vmem>>
        %dma_start3A_145 = tpu.memref_slice %arg9[%add3A_138] : memref<106496xf32, #tpu.memory_space<vmem_shared>> -> memref<512xf32, #tpu.memory_space<vmem_shared>>
        %dma_start3A_146 = tpu.memref_slice %arg9[%add3A_138] : memref<106496xf32, #tpu.memory_space<vmem_shared>> -> memref<512xf32, #tpu.memory_space<vmem_shared>>
        %dma_start3A_147 = arith.constant 0 : i32
        %dma_start3A_148 = tpu.memref_slice %arg7[%dma_start3A_147] : memref<512xf32, #tpu.memory_space<vmem>> -> memref<512xf32, #tpu.memory_space<vmem>>
        tpu.enqueue_dma source(%dma_start3A_148 : memref<512xf32, #tpu.memory_space<vmem>>) target(%dma_start3A_146 : memref<512xf32, #tpu.memory_space<vmem_shared>>) target_semaphore(%run_scoped3A : memref<!tpu.dma_semaphore, #tpu.memory_space<semaphore_mem>>)
        %dma_wait3A_149 = arith.constant 0 : i32
        %dma_wait3A_150 = tpu.memref_slice %arg7[%dma_wait3A_149] : memref<512xf32, #tpu.memory_space<vmem>> -> memref<512xf32, #tpu.memory_space<vmem>>
        %dma_wait3A_151 = tpu.memref_slice %arg9[%add3A_138] : memref<106496xf32, #tpu.memory_space<vmem_shared>> -> memref<512xf32, #tpu.memory_space<vmem_shared>>
        %dma_wait3A_152 = tpu.memref_slice %arg9[%add3A_138] : memref<106496xf32, #tpu.memory_space<vmem_shared>> -> memref<512xf32, #tpu.memory_space<vmem_shared>>
        %dma_wait3A_153 = arith.constant 0 : i32
        %dma_wait3A_154 = tpu.memref_slice %arg7[%dma_wait3A_153] : memref<512xf32, #tpu.memory_space<vmem>> -> memref<512xf32, #tpu.memory_space<vmem>>
        tpu.wait_dma2 semaphore(%run_scoped3A : memref<!tpu.dma_semaphore, #tpu.memory_space<semaphore_mem>>) src(%dma_wait3A_154 : memref<512xf32, #tpu.memory_space<vmem>>) dst(%dma_wait3A_152 : memref<512xf32, #tpu.memory_space<vmem_shared>>)
        tpu.yield
      }) : () -> ()
      %add3A_139 = arith.constant 5632 : i32
      %add3A_140 = arith.addi %mul3A_0, %add3A_139 : i32
      "tpu.region"() ({
        %run_scoped3A = tpu.sem_alloc : memref<!tpu.dma_semaphore, #tpu.memory_space<semaphore_mem>>
        %dma_start3A_143 = arith.constant 0 : i32
        %dma_start3A_144 = tpu.memref_slice %arg7[%dma_start3A_143] : memref<512xf32, #tpu.memory_space<vmem>> -> memref<512xf32, #tpu.memory_space<vmem>>
        %dma_start3A_145 = tpu.memref_slice %arg9[%add3A_140] : memref<106496xf32, #tpu.memory_space<vmem_shared>> -> memref<512xf32, #tpu.memory_space<vmem_shared>>
        %dma_start3A_146 = tpu.memref_slice %arg9[%add3A_140] : memref<106496xf32, #tpu.memory_space<vmem_shared>> -> memref<512xf32, #tpu.memory_space<vmem_shared>>
        %dma_start3A_147 = arith.constant 0 : i32
        %dma_start3A_148 = tpu.memref_slice %arg7[%dma_start3A_147] : memref<512xf32, #tpu.memory_space<vmem>> -> memref<512xf32, #tpu.memory_space<vmem>>
        tpu.enqueue_dma source(%dma_start3A_148 : memref<512xf32, #tpu.memory_space<vmem>>) target(%dma_start3A_146 : memref<512xf32, #tpu.memory_space<vmem_shared>>) target_semaphore(%run_scoped3A : memref<!tpu.dma_semaphore, #tpu.memory_space<semaphore_mem>>)
        %dma_wait3A_149 = arith.constant 0 : i32
        %dma_wait3A_150 = tpu.memref_slice %arg7[%dma_wait3A_149] : memref<512xf32, #tpu.memory_space<vmem>> -> memref<512xf32, #tpu.memory_space<vmem>>
        %dma_wait3A_151 = tpu.memref_slice %arg9[%add3A_140] : memref<106496xf32, #tpu.memory_space<vmem_shared>> -> memref<512xf32, #tpu.memory_space<vmem_shared>>
        %dma_wait3A_152 = tpu.memref_slice %arg9[%add3A_140] : memref<106496xf32, #tpu.memory_space<vmem_shared>> -> memref<512xf32, #tpu.memory_space<vmem_shared>>
        %dma_wait3A_153 = arith.constant 0 : i32
        %dma_wait3A_154 = tpu.memref_slice %arg7[%dma_wait3A_153] : memref<512xf32, #tpu.memory_space<vmem>> -> memref<512xf32, #tpu.memory_space<vmem>>
        tpu.wait_dma2 semaphore(%run_scoped3A : memref<!tpu.dma_semaphore, #tpu.memory_space<semaphore_mem>>) src(%dma_wait3A_154 : memref<512xf32, #tpu.memory_space<vmem>>) dst(%dma_wait3A_152 : memref<512xf32, #tpu.memory_space<vmem_shared>>)
        tpu.yield
      }) : () -> ()
      %add3A_141 = arith.constant 6144 : i32
      %add3A_142 = arith.addi %mul3A_0, %add3A_141 : i32
      "tpu.region"() ({
        %run_scoped3A = tpu.sem_alloc : memref<!tpu.dma_semaphore, #tpu.memory_space<semaphore_mem>>
        %dma_start3A_143 = arith.constant 0 : i32
        %dma_start3A_144 = tpu.memref_slice %arg7[%dma_start3A_143] : memref<512xf32, #tpu.memory_space<vmem>> -> memref<512xf32, #tpu.memory_space<vmem>>
        %dma_start3A_145 = tpu.memref_slice %arg9[%add3A_142] : memref<106496xf32, #tpu.memory_space<vmem_shared>> -> memref<512xf32, #tpu.memory_space<vmem_shared>>
        %dma_start3A_146 = tpu.memref_slice %arg9[%add3A_142] : memref<106496xf32, #tpu.memory_space<vmem_shared>> -> memref<512xf32, #tpu.memory_space<vmem_shared>>
        %dma_start3A_147 = arith.constant 0 : i32
        %dma_start3A_148 = tpu.memref_slice %arg7[%dma_start3A_147] : memref<512xf32, #tpu.memory_space<vmem>> -> memref<512xf32, #tpu.memory_space<vmem>>
        tpu.enqueue_dma source(%dma_start3A_148 : memref<512xf32, #tpu.memory_space<vmem>>) target(%dma_start3A_146 : memref<512xf32, #tpu.memory_space<vmem_shared>>) target_semaphore(%run_scoped3A : memref<!tpu.dma_semaphore, #tpu.memory_space<semaphore_mem>>)
        %dma_wait3A_149 = arith.constant 0 : i32
        %dma_wait3A_150 = tpu.memref_slice %arg7[%dma_wait3A_149] : memref<512xf32, #tpu.memory_space<vmem>> -> memref<512xf32, #tpu.memory_space<vmem>>
        %dma_wait3A_151 = tpu.memref_slice %arg9[%add3A_142] : memref<106496xf32, #tpu.memory_space<vmem_shared>> -> memref<512xf32, #tpu.memory_space<vmem_shared>>
        %dma_wait3A_152 = tpu.memref_slice %arg9[%add3A_142] : memref<106496xf32, #tpu.memory_space<vmem_shared>> -> memref<512xf32, #tpu.memory_space<vmem_shared>>
        %dma_wait3A_153 = arith.constant 0 : i32
        %dma_wait3A_154 = tpu.memref_slice %arg7[%dma_wait3A_153] : memref<512xf32, #tpu.memory_space<vmem>> -> memref<512xf32, #tpu.memory_space<vmem>>
        tpu.wait_dma2 semaphore(%run_scoped3A : memref<!tpu.dma_semaphore, #tpu.memory_space<semaphore_mem>>) src(%dma_wait3A_154 : memref<512xf32, #tpu.memory_space<vmem>>) dst(%dma_wait3A_152 : memref<512xf32, #tpu.memory_space<vmem_shared>>)
        tpu.yield
      }) : () -> ()
    } else {
    }
    %barrier3A = arith.constant 0 : index
    tpu.barrier barrier_id(%barrier3A)
    %mul3A_15 = arith.constant 16 : i32
    %mul3A_16 = arith.muli %arg0, %mul3A_15 : i32
    %add3A = arith.addi %mul3A_16, %arg1 : i32
    %mul3A_17 = arith.constant 196 : i32
    %mul3A_18 = arith.muli %add3A, %mul3A_17 : i32
    %add3A_19 = arith.constant 0 : i32
    %add3A_20 = arith.addi %mul3A_18, %add3A_19 : i32
    %mul3A_21 = arith.constant 8 : i32
    %mul3A_22 = arith.muli %add3A_20, %mul3A_21 : i32
    %dma_start3A = arith.constant 0 : i32
    %dma_start3A_23 = tpu.memref_slice %arg3[%mul3A_22, %dma_start3A] : memref<50192x128xi32, #tpu.memory_space<hbm>> -> memref<8x128xi32, #tpu.memory_space<hbm>>
    %dma_start3A_24 = arith.constant 0 : i32
    %dma_start3A_25 = tpu.memref_slice %arg3[%mul3A_22, %dma_start3A_24] : memref<50192x128xi32, #tpu.memory_space<hbm>> -> memref<8x128xi32, #tpu.memory_space<hbm>>
    tpu.enqueue_dma source(%dma_start3A_25 : memref<8x128xi32, #tpu.memory_space<hbm>>) target(%arg5 : memref<8x128xi32, #tpu.memory_space<vmem>>) target_semaphore(%arg12 : memref<!tpu.dma_semaphore, #tpu.memory_space<semaphore_mem>>)
    %dma_wait3A = arith.constant 0 : i32
    %dma_wait3A_26 = arith.constant 0 : i32
    %dma_wait3A_27 = tpu.memref_slice %arg3[%dma_wait3A, %dma_wait3A_26] : memref<50192x128xi32, #tpu.memory_space<hbm>> -> memref<8x128xi32, #tpu.memory_space<hbm>>
    %dma_wait3A_28 = arith.constant 0 : i32
    %dma_wait3A_29 = arith.constant 0 : i32
    %dma_wait3A_30 = tpu.memref_slice %arg3[%dma_wait3A_28, %dma_wait3A_29] : memref<50192x128xi32, #tpu.memory_space<hbm>> -> memref<8x128xi32, #tpu.memory_space<hbm>>
    tpu.wait_dma2 semaphore(%arg12 : memref<!tpu.dma_semaphore, #tpu.memory_space<semaphore_mem>>) src(%dma_wait3A_30 : memref<8x128xi32, #tpu.memory_space<hbm>>) dst(%arg5 : memref<8x128xi32, #tpu.memory_space<vmem>>)
    %dma_start3A_31 = arith.constant 0 : i32
    %dma_start3A_32 = arith.constant 0 : i32
    %dma_start3A_33 = tpu.memref_slice %arg7[%dma_start3A_32] : memref<512xf32, #tpu.memory_space<vmem>> -> memref<128xf32, #tpu.memory_space<vmem>>
    %dma_start3A_34 = arith.constant 0 : i32
    %dma_start3A_35 = tpu.memref_slice %arg5[%dma_start3A_31, %dma_start3A_34] : memref<8x128xi32, #tpu.memory_space<vmem>> -> memref<1x128xi32, #tpu.memory_space<vmem>>
    %dma_start3A_36 = tpu.memref_squeeze %dma_start3A_35 : memref<1x128xi32, #tpu.memory_space<vmem>> -> memref<128xi32, #tpu.memory_space<vmem>>
    %dma_start3A_37 = arith.constant 0 : i32
    %dma_start3A_38 = tpu.memref_slice %arg2[%dma_start3A_37] : memref<106496xf32, #tpu.memory_space<hbm>> -> memref<106496xf32, #tpu.memory_space<hbm>>
    tpu.enqueue_indirect_dma source(%dma_start3A_38 : memref<106496xf32, #tpu.memory_space<hbm>>) target(%dma_start3A_33 : memref<128xf32, #tpu.memory_space<vmem>>) offsets(%dma_start3A_36 : memref<128xi32, #tpu.memory_space<vmem>>) semaphore(%arg10 : memref<!tpu.dma_semaphore, #tpu.memory_space<semaphore_mem>>)
    %dma_start3A_39 = arith.constant 1 : i32
    %dma_start3A_40 = arith.constant 128 : i32
    %dma_start3A_41 = tpu.memref_slice %arg7[%dma_start3A_40] : memref<512xf32, #tpu.memory_space<vmem>> -> memref<128xf32, #tpu.memory_space<vmem>>
    %dma_start3A_42 = arith.constant 0 : i32
    %dma_start3A_43 = tpu.memref_slice %arg5[%dma_start3A_39, %dma_start3A_42] : memref<8x128xi32, #tpu.memory_space<vmem>> -> memref<1x128xi32, #tpu.memory_space<vmem>>
    %dma_start3A_44 = tpu.memref_squeeze %dma_start3A_43 : memref<1x128xi32, #tpu.memory_space<vmem>> -> memref<128xi32, #tpu.memory_space<vmem>>
    %dma_start3A_45 = arith.constant 0 : i32
    %dma_start3A_46 = tpu.memref_slice %arg2[%dma_start3A_45] : memref<106496xf32, #tpu.memory_space<hbm>> -> memref<106496xf32, #tpu.memory_space<hbm>>
    tpu.enqueue_indirect_dma source(%dma_start3A_46 : memref<106496xf32, #tpu.memory_space<hbm>>) target(%dma_start3A_41 : memref<128xf32, #tpu.memory_space<vmem>>) offsets(%dma_start3A_44 : memref<128xi32, #tpu.memory_space<vmem>>) semaphore(%arg10 : memref<!tpu.dma_semaphore, #tpu.memory_space<semaphore_mem>>)
    %dma_start3A_47 = arith.constant 2 : i32
    %dma_start3A_48 = arith.constant 256 : i32
    %dma_start3A_49 = tpu.memref_slice %arg7[%dma_start3A_48] : memref<512xf32, #tpu.memory_space<vmem>> -> memref<128xf32, #tpu.memory_space<vmem>>
    %dma_start3A_50 = arith.constant 0 : i32
    %dma_start3A_51 = tpu.memref_slice %arg5[%dma_start3A_47, %dma_start3A_50] : memref<8x128xi32, #tpu.memory_space<vmem>> -> memref<1x128xi32, #tpu.memory_space<vmem>>
    %dma_start3A_52 = tpu.memref_squeeze %dma_start3A_51 : memref<1x128xi32, #tpu.memory_space<vmem>> -> memref<128xi32, #tpu.memory_space<vmem>>
    %dma_start3A_53 = arith.constant 0 : i32
    %dma_start3A_54 = tpu.memref_slice %arg2[%dma_start3A_53] : memref<106496xf32, #tpu.memory_space<hbm>> -> memref<106496xf32, #tpu.memory_space<hbm>>
    tpu.enqueue_indirect_dma source(%dma_start3A_54 : memref<106496xf32, #tpu.memory_space<hbm>>) target(%dma_start3A_49 : memref<128xf32, #tpu.memory_space<vmem>>) offsets(%dma_start3A_52 : memref<128xi32, #tpu.memory_space<vmem>>) semaphore(%arg10 : memref<!tpu.dma_semaphore, #tpu.memory_space<semaphore_mem>>)
    %dma_start3A_55 = arith.constant 3 : i32
    %dma_start3A_56 = arith.constant 384 : i32
    %dma_start3A_57 = tpu.memref_slice %arg7[%dma_start3A_56] : memref<512xf32, #tpu.memory_space<vmem>> -> memref<128xf32, #tpu.memory_space<vmem>>
    %dma_start3A_58 = arith.constant 0 : i32
    %dma_start3A_59 = tpu.memref_slice %arg5[%dma_start3A_55, %dma_start3A_58] : memref<8x128xi32, #tpu.memory_space<vmem>> -> memref<1x128xi32, #tpu.memory_space<vmem>>
    %dma_start3A_60 = tpu.memref_squeeze %dma_start3A_59 : memref<1x128xi32, #tpu.memory_space<vmem>> -> memref<128xi32, #tpu.memory_space<vmem>>
    %dma_start3A_61 = arith.constant 0 : i32
    %dma_start3A_62 = tpu.memref_slice %arg2[%dma_start3A_61] : memref<106496xf32, #tpu.memory_space<hbm>> -> memref<106496xf32, #tpu.memory_space<hbm>>
    tpu.enqueue_indirect_dma source(%dma_start3A_62 : memref<106496xf32, #tpu.memory_space<hbm>>) target(%dma_start3A_57 : memref<128xf32, #tpu.memory_space<vmem>>) offsets(%dma_start3A_60 : memref<128xi32, #tpu.memory_space<vmem>>) semaphore(%arg10 : memref<!tpu.dma_semaphore, #tpu.memory_space<semaphore_mem>>)
    %add3A_63 = arith.constant 1 : i32
    %add3A_64 = arith.addi %mul3A_18, %add3A_63 : i32
    %mul3A_65 = arith.constant 8 : i32
    %mul3A_66 = arith.muli %add3A_64, %mul3A_65 : i32
    %dma_start3A_67 = arith.constant 0 : i32
    %dma_start3A_68 = tpu.memref_slice %arg3[%mul3A_66, %dma_start3A_67] : memref<50192x128xi32, #tpu.memory_space<hbm>> -> memref<8x128xi32, #tpu.memory_space<hbm>>
    %dma_start3A_69 = arith.constant 0 : i32
    %dma_start3A_70 = tpu.memref_slice %arg3[%mul3A_66, %dma_start3A_69] : memref<50192x128xi32, #tpu.memory_space<hbm>> -> memref<8x128xi32, #tpu.memory_space<hbm>>
    tpu.enqueue_dma source(%dma_start3A_70 : memref<8x128xi32, #tpu.memory_space<hbm>>) target(%arg6 : memref<8x128xi32, #tpu.memory_space<vmem>>) target_semaphore(%arg13 : memref<!tpu.dma_semaphore, #tpu.memory_space<semaphore_mem>>)
    %scan3A_71 = arith.constant 0 : i32
    %scan3A_72 = arith.constant 0 : i32
    %scan3A_73 = arith.constant 98 : i32
    %scan3A_74 = arith.addi %scan3A_72, %scan3A_73 : i32
    %scan3A_75 = arith.constant 1 : i32
    %scan3A_76 = scf.for %scan3A_117 = %scan3A_72 to %scan3A_74 step %scan3A_75 iter_args(%scan3A_118 = %scan3A_71) -> (i32)  : i32 {
      %dma_wait3A_119 = arith.constant 0 : i32
      %dma_wait3A_120 = arith.constant 0 : i32
      %dma_wait3A_121 = tpu.memref_slice %arg3[%dma_wait3A_119, %dma_wait3A_120] : memref<50192x128xi32, #tpu.memory_space<hbm>> -> memref<8x128xi32, #tpu.memory_space<hbm>>
      %dma_wait3A_122 = arith.constant 0 : i32
      %dma_wait3A_123 = arith.constant 0 : i32
      %dma_wait3A_124 = tpu.memref_slice %arg3[%dma_wait3A_122, %dma_wait3A_123] : memref<50192x128xi32, #tpu.memory_space<hbm>> -> memref<8x128xi32, #tpu.memory_space<hbm>>
      tpu.wait_dma2 semaphore(%arg13 : memref<!tpu.dma_semaphore, #tpu.memory_space<semaphore_mem>>) src(%dma_wait3A_124 : memref<8x128xi32, #tpu.memory_space<hbm>>) dst(%arg6 : memref<8x128xi32, #tpu.memory_space<vmem>>)
      %dma_start3A_125 = arith.constant 0 : i32
      %dma_start3A_126 = arith.constant 0 : i32
      %dma_start3A_127 = tpu.memref_slice %arg8[%dma_start3A_126] : memref<512xf32, #tpu.memory_space<vmem>> -> memref<128xf32, #tpu.memory_space<vmem>>
      %dma_start3A_128 = arith.constant 0 : i32
      %dma_start3A_129 = tpu.memref_slice %arg6[%dma_start3A_125, %dma_start3A_128] : memref<8x128xi32, #tpu.memory_space<vmem>> -> memref<1x128xi32, #tpu.memory_space<vmem>>
      %dma_start3A_130 = tpu.memref_squeeze %dma_start3A_129 : memref<1x128xi32, #tpu.memory_space<vmem>> -> memref<128xi32, #tpu.memory_space<vmem>>
      %dma_start3A_131 = arith.constant 0 : i32
      %dma_start3A_132 = tpu.memref_slice %arg2[%dma_start3A_131] : memref<106496xf32, #tpu.memory_space<hbm>> -> memref<106496xf32, #tpu.memory_space<hbm>>
      tpu.enqueue_indirect_dma source(%dma_start3A_132 : memref<106496xf32, #tpu.memory_space<hbm>>) target(%dma_start3A_127 : memref<128xf32, #tpu.memory_space<vmem>>) offsets(%dma_start3A_130 : memref<128xi32, #tpu.memory_space<vmem>>) semaphore(%arg11 : memref<!tpu.dma_semaphore, #tpu.memory_space<semaphore_mem>>)
      %dma_start3A_133 = arith.constant 1 : i32
      %dma_start3A_134 = arith.constant 128 : i32
      %dma_start3A_135 = tpu.memref_slice %arg8[%dma_start3A_134] : memref<512xf32, #tpu.memory_space<vmem>> -> memref<128xf32, #tpu.memory_space<vmem>>
      %dma_start3A_136 = arith.constant 0 : i32
      %dma_start3A_137 = tpu.memref_slice %arg6[%dma_start3A_133, %dma_start3A_136] : memref<8x128xi32, #tpu.memory_space<vmem>> -> memref<1x128xi32, #tpu.memory_space<vmem>>
      %dma_start3A_138 = tpu.memref_squeeze %dma_start3A_137 : memref<1x128xi32, #tpu.memory_space<vmem>> -> memref<128xi32, #tpu.memory_space<vmem>>
      %dma_start3A_139 = arith.constant 0 : i32
      %dma_start3A_140 = tpu.memref_slice %arg2[%dma_start3A_139] : memref<106496xf32, #tpu.memory_space<hbm>> -> memref<106496xf32, #tpu.memory_space<hbm>>
      tpu.enqueue_indirect_dma source(%dma_start3A_140 : memref<106496xf32, #tpu.memory_space<hbm>>) target(%dma_start3A_135 : memref<128xf32, #tpu.memory_space<vmem>>) offsets(%dma_start3A_138 : memref<128xi32, #tpu.memory_space<vmem>>) semaphore(%arg11 : memref<!tpu.dma_semaphore, #tpu.memory_space<semaphore_mem>>)
      %dma_start3A_141 = arith.constant 2 : i32
      %dma_start3A_142 = arith.constant 256 : i32
      %dma_start3A_143 = tpu.memref_slice %arg8[%dma_start3A_142] : memref<512xf32, #tpu.memory_space<vmem>> -> memref<128xf32, #tpu.memory_space<vmem>>
      %dma_start3A_144 = arith.constant 0 : i32
      %dma_start3A_145 = tpu.memref_slice %arg6[%dma_start3A_141, %dma_start3A_144] : memref<8x128xi32, #tpu.memory_space<vmem>> -> memref<1x128xi32, #tpu.memory_space<vmem>>
      %dma_start3A_146 = tpu.memref_squeeze %dma_start3A_145 : memref<1x128xi32, #tpu.memory_space<vmem>> -> memref<128xi32, #tpu.memory_space<vmem>>
      %dma_start3A_147 = arith.constant 0 : i32
      %dma_start3A_148 = tpu.memref_slice %arg2[%dma_start3A_147] : memref<106496xf32, #tpu.memory_space<hbm>> -> memref<106496xf32, #tpu.memory_space<hbm>>
      tpu.enqueue_indirect_dma source(%dma_start3A_148 : memref<106496xf32, #tpu.memory_space<hbm>>) target(%dma_start3A_143 : memref<128xf32, #tpu.memory_space<vmem>>) offsets(%dma_start3A_146 : memref<128xi32, #tpu.memory_space<vmem>>) semaphore(%arg11 : memref<!tpu.dma_semaphore, #tpu.memory_space<semaphore_mem>>)
      %dma_start3A_149 = arith.constant 3 : i32
      %dma_start3A_150 = arith.constant 384 : i32
      %dma_start3A_151 = tpu.memref_slice %arg8[%dma_start3A_150] : memref<512xf32, #tpu.memory_space<vmem>> -> memref<128xf32, #tpu.memory_space<vmem>>
      %dma_start3A_152 = arith.constant 0 : i32
      %dma_start3A_153 = tpu.memref_slice %arg6[%dma_start3A_149, %dma_start3A_152] : memref<8x128xi32, #tpu.memory_space<vmem>> -> memref<1x128xi32, #tpu.memory_space<vmem>>
      %dma_start3A_154 = tpu.memref_squeeze %dma_start3A_153 : memref<1x128xi32, #tpu.memory_space<vmem>> -> memref<128xi32, #tpu.memory_space<vmem>>
      %dma_start3A_155 = arith.constant 0 : i32
      %dma_start3A_156 = tpu.memref_slice %arg2[%dma_start3A_155] : memref<106496xf32, #tpu.memory_space<hbm>> -> memref<106496xf32, #tpu.memory_space<hbm>>
      tpu.enqueue_indirect_dma source(%dma_start3A_156 : memref<106496xf32, #tpu.memory_space<hbm>>) target(%dma_start3A_151 : memref<128xf32, #tpu.memory_space<vmem>>) offsets(%dma_start3A_154 : memref<128xi32, #tpu.memory_space<vmem>>) semaphore(%arg11 : memref<!tpu.dma_semaphore, #tpu.memory_space<semaphore_mem>>)
      %dma_wait3A_157 = arith.constant 0 : i32
      %dma_wait3A_158 = tpu.memref_slice %arg7[%dma_wait3A_157] : memref<512xf32, #tpu.memory_space<vmem>> -> memref<128xf32, #tpu.memory_space<vmem>>
      %dma_wait3A_159 = arith.constant 0 : i32
      %dma_wait3A_160 = tpu.memref_slice %arg2[%dma_wait3A_159] : memref<106496xf32, #tpu.memory_space<hbm>> -> memref<128xf32, #tpu.memory_space<hbm>>
      %dma_wait3A_161 = arith.constant 0 : i32
      %dma_wait3A_162 = tpu.memref_slice %arg7[%dma_wait3A_161] : memref<512xf32, #tpu.memory_space<vmem>> -> memref<128xf32, #tpu.memory_space<vmem>>
      %dma_wait3A_163 = arith.constant 0 : i32
      %dma_wait3A_164 = tpu.memref_slice %arg2[%dma_wait3A_163] : memref<106496xf32, #tpu.memory_space<hbm>> -> memref<128xf32, #tpu.memory_space<hbm>>
      tpu.wait_dma2 semaphore(%arg10 : memref<!tpu.dma_semaphore, #tpu.memory_space<semaphore_mem>>) src(%dma_wait3A_164 : memref<128xf32, #tpu.memory_space<hbm>>) dst(%dma_wait3A_162 : memref<128xf32, #tpu.memory_space<vmem>>)
      %dma_wait3A_165 = arith.constant 128 : i32
      %dma_wait3A_166 = tpu.memref_slice %arg7[%dma_wait3A_165] : memref<512xf32, #tpu.memory_space<vmem>> -> memref<128xf32, #tpu.memory_space<vmem>>
      %dma_wait3A_167 = arith.constant 0 : i32
      %dma_wait3A_168 = tpu.memref_slice %arg2[%dma_wait3A_167] : memref<106496xf32, #tpu.memory_space<hbm>> -> memref<128xf32, #tpu.memory_space<hbm>>
      %dma_wait3A_169 = arith.constant 128 : i32
      %dma_wait3A_170 = tpu.memref_slice %arg7[%dma_wait3A_169] : memref<512xf32, #tpu.memory_space<vmem>> -> memref<128xf32, #tpu.memory_space<vmem>>
      %dma_wait3A_171 = arith.constant 0 : i32
      %dma_wait3A_172 = tpu.memref_slice %arg2[%dma_wait3A_171] : memref<106496xf32, #tpu.memory_space<hbm>> -> memref<128xf32, #tpu.memory_space<hbm>>
      tpu.wait_dma2 semaphore(%arg10 : memref<!tpu.dma_semaphore, #tpu.memory_space<semaphore_mem>>) src(%dma_wait3A_172 : memref<128xf32, #tpu.memory_space<hbm>>) dst(%dma_wait3A_170 : memref<128xf32, #tpu.memory_space<vmem>>)
      %dma_wait3A_173 = arith.constant 256 : i32
      %dma_wait3A_174 = tpu.memref_slice %arg7[%dma_wait3A_173] : memref<512xf32, #tpu.memory_space<vmem>> -> memref<128xf32, #tpu.memory_space<vmem>>
      %dma_wait3A_175 = arith.constant 0 : i32
      %dma_wait3A_176 = tpu.memref_slice %arg2[%dma_wait3A_175] : memref<106496xf32, #tpu.memory_space<hbm>> -> memref<128xf32, #tpu.memory_space<hbm>>
      %dma_wait3A_177 = arith.constant 256 : i32
      %dma_wait3A_178 = tpu.memref_slice %arg7[%dma_wait3A_177] : memref<512xf32, #tpu.memory_space<vmem>> -> memref<128xf32, #tpu.memory_space<vmem>>
      %dma_wait3A_179 = arith.constant 0 : i32
      %dma_wait3A_180 = tpu.memref_slice %arg2[%dma_wait3A_179] : memref<106496xf32, #tpu.memory_space<hbm>> -> memref<128xf32, #tpu.memory_space<hbm>>
      tpu.wait_dma2 semaphore(%arg10 : memref<!tpu.dma_semaphore, #tpu.memory_space<semaphore_mem>>) src(%dma_wait3A_180 : memref<128xf32, #tpu.memory_space<hbm>>) dst(%dma_wait3A_178 : memref<128xf32, #tpu.memory_space<vmem>>)
      %dma_wait3A_181 = arith.constant 384 : i32
      %dma_wait3A_182 = tpu.memref_slice %arg7[%dma_wait3A_181] : memref<512xf32, #tpu.memory_space<vmem>> -> memref<128xf32, #tpu.memory_space<vmem>>
      %dma_wait3A_183 = arith.constant 0 : i32
      %dma_wait3A_184 = tpu.memref_slice %arg2[%dma_wait3A_183] : memref<106496xf32, #tpu.memory_space<hbm>> -> memref<128xf32, #tpu.memory_space<hbm>>
      %dma_wait3A_185 = arith.constant 384 : i32
      %dma_wait3A_186 = tpu.memref_slice %arg7[%dma_wait3A_185] : memref<512xf32, #tpu.memory_space<vmem>> -> memref<128xf32, #tpu.memory_space<vmem>>
      %dma_wait3A_187 = arith.constant 0 : i32
      %dma_wait3A_188 = tpu.memref_slice %arg2[%dma_wait3A_187] : memref<106496xf32, #tpu.memory_space<hbm>> -> memref<128xf32, #tpu.memory_space<hbm>>
      tpu.wait_dma2 semaphore(%arg10 : memref<!tpu.dma_semaphore, #tpu.memory_space<semaphore_mem>>) src(%dma_wait3A_188 : memref<128xf32, #tpu.memory_space<hbm>>) dst(%dma_wait3A_186 : memref<128xf32, #tpu.memory_space<vmem>>)
      %run_scoped3A = arith.constant 4 : i32
      "tpu.region"() ({
        %run_scoped3A_289 = tpu.sem_alloc : memref<!tpu.dma_semaphore, #tpu.memory_space<semaphore_mem>>
        %dma_start3A_290 = arith.constant 0 : i32
        %dma_start3A_291 = tpu.memref_slice %arg7[%dma_start3A_290] : memref<512xf32, #tpu.memory_space<vmem>> -> memref<128xf32, #tpu.memory_space<vmem>>
        %dma_start3A_292 = arith.constant 0 : i32
        %dma_start3A_293 = tpu.memref_slice %arg5[%run_scoped3A, %dma_start3A_292] : memref<8x128xi32, #tpu.memory_space<vmem>> -> memref<1x128xi32, #tpu.memory_space<vmem>>
        %dma_start3A_294 = tpu.memref_squeeze %dma_start3A_293 : memref<1x128xi32, #tpu.memory_space<vmem>> -> memref<128xi32, #tpu.memory_space<vmem>>
        %dma_start3A_295 = arith.constant 0 : i32
        %dma_start3A_296 = tpu.memref_slice %arg9[%dma_start3A_295] : memref<106496xf32, #tpu.memory_space<vmem_shared>> -> memref<106496xf32, #tpu.memory_space<vmem_shared>>
        tpu.enqueue_indirect_dma source(%dma_start3A_291 : memref<128xf32, #tpu.memory_space<vmem>>) target(%dma_start3A_296 : memref<106496xf32, #tpu.memory_space<vmem_shared>>) offsets(%dma_start3A_294 : memref<128xi32, #tpu.memory_space<vmem>>) semaphore(%run_scoped3A_289 : memref<!tpu.dma_semaphore, #tpu.memory_space<semaphore_mem>>) {add = true}
        %dma_wait3A_297 = arith.constant 0 : i32
        %dma_wait3A_298 = tpu.memref_slice %arg7[%dma_wait3A_297] : memref<512xf32, #tpu.memory_space<vmem>> -> memref<128xf32, #tpu.memory_space<vmem>>
        %dma_wait3A_299 = arith.constant 0 : i32
        %dma_wait3A_300 = tpu.memref_slice %arg5[%run_scoped3A, %dma_wait3A_299] : memref<8x128xi32, #tpu.memory_space<vmem>> -> memref<1x128xi32, #tpu.memory_space<vmem>>
        %dma_wait3A_301 = tpu.memref_squeeze %dma_wait3A_300 : memref<1x128xi32, #tpu.memory_space<vmem>> -> memref<128xi32, #tpu.memory_space<vmem>>
        %dma_wait3A_302 = arith.constant 0 : i32
        %dma_wait3A_303 = tpu.memref_slice %arg9[%dma_wait3A_302] : memref<106496xf32, #tpu.memory_space<vmem_shared>> -> memref<106496xf32, #tpu.memory_space<vmem_shared>>
        tpu.wait_indirect_dma semaphore(%run_scoped3A_289 : memref<!tpu.dma_semaphore, #tpu.memory_space<semaphore_mem>>) src(%dma_wait3A_298 : memref<128xf32, #tpu.memory_space<vmem>>) dst(%dma_wait3A_303 : memref<106496xf32, #tpu.memory_space<vmem_shared>>)
        tpu.yield
      }) : () -> ()
      %run_scoped3A_189 = arith.constant 5 : i32
      "tpu.region"() ({
        %run_scoped3A_289 = tpu.sem_alloc : memref<!tpu.dma_semaphore, #tpu.memory_space<semaphore_mem>>
        %dma_start3A_290 = arith.constant 128 : i32
        %dma_start3A_291 = tpu.memref_slice %arg7[%dma_start3A_290] : memref<512xf32, #tpu.memory_space<vmem>> -> memref<128xf32, #tpu.memory_space<vmem>>
        %dma_start3A_292 = arith.constant 0 : i32
        %dma_start3A_293 = tpu.memref_slice %arg5[%run_scoped3A_189, %dma_start3A_292] : memref<8x128xi32, #tpu.memory_space<vmem>> -> memref<1x128xi32, #tpu.memory_space<vmem>>
        %dma_start3A_294 = tpu.memref_squeeze %dma_start3A_293 : memref<1x128xi32, #tpu.memory_space<vmem>> -> memref<128xi32, #tpu.memory_space<vmem>>
        %dma_start3A_295 = arith.constant 0 : i32
        %dma_start3A_296 = tpu.memref_slice %arg9[%dma_start3A_295] : memref<106496xf32, #tpu.memory_space<vmem_shared>> -> memref<106496xf32, #tpu.memory_space<vmem_shared>>
        tpu.enqueue_indirect_dma source(%dma_start3A_291 : memref<128xf32, #tpu.memory_space<vmem>>) target(%dma_start3A_296 : memref<106496xf32, #tpu.memory_space<vmem_shared>>) offsets(%dma_start3A_294 : memref<128xi32, #tpu.memory_space<vmem>>) semaphore(%run_scoped3A_289 : memref<!tpu.dma_semaphore, #tpu.memory_space<semaphore_mem>>) {add = true}
        %dma_wait3A_297 = arith.constant 128 : i32
        %dma_wait3A_298 = tpu.memref_slice %arg7[%dma_wait3A_297] : memref<512xf32, #tpu.memory_space<vmem>> -> memref<128xf32, #tpu.memory_space<vmem>>
        %dma_wait3A_299 = arith.constant 0 : i32
        %dma_wait3A_300 = tpu.memref_slice %arg5[%run_scoped3A_189, %dma_wait3A_299] : memref<8x128xi32, #tpu.memory_space<vmem>> -> memref<1x128xi32, #tpu.memory_space<vmem>>
        %dma_wait3A_301 = tpu.memref_squeeze %dma_wait3A_300 : memref<1x128xi32, #tpu.memory_space<vmem>> -> memref<128xi32, #tpu.memory_space<vmem>>
        %dma_wait3A_302 = arith.constant 0 : i32
        %dma_wait3A_303 = tpu.memref_slice %arg9[%dma_wait3A_302] : memref<106496xf32, #tpu.memory_space<vmem_shared>> -> memref<106496xf32, #tpu.memory_space<vmem_shared>>
        tpu.wait_indirect_dma semaphore(%run_scoped3A_289 : memref<!tpu.dma_semaphore, #tpu.memory_space<semaphore_mem>>) src(%dma_wait3A_298 : memref<128xf32, #tpu.memory_space<vmem>>) dst(%dma_wait3A_303 : memref<106496xf32, #tpu.memory_space<vmem_shared>>)
        tpu.yield
      }) : () -> ()
      %run_scoped3A_190 = arith.constant 6 : i32
      "tpu.region"() ({
        %run_scoped3A_289 = tpu.sem_alloc : memref<!tpu.dma_semaphore, #tpu.memory_space<semaphore_mem>>
        %dma_start3A_290 = arith.constant 256 : i32
        %dma_start3A_291 = tpu.memref_slice %arg7[%dma_start3A_290] : memref<512xf32, #tpu.memory_space<vmem>> -> memref<128xf32, #tpu.memory_space<vmem>>
        %dma_start3A_292 = arith.constant 0 : i32
        %dma_start3A_293 = tpu.memref_slice %arg5[%run_scoped3A_190, %dma_start3A_292] : memref<8x128xi32, #tpu.memory_space<vmem>> -> memref<1x128xi32, #tpu.memory_space<vmem>>
        %dma_start3A_294 = tpu.memref_squeeze %dma_start3A_293 : memref<1x128xi32, #tpu.memory_space<vmem>> -> memref<128xi32, #tpu.memory_space<vmem>>
        %dma_start3A_295 = arith.constant 0 : i32
        %dma_start3A_296 = tpu.memref_slice %arg9[%dma_start3A_295] : memref<106496xf32, #tpu.memory_space<vmem_shared>> -> memref<106496xf32, #tpu.memory_space<vmem_shared>>
        tpu.enqueue_indirect_dma source(%dma_start3A_291 : memref<128xf32, #tpu.memory_space<vmem>>) target(%dma_start3A_296 : memref<106496xf32, #tpu.memory_space<vmem_shared>>) offsets(%dma_start3A_294 : memref<128xi32, #tpu.memory_space<vmem>>) semaphore(%run_scoped3A_289 : memref<!tpu.dma_semaphore, #tpu.memory_space<semaphore_mem>>) {add = true}
        %dma_wait3A_297 = arith.constant 256 : i32
        %dma_wait3A_298 = tpu.memref_slice %arg7[%dma_wait3A_297] : memref<512xf32, #tpu.memory_space<vmem>> -> memref<128xf32, #tpu.memory_space<vmem>>
        %dma_wait3A_299 = arith.constant 0 : i32
        %dma_wait3A_300 = tpu.memref_slice %arg5[%run_scoped3A_190, %dma_wait3A_299] : memref<8x128xi32, #tpu.memory_space<vmem>> -> memref<1x128xi32, #tpu.memory_space<vmem>>
        %dma_wait3A_301 = tpu.memref_squeeze %dma_wait3A_300 : memref<1x128xi32, #tpu.memory_space<vmem>> -> memref<128xi32, #tpu.memory_space<vmem>>
        %dma_wait3A_302 = arith.constant 0 : i32
        %dma_wait3A_303 = tpu.memref_slice %arg9[%dma_wait3A_302] : memref<106496xf32, #tpu.memory_space<vmem_shared>> -> memref<106496xf32, #tpu.memory_space<vmem_shared>>
        tpu.wait_indirect_dma semaphore(%run_scoped3A_289 : memref<!tpu.dma_semaphore, #tpu.memory_space<semaphore_mem>>) src(%dma_wait3A_298 : memref<128xf32, #tpu.memory_space<vmem>>) dst(%dma_wait3A_303 : memref<106496xf32, #tpu.memory_space<vmem_shared>>)
        tpu.yield
      }) : () -> ()
      %run_scoped3A_191 = arith.constant 7 : i32
      "tpu.region"() ({
        %run_scoped3A_289 = tpu.sem_alloc : memref<!tpu.dma_semaphore, #tpu.memory_space<semaphore_mem>>
        %dma_start3A_290 = arith.constant 384 : i32
        %dma_start3A_291 = tpu.memref_slice %arg7[%dma_start3A_290] : memref<512xf32, #tpu.memory_space<vmem>> -> memref<128xf32, #tpu.memory_space<vmem>>
        %dma_start3A_292 = arith.constant 0 : i32
        %dma_start3A_293 = tpu.memref_slice %arg5[%run_scoped3A_191, %dma_start3A_292] : memref<8x128xi32, #tpu.memory_space<vmem>> -> memref<1x128xi32, #tpu.memory_space<vmem>>
        %dma_start3A_294 = tpu.memref_squeeze %dma_start3A_293 : memref<1x128xi32, #tpu.memory_space<vmem>> -> memref<128xi32, #tpu.memory_space<vmem>>
        %dma_start3A_295 = arith.constant 0 : i32
        %dma_start3A_296 = tpu.memref_slice %arg9[%dma_start3A_295] : memref<106496xf32, #tpu.memory_space<vmem_shared>> -> memref<106496xf32, #tpu.memory_space<vmem_shared>>
        tpu.enqueue_indirect_dma source(%dma_start3A_291 : memref<128xf32, #tpu.memory_space<vmem>>) target(%dma_start3A_296 : memref<106496xf32, #tpu.memory_space<vmem_shared>>) offsets(%dma_start3A_294 : memref<128xi32, #tpu.memory_space<vmem>>) semaphore(%run_scoped3A_289 : memref<!tpu.dma_semaphore, #tpu.memory_space<semaphore_mem>>) {add = true}
        %dma_wait3A_297 = arith.constant 384 : i32
        %dma_wait3A_298 = tpu.memref_slice %arg7[%dma_wait3A_297] : memref<512xf32, #tpu.memory_space<vmem>> -> memref<128xf32, #tpu.memory_space<vmem>>
        %dma_wait3A_299 = arith.constant 0 : i32
        %dma_wait3A_300 = tpu.memref_slice %arg5[%run_scoped3A_191, %dma_wait3A_299] : memref<8x128xi32, #tpu.memory_space<vmem>> -> memref<1x128xi32, #tpu.memory_space<vmem>>
        %dma_wait3A_301 = tpu.memref_squeeze %dma_wait3A_300 : memref<1x128xi32, #tpu.memory_space<vmem>> -> memref<128xi32, #tpu.memory_space<vmem>>
        %dma_wait3A_302 = arith.constant 0 : i32
        %dma_wait3A_303 = tpu.memref_slice %arg9[%dma_wait3A_302] : memref<106496xf32, #tpu.memory_space<vmem_shared>> -> memref<106496xf32, #tpu.memory_space<vmem_shared>>
        tpu.wait_indirect_dma semaphore(%run_scoped3A_289 : memref<!tpu.dma_semaphore, #tpu.memory_space<semaphore_mem>>) src(%dma_wait3A_298 : memref<128xf32, #tpu.memory_space<vmem>>) dst(%dma_wait3A_303 : memref<106496xf32, #tpu.memory_space<vmem_shared>>)
        tpu.yield
      }) : () -> ()
      %mul3A_192 = arith.constant 2 : i32
      %mul3A_193 = arith.muli %mul3A_192, %scan3A_117 : i32
      %add3A_194 = arith.constant 2 : i32
      %add3A_195 = arith.addi %mul3A_193, %add3A_194 : i32
      %add3A_196 = arith.addi %mul3A_18, %add3A_195 : i32
      %mul3A_197 = arith.constant 8 : i32
      %mul3A_198 = arith.muli %add3A_196, %mul3A_197 : i32
      %dma_start3A_199 = arith.constant 0 : i32
      %dma_start3A_200 = tpu.memref_slice %arg3[%mul3A_198, %dma_start3A_199] : memref<50192x128xi32, #tpu.memory_space<hbm>> -> memref<8x128xi32, #tpu.memory_space<hbm>>
      %dma_start3A_201 = arith.constant 0 : i32
      %dma_start3A_202 = tpu.memref_slice %arg3[%mul3A_198, %dma_start3A_201] : memref<50192x128xi32, #tpu.memory_space<hbm>> -> memref<8x128xi32, #tpu.memory_space<hbm>>
      tpu.enqueue_dma source(%dma_start3A_202 : memref<8x128xi32, #tpu.memory_space<hbm>>) target(%arg5 : memref<8x128xi32, #tpu.memory_space<vmem>>) target_semaphore(%arg12 : memref<!tpu.dma_semaphore, #tpu.memory_space<semaphore_mem>>)
      %dma_wait3A_203 = arith.constant 0 : i32
      %dma_wait3A_204 = tpu.memref_slice %arg8[%dma_wait3A_203] : memref<512xf32, #tpu.memory_space<vmem>> -> memref<128xf32, #tpu.memory_space<vmem>>
      %dma_wait3A_205 = arith.constant 0 : i32
      %dma_wait3A_206 = tpu.memref_slice %arg2[%dma_wait3A_205] : memref<106496xf32, #tpu.memory_space<hbm>> -> memref<128xf32, #tpu.memory_space<hbm>>
      %dma_wait3A_207 = arith.constant 0 : i32
      %dma_wait3A_208 = tpu.memref_slice %arg8[%dma_wait3A_207] : memref<512xf32, #tpu.memory_space<vmem>> -> memref<128xf32, #tpu.memory_space<vmem>>
      %dma_wait3A_209 = arith.constant 0 : i32
      %dma_wait3A_210 = tpu.memref_slice %arg2[%dma_wait3A_209] : memref<106496xf32, #tpu.memory_space<hbm>> -> memref<128xf32, #tpu.memory_space<hbm>>
      tpu.wait_dma2 semaphore(%arg11 : memref<!tpu.dma_semaphore, #tpu.memory_space<semaphore_mem>>) src(%dma_wait3A_210 : memref<128xf32, #tpu.memory_space<hbm>>) dst(%dma_wait3A_208 : memref<128xf32, #tpu.memory_space<vmem>>)
      %dma_wait3A_211 = arith.constant 128 : i32
      %dma_wait3A_212 = tpu.memref_slice %arg8[%dma_wait3A_211] : memref<512xf32, #tpu.memory_space<vmem>> -> memref<128xf32, #tpu.memory_space<vmem>>
      %dma_wait3A_213 = arith.constant 0 : i32
      %dma_wait3A_214 = tpu.memref_slice %arg2[%dma_wait3A_213] : memref<106496xf32, #tpu.memory_space<hbm>> -> memref<128xf32, #tpu.memory_space<hbm>>
      %dma_wait3A_215 = arith.constant 128 : i32
      %dma_wait3A_216 = tpu.memref_slice %arg8[%dma_wait3A_215] : memref<512xf32, #tpu.memory_space<vmem>> -> memref<128xf32, #tpu.memory_space<vmem>>
      %dma_wait3A_217 = arith.constant 0 : i32
      %dma_wait3A_218 = tpu.memref_slice %arg2[%dma_wait3A_217] : memref<106496xf32, #tpu.memory_space<hbm>> -> memref<128xf32, #tpu.memory_space<hbm>>
      tpu.wait_dma2 semaphore(%arg11 : memref<!tpu.dma_semaphore, #tpu.memory_space<semaphore_mem>>) src(%dma_wait3A_218 : memref<128xf32, #tpu.memory_space<hbm>>) dst(%dma_wait3A_216 : memref<128xf32, #tpu.memory_space<vmem>>)
      %dma_wait3A_219 = arith.constant 256 : i32
      %dma_wait3A_220 = tpu.memref_slice %arg8[%dma_wait3A_219] : memref<512xf32, #tpu.memory_space<vmem>> -> memref<128xf32, #tpu.memory_space<vmem>>
      %dma_wait3A_221 = arith.constant 0 : i32
      %dma_wait3A_222 = tpu.memref_slice %arg2[%dma_wait3A_221] : memref<106496xf32, #tpu.memory_space<hbm>> -> memref<128xf32, #tpu.memory_space<hbm>>
      %dma_wait3A_223 = arith.constant 256 : i32
      %dma_wait3A_224 = tpu.memref_slice %arg8[%dma_wait3A_223] : memref<512xf32, #tpu.memory_space<vmem>> -> memref<128xf32, #tpu.memory_space<vmem>>
      %dma_wait3A_225 = arith.constant 0 : i32
      %dma_wait3A_226 = tpu.memref_slice %arg2[%dma_wait3A_225] : memref<106496xf32, #tpu.memory_space<hbm>> -> memref<128xf32, #tpu.memory_space<hbm>>
      tpu.wait_dma2 semaphore(%arg11 : memref<!tpu.dma_semaphore, #tpu.memory_space<semaphore_mem>>) src(%dma_wait3A_226 : memref<128xf32, #tpu.memory_space<hbm>>) dst(%dma_wait3A_224 : memref<128xf32, #tpu.memory_space<vmem>>)
      %dma_wait3A_227 = arith.constant 384 : i32
      %dma_wait3A_228 = tpu.memref_slice %arg8[%dma_wait3A_227] : memref<512xf32, #tpu.memory_space<vmem>> -> memref<128xf32, #tpu.memory_space<vmem>>
      %dma_wait3A_229 = arith.constant 0 : i32
      %dma_wait3A_230 = tpu.memref_slice %arg2[%dma_wait3A_229] : memref<106496xf32, #tpu.memory_space<hbm>> -> memref<128xf32, #tpu.memory_space<hbm>>
      %dma_wait3A_231 = arith.constant 384 : i32
      %dma_wait3A_232 = tpu.memref_slice %arg8[%dma_wait3A_231] : memref<512xf32, #tpu.memory_space<vmem>> -> memref<128xf32, #tpu.memory_space<vmem>>
      %dma_wait3A_233 = arith.constant 0 : i32
      %dma_wait3A_234 = tpu.memref_slice %arg2[%dma_wait3A_233] : memref<106496xf32, #tpu.memory_space<hbm>> -> memref<128xf32, #tpu.memory_space<hbm>>
      tpu.wait_dma2 semaphore(%arg11 : memref<!tpu.dma_semaphore, #tpu.memory_space<semaphore_mem>>) src(%dma_wait3A_234 : memref<128xf32, #tpu.memory_space<hbm>>) dst(%dma_wait3A_232 : memref<128xf32, #tpu.memory_space<vmem>>)
      %run_scoped3A_235 = arith.constant 4 : i32
      "tpu.region"() ({
        %run_scoped3A_289 = tpu.sem_alloc : memref<!tpu.dma_semaphore, #tpu.memory_space<semaphore_mem>>
        %dma_start3A_290 = arith.constant 0 : i32
        %dma_start3A_291 = tpu.memref_slice %arg8[%dma_start3A_290] : memref<512xf32, #tpu.memory_space<vmem>> -> memref<128xf32, #tpu.memory_space<vmem>>
        %dma_start3A_292 = arith.constant 0 : i32
        %dma_start3A_293 = tpu.memref_slice %arg6[%run_scoped3A_235, %dma_start3A_292] : memref<8x128xi32, #tpu.memory_space<vmem>> -> memref<1x128xi32, #tpu.memory_space<vmem>>
        %dma_start3A_294 = tpu.memref_squeeze %dma_start3A_293 : memref<1x128xi32, #tpu.memory_space<vmem>> -> memref<128xi32, #tpu.memory_space<vmem>>
        %dma_start3A_295 = arith.constant 0 : i32
        %dma_start3A_296 = tpu.memref_slice %arg9[%dma_start3A_295] : memref<106496xf32, #tpu.memory_space<vmem_shared>> -> memref<106496xf32, #tpu.memory_space<vmem_shared>>
        tpu.enqueue_indirect_dma source(%dma_start3A_291 : memref<128xf32, #tpu.memory_space<vmem>>) target(%dma_start3A_296 : memref<106496xf32, #tpu.memory_space<vmem_shared>>) offsets(%dma_start3A_294 : memref<128xi32, #tpu.memory_space<vmem>>) semaphore(%run_scoped3A_289 : memref<!tpu.dma_semaphore, #tpu.memory_space<semaphore_mem>>) {add = true}
        %dma_wait3A_297 = arith.constant 0 : i32
        %dma_wait3A_298 = tpu.memref_slice %arg8[%dma_wait3A_297] : memref<512xf32, #tpu.memory_space<vmem>> -> memref<128xf32, #tpu.memory_space<vmem>>
        %dma_wait3A_299 = arith.constant 0 : i32
        %dma_wait3A_300 = tpu.memref_slice %arg6[%run_scoped3A_235, %dma_wait3A_299] : memref<8x128xi32, #tpu.memory_space<vmem>> -> memref<1x128xi32, #tpu.memory_space<vmem>>
        %dma_wait3A_301 = tpu.memref_squeeze %dma_wait3A_300 : memref<1x128xi32, #tpu.memory_space<vmem>> -> memref<128xi32, #tpu.memory_space<vmem>>
        %dma_wait3A_302 = arith.constant 0 : i32
        %dma_wait3A_303 = tpu.memref_slice %arg9[%dma_wait3A_302] : memref<106496xf32, #tpu.memory_space<vmem_shared>> -> memref<106496xf32, #tpu.memory_space<vmem_shared>>
        tpu.wait_indirect_dma semaphore(%run_scoped3A_289 : memref<!tpu.dma_semaphore, #tpu.memory_space<semaphore_mem>>) src(%dma_wait3A_298 : memref<128xf32, #tpu.memory_space<vmem>>) dst(%dma_wait3A_303 : memref<106496xf32, #tpu.memory_space<vmem_shared>>)
        tpu.yield
      }) : () -> ()
      %run_scoped3A_236 = arith.constant 5 : i32
      "tpu.region"() ({
        %run_scoped3A_289 = tpu.sem_alloc : memref<!tpu.dma_semaphore, #tpu.memory_space<semaphore_mem>>
        %dma_start3A_290 = arith.constant 128 : i32
        %dma_start3A_291 = tpu.memref_slice %arg8[%dma_start3A_290] : memref<512xf32, #tpu.memory_space<vmem>> -> memref<128xf32, #tpu.memory_space<vmem>>
        %dma_start3A_292 = arith.constant 0 : i32
        %dma_start3A_293 = tpu.memref_slice %arg6[%run_scoped3A_236, %dma_start3A_292] : memref<8x128xi32, #tpu.memory_space<vmem>> -> memref<1x128xi32, #tpu.memory_space<vmem>>
        %dma_start3A_294 = tpu.memref_squeeze %dma_start3A_293 : memref<1x128xi32, #tpu.memory_space<vmem>> -> memref<128xi32, #tpu.memory_space<vmem>>
        %dma_start3A_295 = arith.constant 0 : i32
        %dma_start3A_296 = tpu.memref_slice %arg9[%dma_start3A_295] : memref<106496xf32, #tpu.memory_space<vmem_shared>> -> memref<106496xf32, #tpu.memory_space<vmem_shared>>
        tpu.enqueue_indirect_dma source(%dma_start3A_291 : memref<128xf32, #tpu.memory_space<vmem>>) target(%dma_start3A_296 : memref<106496xf32, #tpu.memory_space<vmem_shared>>) offsets(%dma_start3A_294 : memref<128xi32, #tpu.memory_space<vmem>>) semaphore(%run_scoped3A_289 : memref<!tpu.dma_semaphore, #tpu.memory_space<semaphore_mem>>) {add = true}
        %dma_wait3A_297 = arith.constant 128 : i32
        %dma_wait3A_298 = tpu.memref_slice %arg8[%dma_wait3A_297] : memref<512xf32, #tpu.memory_space<vmem>> -> memref<128xf32, #tpu.memory_space<vmem>>
        %dma_wait3A_299 = arith.constant 0 : i32
        %dma_wait3A_300 = tpu.memref_slice %arg6[%run_scoped3A_236, %dma_wait3A_299] : memref<8x128xi32, #tpu.memory_space<vmem>> -> memref<1x128xi32, #tpu.memory_space<vmem>>
        %dma_wait3A_301 = tpu.memref_squeeze %dma_wait3A_300 : memref<1x128xi32, #tpu.memory_space<vmem>> -> memref<128xi32, #tpu.memory_space<vmem>>
        %dma_wait3A_302 = arith.constant 0 : i32
        %dma_wait3A_303 = tpu.memref_slice %arg9[%dma_wait3A_302] : memref<106496xf32, #tpu.memory_space<vmem_shared>> -> memref<106496xf32, #tpu.memory_space<vmem_shared>>
        tpu.wait_indirect_dma semaphore(%run_scoped3A_289 : memref<!tpu.dma_semaphore, #tpu.memory_space<semaphore_mem>>) src(%dma_wait3A_298 : memref<128xf32, #tpu.memory_space<vmem>>) dst(%dma_wait3A_303 : memref<106496xf32, #tpu.memory_space<vmem_shared>>)
        tpu.yield
      }) : () -> ()
      %run_scoped3A_237 = arith.constant 6 : i32
      "tpu.region"() ({
        %run_scoped3A_289 = tpu.sem_alloc : memref<!tpu.dma_semaphore, #tpu.memory_space<semaphore_mem>>
        %dma_start3A_290 = arith.constant 256 : i32
        %dma_start3A_291 = tpu.memref_slice %arg8[%dma_start3A_290] : memref<512xf32, #tpu.memory_space<vmem>> -> memref<128xf32, #tpu.memory_space<vmem>>
        %dma_start3A_292 = arith.constant 0 : i32
        %dma_start3A_293 = tpu.memref_slice %arg6[%run_scoped3A_237, %dma_start3A_292] : memref<8x128xi32, #tpu.memory_space<vmem>> -> memref<1x128xi32, #tpu.memory_space<vmem>>
        %dma_start3A_294 = tpu.memref_squeeze %dma_start3A_293 : memref<1x128xi32, #tpu.memory_space<vmem>> -> memref<128xi32, #tpu.memory_space<vmem>>
        %dma_start3A_295 = arith.constant 0 : i32
        %dma_start3A_296 = tpu.memref_slice %arg9[%dma_start3A_295] : memref<106496xf32, #tpu.memory_space<vmem_shared>> -> memref<106496xf32, #tpu.memory_space<vmem_shared>>
        tpu.enqueue_indirect_dma source(%dma_start3A_291 : memref<128xf32, #tpu.memory_space<vmem>>) target(%dma_start3A_296 : memref<106496xf32, #tpu.memory_space<vmem_shared>>) offsets(%dma_start3A_294 : memref<128xi32, #tpu.memory_space<vmem>>) semaphore(%run_scoped3A_289 : memref<!tpu.dma_semaphore, #tpu.memory_space<semaphore_mem>>) {add = true}
        %dma_wait3A_297 = arith.constant 256 : i32
        %dma_wait3A_298 = tpu.memref_slice %arg8[%dma_wait3A_297] : memref<512xf32, #tpu.memory_space<vmem>> -> memref<128xf32, #tpu.memory_space<vmem>>
        %dma_wait3A_299 = arith.constant 0 : i32
        %dma_wait3A_300 = tpu.memref_slice %arg6[%run_scoped3A_237, %dma_wait3A_299] : memref<8x128xi32, #tpu.memory_space<vmem>> -> memref<1x128xi32, #tpu.memory_space<vmem>>
        %dma_wait3A_301 = tpu.memref_squeeze %dma_wait3A_300 : memref<1x128xi32, #tpu.memory_space<vmem>> -> memref<128xi32, #tpu.memory_space<vmem>>
        %dma_wait3A_302 = arith.constant 0 : i32
        %dma_wait3A_303 = tpu.memref_slice %arg9[%dma_wait3A_302] : memref<106496xf32, #tpu.memory_space<vmem_shared>> -> memref<106496xf32, #tpu.memory_space<vmem_shared>>
        tpu.wait_indirect_dma semaphore(%run_scoped3A_289 : memref<!tpu.dma_semaphore, #tpu.memory_space<semaphore_mem>>) src(%dma_wait3A_298 : memref<128xf32, #tpu.memory_space<vmem>>) dst(%dma_wait3A_303 : memref<106496xf32, #tpu.memory_space<vmem_shared>>)
        tpu.yield
      }) : () -> ()
      %run_scoped3A_238 = arith.constant 7 : i32
      "tpu.region"() ({
        %run_scoped3A_289 = tpu.sem_alloc : memref<!tpu.dma_semaphore, #tpu.memory_space<semaphore_mem>>
        %dma_start3A_290 = arith.constant 384 : i32
        %dma_start3A_291 = tpu.memref_slice %arg8[%dma_start3A_290] : memref<512xf32, #tpu.memory_space<vmem>> -> memref<128xf32, #tpu.memory_space<vmem>>
        %dma_start3A_292 = arith.constant 0 : i32
        %dma_start3A_293 = tpu.memref_slice %arg6[%run_scoped3A_238, %dma_start3A_292] : memref<8x128xi32, #tpu.memory_space<vmem>> -> memref<1x128xi32, #tpu.memory_space<vmem>>
        %dma_start3A_294 = tpu.memref_squeeze %dma_start3A_293 : memref<1x128xi32, #tpu.memory_space<vmem>> -> memref<128xi32, #tpu.memory_space<vmem>>
        %dma_start3A_295 = arith.constant 0 : i32
        %dma_start3A_296 = tpu.memref_slice %arg9[%dma_start3A_295] : memref<106496xf32, #tpu.memory_space<vmem_shared>> -> memref<106496xf32, #tpu.memory_space<vmem_shared>>
        tpu.enqueue_indirect_dma source(%dma_start3A_291 : memref<128xf32, #tpu.memory_space<vmem>>) target(%dma_start3A_296 : memref<106496xf32, #tpu.memory_space<vmem_shared>>) offsets(%dma_start3A_294 : memref<128xi32, #tpu.memory_space<vmem>>) semaphore(%run_scoped3A_289 : memref<!tpu.dma_semaphore, #tpu.memory_space<semaphore_mem>>) {add = true}
        %dma_wait3A_297 = arith.constant 384 : i32
        %dma_wait3A_298 = tpu.memref_slice %arg8[%dma_wait3A_297] : memref<512xf32, #tpu.memory_space<vmem>> -> memref<128xf32, #tpu.memory_space<vmem>>
        %dma_wait3A_299 = arith.constant 0 : i32
        %dma_wait3A_300 = tpu.memref_slice %arg6[%run_scoped3A_238, %dma_wait3A_299] : memref<8x128xi32, #tpu.memory_space<vmem>> -> memref<1x128xi32, #tpu.memory_space<vmem>>
        %dma_wait3A_301 = tpu.memref_squeeze %dma_wait3A_300 : memref<1x128xi32, #tpu.memory_space<vmem>> -> memref<128xi32, #tpu.memory_space<vmem>>
        %dma_wait3A_302 = arith.constant 0 : i32
        %dma_wait3A_303 = tpu.memref_slice %arg9[%dma_wait3A_302] : memref<106496xf32, #tpu.memory_space<vmem_shared>> -> memref<106496xf32, #tpu.memory_space<vmem_shared>>
        tpu.wait_indirect_dma semaphore(%run_scoped3A_289 : memref<!tpu.dma_semaphore, #tpu.memory_space<semaphore_mem>>) src(%dma_wait3A_298 : memref<128xf32, #tpu.memory_space<vmem>>) dst(%dma_wait3A_303 : memref<106496xf32, #tpu.memory_space<vmem_shared>>)
        tpu.yield
      }) : () -> ()
      %dma_wait3A_239 = arith.constant 0 : i32
      %dma_wait3A_240 = arith.constant 0 : i32
      %dma_wait3A_241 = tpu.memref_slice %arg3[%dma_wait3A_239, %dma_wait3A_240] : memref<50192x128xi32, #tpu.memory_space<hbm>> -> memref<8x128xi32, #tpu.memory_space<hbm>>
      %dma_wait3A_242 = arith.constant 0 : i32
      %dma_wait3A_243 = arith.constant 0 : i32
      %dma_wait3A_244 = tpu.memref_slice %arg3[%dma_wait3A_242, %dma_wait3A_243] : memref<50192x128xi32, #tpu.memory_space<hbm>> -> memref<8x128xi32, #tpu.memory_space<hbm>>
      tpu.wait_dma2 semaphore(%arg12 : memref<!tpu.dma_semaphore, #tpu.memory_space<semaphore_mem>>) src(%dma_wait3A_244 : memref<8x128xi32, #tpu.memory_space<hbm>>) dst(%arg5 : memref<8x128xi32, #tpu.memory_space<vmem>>)
      %dma_start3A_245 = arith.constant 0 : i32
      %dma_start3A_246 = arith.constant 0 : i32
      %dma_start3A_247 = tpu.memref_slice %arg7[%dma_start3A_246] : memref<512xf32, #tpu.memory_space<vmem>> -> memref<128xf32, #tpu.memory_space<vmem>>
      %dma_start3A_248 = arith.constant 0 : i32
      %dma_start3A_249 = tpu.memref_slice %arg5[%dma_start3A_245, %dma_start3A_248] : memref<8x128xi32, #tpu.memory_space<vmem>> -> memref<1x128xi32, #tpu.memory_space<vmem>>
      %dma_start3A_250 = tpu.memref_squeeze %dma_start3A_249 : memref<1x128xi32, #tpu.memory_space<vmem>> -> memref<128xi32, #tpu.memory_space<vmem>>
      %dma_start3A_251 = arith.constant 0 : i32
      %dma_start3A_252 = tpu.memref_slice %arg2[%dma_start3A_251] : memref<106496xf32, #tpu.memory_space<hbm>> -> memref<106496xf32, #tpu.memory_space<hbm>>
      tpu.enqueue_indirect_dma source(%dma_start3A_252 : memref<106496xf32, #tpu.memory_space<hbm>>) target(%dma_start3A_247 : memref<128xf32, #tpu.memory_space<vmem>>) offsets(%dma_start3A_250 : memref<128xi32, #tpu.memory_space<vmem>>) semaphore(%arg10 : memref<!tpu.dma_semaphore, #tpu.memory_space<semaphore_mem>>)
      %dma_start3A_253 = arith.constant 1 : i32
      %dma_start3A_254 = arith.constant 128 : i32
      %dma_start3A_255 = tpu.memref_slice %arg7[%dma_start3A_254] : memref<512xf32, #tpu.memory_space<vmem>> -> memref<128xf32, #tpu.memory_space<vmem>>
      %dma_start3A_256 = arith.constant 0 : i32
      %dma_start3A_257 = tpu.memref_slice %arg5[%dma_start3A_253, %dma_start3A_256] : memref<8x128xi32, #tpu.memory_space<vmem>> -> memref<1x128xi32, #tpu.memory_space<vmem>>
      %dma_start3A_258 = tpu.memref_squeeze %dma_start3A_257 : memref<1x128xi32, #tpu.memory_space<vmem>> -> memref<128xi32, #tpu.memory_space<vmem>>
      %dma_start3A_259 = arith.constant 0 : i32
      %dma_start3A_260 = tpu.memref_slice %arg2[%dma_start3A_259] : memref<106496xf32, #tpu.memory_space<hbm>> -> memref<106496xf32, #tpu.memory_space<hbm>>
      tpu.enqueue_indirect_dma source(%dma_start3A_260 : memref<106496xf32, #tpu.memory_space<hbm>>) target(%dma_start3A_255 : memref<128xf32, #tpu.memory_space<vmem>>) offsets(%dma_start3A_258 : memref<128xi32, #tpu.memory_space<vmem>>) semaphore(%arg10 : memref<!tpu.dma_semaphore, #tpu.memory_space<semaphore_mem>>)
      %dma_start3A_261 = arith.constant 2 : i32
      %dma_start3A_262 = arith.constant 256 : i32
      %dma_start3A_263 = tpu.memref_slice %arg7[%dma_start3A_262] : memref<512xf32, #tpu.memory_space<vmem>> -> memref<128xf32, #tpu.memory_space<vmem>>
      %dma_start3A_264 = arith.constant 0 : i32
      %dma_start3A_265 = tpu.memref_slice %arg5[%dma_start3A_261, %dma_start3A_264] : memref<8x128xi32, #tpu.memory_space<vmem>> -> memref<1x128xi32, #tpu.memory_space<vmem>>
      %dma_start3A_266 = tpu.memref_squeeze %dma_start3A_265 : memref<1x128xi32, #tpu.memory_space<vmem>> -> memref<128xi32, #tpu.memory_space<vmem>>
      %dma_start3A_267 = arith.constant 0 : i32
      %dma_start3A_268 = tpu.memref_slice %arg2[%dma_start3A_267] : memref<106496xf32, #tpu.memory_space<hbm>> -> memref<106496xf32, #tpu.memory_space<hbm>>
      tpu.enqueue_indirect_dma source(%dma_start3A_268 : memref<106496xf32, #tpu.memory_space<hbm>>) target(%dma_start3A_263 : memref<128xf32, #tpu.memory_space<vmem>>) offsets(%dma_start3A_266 : memref<128xi32, #tpu.memory_space<vmem>>) semaphore(%arg10 : memref<!tpu.dma_semaphore, #tpu.memory_space<semaphore_mem>>)
      %dma_start3A_269 = arith.constant 3 : i32
      %dma_start3A_270 = arith.constant 384 : i32
      %dma_start3A_271 = tpu.memref_slice %arg7[%dma_start3A_270] : memref<512xf32, #tpu.memory_space<vmem>> -> memref<128xf32, #tpu.memory_space<vmem>>
      %dma_start3A_272 = arith.constant 0 : i32
      %dma_start3A_273 = tpu.memref_slice %arg5[%dma_start3A_269, %dma_start3A_272] : memref<8x128xi32, #tpu.memory_space<vmem>> -> memref<1x128xi32, #tpu.memory_space<vmem>>
      %dma_start3A_274 = tpu.memref_squeeze %dma_start3A_273 : memref<1x128xi32, #tpu.memory_space<vmem>> -> memref<128xi32, #tpu.memory_space<vmem>>
      %dma_start3A_275 = arith.constant 0 : i32
      %dma_start3A_276 = tpu.memref_slice %arg2[%dma_start3A_275] : memref<106496xf32, #tpu.memory_space<hbm>> -> memref<106496xf32, #tpu.memory_space<hbm>>
      tpu.enqueue_indirect_dma source(%dma_start3A_276 : memref<106496xf32, #tpu.memory_space<hbm>>) target(%dma_start3A_271 : memref<128xf32, #tpu.memory_space<vmem>>) offsets(%dma_start3A_274 : memref<128xi32, #tpu.memory_space<vmem>>) semaphore(%arg10 : memref<!tpu.dma_semaphore, #tpu.memory_space<semaphore_mem>>)
      %mul3A_277 = arith.constant 2 : i32
      %mul3A_278 = arith.muli %mul3A_277, %scan3A_117 : i32
      %add3A_279 = arith.constant 3 : i32
      %add3A_280 = arith.addi %mul3A_278, %add3A_279 : i32
      %add3A_281 = arith.addi %mul3A_18, %add3A_280 : i32
      %mul3A_282 = arith.constant 8 : i32
      %mul3A_283 = arith.muli %add3A_281, %mul3A_282 : i32
      %dma_start3A_284 = arith.constant 0 : i32
      %dma_start3A_285 = tpu.memref_slice %arg3[%mul3A_283, %dma_start3A_284] : memref<50192x128xi32, #tpu.memory_space<hbm>> -> memref<8x128xi32, #tpu.memory_space<hbm>>
      %dma_start3A_286 = arith.constant 0 : i32
      %dma_start3A_287 = tpu.memref_slice %arg3[%mul3A_283, %dma_start3A_286] : memref<50192x128xi32, #tpu.memory_space<hbm>> -> memref<8x128xi32, #tpu.memory_space<hbm>>
      tpu.enqueue_dma source(%dma_start3A_287 : memref<8x128xi32, #tpu.memory_space<hbm>>) target(%arg6 : memref<8x128xi32, #tpu.memory_space<vmem>>) target_semaphore(%arg13 : memref<!tpu.dma_semaphore, #tpu.memory_space<semaphore_mem>>)
      %scan3A_288 = arith.constant 0 : i32
      scf.yield %scan3A_288 : i32
    }
    %scan3A_77 = arith.constant 98 : i32
    %dma_wait3A_78 = arith.constant 0 : i32
    %dma_wait3A_79 = tpu.memref_slice %arg7[%dma_wait3A_78] : memref<512xf32, #tpu.memory_space<vmem>> -> memref<128xf32, #tpu.memory_space<vmem>>
    %dma_wait3A_80 = arith.constant 0 : i32
    %dma_wait3A_81 = tpu.memref_slice %arg2[%dma_wait3A_80] : memref<106496xf32, #tpu.memory_space<hbm>> -> memref<128xf32, #tpu.memory_space<hbm>>
    %dma_wait3A_82 = arith.constant 0 : i32
    %dma_wait3A_83 = tpu.memref_slice %arg7[%dma_wait3A_82] : memref<512xf32, #tpu.memory_space<vmem>> -> memref<128xf32, #tpu.memory_space<vmem>>
    %dma_wait3A_84 = arith.constant 0 : i32
    %dma_wait3A_85 = tpu.memref_slice %arg2[%dma_wait3A_84] : memref<106496xf32, #tpu.memory_space<hbm>> -> memref<128xf32, #tpu.memory_space<hbm>>
    tpu.wait_dma2 semaphore(%arg10 : memref<!tpu.dma_semaphore, #tpu.memory_space<semaphore_mem>>) src(%dma_wait3A_85 : memref<128xf32, #tpu.memory_space<hbm>>) dst(%dma_wait3A_83 : memref<128xf32, #tpu.memory_space<vmem>>)
    %dma_wait3A_86 = arith.constant 128 : i32
    %dma_wait3A_87 = tpu.memref_slice %arg7[%dma_wait3A_86] : memref<512xf32, #tpu.memory_space<vmem>> -> memref<128xf32, #tpu.memory_space<vmem>>
    %dma_wait3A_88 = arith.constant 0 : i32
    %dma_wait3A_89 = tpu.memref_slice %arg2[%dma_wait3A_88] : memref<106496xf32, #tpu.memory_space<hbm>> -> memref<128xf32, #tpu.memory_space<hbm>>
    %dma_wait3A_90 = arith.constant 128 : i32
    %dma_wait3A_91 = tpu.memref_slice %arg7[%dma_wait3A_90] : memref<512xf32, #tpu.memory_space<vmem>> -> memref<128xf32, #tpu.memory_space<vmem>>
    %dma_wait3A_92 = arith.constant 0 : i32
    %dma_wait3A_93 = tpu.memref_slice %arg2[%dma_wait3A_92] : memref<106496xf32, #tpu.memory_space<hbm>> -> memref<128xf32, #tpu.memory_space<hbm>>
    tpu.wait_dma2 semaphore(%arg10 : memref<!tpu.dma_semaphore, #tpu.memory_space<semaphore_mem>>) src(%dma_wait3A_93 : memref<128xf32, #tpu.memory_space<hbm>>) dst(%dma_wait3A_91 : memref<128xf32, #tpu.memory_space<vmem>>)
    %dma_wait3A_94 = arith.constant 256 : i32
    %dma_wait3A_95 = tpu.memref_slice %arg7[%dma_wait3A_94] : memref<512xf32, #tpu.memory_space<vmem>> -> memref<128xf32, #tpu.memory_space<vmem>>
    %dma_wait3A_96 = arith.constant 0 : i32
    %dma_wait3A_97 = tpu.memref_slice %arg2[%dma_wait3A_96] : memref<106496xf32, #tpu.memory_space<hbm>> -> memref<128xf32, #tpu.memory_space<hbm>>
    %dma_wait3A_98 = arith.constant 256 : i32
    %dma_wait3A_99 = tpu.memref_slice %arg7[%dma_wait3A_98] : memref<512xf32, #tpu.memory_space<vmem>> -> memref<128xf32, #tpu.memory_space<vmem>>
    %dma_wait3A_100 = arith.constant 0 : i32
    %dma_wait3A_101 = tpu.memref_slice %arg2[%dma_wait3A_100] : memref<106496xf32, #tpu.memory_space<hbm>> -> memref<128xf32, #tpu.memory_space<hbm>>
    tpu.wait_dma2 semaphore(%arg10 : memref<!tpu.dma_semaphore, #tpu.memory_space<semaphore_mem>>) src(%dma_wait3A_101 : memref<128xf32, #tpu.memory_space<hbm>>) dst(%dma_wait3A_99 : memref<128xf32, #tpu.memory_space<vmem>>)
    %dma_wait3A_102 = arith.constant 384 : i32
    %dma_wait3A_103 = tpu.memref_slice %arg7[%dma_wait3A_102] : memref<512xf32, #tpu.memory_space<vmem>> -> memref<128xf32, #tpu.memory_space<vmem>>
    %dma_wait3A_104 = arith.constant 0 : i32
    %dma_wait3A_105 = tpu.memref_slice %arg2[%dma_wait3A_104] : memref<106496xf32, #tpu.memory_space<hbm>> -> memref<128xf32, #tpu.memory_space<hbm>>
    %dma_wait3A_106 = arith.constant 384 : i32
    %dma_wait3A_107 = tpu.memref_slice %arg7[%dma_wait3A_106] : memref<512xf32, #tpu.memory_space<vmem>> -> memref<128xf32, #tpu.memory_space<vmem>>
    %dma_wait3A_108 = arith.constant 0 : i32
    %dma_wait3A_109 = tpu.memref_slice %arg2[%dma_wait3A_108] : memref<106496xf32, #tpu.memory_space<hbm>> -> memref<128xf32, #tpu.memory_space<hbm>>
    tpu.wait_dma2 semaphore(%arg10 : memref<!tpu.dma_semaphore, #tpu.memory_space<semaphore_mem>>) src(%dma_wait3A_109 : memref<128xf32, #tpu.memory_space<hbm>>) dst(%dma_wait3A_107 : memref<128xf32, #tpu.memory_space<vmem>>)
    %dma_wait3A_110 = arith.constant 0 : i32
    %dma_wait3A_111 = arith.constant 0 : i32
    %dma_wait3A_112 = tpu.memref_slice %arg3[%dma_wait3A_110, %dma_wait3A_111] : memref<50192x128xi32, #tpu.memory_space<hbm>> -> memref<8x128xi32, #tpu.memory_space<hbm>>
    %dma_wait3A_113 = arith.constant 0 : i32
    %dma_wait3A_114 = arith.constant 0 : i32
    %dma_wait3A_115 = tpu.memref_slice %arg3[%dma_wait3A_113, %dma_wait3A_114] : memref<50192x128xi32, #tpu.memory_space<hbm>> -> memref<8x128xi32, #tpu.memory_space<hbm>>
    tpu.wait_dma2 semaphore(%arg13 : memref<!tpu.dma_semaphore, #tpu.memory_space<semaphore_mem>>) src(%dma_wait3A_115 : memref<8x128xi32, #tpu.memory_space<hbm>>) dst(%arg6 : memref<8x128xi32, #tpu.memory_space<vmem>>)
    %barrier3A_116 = arith.constant 0 : index
    tpu.barrier barrier_id(%barrier3A_116)
    "tpu.region"() ({
      %run_scoped3A = tpu.sem_alloc : memref<!tpu.dma_semaphore, #tpu.memory_space<semaphore_mem>>
      %dma_start3A_117 = arith.constant 0 : i32
      %dma_start3A_118 = tpu.memref_slice %arg4[%arg0, %dma_start3A_117] : memref<2x106496xf32, #tpu.memory_space<hbm>> -> memref<1x106496xf32, #tpu.memory_space<hbm>>
      %dma_start3A_119 = tpu.memref_squeeze %dma_start3A_118 : memref<1x106496xf32, #tpu.memory_space<hbm>> -> memref<106496xf32, #tpu.memory_space<hbm>>
      %dma_start3A_120 = tpu.memref_slice %dma_start3A_119[%mul3A_0] : memref<106496xf32, #tpu.memory_space<hbm>> -> memref<6656xf32, #tpu.memory_space<hbm>>
      %dma_start3A_121 = tpu.memref_slice %arg9[%mul3A_0] : memref<106496xf32, #tpu.memory_space<vmem_shared>> -> memref<6656xf32, #tpu.memory_space<vmem_shared>>
      tpu.enqueue_dma source(%dma_start3A_121 : memref<6656xf32, #tpu.memory_space<vmem_shared>>) target(%dma_start3A_120 : memref<6656xf32, #tpu.memory_space<hbm>>) target_semaphore(%run_scoped3A : memref<!tpu.dma_semaphore, #tpu.memory_space<semaphore_mem>>)
      %dma_wait3A_122 = arith.constant 0 : i32
      %dma_wait3A_123 = tpu.memref_slice %arg4[%arg0, %dma_wait3A_122] : memref<2x106496xf32, #tpu.memory_space<hbm>> -> memref<1x106496xf32, #tpu.memory_space<hbm>>
      %dma_wait3A_124 = tpu.memref_squeeze %dma_wait3A_123 : memref<1x106496xf32, #tpu.memory_space<hbm>> -> memref<106496xf32, #tpu.memory_space<hbm>>
      %dma_wait3A_125 = tpu.memref_slice %dma_wait3A_124[%mul3A_0] : memref<106496xf32, #tpu.memory_space<hbm>> -> memref<6656xf32, #tpu.memory_space<hbm>>
      %dma_wait3A_126 = tpu.memref_slice %arg9[%mul3A_0] : memref<106496xf32, #tpu.memory_space<vmem_shared>> -> memref<6656xf32, #tpu.memory_space<vmem_shared>>
      tpu.wait_dma2 semaphore(%run_scoped3A : memref<!tpu.dma_semaphore, #tpu.memory_space<semaphore_mem>>) src(%dma_wait3A_126 : memref<6656xf32, #tpu.memory_space<vmem_shared>>) dst(%dma_wait3A_125 : memref<6656xf32, #tpu.memory_space<hbm>>)
      tpu.yield
    }) : () -> ()
    return
  }
}

#map = affine_map<(d0, d1) -> (0, 0)>
module attributes {stable_mosaic.version = 14 : i64} {
  func.func @k(%arg0: i32, %arg1: i32, %arg2: memref<25096x128xi32, #tpu.memory_space<hbm>>, %arg3: memref<2x106496xf32, #tpu.memory_space<hbm>>, %arg4: memref<4x128xi32, #tpu.memory_space<vmem>>, %arg5: memref<4x128xi32, #tpu.memory_space<vmem>>, %arg6: memref<512xf32, #tpu.memory_space<vmem>>, %arg7: memref<512xf32, #tpu.memory_space<vmem>>, %arg8: memref<106496xf32, #tpu.memory_space<vmem_shared>>, %arg9: memref<!tpu.dma_semaphore, #tpu.memory_space<semaphore_mem>>, %arg10: memref<!tpu.dma_semaphore, #tpu.memory_space<semaphore_mem>>, %arg11: memref<!tpu.dma_semaphore, #tpu.memory_space<semaphore_mem>>, %arg12: memref<!tpu.dma_semaphore, #tpu.memory_space<semaphore_mem>>) attributes {dimension_semantics = [#tpu.dimension_semantics<core_parallel>, #tpu.dimension_semantics<subcore_parallel>], iteration_bounds = array<i64: 2, 16>, scalar_prefetch = 0 : i64, scratch_operands = 9 : i64, tpu.core_type = #tpu.core_type<sc_vector_subcore>, window_params = [{transform_indices = #map}, {transform_indices = #map}]} {
    %mul3A = arith.constant 6656 : i32
    %mul3A_0 = arith.muli %arg1, %mul3A : i32
    %broadcast_in_dim3A = arith.constant 0.000000e+00 : f32
    %broadcast_in_dim3A_1 = vector.broadcast %broadcast_in_dim3A : f32 to vector<16xf32>
    %scan3A = arith.constant 0 : i32
    %scan3A_2 = arith.constant 0 : i32
    %scan3A_3 = arith.constant 32 : i32
    %scan3A_4 = arith.addi %scan3A_2, %scan3A_3 : i32
    %scan3A_5 = arith.constant 1 : i32
    %scan3A_6 = scf.for %scan3A_81 = %scan3A_2 to %scan3A_4 step %scan3A_5 iter_args(%scan3A_82 = %scan3A) -> (i32)  : i32 {
      %mul3A_83 = arith.constant 16 : i32
      %mul3A_84 = arith.muli %scan3A_81, %mul3A_83 : i32
      %swap3A = arith.index_cast %mul3A_84 : i32 to index
      %swap3A_85 = tpu.vector_load %arg6[%swap3A] {strides = array<i32>} : memref<512xf32, #tpu.memory_space<vmem>>, vector<16xf32>,
      %swap3A_86 = vector.shape_cast %swap3A_85 : vector<16xf32> to vector<16xf32>
      %swap3A_87 = vector.shape_cast %broadcast_in_dim3A_1 : vector<16xf32> to vector<16xf32>
      tpu.vector_store %arg6[%swap3A], %swap3A_87 {strides = array<i32>} : memref<512xf32, #tpu.memory_space<vmem>>, vector<16xf32>,
      %scan3A_88 = arith.constant 0 : i32
      scf.yield %scan3A_88 : i32
    }
    %scan3A_7 = arith.constant 32 : i32
    %add3A = arith.constant 0 : i32
    %add3A_8 = arith.addi %mul3A_0, %add3A : i32
    "tpu.region"() ({
      %run_scoped3A = tpu.sem_alloc : memref<!tpu.dma_semaphore, #tpu.memory_space<semaphore_mem>>
      %dma_start3A_81 = arith.constant 0 : i32
      %dma_start3A_82 = tpu.memref_slice %arg6[%dma_start3A_81] : memref<512xf32, #tpu.memory_space<vmem>> -> memref<512xf32, #tpu.memory_space<vmem>>
      %dma_start3A_83 = tpu.memref_slice %arg8[%add3A_8] : memref<106496xf32, #tpu.memory_space<vmem_shared>> -> memref<512xf32, #tpu.memory_space<vmem_shared>>
      %dma_start3A_84 = tpu.memref_slice %arg8[%add3A_8] : memref<106496xf32, #tpu.memory_space<vmem_shared>> -> memref<512xf32, #tpu.memory_space<vmem_shared>>
      %dma_start3A_85 = arith.constant 0 : i32
      %dma_start3A_86 = tpu.memref_slice %arg6[%dma_start3A_85] : memref<512xf32, #tpu.memory_space<vmem>> -> memref<512xf32, #tpu.memory_space<vmem>>
      tpu.enqueue_dma source(%dma_start3A_86 : memref<512xf32, #tpu.memory_space<vmem>>) target(%dma_start3A_84 : memref<512xf32, #tpu.memory_space<vmem_shared>>) target_semaphore(%run_scoped3A : memref<!tpu.dma_semaphore, #tpu.memory_space<semaphore_mem>>)
      %dma_wait3A_87 = arith.constant 0 : i32
      %dma_wait3A_88 = tpu.memref_slice %arg6[%dma_wait3A_87] : memref<512xf32, #tpu.memory_space<vmem>> -> memref<512xf32, #tpu.memory_space<vmem>>
      %dma_wait3A_89 = tpu.memref_slice %arg8[%add3A_8] : memref<106496xf32, #tpu.memory_space<vmem_shared>> -> memref<512xf32, #tpu.memory_space<vmem_shared>>
      %dma_wait3A_90 = tpu.memref_slice %arg8[%add3A_8] : memref<106496xf32, #tpu.memory_space<vmem_shared>> -> memref<512xf32, #tpu.memory_space<vmem_shared>>
      %dma_wait3A_91 = arith.constant 0 : i32
      %dma_wait3A_92 = tpu.memref_slice %arg6[%dma_wait3A_91] : memref<512xf32, #tpu.memory_space<vmem>> -> memref<512xf32, #tpu.memory_space<vmem>>
      tpu.wait_dma2 semaphore(%run_scoped3A : memref<!tpu.dma_semaphore, #tpu.memory_space<semaphore_mem>>) src(%dma_wait3A_92 : memref<512xf32, #tpu.memory_space<vmem>>) dst(%dma_wait3A_90 : memref<512xf32, #tpu.memory_space<vmem_shared>>)
      tpu.yield
    }) : () -> ()
    %add3A_9 = arith.constant 512 : i32
    %add3A_10 = arith.addi %mul3A_0, %add3A_9 : i32
    "tpu.region"() ({
      %run_scoped3A = tpu.sem_alloc : memref<!tpu.dma_semaphore, #tpu.memory_space<semaphore_mem>>
      %dma_start3A_81 = arith.constant 0 : i32
      %dma_start3A_82 = tpu.memref_slice %arg6[%dma_start3A_81] : memref<512xf32, #tpu.memory_space<vmem>> -> memref<512xf32, #tpu.memory_space<vmem>>
      %dma_start3A_83 = tpu.memref_slice %arg8[%add3A_10] : memref<106496xf32, #tpu.memory_space<vmem_shared>> -> memref<512xf32, #tpu.memory_space<vmem_shared>>
      %dma_start3A_84 = tpu.memref_slice %arg8[%add3A_10] : memref<106496xf32, #tpu.memory_space<vmem_shared>> -> memref<512xf32, #tpu.memory_space<vmem_shared>>
      %dma_start3A_85 = arith.constant 0 : i32
      %dma_start3A_86 = tpu.memref_slice %arg6[%dma_start3A_85] : memref<512xf32, #tpu.memory_space<vmem>> -> memref<512xf32, #tpu.memory_space<vmem>>
      tpu.enqueue_dma source(%dma_start3A_86 : memref<512xf32, #tpu.memory_space<vmem>>) target(%dma_start3A_84 : memref<512xf32, #tpu.memory_space<vmem_shared>>) target_semaphore(%run_scoped3A : memref<!tpu.dma_semaphore, #tpu.memory_space<semaphore_mem>>)
      %dma_wait3A_87 = arith.constant 0 : i32
      %dma_wait3A_88 = tpu.memref_slice %arg6[%dma_wait3A_87] : memref<512xf32, #tpu.memory_space<vmem>> -> memref<512xf32, #tpu.memory_space<vmem>>
      %dma_wait3A_89 = tpu.memref_slice %arg8[%add3A_10] : memref<106496xf32, #tpu.memory_space<vmem_shared>> -> memref<512xf32, #tpu.memory_space<vmem_shared>>
      %dma_wait3A_90 = tpu.memref_slice %arg8[%add3A_10] : memref<106496xf32, #tpu.memory_space<vmem_shared>> -> memref<512xf32, #tpu.memory_space<vmem_shared>>
      %dma_wait3A_91 = arith.constant 0 : i32
      %dma_wait3A_92 = tpu.memref_slice %arg6[%dma_wait3A_91] : memref<512xf32, #tpu.memory_space<vmem>> -> memref<512xf32, #tpu.memory_space<vmem>>
      tpu.wait_dma2 semaphore(%run_scoped3A : memref<!tpu.dma_semaphore, #tpu.memory_space<semaphore_mem>>) src(%dma_wait3A_92 : memref<512xf32, #tpu.memory_space<vmem>>) dst(%dma_wait3A_90 : memref<512xf32, #tpu.memory_space<vmem_shared>>)
      tpu.yield
    }) : () -> ()
    %add3A_11 = arith.constant 1024 : i32
    %add3A_12 = arith.addi %mul3A_0, %add3A_11 : i32
    "tpu.region"() ({
      %run_scoped3A = tpu.sem_alloc : memref<!tpu.dma_semaphore, #tpu.memory_space<semaphore_mem>>
      %dma_start3A_81 = arith.constant 0 : i32
      %dma_start3A_82 = tpu.memref_slice %arg6[%dma_start3A_81] : memref<512xf32, #tpu.memory_space<vmem>> -> memref<512xf32, #tpu.memory_space<vmem>>
      %dma_start3A_83 = tpu.memref_slice %arg8[%add3A_12] : memref<106496xf32, #tpu.memory_space<vmem_shared>> -> memref<512xf32, #tpu.memory_space<vmem_shared>>
      %dma_start3A_84 = tpu.memref_slice %arg8[%add3A_12] : memref<106496xf32, #tpu.memory_space<vmem_shared>> -> memref<512xf32, #tpu.memory_space<vmem_shared>>
      %dma_start3A_85 = arith.constant 0 : i32
      %dma_start3A_86 = tpu.memref_slice %arg6[%dma_start3A_85] : memref<512xf32, #tpu.memory_space<vmem>> -> memref<512xf32, #tpu.memory_space<vmem>>
      tpu.enqueue_dma source(%dma_start3A_86 : memref<512xf32, #tpu.memory_space<vmem>>) target(%dma_start3A_84 : memref<512xf32, #tpu.memory_space<vmem_shared>>) target_semaphore(%run_scoped3A : memref<!tpu.dma_semaphore, #tpu.memory_space<semaphore_mem>>)
      %dma_wait3A_87 = arith.constant 0 : i32
      %dma_wait3A_88 = tpu.memref_slice %arg6[%dma_wait3A_87] : memref<512xf32, #tpu.memory_space<vmem>> -> memref<512xf32, #tpu.memory_space<vmem>>
      %dma_wait3A_89 = tpu.memref_slice %arg8[%add3A_12] : memref<106496xf32, #tpu.memory_space<vmem_shared>> -> memref<512xf32, #tpu.memory_space<vmem_shared>>
      %dma_wait3A_90 = tpu.memref_slice %arg8[%add3A_12] : memref<106496xf32, #tpu.memory_space<vmem_shared>> -> memref<512xf32, #tpu.memory_space<vmem_shared>>
      %dma_wait3A_91 = arith.constant 0 : i32
      %dma_wait3A_92 = tpu.memref_slice %arg6[%dma_wait3A_91] : memref<512xf32, #tpu.memory_space<vmem>> -> memref<512xf32, #tpu.memory_space<vmem>>
      tpu.wait_dma2 semaphore(%run_scoped3A : memref<!tpu.dma_semaphore, #tpu.memory_space<semaphore_mem>>) src(%dma_wait3A_92 : memref<512xf32, #tpu.memory_space<vmem>>) dst(%dma_wait3A_90 : memref<512xf32, #tpu.memory_space<vmem_shared>>)
      tpu.yield
    }) : () -> ()
    %add3A_13 = arith.constant 1536 : i32
    %add3A_14 = arith.addi %mul3A_0, %add3A_13 : i32
    "tpu.region"() ({
      %run_scoped3A = tpu.sem_alloc : memref<!tpu.dma_semaphore, #tpu.memory_space<semaphore_mem>>
      %dma_start3A_81 = arith.constant 0 : i32
      %dma_start3A_82 = tpu.memref_slice %arg6[%dma_start3A_81] : memref<512xf32, #tpu.memory_space<vmem>> -> memref<512xf32, #tpu.memory_space<vmem>>
      %dma_start3A_83 = tpu.memref_slice %arg8[%add3A_14] : memref<106496xf32, #tpu.memory_space<vmem_shared>> -> memref<512xf32, #tpu.memory_space<vmem_shared>>
      %dma_start3A_84 = tpu.memref_slice %arg8[%add3A_14] : memref<106496xf32, #tpu.memory_space<vmem_shared>> -> memref<512xf32, #tpu.memory_space<vmem_shared>>
      %dma_start3A_85 = arith.constant 0 : i32
      %dma_start3A_86 = tpu.memref_slice %arg6[%dma_start3A_85] : memref<512xf32, #tpu.memory_space<vmem>> -> memref<512xf32, #tpu.memory_space<vmem>>
      tpu.enqueue_dma source(%dma_start3A_86 : memref<512xf32, #tpu.memory_space<vmem>>) target(%dma_start3A_84 : memref<512xf32, #tpu.memory_space<vmem_shared>>) target_semaphore(%run_scoped3A : memref<!tpu.dma_semaphore, #tpu.memory_space<semaphore_mem>>)
      %dma_wait3A_87 = arith.constant 0 : i32
      %dma_wait3A_88 = tpu.memref_slice %arg6[%dma_wait3A_87] : memref<512xf32, #tpu.memory_space<vmem>> -> memref<512xf32, #tpu.memory_space<vmem>>
      %dma_wait3A_89 = tpu.memref_slice %arg8[%add3A_14] : memref<106496xf32, #tpu.memory_space<vmem_shared>> -> memref<512xf32, #tpu.memory_space<vmem_shared>>
      %dma_wait3A_90 = tpu.memref_slice %arg8[%add3A_14] : memref<106496xf32, #tpu.memory_space<vmem_shared>> -> memref<512xf32, #tpu.memory_space<vmem_shared>>
      %dma_wait3A_91 = arith.constant 0 : i32
      %dma_wait3A_92 = tpu.memref_slice %arg6[%dma_wait3A_91] : memref<512xf32, #tpu.memory_space<vmem>> -> memref<512xf32, #tpu.memory_space<vmem>>
      tpu.wait_dma2 semaphore(%run_scoped3A : memref<!tpu.dma_semaphore, #tpu.memory_space<semaphore_mem>>) src(%dma_wait3A_92 : memref<512xf32, #tpu.memory_space<vmem>>) dst(%dma_wait3A_90 : memref<512xf32, #tpu.memory_space<vmem_shared>>)
      tpu.yield
    }) : () -> ()
    %add3A_15 = arith.constant 2048 : i32
    %add3A_16 = arith.addi %mul3A_0, %add3A_15 : i32
    "tpu.region"() ({
      %run_scoped3A = tpu.sem_alloc : memref<!tpu.dma_semaphore, #tpu.memory_space<semaphore_mem>>
      %dma_start3A_81 = arith.constant 0 : i32
      %dma_start3A_82 = tpu.memref_slice %arg6[%dma_start3A_81] : memref<512xf32, #tpu.memory_space<vmem>> -> memref<512xf32, #tpu.memory_space<vmem>>
      %dma_start3A_83 = tpu.memref_slice %arg8[%add3A_16] : memref<106496xf32, #tpu.memory_space<vmem_shared>> -> memref<512xf32, #tpu.memory_space<vmem_shared>>
      %dma_start3A_84 = tpu.memref_slice %arg8[%add3A_16] : memref<106496xf32, #tpu.memory_space<vmem_shared>> -> memref<512xf32, #tpu.memory_space<vmem_shared>>
      %dma_start3A_85 = arith.constant 0 : i32
      %dma_start3A_86 = tpu.memref_slice %arg6[%dma_start3A_85] : memref<512xf32, #tpu.memory_space<vmem>> -> memref<512xf32, #tpu.memory_space<vmem>>
      tpu.enqueue_dma source(%dma_start3A_86 : memref<512xf32, #tpu.memory_space<vmem>>) target(%dma_start3A_84 : memref<512xf32, #tpu.memory_space<vmem_shared>>) target_semaphore(%run_scoped3A : memref<!tpu.dma_semaphore, #tpu.memory_space<semaphore_mem>>)
      %dma_wait3A_87 = arith.constant 0 : i32
      %dma_wait3A_88 = tpu.memref_slice %arg6[%dma_wait3A_87] : memref<512xf32, #tpu.memory_space<vmem>> -> memref<512xf32, #tpu.memory_space<vmem>>
      %dma_wait3A_89 = tpu.memref_slice %arg8[%add3A_16] : memref<106496xf32, #tpu.memory_space<vmem_shared>> -> memref<512xf32, #tpu.memory_space<vmem_shared>>
      %dma_wait3A_90 = tpu.memref_slice %arg8[%add3A_16] : memref<106496xf32, #tpu.memory_space<vmem_shared>> -> memref<512xf32, #tpu.memory_space<vmem_shared>>
      %dma_wait3A_91 = arith.constant 0 : i32
      %dma_wait3A_92 = tpu.memref_slice %arg6[%dma_wait3A_91] : memref<512xf32, #tpu.memory_space<vmem>> -> memref<512xf32, #tpu.memory_space<vmem>>
      tpu.wait_dma2 semaphore(%run_scoped3A : memref<!tpu.dma_semaphore, #tpu.memory_space<semaphore_mem>>) src(%dma_wait3A_92 : memref<512xf32, #tpu.memory_space<vmem>>) dst(%dma_wait3A_90 : memref<512xf32, #tpu.memory_space<vmem_shared>>)
      tpu.yield
    }) : () -> ()
    %add3A_17 = arith.constant 2560 : i32
    %add3A_18 = arith.addi %mul3A_0, %add3A_17 : i32
    "tpu.region"() ({
      %run_scoped3A = tpu.sem_alloc : memref<!tpu.dma_semaphore, #tpu.memory_space<semaphore_mem>>
      %dma_start3A_81 = arith.constant 0 : i32
      %dma_start3A_82 = tpu.memref_slice %arg6[%dma_start3A_81] : memref<512xf32, #tpu.memory_space<vmem>> -> memref<512xf32, #tpu.memory_space<vmem>>
      %dma_start3A_83 = tpu.memref_slice %arg8[%add3A_18] : memref<106496xf32, #tpu.memory_space<vmem_shared>> -> memref<512xf32, #tpu.memory_space<vmem_shared>>
      %dma_start3A_84 = tpu.memref_slice %arg8[%add3A_18] : memref<106496xf32, #tpu.memory_space<vmem_shared>> -> memref<512xf32, #tpu.memory_space<vmem_shared>>
      %dma_start3A_85 = arith.constant 0 : i32
      %dma_start3A_86 = tpu.memref_slice %arg6[%dma_start3A_85] : memref<512xf32, #tpu.memory_space<vmem>> -> memref<512xf32, #tpu.memory_space<vmem>>
      tpu.enqueue_dma source(%dma_start3A_86 : memref<512xf32, #tpu.memory_space<vmem>>) target(%dma_start3A_84 : memref<512xf32, #tpu.memory_space<vmem_shared>>) target_semaphore(%run_scoped3A : memref<!tpu.dma_semaphore, #tpu.memory_space<semaphore_mem>>)
      %dma_wait3A_87 = arith.constant 0 : i32
      %dma_wait3A_88 = tpu.memref_slice %arg6[%dma_wait3A_87] : memref<512xf32, #tpu.memory_space<vmem>> -> memref<512xf32, #tpu.memory_space<vmem>>
      %dma_wait3A_89 = tpu.memref_slice %arg8[%add3A_18] : memref<106496xf32, #tpu.memory_space<vmem_shared>> -> memref<512xf32, #tpu.memory_space<vmem_shared>>
      %dma_wait3A_90 = tpu.memref_slice %arg8[%add3A_18] : memref<106496xf32, #tpu.memory_space<vmem_shared>> -> memref<512xf32, #tpu.memory_space<vmem_shared>>
      %dma_wait3A_91 = arith.constant 0 : i32
      %dma_wait3A_92 = tpu.memref_slice %arg6[%dma_wait3A_91] : memref<512xf32, #tpu.memory_space<vmem>> -> memref<512xf32, #tpu.memory_space<vmem>>
      tpu.wait_dma2 semaphore(%run_scoped3A : memref<!tpu.dma_semaphore, #tpu.memory_space<semaphore_mem>>) src(%dma_wait3A_92 : memref<512xf32, #tpu.memory_space<vmem>>) dst(%dma_wait3A_90 : memref<512xf32, #tpu.memory_space<vmem_shared>>)
      tpu.yield
    }) : () -> ()
    %add3A_19 = arith.constant 3072 : i32
    %add3A_20 = arith.addi %mul3A_0, %add3A_19 : i32
    "tpu.region"() ({
      %run_scoped3A = tpu.sem_alloc : memref<!tpu.dma_semaphore, #tpu.memory_space<semaphore_mem>>
      %dma_start3A_81 = arith.constant 0 : i32
      %dma_start3A_82 = tpu.memref_slice %arg6[%dma_start3A_81] : memref<512xf32, #tpu.memory_space<vmem>> -> memref<512xf32, #tpu.memory_space<vmem>>
      %dma_start3A_83 = tpu.memref_slice %arg8[%add3A_20] : memref<106496xf32, #tpu.memory_space<vmem_shared>> -> memref<512xf32, #tpu.memory_space<vmem_shared>>
      %dma_start3A_84 = tpu.memref_slice %arg8[%add3A_20] : memref<106496xf32, #tpu.memory_space<vmem_shared>> -> memref<512xf32, #tpu.memory_space<vmem_shared>>
      %dma_start3A_85 = arith.constant 0 : i32
      %dma_start3A_86 = tpu.memref_slice %arg6[%dma_start3A_85] : memref<512xf32, #tpu.memory_space<vmem>> -> memref<512xf32, #tpu.memory_space<vmem>>
      tpu.enqueue_dma source(%dma_start3A_86 : memref<512xf32, #tpu.memory_space<vmem>>) target(%dma_start3A_84 : memref<512xf32, #tpu.memory_space<vmem_shared>>) target_semaphore(%run_scoped3A : memref<!tpu.dma_semaphore, #tpu.memory_space<semaphore_mem>>)
      %dma_wait3A_87 = arith.constant 0 : i32
      %dma_wait3A_88 = tpu.memref_slice %arg6[%dma_wait3A_87] : memref<512xf32, #tpu.memory_space<vmem>> -> memref<512xf32, #tpu.memory_space<vmem>>
      %dma_wait3A_89 = tpu.memref_slice %arg8[%add3A_20] : memref<106496xf32, #tpu.memory_space<vmem_shared>> -> memref<512xf32, #tpu.memory_space<vmem_shared>>
      %dma_wait3A_90 = tpu.memref_slice %arg8[%add3A_20] : memref<106496xf32, #tpu.memory_space<vmem_shared>> -> memref<512xf32, #tpu.memory_space<vmem_shared>>
      %dma_wait3A_91 = arith.constant 0 : i32
      %dma_wait3A_92 = tpu.memref_slice %arg6[%dma_wait3A_91] : memref<512xf32, #tpu.memory_space<vmem>> -> memref<512xf32, #tpu.memory_space<vmem>>
      tpu.wait_dma2 semaphore(%run_scoped3A : memref<!tpu.dma_semaphore, #tpu.memory_space<semaphore_mem>>) src(%dma_wait3A_92 : memref<512xf32, #tpu.memory_space<vmem>>) dst(%dma_wait3A_90 : memref<512xf32, #tpu.memory_space<vmem_shared>>)
      tpu.yield
    }) : () -> ()
    %add3A_21 = arith.constant 3584 : i32
    %add3A_22 = arith.addi %mul3A_0, %add3A_21 : i32
    "tpu.region"() ({
      %run_scoped3A = tpu.sem_alloc : memref<!tpu.dma_semaphore, #tpu.memory_space<semaphore_mem>>
      %dma_start3A_81 = arith.constant 0 : i32
      %dma_start3A_82 = tpu.memref_slice %arg6[%dma_start3A_81] : memref<512xf32, #tpu.memory_space<vmem>> -> memref<512xf32, #tpu.memory_space<vmem>>
      %dma_start3A_83 = tpu.memref_slice %arg8[%add3A_22] : memref<106496xf32, #tpu.memory_space<vmem_shared>> -> memref<512xf32, #tpu.memory_space<vmem_shared>>
      %dma_start3A_84 = tpu.memref_slice %arg8[%add3A_22] : memref<106496xf32, #tpu.memory_space<vmem_shared>> -> memref<512xf32, #tpu.memory_space<vmem_shared>>
      %dma_start3A_85 = arith.constant 0 : i32
      %dma_start3A_86 = tpu.memref_slice %arg6[%dma_start3A_85] : memref<512xf32, #tpu.memory_space<vmem>> -> memref<512xf32, #tpu.memory_space<vmem>>
      tpu.enqueue_dma source(%dma_start3A_86 : memref<512xf32, #tpu.memory_space<vmem>>) target(%dma_start3A_84 : memref<512xf32, #tpu.memory_space<vmem_shared>>) target_semaphore(%run_scoped3A : memref<!tpu.dma_semaphore, #tpu.memory_space<semaphore_mem>>)
      %dma_wait3A_87 = arith.constant 0 : i32
      %dma_wait3A_88 = tpu.memref_slice %arg6[%dma_wait3A_87] : memref<512xf32, #tpu.memory_space<vmem>> -> memref<512xf32, #tpu.memory_space<vmem>>
      %dma_wait3A_89 = tpu.memref_slice %arg8[%add3A_22] : memref<106496xf32, #tpu.memory_space<vmem_shared>> -> memref<512xf32, #tpu.memory_space<vmem_shared>>
      %dma_wait3A_90 = tpu.memref_slice %arg8[%add3A_22] : memref<106496xf32, #tpu.memory_space<vmem_shared>> -> memref<512xf32, #tpu.memory_space<vmem_shared>>
      %dma_wait3A_91 = arith.constant 0 : i32
      %dma_wait3A_92 = tpu.memref_slice %arg6[%dma_wait3A_91] : memref<512xf32, #tpu.memory_space<vmem>> -> memref<512xf32, #tpu.memory_space<vmem>>
      tpu.wait_dma2 semaphore(%run_scoped3A : memref<!tpu.dma_semaphore, #tpu.memory_space<semaphore_mem>>) src(%dma_wait3A_92 : memref<512xf32, #tpu.memory_space<vmem>>) dst(%dma_wait3A_90 : memref<512xf32, #tpu.memory_space<vmem_shared>>)
      tpu.yield
    }) : () -> ()
    %add3A_23 = arith.constant 4096 : i32
    %add3A_24 = arith.addi %mul3A_0, %add3A_23 : i32
    "tpu.region"() ({
      %run_scoped3A = tpu.sem_alloc : memref<!tpu.dma_semaphore, #tpu.memory_space<semaphore_mem>>
      %dma_start3A_81 = arith.constant 0 : i32
      %dma_start3A_82 = tpu.memref_slice %arg6[%dma_start3A_81] : memref<512xf32, #tpu.memory_space<vmem>> -> memref<512xf32, #tpu.memory_space<vmem>>
      %dma_start3A_83 = tpu.memref_slice %arg8[%add3A_24] : memref<106496xf32, #tpu.memory_space<vmem_shared>> -> memref<512xf32, #tpu.memory_space<vmem_shared>>
      %dma_start3A_84 = tpu.memref_slice %arg8[%add3A_24] : memref<106496xf32, #tpu.memory_space<vmem_shared>> -> memref<512xf32, #tpu.memory_space<vmem_shared>>
      %dma_start3A_85 = arith.constant 0 : i32
      %dma_start3A_86 = tpu.memref_slice %arg6[%dma_start3A_85] : memref<512xf32, #tpu.memory_space<vmem>> -> memref<512xf32, #tpu.memory_space<vmem>>
      tpu.enqueue_dma source(%dma_start3A_86 : memref<512xf32, #tpu.memory_space<vmem>>) target(%dma_start3A_84 : memref<512xf32, #tpu.memory_space<vmem_shared>>) target_semaphore(%run_scoped3A : memref<!tpu.dma_semaphore, #tpu.memory_space<semaphore_mem>>)
      %dma_wait3A_87 = arith.constant 0 : i32
      %dma_wait3A_88 = tpu.memref_slice %arg6[%dma_wait3A_87] : memref<512xf32, #tpu.memory_space<vmem>> -> memref<512xf32, #tpu.memory_space<vmem>>
      %dma_wait3A_89 = tpu.memref_slice %arg8[%add3A_24] : memref<106496xf32, #tpu.memory_space<vmem_shared>> -> memref<512xf32, #tpu.memory_space<vmem_shared>>
      %dma_wait3A_90 = tpu.memref_slice %arg8[%add3A_24] : memref<106496xf32, #tpu.memory_space<vmem_shared>> -> memref<512xf32, #tpu.memory_space<vmem_shared>>
      %dma_wait3A_91 = arith.constant 0 : i32
      %dma_wait3A_92 = tpu.memref_slice %arg6[%dma_wait3A_91] : memref<512xf32, #tpu.memory_space<vmem>> -> memref<512xf32, #tpu.memory_space<vmem>>
      tpu.wait_dma2 semaphore(%run_scoped3A : memref<!tpu.dma_semaphore, #tpu.memory_space<semaphore_mem>>) src(%dma_wait3A_92 : memref<512xf32, #tpu.memory_space<vmem>>) dst(%dma_wait3A_90 : memref<512xf32, #tpu.memory_space<vmem_shared>>)
      tpu.yield
    }) : () -> ()
    %add3A_25 = arith.constant 4608 : i32
    %add3A_26 = arith.addi %mul3A_0, %add3A_25 : i32
    "tpu.region"() ({
      %run_scoped3A = tpu.sem_alloc : memref<!tpu.dma_semaphore, #tpu.memory_space<semaphore_mem>>
      %dma_start3A_81 = arith.constant 0 : i32
      %dma_start3A_82 = tpu.memref_slice %arg6[%dma_start3A_81] : memref<512xf32, #tpu.memory_space<vmem>> -> memref<512xf32, #tpu.memory_space<vmem>>
      %dma_start3A_83 = tpu.memref_slice %arg8[%add3A_26] : memref<106496xf32, #tpu.memory_space<vmem_shared>> -> memref<512xf32, #tpu.memory_space<vmem_shared>>
      %dma_start3A_84 = tpu.memref_slice %arg8[%add3A_26] : memref<106496xf32, #tpu.memory_space<vmem_shared>> -> memref<512xf32, #tpu.memory_space<vmem_shared>>
      %dma_start3A_85 = arith.constant 0 : i32
      %dma_start3A_86 = tpu.memref_slice %arg6[%dma_start3A_85] : memref<512xf32, #tpu.memory_space<vmem>> -> memref<512xf32, #tpu.memory_space<vmem>>
      tpu.enqueue_dma source(%dma_start3A_86 : memref<512xf32, #tpu.memory_space<vmem>>) target(%dma_start3A_84 : memref<512xf32, #tpu.memory_space<vmem_shared>>) target_semaphore(%run_scoped3A : memref<!tpu.dma_semaphore, #tpu.memory_space<semaphore_mem>>)
      %dma_wait3A_87 = arith.constant 0 : i32
      %dma_wait3A_88 = tpu.memref_slice %arg6[%dma_wait3A_87] : memref<512xf32, #tpu.memory_space<vmem>> -> memref<512xf32, #tpu.memory_space<vmem>>
      %dma_wait3A_89 = tpu.memref_slice %arg8[%add3A_26] : memref<106496xf32, #tpu.memory_space<vmem_shared>> -> memref<512xf32, #tpu.memory_space<vmem_shared>>
      %dma_wait3A_90 = tpu.memref_slice %arg8[%add3A_26] : memref<106496xf32, #tpu.memory_space<vmem_shared>> -> memref<512xf32, #tpu.memory_space<vmem_shared>>
      %dma_wait3A_91 = arith.constant 0 : i32
      %dma_wait3A_92 = tpu.memref_slice %arg6[%dma_wait3A_91] : memref<512xf32, #tpu.memory_space<vmem>> -> memref<512xf32, #tpu.memory_space<vmem>>
      tpu.wait_dma2 semaphore(%run_scoped3A : memref<!tpu.dma_semaphore, #tpu.memory_space<semaphore_mem>>) src(%dma_wait3A_92 : memref<512xf32, #tpu.memory_space<vmem>>) dst(%dma_wait3A_90 : memref<512xf32, #tpu.memory_space<vmem_shared>>)
      tpu.yield
    }) : () -> ()
    %add3A_27 = arith.constant 5120 : i32
    %add3A_28 = arith.addi %mul3A_0, %add3A_27 : i32
    "tpu.region"() ({
      %run_scoped3A = tpu.sem_alloc : memref<!tpu.dma_semaphore, #tpu.memory_space<semaphore_mem>>
      %dma_start3A_81 = arith.constant 0 : i32
      %dma_start3A_82 = tpu.memref_slice %arg6[%dma_start3A_81] : memref<512xf32, #tpu.memory_space<vmem>> -> memref<512xf32, #tpu.memory_space<vmem>>
      %dma_start3A_83 = tpu.memref_slice %arg8[%add3A_28] : memref<106496xf32, #tpu.memory_space<vmem_shared>> -> memref<512xf32, #tpu.memory_space<vmem_shared>>
      %dma_start3A_84 = tpu.memref_slice %arg8[%add3A_28] : memref<106496xf32, #tpu.memory_space<vmem_shared>> -> memref<512xf32, #tpu.memory_space<vmem_shared>>
      %dma_start3A_85 = arith.constant 0 : i32
      %dma_start3A_86 = tpu.memref_slice %arg6[%dma_start3A_85] : memref<512xf32, #tpu.memory_space<vmem>> -> memref<512xf32, #tpu.memory_space<vmem>>
      tpu.enqueue_dma source(%dma_start3A_86 : memref<512xf32, #tpu.memory_space<vmem>>) target(%dma_start3A_84 : memref<512xf32, #tpu.memory_space<vmem_shared>>) target_semaphore(%run_scoped3A : memref<!tpu.dma_semaphore, #tpu.memory_space<semaphore_mem>>)
      %dma_wait3A_87 = arith.constant 0 : i32
      %dma_wait3A_88 = tpu.memref_slice %arg6[%dma_wait3A_87] : memref<512xf32, #tpu.memory_space<vmem>> -> memref<512xf32, #tpu.memory_space<vmem>>
      %dma_wait3A_89 = tpu.memref_slice %arg8[%add3A_28] : memref<106496xf32, #tpu.memory_space<vmem_shared>> -> memref<512xf32, #tpu.memory_space<vmem_shared>>
      %dma_wait3A_90 = tpu.memref_slice %arg8[%add3A_28] : memref<106496xf32, #tpu.memory_space<vmem_shared>> -> memref<512xf32, #tpu.memory_space<vmem_shared>>
      %dma_wait3A_91 = arith.constant 0 : i32
      %dma_wait3A_92 = tpu.memref_slice %arg6[%dma_wait3A_91] : memref<512xf32, #tpu.memory_space<vmem>> -> memref<512xf32, #tpu.memory_space<vmem>>
      tpu.wait_dma2 semaphore(%run_scoped3A : memref<!tpu.dma_semaphore, #tpu.memory_space<semaphore_mem>>) src(%dma_wait3A_92 : memref<512xf32, #tpu.memory_space<vmem>>) dst(%dma_wait3A_90 : memref<512xf32, #tpu.memory_space<vmem_shared>>)
      tpu.yield
    }) : () -> ()
    %add3A_29 = arith.constant 5632 : i32
    %add3A_30 = arith.addi %mul3A_0, %add3A_29 : i32
    "tpu.region"() ({
      %run_scoped3A = tpu.sem_alloc : memref<!tpu.dma_semaphore, #tpu.memory_space<semaphore_mem>>
      %dma_start3A_81 = arith.constant 0 : i32
      %dma_start3A_82 = tpu.memref_slice %arg6[%dma_start3A_81] : memref<512xf32, #tpu.memory_space<vmem>> -> memref<512xf32, #tpu.memory_space<vmem>>
      %dma_start3A_83 = tpu.memref_slice %arg8[%add3A_30] : memref<106496xf32, #tpu.memory_space<vmem_shared>> -> memref<512xf32, #tpu.memory_space<vmem_shared>>
      %dma_start3A_84 = tpu.memref_slice %arg8[%add3A_30] : memref<106496xf32, #tpu.memory_space<vmem_shared>> -> memref<512xf32, #tpu.memory_space<vmem_shared>>
      %dma_start3A_85 = arith.constant 0 : i32
      %dma_start3A_86 = tpu.memref_slice %arg6[%dma_start3A_85] : memref<512xf32, #tpu.memory_space<vmem>> -> memref<512xf32, #tpu.memory_space<vmem>>
      tpu.enqueue_dma source(%dma_start3A_86 : memref<512xf32, #tpu.memory_space<vmem>>) target(%dma_start3A_84 : memref<512xf32, #tpu.memory_space<vmem_shared>>) target_semaphore(%run_scoped3A : memref<!tpu.dma_semaphore, #tpu.memory_space<semaphore_mem>>)
      %dma_wait3A_87 = arith.constant 0 : i32
      %dma_wait3A_88 = tpu.memref_slice %arg6[%dma_wait3A_87] : memref<512xf32, #tpu.memory_space<vmem>> -> memref<512xf32, #tpu.memory_space<vmem>>
      %dma_wait3A_89 = tpu.memref_slice %arg8[%add3A_30] : memref<106496xf32, #tpu.memory_space<vmem_shared>> -> memref<512xf32, #tpu.memory_space<vmem_shared>>
      %dma_wait3A_90 = tpu.memref_slice %arg8[%add3A_30] : memref<106496xf32, #tpu.memory_space<vmem_shared>> -> memref<512xf32, #tpu.memory_space<vmem_shared>>
      %dma_wait3A_91 = arith.constant 0 : i32
      %dma_wait3A_92 = tpu.memref_slice %arg6[%dma_wait3A_91] : memref<512xf32, #tpu.memory_space<vmem>> -> memref<512xf32, #tpu.memory_space<vmem>>
      tpu.wait_dma2 semaphore(%run_scoped3A : memref<!tpu.dma_semaphore, #tpu.memory_space<semaphore_mem>>) src(%dma_wait3A_92 : memref<512xf32, #tpu.memory_space<vmem>>) dst(%dma_wait3A_90 : memref<512xf32, #tpu.memory_space<vmem_shared>>)
      tpu.yield
    }) : () -> ()
    %add3A_31 = arith.constant 6144 : i32
    %add3A_32 = arith.addi %mul3A_0, %add3A_31 : i32
    "tpu.region"() ({
      %run_scoped3A = tpu.sem_alloc : memref<!tpu.dma_semaphore, #tpu.memory_space<semaphore_mem>>
      %dma_start3A_81 = arith.constant 0 : i32
      %dma_start3A_82 = tpu.memref_slice %arg6[%dma_start3A_81] : memref<512xf32, #tpu.memory_space<vmem>> -> memref<512xf32, #tpu.memory_space<vmem>>
      %dma_start3A_83 = tpu.memref_slice %arg8[%add3A_32] : memref<106496xf32, #tpu.memory_space<vmem_shared>> -> memref<512xf32, #tpu.memory_space<vmem_shared>>
      %dma_start3A_84 = tpu.memref_slice %arg8[%add3A_32] : memref<106496xf32, #tpu.memory_space<vmem_shared>> -> memref<512xf32, #tpu.memory_space<vmem_shared>>
      %dma_start3A_85 = arith.constant 0 : i32
      %dma_start3A_86 = tpu.memref_slice %arg6[%dma_start3A_85] : memref<512xf32, #tpu.memory_space<vmem>> -> memref<512xf32, #tpu.memory_space<vmem>>
      tpu.enqueue_dma source(%dma_start3A_86 : memref<512xf32, #tpu.memory_space<vmem>>) target(%dma_start3A_84 : memref<512xf32, #tpu.memory_space<vmem_shared>>) target_semaphore(%run_scoped3A : memref<!tpu.dma_semaphore, #tpu.memory_space<semaphore_mem>>)
      %dma_wait3A_87 = arith.constant 0 : i32
      %dma_wait3A_88 = tpu.memref_slice %arg6[%dma_wait3A_87] : memref<512xf32, #tpu.memory_space<vmem>> -> memref<512xf32, #tpu.memory_space<vmem>>
      %dma_wait3A_89 = tpu.memref_slice %arg8[%add3A_32] : memref<106496xf32, #tpu.memory_space<vmem_shared>> -> memref<512xf32, #tpu.memory_space<vmem_shared>>
      %dma_wait3A_90 = tpu.memref_slice %arg8[%add3A_32] : memref<106496xf32, #tpu.memory_space<vmem_shared>> -> memref<512xf32, #tpu.memory_space<vmem_shared>>
      %dma_wait3A_91 = arith.constant 0 : i32
      %dma_wait3A_92 = tpu.memref_slice %arg6[%dma_wait3A_91] : memref<512xf32, #tpu.memory_space<vmem>> -> memref<512xf32, #tpu.memory_space<vmem>>
      tpu.wait_dma2 semaphore(%run_scoped3A : memref<!tpu.dma_semaphore, #tpu.memory_space<semaphore_mem>>) src(%dma_wait3A_92 : memref<512xf32, #tpu.memory_space<vmem>>) dst(%dma_wait3A_90 : memref<512xf32, #tpu.memory_space<vmem_shared>>)
      tpu.yield
    }) : () -> ()
    %broadcast_in_dim3A_33 = arith.constant 1.000000e+00 : f32
    %broadcast_in_dim3A_34 = vector.broadcast %broadcast_in_dim3A_33 : f32 to vector<16xf32>
    %scan3A_35 = arith.constant 0 : i32
    %scan3A_36 = arith.constant 0 : i32
    %scan3A_37 = arith.constant 32 : i32
    %scan3A_38 = arith.addi %scan3A_36, %scan3A_37 : i32
    %scan3A_39 = arith.constant 1 : i32
    %scan3A_40 = scf.for %scan3A_81 = %scan3A_36 to %scan3A_38 step %scan3A_39 iter_args(%scan3A_82 = %scan3A_35) -> (i32)  : i32 {
      %mul3A_83 = arith.constant 16 : i32
      %mul3A_84 = arith.muli %scan3A_81, %mul3A_83 : i32
      %swap3A = arith.index_cast %mul3A_84 : i32 to index
      %swap3A_85 = tpu.vector_load %arg6[%swap3A] {strides = array<i32>} : memref<512xf32, #tpu.memory_space<vmem>>, vector<16xf32>,
      %swap3A_86 = vector.shape_cast %swap3A_85 : vector<16xf32> to vector<16xf32>
      %swap3A_87 = vector.shape_cast %broadcast_in_dim3A_34 : vector<16xf32> to vector<16xf32>
      tpu.vector_store %arg6[%swap3A], %swap3A_87 {strides = array<i32>} : memref<512xf32, #tpu.memory_space<vmem>>, vector<16xf32>,
      %scan3A_88 = arith.constant 0 : i32
      scf.yield %scan3A_88 : i32
    }
    %scan3A_41 = arith.constant 32 : i32
    %barrier3A = arith.constant 0 : index
    tpu.barrier barrier_id(%barrier3A)
    %mul3A_42 = arith.constant 16 : i32
    %mul3A_43 = arith.muli %arg0, %mul3A_42 : i32
    %add3A_44 = arith.addi %mul3A_43, %arg1 : i32
    %mul3A_45 = arith.constant 196 : i32
    %mul3A_46 = arith.muli %add3A_44, %mul3A_45 : i32
    %add3A_47 = arith.constant 0 : i32
    %add3A_48 = arith.addi %mul3A_46, %add3A_47 : i32
    %mul3A_49 = arith.constant 4 : i32
    %mul3A_50 = arith.muli %add3A_48, %mul3A_49 : i32
    %dma_start3A = arith.constant 0 : i32
    %dma_start3A_51 = tpu.memref_slice %arg2[%mul3A_50, %dma_start3A] : memref<25096x128xi32, #tpu.memory_space<hbm>> -> memref<4x128xi32, #tpu.memory_space<hbm>>
    %dma_start3A_52 = arith.constant 0 : i32
    %dma_start3A_53 = tpu.memref_slice %arg2[%mul3A_50, %dma_start3A_52] : memref<25096x128xi32, #tpu.memory_space<hbm>> -> memref<4x128xi32, #tpu.memory_space<hbm>>
    tpu.enqueue_dma source(%dma_start3A_53 : memref<4x128xi32, #tpu.memory_space<hbm>>) target(%arg4 : memref<4x128xi32, #tpu.memory_space<vmem>>) target_semaphore(%arg11 : memref<!tpu.dma_semaphore, #tpu.memory_space<semaphore_mem>>)
    %dma_wait3A = arith.constant 0 : i32
    %dma_wait3A_54 = arith.constant 0 : i32
    %dma_wait3A_55 = tpu.memref_slice %arg2[%dma_wait3A, %dma_wait3A_54] : memref<25096x128xi32, #tpu.memory_space<hbm>> -> memref<4x128xi32, #tpu.memory_space<hbm>>
    %dma_wait3A_56 = arith.constant 0 : i32
    %dma_wait3A_57 = arith.constant 0 : i32
    %dma_wait3A_58 = tpu.memref_slice %arg2[%dma_wait3A_56, %dma_wait3A_57] : memref<25096x128xi32, #tpu.memory_space<hbm>> -> memref<4x128xi32, #tpu.memory_space<hbm>>
    tpu.wait_dma2 semaphore(%arg11 : memref<!tpu.dma_semaphore, #tpu.memory_space<semaphore_mem>>) src(%dma_wait3A_58 : memref<4x128xi32, #tpu.memory_space<hbm>>) dst(%arg4 : memref<4x128xi32, #tpu.memory_space<vmem>>)
    %add3A_59 = arith.constant 1 : i32
    %add3A_60 = arith.addi %mul3A_46, %add3A_59 : i32
    %mul3A_61 = arith.constant 4 : i32
    %mul3A_62 = arith.muli %add3A_60, %mul3A_61 : i32
    %dma_start3A_63 = arith.constant 0 : i32
    %dma_start3A_64 = tpu.memref_slice %arg2[%mul3A_62, %dma_start3A_63] : memref<25096x128xi32, #tpu.memory_space<hbm>> -> memref<4x128xi32, #tpu.memory_space<hbm>>
    %dma_start3A_65 = arith.constant 0 : i32
    %dma_start3A_66 = tpu.memref_slice %arg2[%mul3A_62, %dma_start3A_65] : memref<25096x128xi32, #tpu.memory_space<hbm>> -> memref<4x128xi32, #tpu.memory_space<hbm>>
    tpu.enqueue_dma source(%dma_start3A_66 : memref<4x128xi32, #tpu.memory_space<hbm>>) target(%arg5 : memref<4x128xi32, #tpu.memory_space<vmem>>) target_semaphore(%arg12 : memref<!tpu.dma_semaphore, #tpu.memory_space<semaphore_mem>>)
    %scan3A_67 = arith.constant 0 : i32
    %scan3A_68 = arith.constant 0 : i32
    %scan3A_69 = arith.constant 98 : i32
    %scan3A_70 = arith.addi %scan3A_68, %scan3A_69 : i32
    %scan3A_71 = arith.constant 1 : i32
    %scan3A_72 = scf.for %scan3A_81 = %scan3A_68 to %scan3A_70 step %scan3A_71 iter_args(%scan3A_82 = %scan3A_67) -> (i32)  : i32 {
      %dma_wait3A_83 = arith.constant 0 : i32
      %dma_wait3A_84 = arith.constant 0 : i32
      %dma_wait3A_85 = tpu.memref_slice %arg2[%dma_wait3A_83, %dma_wait3A_84] : memref<25096x128xi32, #tpu.memory_space<hbm>> -> memref<4x128xi32, #tpu.memory_space<hbm>>
      %dma_wait3A_86 = arith.constant 0 : i32
      %dma_wait3A_87 = arith.constant 0 : i32
      %dma_wait3A_88 = tpu.memref_slice %arg2[%dma_wait3A_86, %dma_wait3A_87] : memref<25096x128xi32, #tpu.memory_space<hbm>> -> memref<4x128xi32, #tpu.memory_space<hbm>>
      tpu.wait_dma2 semaphore(%arg12 : memref<!tpu.dma_semaphore, #tpu.memory_space<semaphore_mem>>) src(%dma_wait3A_88 : memref<4x128xi32, #tpu.memory_space<hbm>>) dst(%arg5 : memref<4x128xi32, #tpu.memory_space<vmem>>)
      %run_scoped3A = arith.constant 0 : i32
      "tpu.region"() ({
        %run_scoped3A_125 = tpu.sem_alloc : memref<!tpu.dma_semaphore, #tpu.memory_space<semaphore_mem>>
        %dma_start3A_126 = arith.constant 0 : i32
        %dma_start3A_127 = tpu.memref_slice %arg6[%dma_start3A_126] : memref<512xf32, #tpu.memory_space<vmem>> -> memref<128xf32, #tpu.memory_space<vmem>>
        %dma_start3A_128 = arith.constant 0 : i32
        %dma_start3A_129 = tpu.memref_slice %arg4[%run_scoped3A, %dma_start3A_128] : memref<4x128xi32, #tpu.memory_space<vmem>> -> memref<1x128xi32, #tpu.memory_space<vmem>>
        %dma_start3A_130 = tpu.memref_squeeze %dma_start3A_129 : memref<1x128xi32, #tpu.memory_space<vmem>> -> memref<128xi32, #tpu.memory_space<vmem>>
        %dma_start3A_131 = arith.constant 0 : i32
        %dma_start3A_132 = tpu.memref_slice %arg8[%dma_start3A_131] : memref<106496xf32, #tpu.memory_space<vmem_shared>> -> memref<106496xf32, #tpu.memory_space<vmem_shared>>
        tpu.enqueue_indirect_dma source(%dma_start3A_127 : memref<128xf32, #tpu.memory_space<vmem>>) target(%dma_start3A_132 : memref<106496xf32, #tpu.memory_space<vmem_shared>>) offsets(%dma_start3A_130 : memref<128xi32, #tpu.memory_space<vmem>>) semaphore(%run_scoped3A_125 : memref<!tpu.dma_semaphore, #tpu.memory_space<semaphore_mem>>) {add = true}
        %dma_wait3A_133 = arith.constant 0 : i32
        %dma_wait3A_134 = tpu.memref_slice %arg6[%dma_wait3A_133] : memref<512xf32, #tpu.memory_space<vmem>> -> memref<128xf32, #tpu.memory_space<vmem>>
        %dma_wait3A_135 = arith.constant 0 : i32
        %dma_wait3A_136 = tpu.memref_slice %arg4[%run_scoped3A, %dma_wait3A_135] : memref<4x128xi32, #tpu.memory_space<vmem>> -> memref<1x128xi32, #tpu.memory_space<vmem>>
        %dma_wait3A_137 = tpu.memref_squeeze %dma_wait3A_136 : memref<1x128xi32, #tpu.memory_space<vmem>> -> memref<128xi32, #tpu.memory_space<vmem>>
        %dma_wait3A_138 = arith.constant 0 : i32
        %dma_wait3A_139 = tpu.memref_slice %arg8[%dma_wait3A_138] : memref<106496xf32, #tpu.memory_space<vmem_shared>> -> memref<106496xf32, #tpu.memory_space<vmem_shared>>
        tpu.wait_indirect_dma semaphore(%run_scoped3A_125 : memref<!tpu.dma_semaphore, #tpu.memory_space<semaphore_mem>>) src(%dma_wait3A_134 : memref<128xf32, #tpu.memory_space<vmem>>) dst(%dma_wait3A_139 : memref<106496xf32, #tpu.memory_space<vmem_shared>>)
        tpu.yield
      }) : () -> ()
      %run_scoped3A_89 = arith.constant 1 : i32
      "tpu.region"() ({
        %run_scoped3A_125 = tpu.sem_alloc : memref<!tpu.dma_semaphore, #tpu.memory_space<semaphore_mem>>
        %dma_start3A_126 = arith.constant 128 : i32
        %dma_start3A_127 = tpu.memref_slice %arg6[%dma_start3A_126] : memref<512xf32, #tpu.memory_space<vmem>> -> memref<128xf32, #tpu.memory_space<vmem>>
        %dma_start3A_128 = arith.constant 0 : i32
        %dma_start3A_129 = tpu.memref_slice %arg4[%run_scoped3A_89, %dma_start3A_128] : memref<4x128xi32, #tpu.memory_space<vmem>> -> memref<1x128xi32, #tpu.memory_space<vmem>>
        %dma_start3A_130 = tpu.memref_squeeze %dma_start3A_129 : memref<1x128xi32, #tpu.memory_space<vmem>> -> memref<128xi32, #tpu.memory_space<vmem>>
        %dma_start3A_131 = arith.constant 0 : i32
        %dma_start3A_132 = tpu.memref_slice %arg8[%dma_start3A_131] : memref<106496xf32, #tpu.memory_space<vmem_shared>> -> memref<106496xf32, #tpu.memory_space<vmem_shared>>
        tpu.enqueue_indirect_dma source(%dma_start3A_127 : memref<128xf32, #tpu.memory_space<vmem>>) target(%dma_start3A_132 : memref<106496xf32, #tpu.memory_space<vmem_shared>>) offsets(%dma_start3A_130 : memref<128xi32, #tpu.memory_space<vmem>>) semaphore(%run_scoped3A_125 : memref<!tpu.dma_semaphore, #tpu.memory_space<semaphore_mem>>) {add = true}
        %dma_wait3A_133 = arith.constant 128 : i32
        %dma_wait3A_134 = tpu.memref_slice %arg6[%dma_wait3A_133] : memref<512xf32, #tpu.memory_space<vmem>> -> memref<128xf32, #tpu.memory_space<vmem>>
        %dma_wait3A_135 = arith.constant 0 : i32
        %dma_wait3A_136 = tpu.memref_slice %arg4[%run_scoped3A_89, %dma_wait3A_135] : memref<4x128xi32, #tpu.memory_space<vmem>> -> memref<1x128xi32, #tpu.memory_space<vmem>>
        %dma_wait3A_137 = tpu.memref_squeeze %dma_wait3A_136 : memref<1x128xi32, #tpu.memory_space<vmem>> -> memref<128xi32, #tpu.memory_space<vmem>>
        %dma_wait3A_138 = arith.constant 0 : i32
        %dma_wait3A_139 = tpu.memref_slice %arg8[%dma_wait3A_138] : memref<106496xf32, #tpu.memory_space<vmem_shared>> -> memref<106496xf32, #tpu.memory_space<vmem_shared>>
        tpu.wait_indirect_dma semaphore(%run_scoped3A_125 : memref<!tpu.dma_semaphore, #tpu.memory_space<semaphore_mem>>) src(%dma_wait3A_134 : memref<128xf32, #tpu.memory_space<vmem>>) dst(%dma_wait3A_139 : memref<106496xf32, #tpu.memory_space<vmem_shared>>)
        tpu.yield
      }) : () -> ()
      %run_scoped3A_90 = arith.constant 2 : i32
      "tpu.region"() ({
        %run_scoped3A_125 = tpu.sem_alloc : memref<!tpu.dma_semaphore, #tpu.memory_space<semaphore_mem>>
        %dma_start3A_126 = arith.constant 256 : i32
        %dma_start3A_127 = tpu.memref_slice %arg6[%dma_start3A_126] : memref<512xf32, #tpu.memory_space<vmem>> -> memref<128xf32, #tpu.memory_space<vmem>>
        %dma_start3A_128 = arith.constant 0 : i32
        %dma_start3A_129 = tpu.memref_slice %arg4[%run_scoped3A_90, %dma_start3A_128] : memref<4x128xi32, #tpu.memory_space<vmem>> -> memref<1x128xi32, #tpu.memory_space<vmem>>
        %dma_start3A_130 = tpu.memref_squeeze %dma_start3A_129 : memref<1x128xi32, #tpu.memory_space<vmem>> -> memref<128xi32, #tpu.memory_space<vmem>>
        %dma_start3A_131 = arith.constant 0 : i32
        %dma_start3A_132 = tpu.memref_slice %arg8[%dma_start3A_131] : memref<106496xf32, #tpu.memory_space<vmem_shared>> -> memref<106496xf32, #tpu.memory_space<vmem_shared>>
        tpu.enqueue_indirect_dma source(%dma_start3A_127 : memref<128xf32, #tpu.memory_space<vmem>>) target(%dma_start3A_132 : memref<106496xf32, #tpu.memory_space<vmem_shared>>) offsets(%dma_start3A_130 : memref<128xi32, #tpu.memory_space<vmem>>) semaphore(%run_scoped3A_125 : memref<!tpu.dma_semaphore, #tpu.memory_space<semaphore_mem>>) {add = true}
        %dma_wait3A_133 = arith.constant 256 : i32
        %dma_wait3A_134 = tpu.memref_slice %arg6[%dma_wait3A_133] : memref<512xf32, #tpu.memory_space<vmem>> -> memref<128xf32, #tpu.memory_space<vmem>>
        %dma_wait3A_135 = arith.constant 0 : i32
        %dma_wait3A_136 = tpu.memref_slice %arg4[%run_scoped3A_90, %dma_wait3A_135] : memref<4x128xi32, #tpu.memory_space<vmem>> -> memref<1x128xi32, #tpu.memory_space<vmem>>
        %dma_wait3A_137 = tpu.memref_squeeze %dma_wait3A_136 : memref<1x128xi32, #tpu.memory_space<vmem>> -> memref<128xi32, #tpu.memory_space<vmem>>
        %dma_wait3A_138 = arith.constant 0 : i32
        %dma_wait3A_139 = tpu.memref_slice %arg8[%dma_wait3A_138] : memref<106496xf32, #tpu.memory_space<vmem_shared>> -> memref<106496xf32, #tpu.memory_space<vmem_shared>>
        tpu.wait_indirect_dma semaphore(%run_scoped3A_125 : memref<!tpu.dma_semaphore, #tpu.memory_space<semaphore_mem>>) src(%dma_wait3A_134 : memref<128xf32, #tpu.memory_space<vmem>>) dst(%dma_wait3A_139 : memref<106496xf32, #tpu.memory_space<vmem_shared>>)
        tpu.yield
      }) : () -> ()
      %run_scoped3A_91 = arith.constant 3 : i32
      "tpu.region"() ({
        %run_scoped3A_125 = tpu.sem_alloc : memref<!tpu.dma_semaphore, #tpu.memory_space<semaphore_mem>>
        %dma_start3A_126 = arith.constant 384 : i32
        %dma_start3A_127 = tpu.memref_slice %arg6[%dma_start3A_126] : memref<512xf32, #tpu.memory_space<vmem>> -> memref<128xf32, #tpu.memory_space<vmem>>
        %dma_start3A_128 = arith.constant 0 : i32
        %dma_start3A_129 = tpu.memref_slice %arg4[%run_scoped3A_91, %dma_start3A_128] : memref<4x128xi32, #tpu.memory_space<vmem>> -> memref<1x128xi32, #tpu.memory_space<vmem>>
        %dma_start3A_130 = tpu.memref_squeeze %dma_start3A_129 : memref<1x128xi32, #tpu.memory_space<vmem>> -> memref<128xi32, #tpu.memory_space<vmem>>
        %dma_start3A_131 = arith.constant 0 : i32
        %dma_start3A_132 = tpu.memref_slice %arg8[%dma_start3A_131] : memref<106496xf32, #tpu.memory_space<vmem_shared>> -> memref<106496xf32, #tpu.memory_space<vmem_shared>>
        tpu.enqueue_indirect_dma source(%dma_start3A_127 : memref<128xf32, #tpu.memory_space<vmem>>) target(%dma_start3A_132 : memref<106496xf32, #tpu.memory_space<vmem_shared>>) offsets(%dma_start3A_130 : memref<128xi32, #tpu.memory_space<vmem>>) semaphore(%run_scoped3A_125 : memref<!tpu.dma_semaphore, #tpu.memory_space<semaphore_mem>>) {add = true}
        %dma_wait3A_133 = arith.constant 384 : i32
        %dma_wait3A_134 = tpu.memref_slice %arg6[%dma_wait3A_133] : memref<512xf32, #tpu.memory_space<vmem>> -> memref<128xf32, #tpu.memory_space<vmem>>
        %dma_wait3A_135 = arith.constant 0 : i32
        %dma_wait3A_136 = tpu.memref_slice %arg4[%run_scoped3A_91, %dma_wait3A_135] : memref<4x128xi32, #tpu.memory_space<vmem>> -> memref<1x128xi32, #tpu.memory_space<vmem>>
        %dma_wait3A_137 = tpu.memref_squeeze %dma_wait3A_136 : memref<1x128xi32, #tpu.memory_space<vmem>> -> memref<128xi32, #tpu.memory_space<vmem>>
        %dma_wait3A_138 = arith.constant 0 : i32
        %dma_wait3A_139 = tpu.memref_slice %arg8[%dma_wait3A_138] : memref<106496xf32, #tpu.memory_space<vmem_shared>> -> memref<106496xf32, #tpu.memory_space<vmem_shared>>
        tpu.wait_indirect_dma semaphore(%run_scoped3A_125 : memref<!tpu.dma_semaphore, #tpu.memory_space<semaphore_mem>>) src(%dma_wait3A_134 : memref<128xf32, #tpu.memory_space<vmem>>) dst(%dma_wait3A_139 : memref<106496xf32, #tpu.memory_space<vmem_shared>>)
        tpu.yield
      }) : () -> ()
      %mul3A_92 = arith.constant 2 : i32
      %mul3A_93 = arith.muli %mul3A_92, %scan3A_81 : i32
      %add3A_94 = arith.constant 2 : i32
      %add3A_95 = arith.addi %mul3A_93, %add3A_94 : i32
      %add3A_96 = arith.addi %mul3A_46, %add3A_95 : i32
      %mul3A_97 = arith.constant 4 : i32
      %mul3A_98 = arith.muli %add3A_96, %mul3A_97 : i32
      %dma_start3A_99 = arith.constant 0 : i32
      %dma_start3A_100 = tpu.memref_slice %arg2[%mul3A_98, %dma_start3A_99] : memref<25096x128xi32, #tpu.memory_space<hbm>> -> memref<4x128xi32, #tpu.memory_space<hbm>>
      %dma_start3A_101 = arith.constant 0 : i32
      %dma_start3A_102 = tpu.memref_slice %arg2[%mul3A_98, %dma_start3A_101] : memref<25096x128xi32, #tpu.memory_space<hbm>> -> memref<4x128xi32, #tpu.memory_space<hbm>>
      tpu.enqueue_dma source(%dma_start3A_102 : memref<4x128xi32, #tpu.memory_space<hbm>>) target(%arg4 : memref<4x128xi32, #tpu.memory_space<vmem>>) target_semaphore(%arg11 : memref<!tpu.dma_semaphore, #tpu.memory_space<semaphore_mem>>)
      %run_scoped3A_103 = arith.constant 0 : i32
      "tpu.region"() ({
        %run_scoped3A_125 = tpu.sem_alloc : memref<!tpu.dma_semaphore, #tpu.memory_space<semaphore_mem>>
        %dma_start3A_126 = arith.constant 0 : i32
        %dma_start3A_127 = tpu.memref_slice %arg6[%dma_start3A_126] : memref<512xf32, #tpu.memory_space<vmem>> -> memref<128xf32, #tpu.memory_space<vmem>>
        %dma_start3A_128 = arith.constant 0 : i32
        %dma_start3A_129 = tpu.memref_slice %arg5[%run_scoped3A_103, %dma_start3A_128] : memref<4x128xi32, #tpu.memory_space<vmem>> -> memref<1x128xi32, #tpu.memory_space<vmem>>
        %dma_start3A_130 = tpu.memref_squeeze %dma_start3A_129 : memref<1x128xi32, #tpu.memory_space<vmem>> -> memref<128xi32, #tpu.memory_space<vmem>>
        %dma_start3A_131 = arith.constant 0 : i32
        %dma_start3A_132 = tpu.memref_slice %arg8[%dma_start3A_131] : memref<106496xf32, #tpu.memory_space<vmem_shared>> -> memref<106496xf32, #tpu.memory_space<vmem_shared>>
        tpu.enqueue_indirect_dma source(%dma_start3A_127 : memref<128xf32, #tpu.memory_space<vmem>>) target(%dma_start3A_132 : memref<106496xf32, #tpu.memory_space<vmem_shared>>) offsets(%dma_start3A_130 : memref<128xi32, #tpu.memory_space<vmem>>) semaphore(%run_scoped3A_125 : memref<!tpu.dma_semaphore, #tpu.memory_space<semaphore_mem>>) {add = true}
        %dma_wait3A_133 = arith.constant 0 : i32
        %dma_wait3A_134 = tpu.memref_slice %arg6[%dma_wait3A_133] : memref<512xf32, #tpu.memory_space<vmem>> -> memref<128xf32, #tpu.memory_space<vmem>>
        %dma_wait3A_135 = arith.constant 0 : i32
        %dma_wait3A_136 = tpu.memref_slice %arg5[%run_scoped3A_103, %dma_wait3A_135] : memref<4x128xi32, #tpu.memory_space<vmem>> -> memref<1x128xi32, #tpu.memory_space<vmem>>
        %dma_wait3A_137 = tpu.memref_squeeze %dma_wait3A_136 : memref<1x128xi32, #tpu.memory_space<vmem>> -> memref<128xi32, #tpu.memory_space<vmem>>
        %dma_wait3A_138 = arith.constant 0 : i32
        %dma_wait3A_139 = tpu.memref_slice %arg8[%dma_wait3A_138] : memref<106496xf32, #tpu.memory_space<vmem_shared>> -> memref<106496xf32, #tpu.memory_space<vmem_shared>>
        tpu.wait_indirect_dma semaphore(%run_scoped3A_125 : memref<!tpu.dma_semaphore, #tpu.memory_space<semaphore_mem>>) src(%dma_wait3A_134 : memref<128xf32, #tpu.memory_space<vmem>>) dst(%dma_wait3A_139 : memref<106496xf32, #tpu.memory_space<vmem_shared>>)
        tpu.yield
      }) : () -> ()
      %run_scoped3A_104 = arith.constant 1 : i32
      "tpu.region"() ({
        %run_scoped3A_125 = tpu.sem_alloc : memref<!tpu.dma_semaphore, #tpu.memory_space<semaphore_mem>>
        %dma_start3A_126 = arith.constant 128 : i32
        %dma_start3A_127 = tpu.memref_slice %arg6[%dma_start3A_126] : memref<512xf32, #tpu.memory_space<vmem>> -> memref<128xf32, #tpu.memory_space<vmem>>
        %dma_start3A_128 = arith.constant 0 : i32
        %dma_start3A_129 = tpu.memref_slice %arg5[%run_scoped3A_104, %dma_start3A_128] : memref<4x128xi32, #tpu.memory_space<vmem>> -> memref<1x128xi32, #tpu.memory_space<vmem>>
        %dma_start3A_130 = tpu.memref_squeeze %dma_start3A_129 : memref<1x128xi32, #tpu.memory_space<vmem>> -> memref<128xi32, #tpu.memory_space<vmem>>
        %dma_start3A_131 = arith.constant 0 : i32
        %dma_start3A_132 = tpu.memref_slice %arg8[%dma_start3A_131] : memref<106496xf32, #tpu.memory_space<vmem_shared>> -> memref<106496xf32, #tpu.memory_space<vmem_shared>>
        tpu.enqueue_indirect_dma source(%dma_start3A_127 : memref<128xf32, #tpu.memory_space<vmem>>) target(%dma_start3A_132 : memref<106496xf32, #tpu.memory_space<vmem_shared>>) offsets(%dma_start3A_130 : memref<128xi32, #tpu.memory_space<vmem>>) semaphore(%run_scoped3A_125 : memref<!tpu.dma_semaphore, #tpu.memory_space<semaphore_mem>>) {add = true}
        %dma_wait3A_133 = arith.constant 128 : i32
        %dma_wait3A_134 = tpu.memref_slice %arg6[%dma_wait3A_133] : memref<512xf32, #tpu.memory_space<vmem>> -> memref<128xf32, #tpu.memory_space<vmem>>
        %dma_wait3A_135 = arith.constant 0 : i32
        %dma_wait3A_136 = tpu.memref_slice %arg5[%run_scoped3A_104, %dma_wait3A_135] : memref<4x128xi32, #tpu.memory_space<vmem>> -> memref<1x128xi32, #tpu.memory_space<vmem>>
        %dma_wait3A_137 = tpu.memref_squeeze %dma_wait3A_136 : memref<1x128xi32, #tpu.memory_space<vmem>> -> memref<128xi32, #tpu.memory_space<vmem>>
        %dma_wait3A_138 = arith.constant 0 : i32
        %dma_wait3A_139 = tpu.memref_slice %arg8[%dma_wait3A_138] : memref<106496xf32, #tpu.memory_space<vmem_shared>> -> memref<106496xf32, #tpu.memory_space<vmem_shared>>
        tpu.wait_indirect_dma semaphore(%run_scoped3A_125 : memref<!tpu.dma_semaphore, #tpu.memory_space<semaphore_mem>>) src(%dma_wait3A_134 : memref<128xf32, #tpu.memory_space<vmem>>) dst(%dma_wait3A_139 : memref<106496xf32, #tpu.memory_space<vmem_shared>>)
        tpu.yield
      }) : () -> ()
      %run_scoped3A_105 = arith.constant 2 : i32
      "tpu.region"() ({
        %run_scoped3A_125 = tpu.sem_alloc : memref<!tpu.dma_semaphore, #tpu.memory_space<semaphore_mem>>
        %dma_start3A_126 = arith.constant 256 : i32
        %dma_start3A_127 = tpu.memref_slice %arg6[%dma_start3A_126] : memref<512xf32, #tpu.memory_space<vmem>> -> memref<128xf32, #tpu.memory_space<vmem>>
        %dma_start3A_128 = arith.constant 0 : i32
        %dma_start3A_129 = tpu.memref_slice %arg5[%run_scoped3A_105, %dma_start3A_128] : memref<4x128xi32, #tpu.memory_space<vmem>> -> memref<1x128xi32, #tpu.memory_space<vmem>>
        %dma_start3A_130 = tpu.memref_squeeze %dma_start3A_129 : memref<1x128xi32, #tpu.memory_space<vmem>> -> memref<128xi32, #tpu.memory_space<vmem>>
        %dma_start3A_131 = arith.constant 0 : i32
        %dma_start3A_132 = tpu.memref_slice %arg8[%dma_start3A_131] : memref<106496xf32, #tpu.memory_space<vmem_shared>> -> memref<106496xf32, #tpu.memory_space<vmem_shared>>
        tpu.enqueue_indirect_dma source(%dma_start3A_127 : memref<128xf32, #tpu.memory_space<vmem>>) target(%dma_start3A_132 : memref<106496xf32, #tpu.memory_space<vmem_shared>>) offsets(%dma_start3A_130 : memref<128xi32, #tpu.memory_space<vmem>>) semaphore(%run_scoped3A_125 : memref<!tpu.dma_semaphore, #tpu.memory_space<semaphore_mem>>) {add = true}
        %dma_wait3A_133 = arith.constant 256 : i32
        %dma_wait3A_134 = tpu.memref_slice %arg6[%dma_wait3A_133] : memref<512xf32, #tpu.memory_space<vmem>> -> memref<128xf32, #tpu.memory_space<vmem>>
        %dma_wait3A_135 = arith.constant 0 : i32
        %dma_wait3A_136 = tpu.memref_slice %arg5[%run_scoped3A_105, %dma_wait3A_135] : memref<4x128xi32, #tpu.memory_space<vmem>> -> memref<1x128xi32, #tpu.memory_space<vmem>>
        %dma_wait3A_137 = tpu.memref_squeeze %dma_wait3A_136 : memref<1x128xi32, #tpu.memory_space<vmem>> -> memref<128xi32, #tpu.memory_space<vmem>>
        %dma_wait3A_138 = arith.constant 0 : i32
        %dma_wait3A_139 = tpu.memref_slice %arg8[%dma_wait3A_138] : memref<106496xf32, #tpu.memory_space<vmem_shared>> -> memref<106496xf32, #tpu.memory_space<vmem_shared>>
        tpu.wait_indirect_dma semaphore(%run_scoped3A_125 : memref<!tpu.dma_semaphore, #tpu.memory_space<semaphore_mem>>) src(%dma_wait3A_134 : memref<128xf32, #tpu.memory_space<vmem>>) dst(%dma_wait3A_139 : memref<106496xf32, #tpu.memory_space<vmem_shared>>)
        tpu.yield
      }) : () -> ()
      %run_scoped3A_106 = arith.constant 3 : i32
      "tpu.region"() ({
        %run_scoped3A_125 = tpu.sem_alloc : memref<!tpu.dma_semaphore, #tpu.memory_space<semaphore_mem>>
        %dma_start3A_126 = arith.constant 384 : i32
        %dma_start3A_127 = tpu.memref_slice %arg6[%dma_start3A_126] : memref<512xf32, #tpu.memory_space<vmem>> -> memref<128xf32, #tpu.memory_space<vmem>>
        %dma_start3A_128 = arith.constant 0 : i32
        %dma_start3A_129 = tpu.memref_slice %arg5[%run_scoped3A_106, %dma_start3A_128] : memref<4x128xi32, #tpu.memory_space<vmem>> -> memref<1x128xi32, #tpu.memory_space<vmem>>
        %dma_start3A_130 = tpu.memref_squeeze %dma_start3A_129 : memref<1x128xi32, #tpu.memory_space<vmem>> -> memref<128xi32, #tpu.memory_space<vmem>>
        %dma_start3A_131 = arith.constant 0 : i32
        %dma_start3A_132 = tpu.memref_slice %arg8[%dma_start3A_131] : memref<106496xf32, #tpu.memory_space<vmem_shared>> -> memref<106496xf32, #tpu.memory_space<vmem_shared>>
        tpu.enqueue_indirect_dma source(%dma_start3A_127 : memref<128xf32, #tpu.memory_space<vmem>>) target(%dma_start3A_132 : memref<106496xf32, #tpu.memory_space<vmem_shared>>) offsets(%dma_start3A_130 : memref<128xi32, #tpu.memory_space<vmem>>) semaphore(%run_scoped3A_125 : memref<!tpu.dma_semaphore, #tpu.memory_space<semaphore_mem>>) {add = true}
        %dma_wait3A_133 = arith.constant 384 : i32
        %dma_wait3A_134 = tpu.memref_slice %arg6[%dma_wait3A_133] : memref<512xf32, #tpu.memory_space<vmem>> -> memref<128xf32, #tpu.memory_space<vmem>>
        %dma_wait3A_135 = arith.constant 0 : i32
        %dma_wait3A_136 = tpu.memref_slice %arg5[%run_scoped3A_106, %dma_wait3A_135] : memref<4x128xi32, #tpu.memory_space<vmem>> -> memref<1x128xi32, #tpu.memory_space<vmem>>
        %dma_wait3A_137 = tpu.memref_squeeze %dma_wait3A_136 : memref<1x128xi32, #tpu.memory_space<vmem>> -> memref<128xi32, #tpu.memory_space<vmem>>
        %dma_wait3A_138 = arith.constant 0 : i32
        %dma_wait3A_139 = tpu.memref_slice %arg8[%dma_wait3A_138] : memref<106496xf32, #tpu.memory_space<vmem_shared>> -> memref<106496xf32, #tpu.memory_space<vmem_shared>>
        tpu.wait_indirect_dma semaphore(%run_scoped3A_125 : memref<!tpu.dma_semaphore, #tpu.memory_space<semaphore_mem>>) src(%dma_wait3A_134 : memref<128xf32, #tpu.memory_space<vmem>>) dst(%dma_wait3A_139 : memref<106496xf32, #tpu.memory_space<vmem_shared>>)
        tpu.yield
      }) : () -> ()
      %dma_wait3A_107 = arith.constant 0 : i32
      %dma_wait3A_108 = arith.constant 0 : i32
      %dma_wait3A_109 = tpu.memref_slice %arg2[%dma_wait3A_107, %dma_wait3A_108] : memref<25096x128xi32, #tpu.memory_space<hbm>> -> memref<4x128xi32, #tpu.memory_space<hbm>>
      %dma_wait3A_110 = arith.constant 0 : i32
      %dma_wait3A_111 = arith.constant 0 : i32
      %dma_wait3A_112 = tpu.memref_slice %arg2[%dma_wait3A_110, %dma_wait3A_111] : memref<25096x128xi32, #tpu.memory_space<hbm>> -> memref<4x128xi32, #tpu.memory_space<hbm>>
      tpu.wait_dma2 semaphore(%arg11 : memref<!tpu.dma_semaphore, #tpu.memory_space<semaphore_mem>>) src(%dma_wait3A_112 : memref<4x128xi32, #tpu.memory_space<hbm>>) dst(%arg4 : memref<4x128xi32, #tpu.memory_space<vmem>>)
      %mul3A_113 = arith.constant 2 : i32
      %mul3A_114 = arith.muli %mul3A_113, %scan3A_81 : i32
      %add3A_115 = arith.constant 3 : i32
      %add3A_116 = arith.addi %mul3A_114, %add3A_115 : i32
      %add3A_117 = arith.addi %mul3A_46, %add3A_116 : i32
      %mul3A_118 = arith.constant 4 : i32
      %mul3A_119 = arith.muli %add3A_117, %mul3A_118 : i32
      %dma_start3A_120 = arith.constant 0 : i32
      %dma_start3A_121 = tpu.memref_slice %arg2[%mul3A_119, %dma_start3A_120] : memref<25096x128xi32, #tpu.memory_space<hbm>> -> memref<4x128xi32, #tpu.memory_space<hbm>>
      %dma_start3A_122 = arith.constant 0 : i32
      %dma_start3A_123 = tpu.memref_slice %arg2[%mul3A_119, %dma_start3A_122] : memref<25096x128xi32, #tpu.memory_space<hbm>> -> memref<4x128xi32, #tpu.memory_space<hbm>>
      tpu.enqueue_dma source(%dma_start3A_123 : memref<4x128xi32, #tpu.memory_space<hbm>>) target(%arg5 : memref<4x128xi32, #tpu.memory_space<vmem>>) target_semaphore(%arg12 : memref<!tpu.dma_semaphore, #tpu.memory_space<semaphore_mem>>)
      %scan3A_124 = arith.constant 0 : i32
      scf.yield %scan3A_124 : i32
    }
    %scan3A_73 = arith.constant 98 : i32
    %dma_wait3A_74 = arith.constant 0 : i32
    %dma_wait3A_75 = arith.constant 0 : i32
    %dma_wait3A_76 = tpu.memref_slice %arg2[%dma_wait3A_74, %dma_wait3A_75] : memref<25096x128xi32, #tpu.memory_space<hbm>> -> memref<4x128xi32, #tpu.memory_space<hbm>>
    %dma_wait3A_77 = arith.constant 0 : i32
    %dma_wait3A_78 = arith.constant 0 : i32
    %dma_wait3A_79 = tpu.memref_slice %arg2[%dma_wait3A_77, %dma_wait3A_78] : memref<25096x128xi32, #tpu.memory_space<hbm>> -> memref<4x128xi32, #tpu.memory_space<hbm>>
    tpu.wait_dma2 semaphore(%arg12 : memref<!tpu.dma_semaphore, #tpu.memory_space<semaphore_mem>>) src(%dma_wait3A_79 : memref<4x128xi32, #tpu.memory_space<hbm>>) dst(%arg5 : memref<4x128xi32, #tpu.memory_space<vmem>>)
    %barrier3A_80 = arith.constant 0 : index
    tpu.barrier barrier_id(%barrier3A_80)
    "tpu.region"() ({
      %run_scoped3A = tpu.sem_alloc : memref<!tpu.dma_semaphore, #tpu.memory_space<semaphore_mem>>
      %dma_start3A_81 = arith.constant 0 : i32
      %dma_start3A_82 = tpu.memref_slice %arg3[%arg0, %dma_start3A_81] : memref<2x106496xf32, #tpu.memory_space<hbm>> -> memref<1x106496xf32, #tpu.memory_space<hbm>>
      %dma_start3A_83 = tpu.memref_squeeze %dma_start3A_82 : memref<1x106496xf32, #tpu.memory_space<hbm>> -> memref<106496xf32, #tpu.memory_space<hbm>>
      %dma_start3A_84 = tpu.memref_slice %dma_start3A_83[%mul3A_0] : memref<106496xf32, #tpu.memory_space<hbm>> -> memref<6656xf32, #tpu.memory_space<hbm>>
      %dma_start3A_85 = tpu.memref_slice %arg8[%mul3A_0] : memref<106496xf32, #tpu.memory_space<vmem_shared>> -> memref<6656xf32, #tpu.memory_space<vmem_shared>>
      tpu.enqueue_dma source(%dma_start3A_85 : memref<6656xf32, #tpu.memory_space<vmem_shared>>) target(%dma_start3A_84 : memref<6656xf32, #tpu.memory_space<hbm>>) target_semaphore(%run_scoped3A : memref<!tpu.dma_semaphore, #tpu.memory_space<semaphore_mem>>)
      %dma_wait3A_86 = arith.constant 0 : i32
      %dma_wait3A_87 = tpu.memref_slice %arg3[%arg0, %dma_wait3A_86] : memref<2x106496xf32, #tpu.memory_space<hbm>> -> memref<1x106496xf32, #tpu.memory_space<hbm>>
      %dma_wait3A_88 = tpu.memref_squeeze %dma_wait3A_87 : memref<1x106496xf32, #tpu.memory_space<hbm>> -> memref<106496xf32, #tpu.memory_space<hbm>>
      %dma_wait3A_89 = tpu.memref_slice %dma_wait3A_88[%mul3A_0] : memref<106496xf32, #tpu.memory_space<hbm>> -> memref<6656xf32, #tpu.memory_space<hbm>>
      %dma_wait3A_90 = tpu.memref_slice %arg8[%mul3A_0] : memref<106496xf32, #tpu.memory_space<vmem_shared>> -> memref<6656xf32, #tpu.memory_space<vmem_shared>>
      tpu.wait_dma2 semaphore(%run_scoped3A : memref<!tpu.dma_semaphore, #tpu.memory_space<semaphore_mem>>) src(%dma_wait3A_90 : memref<6656xf32, #tpu.memory_space<vmem_shared>>) dst(%dma_wait3A_89 : memref<6656xf32, #tpu.memory_space<hbm>>)
      tpu.yield
    }) : () -> ()
    return
  }
}

#map = affine_map<(d0, d1) -> (0, 0, 0)>
#map1 = affine_map<(d0, d1) -> (0, 0)>
module attributes {stable_mosaic.version = 14 : i64} {
  func.func @k(%arg0: i32, %arg1: i32, %arg2: memref<2x106496x16xf32, #tpu.memory_space<hbm>>, %arg3: memref<50192x128xi32, #tpu.memory_space<hbm>>, %arg4: memref<2x106496x16xf32, #tpu.memory_space<hbm>>, %arg5: memref<8x128xi32, #tpu.memory_space<vmem>>, %arg6: memref<8x128xi32, #tpu.memory_space<vmem>>, %arg7: memref<512x16xf32, #tpu.memory_space<vmem>>, %arg8: memref<512x16xf32, #tpu.memory_space<vmem>>, %arg9: memref<106496x16xf32, #tpu.memory_space<vmem_shared>>, %arg10: memref<!tpu.dma_semaphore, #tpu.memory_space<semaphore_mem>>, %arg11: memref<!tpu.dma_semaphore, #tpu.memory_space<semaphore_mem>>, %arg12: memref<!tpu.dma_semaphore, #tpu.memory_space<semaphore_mem>>, %arg13: memref<!tpu.dma_semaphore, #tpu.memory_space<semaphore_mem>>) attributes {dimension_semantics = [#tpu.dimension_semantics<core_parallel>, #tpu.dimension_semantics<subcore_parallel>], iteration_bounds = array<i64: 2, 16>, scalar_prefetch = 0 : i64, scratch_operands = 9 : i64, tpu.core_type = #tpu.core_type<sc_vector_subcore>, window_params = [{transform_indices = #map}, {transform_indices = #map1}, {transform_indices = #map}]} {
    %mul3A = arith.constant 6656 : i32
    %mul3A_0 = arith.muli %arg1, %mul3A : i32
    "tpu.region"() ({
      %run_scoped3A = tpu.sem_alloc : memref<!tpu.dma_semaphore, #tpu.memory_space<semaphore_mem>>
      %dma_start3A_176 = arith.constant 0 : i32
      %dma_start3A_177 = tpu.memref_slice %arg9[%mul3A_0, %dma_start3A_176] : memref<106496x16xf32, #tpu.memory_space<vmem_shared>> -> memref<6656x16xf32, #tpu.memory_space<vmem_shared>>
      %dma_start3A_178 = arith.constant 0 : i32
      %dma_start3A_179 = arith.constant 0 : i32
      %dma_start3A_180 = tpu.memref_slice %arg2[%arg0, %dma_start3A_178, %dma_start3A_179] : memref<2x106496x16xf32, #tpu.memory_space<hbm>> -> memref<1x106496x16xf32, #tpu.memory_space<hbm>>
      %dma_start3A_181 = tpu.memref_squeeze %dma_start3A_180 : memref<1x106496x16xf32, #tpu.memory_space<hbm>> -> memref<106496x16xf32, #tpu.memory_space<hbm>>
      %dma_start3A_182 = arith.constant 0 : i32
      %dma_start3A_183 = tpu.memref_slice %dma_start3A_181[%mul3A_0, %dma_start3A_182] : memref<106496x16xf32, #tpu.memory_space<hbm>> -> memref<6656x16xf32, #tpu.memory_space<hbm>>
      tpu.enqueue_dma source(%dma_start3A_183 : memref<6656x16xf32, #tpu.memory_space<hbm>>) target(%dma_start3A_177 : memref<6656x16xf32, #tpu.memory_space<vmem_shared>>) target_semaphore(%run_scoped3A : memref<!tpu.dma_semaphore, #tpu.memory_space<semaphore_mem>>)
      %dma_wait3A_184 = arith.constant 0 : i32
      %dma_wait3A_185 = tpu.memref_slice %arg9[%mul3A_0, %dma_wait3A_184] : memref<106496x16xf32, #tpu.memory_space<vmem_shared>> -> memref<6656x16xf32, #tpu.memory_space<vmem_shared>>
      %dma_wait3A_186 = arith.constant 0 : i32
      %dma_wait3A_187 = arith.constant 0 : i32
      %dma_wait3A_188 = tpu.memref_slice %arg2[%arg0, %dma_wait3A_186, %dma_wait3A_187] : memref<2x106496x16xf32, #tpu.memory_space<hbm>> -> memref<1x106496x16xf32, #tpu.memory_space<hbm>>
      %dma_wait3A_189 = tpu.memref_squeeze %dma_wait3A_188 : memref<1x106496x16xf32, #tpu.memory_space<hbm>> -> memref<106496x16xf32, #tpu.memory_space<hbm>>
      %dma_wait3A_190 = arith.constant 0 : i32
      %dma_wait3A_191 = tpu.memref_slice %dma_wait3A_189[%mul3A_0, %dma_wait3A_190] : memref<106496x16xf32, #tpu.memory_space<hbm>> -> memref<6656x16xf32, #tpu.memory_space<hbm>>
      tpu.wait_dma2 semaphore(%run_scoped3A : memref<!tpu.dma_semaphore, #tpu.memory_space<semaphore_mem>>) src(%dma_wait3A_191 : memref<6656x16xf32, #tpu.memory_space<hbm>>) dst(%dma_wait3A_185 : memref<6656x16xf32, #tpu.memory_space<vmem_shared>>)
      tpu.yield
    }) : () -> ()
    %barrier3A = arith.constant 0 : index
    tpu.barrier barrier_id(%barrier3A)
    %mul3A_1 = arith.constant 392 : i32
    %mul3A_2 = arith.muli %arg1, %mul3A_1 : i32
    %add3A = arith.constant 0 : i32
    %add3A_3 = arith.addi %mul3A_2, %add3A : i32
    %mul3A_4 = arith.constant 8 : i32
    %mul3A_5 = arith.muli %add3A_3, %mul3A_4 : i32
    %dma_start3A = arith.constant 0 : i32
    %dma_start3A_6 = tpu.memref_slice %arg3[%mul3A_5, %dma_start3A] : memref<50192x128xi32, #tpu.memory_space<hbm>> -> memref<8x128xi32, #tpu.memory_space<hbm>>
    %dma_start3A_7 = arith.constant 0 : i32
    %dma_start3A_8 = tpu.memref_slice %arg3[%mul3A_5, %dma_start3A_7] : memref<50192x128xi32, #tpu.memory_space<hbm>> -> memref<8x128xi32, #tpu.memory_space<hbm>>
    tpu.enqueue_dma source(%dma_start3A_8 : memref<8x128xi32, #tpu.memory_space<hbm>>) target(%arg5 : memref<8x128xi32, #tpu.memory_space<vmem>>) target_semaphore(%arg12 : memref<!tpu.dma_semaphore, #tpu.memory_space<semaphore_mem>>)
    %dma_wait3A = arith.constant 0 : i32
    %dma_wait3A_9 = arith.constant 0 : i32
    %dma_wait3A_10 = tpu.memref_slice %arg3[%dma_wait3A, %dma_wait3A_9] : memref<50192x128xi32, #tpu.memory_space<hbm>> -> memref<8x128xi32, #tpu.memory_space<hbm>>
    %dma_wait3A_11 = arith.constant 0 : i32
    %dma_wait3A_12 = arith.constant 0 : i32
    %dma_wait3A_13 = tpu.memref_slice %arg3[%dma_wait3A_11, %dma_wait3A_12] : memref<50192x128xi32, #tpu.memory_space<hbm>> -> memref<8x128xi32, #tpu.memory_space<hbm>>
    tpu.wait_dma2 semaphore(%arg12 : memref<!tpu.dma_semaphore, #tpu.memory_space<semaphore_mem>>) src(%dma_wait3A_13 : memref<8x128xi32, #tpu.memory_space<hbm>>) dst(%arg5 : memref<8x128xi32, #tpu.memory_space<vmem>>)
    %dma_start3A_14 = arith.constant 0 : i32
    %dma_start3A_15 = arith.constant 0 : i32
    %dma_start3A_16 = arith.constant 0 : i32
    %dma_start3A_17 = tpu.memref_slice %arg7[%dma_start3A_15, %dma_start3A_16] : memref<512x16xf32, #tpu.memory_space<vmem>> -> memref<128x16xf32, #tpu.memory_space<vmem>>
    %dma_start3A_18 = arith.constant 0 : i32
    %dma_start3A_19 = tpu.memref_slice %arg5[%dma_start3A_14, %dma_start3A_18] : memref<8x128xi32, #tpu.memory_space<vmem>> -> memref<1x128xi32, #tpu.memory_space<vmem>>
    %dma_start3A_20 = tpu.memref_squeeze %dma_start3A_19 : memref<1x128xi32, #tpu.memory_space<vmem>> -> memref<128xi32, #tpu.memory_space<vmem>>
    %dma_start3A_21 = arith.constant 0 : i32
    %dma_start3A_22 = arith.constant 0 : i32
    %dma_start3A_23 = tpu.memref_slice %arg2[%arg0, %dma_start3A_21, %dma_start3A_22] : memref<2x106496x16xf32, #tpu.memory_space<hbm>> -> memref<1x106496x16xf32, #tpu.memory_space<hbm>>
    %dma_start3A_24 = tpu.memref_squeeze %dma_start3A_23 : memref<1x106496x16xf32, #tpu.memory_space<hbm>> -> memref<106496x16xf32, #tpu.memory_space<hbm>>
    %dma_start3A_25 = arith.constant 0 : i32
    %dma_start3A_26 = arith.constant 0 : i32
    %dma_start3A_27 = tpu.memref_slice %dma_start3A_24[%dma_start3A_25, %dma_start3A_26] : memref<106496x16xf32, #tpu.memory_space<hbm>> -> memref<106496x16xf32, #tpu.memory_space<hbm>>
    tpu.enqueue_indirect_dma source(%dma_start3A_27 : memref<106496x16xf32, #tpu.memory_space<hbm>>) target(%dma_start3A_17 : memref<128x16xf32, #tpu.memory_space<vmem>>) offsets(%dma_start3A_20 : memref<128xi32, #tpu.memory_space<vmem>>) semaphore(%arg10 : memref<!tpu.dma_semaphore, #tpu.memory_space<semaphore_mem>>)
    %dma_start3A_28 = arith.constant 1 : i32
    %dma_start3A_29 = arith.constant 128 : i32
    %dma_start3A_30 = arith.constant 0 : i32
    %dma_start3A_31 = tpu.memref_slice %arg7[%dma_start3A_29, %dma_start3A_30] : memref<512x16xf32, #tpu.memory_space<vmem>> -> memref<128x16xf32, #tpu.memory_space<vmem>>
    %dma_start3A_32 = arith.constant 0 : i32
    %dma_start3A_33 = tpu.memref_slice %arg5[%dma_start3A_28, %dma_start3A_32] : memref<8x128xi32, #tpu.memory_space<vmem>> -> memref<1x128xi32, #tpu.memory_space<vmem>>
    %dma_start3A_34 = tpu.memref_squeeze %dma_start3A_33 : memref<1x128xi32, #tpu.memory_space<vmem>> -> memref<128xi32, #tpu.memory_space<vmem>>
    %dma_start3A_35 = arith.constant 0 : i32
    %dma_start3A_36 = arith.constant 0 : i32
    %dma_start3A_37 = tpu.memref_slice %arg2[%arg0, %dma_start3A_35, %dma_start3A_36] : memref<2x106496x16xf32, #tpu.memory_space<hbm>> -> memref<1x106496x16xf32, #tpu.memory_space<hbm>>
    %dma_start3A_38 = tpu.memref_squeeze %dma_start3A_37 : memref<1x106496x16xf32, #tpu.memory_space<hbm>> -> memref<106496x16xf32, #tpu.memory_space<hbm>>
    %dma_start3A_39 = arith.constant 0 : i32
    %dma_start3A_40 = arith.constant 0 : i32
    %dma_start3A_41 = tpu.memref_slice %dma_start3A_38[%dma_start3A_39, %dma_start3A_40] : memref<106496x16xf32, #tpu.memory_space<hbm>> -> memref<106496x16xf32, #tpu.memory_space<hbm>>
    tpu.enqueue_indirect_dma source(%dma_start3A_41 : memref<106496x16xf32, #tpu.memory_space<hbm>>) target(%dma_start3A_31 : memref<128x16xf32, #tpu.memory_space<vmem>>) offsets(%dma_start3A_34 : memref<128xi32, #tpu.memory_space<vmem>>) semaphore(%arg10 : memref<!tpu.dma_semaphore, #tpu.memory_space<semaphore_mem>>)
    %dma_start3A_42 = arith.constant 2 : i32
    %dma_start3A_43 = arith.constant 256 : i32
    %dma_start3A_44 = arith.constant 0 : i32
    %dma_start3A_45 = tpu.memref_slice %arg7[%dma_start3A_43, %dma_start3A_44] : memref<512x16xf32, #tpu.memory_space<vmem>> -> memref<128x16xf32, #tpu.memory_space<vmem>>
    %dma_start3A_46 = arith.constant 0 : i32
    %dma_start3A_47 = tpu.memref_slice %arg5[%dma_start3A_42, %dma_start3A_46] : memref<8x128xi32, #tpu.memory_space<vmem>> -> memref<1x128xi32, #tpu.memory_space<vmem>>
    %dma_start3A_48 = tpu.memref_squeeze %dma_start3A_47 : memref<1x128xi32, #tpu.memory_space<vmem>> -> memref<128xi32, #tpu.memory_space<vmem>>
    %dma_start3A_49 = arith.constant 0 : i32
    %dma_start3A_50 = arith.constant 0 : i32
    %dma_start3A_51 = tpu.memref_slice %arg2[%arg0, %dma_start3A_49, %dma_start3A_50] : memref<2x106496x16xf32, #tpu.memory_space<hbm>> -> memref<1x106496x16xf32, #tpu.memory_space<hbm>>
    %dma_start3A_52 = tpu.memref_squeeze %dma_start3A_51 : memref<1x106496x16xf32, #tpu.memory_space<hbm>> -> memref<106496x16xf32, #tpu.memory_space<hbm>>
    %dma_start3A_53 = arith.constant 0 : i32
    %dma_start3A_54 = arith.constant 0 : i32
    %dma_start3A_55 = tpu.memref_slice %dma_start3A_52[%dma_start3A_53, %dma_start3A_54] : memref<106496x16xf32, #tpu.memory_space<hbm>> -> memref<106496x16xf32, #tpu.memory_space<hbm>>
    tpu.enqueue_indirect_dma source(%dma_start3A_55 : memref<106496x16xf32, #tpu.memory_space<hbm>>) target(%dma_start3A_45 : memref<128x16xf32, #tpu.memory_space<vmem>>) offsets(%dma_start3A_48 : memref<128xi32, #tpu.memory_space<vmem>>) semaphore(%arg10 : memref<!tpu.dma_semaphore, #tpu.memory_space<semaphore_mem>>)
    %dma_start3A_56 = arith.constant 3 : i32
    %dma_start3A_57 = arith.constant 384 : i32
    %dma_start3A_58 = arith.constant 0 : i32
    %dma_start3A_59 = tpu.memref_slice %arg7[%dma_start3A_57, %dma_start3A_58] : memref<512x16xf32, #tpu.memory_space<vmem>> -> memref<128x16xf32, #tpu.memory_space<vmem>>
    %dma_start3A_60 = arith.constant 0 : i32
    %dma_start3A_61 = tpu.memref_slice %arg5[%dma_start3A_56, %dma_start3A_60] : memref<8x128xi32, #tpu.memory_space<vmem>> -> memref<1x128xi32, #tpu.memory_space<vmem>>
    %dma_start3A_62 = tpu.memref_squeeze %dma_start3A_61 : memref<1x128xi32, #tpu.memory_space<vmem>> -> memref<128xi32, #tpu.memory_space<vmem>>
    %dma_start3A_63 = arith.constant 0 : i32
    %dma_start3A_64 = arith.constant 0 : i32
    %dma_start3A_65 = tpu.memref_slice %arg2[%arg0, %dma_start3A_63, %dma_start3A_64] : memref<2x106496x16xf32, #tpu.memory_space<hbm>> -> memref<1x106496x16xf32, #tpu.memory_space<hbm>>
    %dma_start3A_66 = tpu.memref_squeeze %dma_start3A_65 : memref<1x106496x16xf32, #tpu.memory_space<hbm>> -> memref<106496x16xf32, #tpu.memory_space<hbm>>
    %dma_start3A_67 = arith.constant 0 : i32
    %dma_start3A_68 = arith.constant 0 : i32
    %dma_start3A_69 = tpu.memref_slice %dma_start3A_66[%dma_start3A_67, %dma_start3A_68] : memref<106496x16xf32, #tpu.memory_space<hbm>> -> memref<106496x16xf32, #tpu.memory_space<hbm>>
    tpu.enqueue_indirect_dma source(%dma_start3A_69 : memref<106496x16xf32, #tpu.memory_space<hbm>>) target(%dma_start3A_59 : memref<128x16xf32, #tpu.memory_space<vmem>>) offsets(%dma_start3A_62 : memref<128xi32, #tpu.memory_space<vmem>>) semaphore(%arg10 : memref<!tpu.dma_semaphore, #tpu.memory_space<semaphore_mem>>)
    %add3A_70 = arith.constant 1 : i32
    %add3A_71 = arith.addi %mul3A_2, %add3A_70 : i32
    %mul3A_72 = arith.constant 8 : i32
    %mul3A_73 = arith.muli %add3A_71, %mul3A_72 : i32
    %dma_start3A_74 = arith.constant 0 : i32
    %dma_start3A_75 = tpu.memref_slice %arg3[%mul3A_73, %dma_start3A_74] : memref<50192x128xi32, #tpu.memory_space<hbm>> -> memref<8x128xi32, #tpu.memory_space<hbm>>
    %dma_start3A_76 = arith.constant 0 : i32
    %dma_start3A_77 = tpu.memref_slice %arg3[%mul3A_73, %dma_start3A_76] : memref<50192x128xi32, #tpu.memory_space<hbm>> -> memref<8x128xi32, #tpu.memory_space<hbm>>
    tpu.enqueue_dma source(%dma_start3A_77 : memref<8x128xi32, #tpu.memory_space<hbm>>) target(%arg6 : memref<8x128xi32, #tpu.memory_space<vmem>>) target_semaphore(%arg13 : memref<!tpu.dma_semaphore, #tpu.memory_space<semaphore_mem>>)
    %scan3A = arith.constant 0 : i32
    %scan3A_78 = arith.constant 0 : i32
    %scan3A_79 = arith.constant 0 : i32
    %scan3A_80 = arith.constant 196 : i32
    %scan3A_81 = arith.addi %scan3A_79, %scan3A_80 : i32
    %scan3A_82 = arith.constant 1 : i32
    %scan3A_83 = scf.for %scan3A_176 = %scan3A_79 to %scan3A_81 step %scan3A_82 iter_args(%scan3A_177 = %scan3A_78) -> (i32)  : i32 {
      %dma_wait3A_178 = arith.constant 0 : i32
      %dma_wait3A_179 = arith.constant 0 : i32
      %dma_wait3A_180 = tpu.memref_slice %arg3[%dma_wait3A_178, %dma_wait3A_179] : memref<50192x128xi32, #tpu.memory_space<hbm>> -> memref<8x128xi32, #tpu.memory_space<hbm>>
      %dma_wait3A_181 = arith.constant 0 : i32
      %dma_wait3A_182 = arith.constant 0 : i32
      %dma_wait3A_183 = tpu.memref_slice %arg3[%dma_wait3A_181, %dma_wait3A_182] : memref<50192x128xi32, #tpu.memory_space<hbm>> -> memref<8x128xi32, #tpu.memory_space<hbm>>
      tpu.wait_dma2 semaphore(%arg13 : memref<!tpu.dma_semaphore, #tpu.memory_space<semaphore_mem>>) src(%dma_wait3A_183 : memref<8x128xi32, #tpu.memory_space<hbm>>) dst(%arg6 : memref<8x128xi32, #tpu.memory_space<vmem>>)
      %dma_start3A_184 = arith.constant 0 : i32
      %dma_start3A_185 = arith.constant 0 : i32
      %dma_start3A_186 = arith.constant 0 : i32
      %dma_start3A_187 = tpu.memref_slice %arg8[%dma_start3A_185, %dma_start3A_186] : memref<512x16xf32, #tpu.memory_space<vmem>> -> memref<128x16xf32, #tpu.memory_space<vmem>>
      %dma_start3A_188 = arith.constant 0 : i32
      %dma_start3A_189 = tpu.memref_slice %arg6[%dma_start3A_184, %dma_start3A_188] : memref<8x128xi32, #tpu.memory_space<vmem>> -> memref<1x128xi32, #tpu.memory_space<vmem>>
      %dma_start3A_190 = tpu.memref_squeeze %dma_start3A_189 : memref<1x128xi32, #tpu.memory_space<vmem>> -> memref<128xi32, #tpu.memory_space<vmem>>
      %dma_start3A_191 = arith.constant 0 : i32
      %dma_start3A_192 = arith.constant 0 : i32
      %dma_start3A_193 = tpu.memref_slice %arg2[%arg0, %dma_start3A_191, %dma_start3A_192] : memref<2x106496x16xf32, #tpu.memory_space<hbm>> -> memref<1x106496x16xf32, #tpu.memory_space<hbm>>
      %dma_start3A_194 = tpu.memref_squeeze %dma_start3A_193 : memref<1x106496x16xf32, #tpu.memory_space<hbm>> -> memref<106496x16xf32, #tpu.memory_space<hbm>>
      %dma_start3A_195 = arith.constant 0 : i32
      %dma_start3A_196 = arith.constant 0 : i32
      %dma_start3A_197 = tpu.memref_slice %dma_start3A_194[%dma_start3A_195, %dma_start3A_196] : memref<106496x16xf32, #tpu.memory_space<hbm>> -> memref<106496x16xf32, #tpu.memory_space<hbm>>
      tpu.enqueue_indirect_dma source(%dma_start3A_197 : memref<106496x16xf32, #tpu.memory_space<hbm>>) target(%dma_start3A_187 : memref<128x16xf32, #tpu.memory_space<vmem>>) offsets(%dma_start3A_190 : memref<128xi32, #tpu.memory_space<vmem>>) semaphore(%arg11 : memref<!tpu.dma_semaphore, #tpu.memory_space<semaphore_mem>>)
      %dma_start3A_198 = arith.constant 1 : i32
      %dma_start3A_199 = arith.constant 128 : i32
      %dma_start3A_200 = arith.constant 0 : i32
      %dma_start3A_201 = tpu.memref_slice %arg8[%dma_start3A_199, %dma_start3A_200] : memref<512x16xf32, #tpu.memory_space<vmem>> -> memref<128x16xf32, #tpu.memory_space<vmem>>
      %dma_start3A_202 = arith.constant 0 : i32
      %dma_start3A_203 = tpu.memref_slice %arg6[%dma_start3A_198, %dma_start3A_202] : memref<8x128xi32, #tpu.memory_space<vmem>> -> memref<1x128xi32, #tpu.memory_space<vmem>>
      %dma_start3A_204 = tpu.memref_squeeze %dma_start3A_203 : memref<1x128xi32, #tpu.memory_space<vmem>> -> memref<128xi32, #tpu.memory_space<vmem>>
      %dma_start3A_205 = arith.constant 0 : i32
      %dma_start3A_206 = arith.constant 0 : i32
      %dma_start3A_207 = tpu.memref_slice %arg2[%arg0, %dma_start3A_205, %dma_start3A_206] : memref<2x106496x16xf32, #tpu.memory_space<hbm>> -> memref<1x106496x16xf32, #tpu.memory_space<hbm>>
      %dma_start3A_208 = tpu.memref_squeeze %dma_start3A_207 : memref<1x106496x16xf32, #tpu.memory_space<hbm>> -> memref<106496x16xf32, #tpu.memory_space<hbm>>
      %dma_start3A_209 = arith.constant 0 : i32
      %dma_start3A_210 = arith.constant 0 : i32
      %dma_start3A_211 = tpu.memref_slice %dma_start3A_208[%dma_start3A_209, %dma_start3A_210] : memref<106496x16xf32, #tpu.memory_space<hbm>> -> memref<106496x16xf32, #tpu.memory_space<hbm>>
      tpu.enqueue_indirect_dma source(%dma_start3A_211 : memref<106496x16xf32, #tpu.memory_space<hbm>>) target(%dma_start3A_201 : memref<128x16xf32, #tpu.memory_space<vmem>>) offsets(%dma_start3A_204 : memref<128xi32, #tpu.memory_space<vmem>>) semaphore(%arg11 : memref<!tpu.dma_semaphore, #tpu.memory_space<semaphore_mem>>)
      %dma_start3A_212 = arith.constant 2 : i32
      %dma_start3A_213 = arith.constant 256 : i32
      %dma_start3A_214 = arith.constant 0 : i32
      %dma_start3A_215 = tpu.memref_slice %arg8[%dma_start3A_213, %dma_start3A_214] : memref<512x16xf32, #tpu.memory_space<vmem>> -> memref<128x16xf32, #tpu.memory_space<vmem>>
      %dma_start3A_216 = arith.constant 0 : i32
      %dma_start3A_217 = tpu.memref_slice %arg6[%dma_start3A_212, %dma_start3A_216] : memref<8x128xi32, #tpu.memory_space<vmem>> -> memref<1x128xi32, #tpu.memory_space<vmem>>
      %dma_start3A_218 = tpu.memref_squeeze %dma_start3A_217 : memref<1x128xi32, #tpu.memory_space<vmem>> -> memref<128xi32, #tpu.memory_space<vmem>>
      %dma_start3A_219 = arith.constant 0 : i32
      %dma_start3A_220 = arith.constant 0 : i32
      %dma_start3A_221 = tpu.memref_slice %arg2[%arg0, %dma_start3A_219, %dma_start3A_220] : memref<2x106496x16xf32, #tpu.memory_space<hbm>> -> memref<1x106496x16xf32, #tpu.memory_space<hbm>>
      %dma_start3A_222 = tpu.memref_squeeze %dma_start3A_221 : memref<1x106496x16xf32, #tpu.memory_space<hbm>> -> memref<106496x16xf32, #tpu.memory_space<hbm>>
      %dma_start3A_223 = arith.constant 0 : i32
      %dma_start3A_224 = arith.constant 0 : i32
      %dma_start3A_225 = tpu.memref_slice %dma_start3A_222[%dma_start3A_223, %dma_start3A_224] : memref<106496x16xf32, #tpu.memory_space<hbm>> -> memref<106496x16xf32, #tpu.memory_space<hbm>>
      tpu.enqueue_indirect_dma source(%dma_start3A_225 : memref<106496x16xf32, #tpu.memory_space<hbm>>) target(%dma_start3A_215 : memref<128x16xf32, #tpu.memory_space<vmem>>) offsets(%dma_start3A_218 : memref<128xi32, #tpu.memory_space<vmem>>) semaphore(%arg11 : memref<!tpu.dma_semaphore, #tpu.memory_space<semaphore_mem>>)
      %dma_start3A_226 = arith.constant 3 : i32
      %dma_start3A_227 = arith.constant 384 : i32
      %dma_start3A_228 = arith.constant 0 : i32
      %dma_start3A_229 = tpu.memref_slice %arg8[%dma_start3A_227, %dma_start3A_228] : memref<512x16xf32, #tpu.memory_space<vmem>> -> memref<128x16xf32, #tpu.memory_space<vmem>>
      %dma_start3A_230 = arith.constant 0 : i32
      %dma_start3A_231 = tpu.memref_slice %arg6[%dma_start3A_226, %dma_start3A_230] : memref<8x128xi32, #tpu.memory_space<vmem>> -> memref<1x128xi32, #tpu.memory_space<vmem>>
      %dma_start3A_232 = tpu.memref_squeeze %dma_start3A_231 : memref<1x128xi32, #tpu.memory_space<vmem>> -> memref<128xi32, #tpu.memory_space<vmem>>
      %dma_start3A_233 = arith.constant 0 : i32
      %dma_start3A_234 = arith.constant 0 : i32
      %dma_start3A_235 = tpu.memref_slice %arg2[%arg0, %dma_start3A_233, %dma_start3A_234] : memref<2x106496x16xf32, #tpu.memory_space<hbm>> -> memref<1x106496x16xf32, #tpu.memory_space<hbm>>
      %dma_start3A_236 = tpu.memref_squeeze %dma_start3A_235 : memref<1x106496x16xf32, #tpu.memory_space<hbm>> -> memref<106496x16xf32, #tpu.memory_space<hbm>>
      %dma_start3A_237 = arith.constant 0 : i32
      %dma_start3A_238 = arith.constant 0 : i32
      %dma_start3A_239 = tpu.memref_slice %dma_start3A_236[%dma_start3A_237, %dma_start3A_238] : memref<106496x16xf32, #tpu.memory_space<hbm>> -> memref<106496x16xf32, #tpu.memory_space<hbm>>
      tpu.enqueue_indirect_dma source(%dma_start3A_239 : memref<106496x16xf32, #tpu.memory_space<hbm>>) target(%dma_start3A_229 : memref<128x16xf32, #tpu.memory_space<vmem>>) offsets(%dma_start3A_232 : memref<128xi32, #tpu.memory_space<vmem>>) semaphore(%arg11 : memref<!tpu.dma_semaphore, #tpu.memory_space<semaphore_mem>>)
      %dma_wait3A_240 = arith.constant 0 : i32
      %dma_wait3A_241 = arith.constant 0 : i32
      %dma_wait3A_242 = tpu.memref_slice %arg7[%dma_wait3A_240, %dma_wait3A_241] : memref<512x16xf32, #tpu.memory_space<vmem>> -> memref<128x16xf32, #tpu.memory_space<vmem>>
      %dma_wait3A_243 = arith.constant 0 : i32
      %dma_wait3A_244 = arith.constant 0 : i32
      %dma_wait3A_245 = tpu.memref_slice %arg2[%scan3A, %dma_wait3A_243, %dma_wait3A_244] : memref<2x106496x16xf32, #tpu.memory_space<hbm>> -> memref<1x106496x16xf32, #tpu.memory_space<hbm>>
      %dma_wait3A_246 = tpu.memref_squeeze %dma_wait3A_245 : memref<1x106496x16xf32, #tpu.memory_space<hbm>> -> memref<106496x16xf32, #tpu.memory_space<hbm>>
      %dma_wait3A_247 = arith.constant 0 : i32
      %dma_wait3A_248 = arith.constant 0 : i32
      %dma_wait3A_249 = tpu.memref_slice %dma_wait3A_246[%dma_wait3A_247, %dma_wait3A_248] : memref<106496x16xf32, #tpu.memory_space<hbm>> -> memref<128x16xf32, #tpu.memory_space<hbm>>
      %dma_wait3A_250 = arith.constant 0 : i32
      %dma_wait3A_251 = arith.constant 0 : i32
      %dma_wait3A_252 = tpu.memref_slice %arg7[%dma_wait3A_250, %dma_wait3A_251] : memref<512x16xf32, #tpu.memory_space<vmem>> -> memref<128x16xf32, #tpu.memory_space<vmem>>
      %dma_wait3A_253 = arith.constant 0 : i32
      %dma_wait3A_254 = arith.constant 0 : i32
      %dma_wait3A_255 = tpu.memref_slice %arg2[%scan3A, %dma_wait3A_253, %dma_wait3A_254] : memref<2x106496x16xf32, #tpu.memory_space<hbm>> -> memref<1x106496x16xf32, #tpu.memory_space<hbm>>
      %dma_wait3A_256 = tpu.memref_squeeze %dma_wait3A_255 : memref<1x106496x16xf32, #tpu.memory_space<hbm>> -> memref<106496x16xf32, #tpu.memory_space<hbm>>
      %dma_wait3A_257 = arith.constant 0 : i32
      %dma_wait3A_258 = arith.constant 0 : i32
      %dma_wait3A_259 = tpu.memref_slice %dma_wait3A_256[%dma_wait3A_257, %dma_wait3A_258] : memref<106496x16xf32, #tpu.memory_space<hbm>> -> memref<128x16xf32, #tpu.memory_space<hbm>>
      tpu.wait_dma2 semaphore(%arg10 : memref<!tpu.dma_semaphore, #tpu.memory_space<semaphore_mem>>) src(%dma_wait3A_259 : memref<128x16xf32, #tpu.memory_space<hbm>>) dst(%dma_wait3A_252 : memref<128x16xf32, #tpu.memory_space<vmem>>)
      %dma_wait3A_260 = arith.constant 128 : i32
      %dma_wait3A_261 = arith.constant 0 : i32
      %dma_wait3A_262 = tpu.memref_slice %arg7[%dma_wait3A_260, %dma_wait3A_261] : memref<512x16xf32, #tpu.memory_space<vmem>> -> memref<128x16xf32, #tpu.memory_space<vmem>>
      %dma_wait3A_263 = arith.constant 0 : i32
      %dma_wait3A_264 = arith.constant 0 : i32
      %dma_wait3A_265 = tpu.memref_slice %arg2[%scan3A, %dma_wait3A_263, %dma_wait3A_264] : memref<2x106496x16xf32, #tpu.memory_space<hbm>> -> memref<1x106496x16xf32, #tpu.memory_space<hbm>>
      %dma_wait3A_266 = tpu.memref_squeeze %dma_wait3A_265 : memref<1x106496x16xf32, #tpu.memory_space<hbm>> -> memref<106496x16xf32, #tpu.memory_space<hbm>>
      %dma_wait3A_267 = arith.constant 0 : i32
      %dma_wait3A_268 = arith.constant 0 : i32
      %dma_wait3A_269 = tpu.memref_slice %dma_wait3A_266[%dma_wait3A_267, %dma_wait3A_268] : memref<106496x16xf32, #tpu.memory_space<hbm>> -> memref<128x16xf32, #tpu.memory_space<hbm>>
      %dma_wait3A_270 = arith.constant 128 : i32
      %dma_wait3A_271 = arith.constant 0 : i32
      %dma_wait3A_272 = tpu.memref_slice %arg7[%dma_wait3A_270, %dma_wait3A_271] : memref<512x16xf32, #tpu.memory_space<vmem>> -> memref<128x16xf32, #tpu.memory_space<vmem>>
      %dma_wait3A_273 = arith.constant 0 : i32
      %dma_wait3A_274 = arith.constant 0 : i32
      %dma_wait3A_275 = tpu.memref_slice %arg2[%scan3A, %dma_wait3A_273, %dma_wait3A_274] : memref<2x106496x16xf32, #tpu.memory_space<hbm>> -> memref<1x106496x16xf32, #tpu.memory_space<hbm>>
      %dma_wait3A_276 = tpu.memref_squeeze %dma_wait3A_275 : memref<1x106496x16xf32, #tpu.memory_space<hbm>> -> memref<106496x16xf32, #tpu.memory_space<hbm>>
      %dma_wait3A_277 = arith.constant 0 : i32
      %dma_wait3A_278 = arith.constant 0 : i32
      %dma_wait3A_279 = tpu.memref_slice %dma_wait3A_276[%dma_wait3A_277, %dma_wait3A_278] : memref<106496x16xf32, #tpu.memory_space<hbm>> -> memref<128x16xf32, #tpu.memory_space<hbm>>
      tpu.wait_dma2 semaphore(%arg10 : memref<!tpu.dma_semaphore, #tpu.memory_space<semaphore_mem>>) src(%dma_wait3A_279 : memref<128x16xf32, #tpu.memory_space<hbm>>) dst(%dma_wait3A_272 : memref<128x16xf32, #tpu.memory_space<vmem>>)
      %dma_wait3A_280 = arith.constant 256 : i32
      %dma_wait3A_281 = arith.constant 0 : i32
      %dma_wait3A_282 = tpu.memref_slice %arg7[%dma_wait3A_280, %dma_wait3A_281] : memref<512x16xf32, #tpu.memory_space<vmem>> -> memref<128x16xf32, #tpu.memory_space<vmem>>
      %dma_wait3A_283 = arith.constant 0 : i32
      %dma_wait3A_284 = arith.constant 0 : i32
      %dma_wait3A_285 = tpu.memref_slice %arg2[%scan3A, %dma_wait3A_283, %dma_wait3A_284] : memref<2x106496x16xf32, #tpu.memory_space<hbm>> -> memref<1x106496x16xf32, #tpu.memory_space<hbm>>
      %dma_wait3A_286 = tpu.memref_squeeze %dma_wait3A_285 : memref<1x106496x16xf32, #tpu.memory_space<hbm>> -> memref<106496x16xf32, #tpu.memory_space<hbm>>
      %dma_wait3A_287 = arith.constant 0 : i32
      %dma_wait3A_288 = arith.constant 0 : i32
      %dma_wait3A_289 = tpu.memref_slice %dma_wait3A_286[%dma_wait3A_287, %dma_wait3A_288] : memref<106496x16xf32, #tpu.memory_space<hbm>> -> memref<128x16xf32, #tpu.memory_space<hbm>>
      %dma_wait3A_290 = arith.constant 256 : i32
      %dma_wait3A_291 = arith.constant 0 : i32
      %dma_wait3A_292 = tpu.memref_slice %arg7[%dma_wait3A_290, %dma_wait3A_291] : memref<512x16xf32, #tpu.memory_space<vmem>> -> memref<128x16xf32, #tpu.memory_space<vmem>>
      %dma_wait3A_293 = arith.constant 0 : i32
      %dma_wait3A_294 = arith.constant 0 : i32
      %dma_wait3A_295 = tpu.memref_slice %arg2[%scan3A, %dma_wait3A_293, %dma_wait3A_294] : memref<2x106496x16xf32, #tpu.memory_space<hbm>> -> memref<1x106496x16xf32, #tpu.memory_space<hbm>>
      %dma_wait3A_296 = tpu.memref_squeeze %dma_wait3A_295 : memref<1x106496x16xf32, #tpu.memory_space<hbm>> -> memref<106496x16xf32, #tpu.memory_space<hbm>>
      %dma_wait3A_297 = arith.constant 0 : i32
      %dma_wait3A_298 = arith.constant 0 : i32
      %dma_wait3A_299 = tpu.memref_slice %dma_wait3A_296[%dma_wait3A_297, %dma_wait3A_298] : memref<106496x16xf32, #tpu.memory_space<hbm>> -> memref<128x16xf32, #tpu.memory_space<hbm>>
      tpu.wait_dma2 semaphore(%arg10 : memref<!tpu.dma_semaphore, #tpu.memory_space<semaphore_mem>>) src(%dma_wait3A_299 : memref<128x16xf32, #tpu.memory_space<hbm>>) dst(%dma_wait3A_292 : memref<128x16xf32, #tpu.memory_space<vmem>>)
      %dma_wait3A_300 = arith.constant 384 : i32
      %dma_wait3A_301 = arith.constant 0 : i32
      %dma_wait3A_302 = tpu.memref_slice %arg7[%dma_wait3A_300, %dma_wait3A_301] : memref<512x16xf32, #tpu.memory_space<vmem>> -> memref<128x16xf32, #tpu.memory_space<vmem>>
      %dma_wait3A_303 = arith.constant 0 : i32
      %dma_wait3A_304 = arith.constant 0 : i32
      %dma_wait3A_305 = tpu.memref_slice %arg2[%scan3A, %dma_wait3A_303, %dma_wait3A_304] : memref<2x106496x16xf32, #tpu.memory_space<hbm>> -> memref<1x106496x16xf32, #tpu.memory_space<hbm>>
      %dma_wait3A_306 = tpu.memref_squeeze %dma_wait3A_305 : memref<1x106496x16xf32, #tpu.memory_space<hbm>> -> memref<106496x16xf32, #tpu.memory_space<hbm>>
      %dma_wait3A_307 = arith.constant 0 : i32
      %dma_wait3A_308 = arith.constant 0 : i32
      %dma_wait3A_309 = tpu.memref_slice %dma_wait3A_306[%dma_wait3A_307, %dma_wait3A_308] : memref<106496x16xf32, #tpu.memory_space<hbm>> -> memref<128x16xf32, #tpu.memory_space<hbm>>
      %dma_wait3A_310 = arith.constant 384 : i32
      %dma_wait3A_311 = arith.constant 0 : i32
      %dma_wait3A_312 = tpu.memref_slice %arg7[%dma_wait3A_310, %dma_wait3A_311] : memref<512x16xf32, #tpu.memory_space<vmem>> -> memref<128x16xf32, #tpu.memory_space<vmem>>
      %dma_wait3A_313 = arith.constant 0 : i32
      %dma_wait3A_314 = arith.constant 0 : i32
      %dma_wait3A_315 = tpu.memref_slice %arg2[%scan3A, %dma_wait3A_313, %dma_wait3A_314] : memref<2x106496x16xf32, #tpu.memory_space<hbm>> -> memref<1x106496x16xf32, #tpu.memory_space<hbm>>
      %dma_wait3A_316 = tpu.memref_squeeze %dma_wait3A_315 : memref<1x106496x16xf32, #tpu.memory_space<hbm>> -> memref<106496x16xf32, #tpu.memory_space<hbm>>
      %dma_wait3A_317 = arith.constant 0 : i32
      %dma_wait3A_318 = arith.constant 0 : i32
      %dma_wait3A_319 = tpu.memref_slice %dma_wait3A_316[%dma_wait3A_317, %dma_wait3A_318] : memref<106496x16xf32, #tpu.memory_space<hbm>> -> memref<128x16xf32, #tpu.memory_space<hbm>>
      tpu.wait_dma2 semaphore(%arg10 : memref<!tpu.dma_semaphore, #tpu.memory_space<semaphore_mem>>) src(%dma_wait3A_319 : memref<128x16xf32, #tpu.memory_space<hbm>>) dst(%dma_wait3A_312 : memref<128x16xf32, #tpu.memory_space<vmem>>)
      %run_scoped3A = arith.constant 4 : i32
      "tpu.region"() ({
        %run_scoped3A_492 = tpu.sem_alloc : memref<!tpu.dma_semaphore, #tpu.memory_space<semaphore_mem>>
        %dma_start3A_493 = arith.constant 0 : i32
        %dma_start3A_494 = arith.constant 0 : i32
        %dma_start3A_495 = tpu.memref_slice %arg7[%dma_start3A_493, %dma_start3A_494] : memref<512x16xf32, #tpu.memory_space<vmem>> -> memref<128x16xf32, #tpu.memory_space<vmem>>
        %dma_start3A_496 = arith.constant 0 : i32
        %dma_start3A_497 = tpu.memref_slice %arg5[%run_scoped3A, %dma_start3A_496] : memref<8x128xi32, #tpu.memory_space<vmem>> -> memref<1x128xi32, #tpu.memory_space<vmem>>
        %dma_start3A_498 = tpu.memref_squeeze %dma_start3A_497 : memref<1x128xi32, #tpu.memory_space<vmem>> -> memref<128xi32, #tpu.memory_space<vmem>>
        %dma_start3A_499 = arith.constant 0 : i32
        %dma_start3A_500 = arith.constant 0 : i32
        %dma_start3A_501 = tpu.memref_slice %arg9[%dma_start3A_499, %dma_start3A_500] : memref<106496x16xf32, #tpu.memory_space<vmem_shared>> -> memref<106496x16xf32, #tpu.memory_space<vmem_shared>>
        tpu.enqueue_indirect_dma source(%dma_start3A_495 : memref<128x16xf32, #tpu.memory_space<vmem>>) target(%dma_start3A_501 : memref<106496x16xf32, #tpu.memory_space<vmem_shared>>) offsets(%dma_start3A_498 : memref<128xi32, #tpu.memory_space<vmem>>) semaphore(%run_scoped3A_492 : memref<!tpu.dma_semaphore, #tpu.memory_space<semaphore_mem>>) {add = true}
        %dma_wait3A_502 = arith.constant 0 : i32
        %dma_wait3A_503 = arith.constant 0 : i32
        %dma_wait3A_504 = tpu.memref_slice %arg7[%dma_wait3A_502, %dma_wait3A_503] : memref<512x16xf32, #tpu.memory_space<vmem>> -> memref<128x16xf32, #tpu.memory_space<vmem>>
        %dma_wait3A_505 = arith.constant 0 : i32
        %dma_wait3A_506 = tpu.memref_slice %arg5[%run_scoped3A, %dma_wait3A_505] : memref<8x128xi32, #tpu.memory_space<vmem>> -> memref<1x128xi32, #tpu.memory_space<vmem>>
        %dma_wait3A_507 = tpu.memref_squeeze %dma_wait3A_506 : memref<1x128xi32, #tpu.memory_space<vmem>> -> memref<128xi32, #tpu.memory_space<vmem>>
        %dma_wait3A_508 = arith.constant 0 : i32
        %dma_wait3A_509 = arith.constant 0 : i32
        %dma_wait3A_510 = tpu.memref_slice %arg9[%dma_wait3A_508, %dma_wait3A_509] : memref<106496x16xf32, #tpu.memory_space<vmem_shared>> -> memref<106496x16xf32, #tpu.memory_space<vmem_shared>>
        tpu.wait_indirect_dma semaphore(%run_scoped3A_492 : memref<!tpu.dma_semaphore, #tpu.memory_space<semaphore_mem>>) src(%dma_wait3A_504 : memref<128x16xf32, #tpu.memory_space<vmem>>) dst(%dma_wait3A_510 : memref<106496x16xf32, #tpu.memory_space<vmem_shared>>)
        tpu.yield
      }) : () -> ()
      %run_scoped3A_320 = arith.constant 5 : i32
      "tpu.region"() ({
        %run_scoped3A_492 = tpu.sem_alloc : memref<!tpu.dma_semaphore, #tpu.memory_space<semaphore_mem>>
        %dma_start3A_493 = arith.constant 128 : i32
        %dma_start3A_494 = arith.constant 0 : i32
        %dma_start3A_495 = tpu.memref_slice %arg7[%dma_start3A_493, %dma_start3A_494] : memref<512x16xf32, #tpu.memory_space<vmem>> -> memref<128x16xf32, #tpu.memory_space<vmem>>
        %dma_start3A_496 = arith.constant 0 : i32
        %dma_start3A_497 = tpu.memref_slice %arg5[%run_scoped3A_320, %dma_start3A_496] : memref<8x128xi32, #tpu.memory_space<vmem>> -> memref<1x128xi32, #tpu.memory_space<vmem>>
        %dma_start3A_498 = tpu.memref_squeeze %dma_start3A_497 : memref<1x128xi32, #tpu.memory_space<vmem>> -> memref<128xi32, #tpu.memory_space<vmem>>
        %dma_start3A_499 = arith.constant 0 : i32
        %dma_start3A_500 = arith.constant 0 : i32
        %dma_start3A_501 = tpu.memref_slice %arg9[%dma_start3A_499, %dma_start3A_500] : memref<106496x16xf32, #tpu.memory_space<vmem_shared>> -> memref<106496x16xf32, #tpu.memory_space<vmem_shared>>
        tpu.enqueue_indirect_dma source(%dma_start3A_495 : memref<128x16xf32, #tpu.memory_space<vmem>>) target(%dma_start3A_501 : memref<106496x16xf32, #tpu.memory_space<vmem_shared>>) offsets(%dma_start3A_498 : memref<128xi32, #tpu.memory_space<vmem>>) semaphore(%run_scoped3A_492 : memref<!tpu.dma_semaphore, #tpu.memory_space<semaphore_mem>>) {add = true}
        %dma_wait3A_502 = arith.constant 128 : i32
        %dma_wait3A_503 = arith.constant 0 : i32
        %dma_wait3A_504 = tpu.memref_slice %arg7[%dma_wait3A_502, %dma_wait3A_503] : memref<512x16xf32, #tpu.memory_space<vmem>> -> memref<128x16xf32, #tpu.memory_space<vmem>>
        %dma_wait3A_505 = arith.constant 0 : i32
        %dma_wait3A_506 = tpu.memref_slice %arg5[%run_scoped3A_320, %dma_wait3A_505] : memref<8x128xi32, #tpu.memory_space<vmem>> -> memref<1x128xi32, #tpu.memory_space<vmem>>
        %dma_wait3A_507 = tpu.memref_squeeze %dma_wait3A_506 : memref<1x128xi32, #tpu.memory_space<vmem>> -> memref<128xi32, #tpu.memory_space<vmem>>
        %dma_wait3A_508 = arith.constant 0 : i32
        %dma_wait3A_509 = arith.constant 0 : i32
        %dma_wait3A_510 = tpu.memref_slice %arg9[%dma_wait3A_508, %dma_wait3A_509] : memref<106496x16xf32, #tpu.memory_space<vmem_shared>> -> memref<106496x16xf32, #tpu.memory_space<vmem_shared>>
        tpu.wait_indirect_dma semaphore(%run_scoped3A_492 : memref<!tpu.dma_semaphore, #tpu.memory_space<semaphore_mem>>) src(%dma_wait3A_504 : memref<128x16xf32, #tpu.memory_space<vmem>>) dst(%dma_wait3A_510 : memref<106496x16xf32, #tpu.memory_space<vmem_shared>>)
        tpu.yield
      }) : () -> ()
      %run_scoped3A_321 = arith.constant 6 : i32
      "tpu.region"() ({
        %run_scoped3A_492 = tpu.sem_alloc : memref<!tpu.dma_semaphore, #tpu.memory_space<semaphore_mem>>
        %dma_start3A_493 = arith.constant 256 : i32
        %dma_start3A_494 = arith.constant 0 : i32
        %dma_start3A_495 = tpu.memref_slice %arg7[%dma_start3A_493, %dma_start3A_494] : memref<512x16xf32, #tpu.memory_space<vmem>> -> memref<128x16xf32, #tpu.memory_space<vmem>>
        %dma_start3A_496 = arith.constant 0 : i32
        %dma_start3A_497 = tpu.memref_slice %arg5[%run_scoped3A_321, %dma_start3A_496] : memref<8x128xi32, #tpu.memory_space<vmem>> -> memref<1x128xi32, #tpu.memory_space<vmem>>
        %dma_start3A_498 = tpu.memref_squeeze %dma_start3A_497 : memref<1x128xi32, #tpu.memory_space<vmem>> -> memref<128xi32, #tpu.memory_space<vmem>>
        %dma_start3A_499 = arith.constant 0 : i32
        %dma_start3A_500 = arith.constant 0 : i32
        %dma_start3A_501 = tpu.memref_slice %arg9[%dma_start3A_499, %dma_start3A_500] : memref<106496x16xf32, #tpu.memory_space<vmem_shared>> -> memref<106496x16xf32, #tpu.memory_space<vmem_shared>>
        tpu.enqueue_indirect_dma source(%dma_start3A_495 : memref<128x16xf32, #tpu.memory_space<vmem>>) target(%dma_start3A_501 : memref<106496x16xf32, #tpu.memory_space<vmem_shared>>) offsets(%dma_start3A_498 : memref<128xi32, #tpu.memory_space<vmem>>) semaphore(%run_scoped3A_492 : memref<!tpu.dma_semaphore, #tpu.memory_space<semaphore_mem>>) {add = true}
        %dma_wait3A_502 = arith.constant 256 : i32
        %dma_wait3A_503 = arith.constant 0 : i32
        %dma_wait3A_504 = tpu.memref_slice %arg7[%dma_wait3A_502, %dma_wait3A_503] : memref<512x16xf32, #tpu.memory_space<vmem>> -> memref<128x16xf32, #tpu.memory_space<vmem>>
        %dma_wait3A_505 = arith.constant 0 : i32
        %dma_wait3A_506 = tpu.memref_slice %arg5[%run_scoped3A_321, %dma_wait3A_505] : memref<8x128xi32, #tpu.memory_space<vmem>> -> memref<1x128xi32, #tpu.memory_space<vmem>>
        %dma_wait3A_507 = tpu.memref_squeeze %dma_wait3A_506 : memref<1x128xi32, #tpu.memory_space<vmem>> -> memref<128xi32, #tpu.memory_space<vmem>>
        %dma_wait3A_508 = arith.constant 0 : i32
        %dma_wait3A_509 = arith.constant 0 : i32
        %dma_wait3A_510 = tpu.memref_slice %arg9[%dma_wait3A_508, %dma_wait3A_509] : memref<106496x16xf32, #tpu.memory_space<vmem_shared>> -> memref<106496x16xf32, #tpu.memory_space<vmem_shared>>
        tpu.wait_indirect_dma semaphore(%run_scoped3A_492 : memref<!tpu.dma_semaphore, #tpu.memory_space<semaphore_mem>>) src(%dma_wait3A_504 : memref<128x16xf32, #tpu.memory_space<vmem>>) dst(%dma_wait3A_510 : memref<106496x16xf32, #tpu.memory_space<vmem_shared>>)
        tpu.yield
      }) : () -> ()
      %run_scoped3A_322 = arith.constant 7 : i32
      "tpu.region"() ({
        %run_scoped3A_492 = tpu.sem_alloc : memref<!tpu.dma_semaphore, #tpu.memory_space<semaphore_mem>>
        %dma_start3A_493 = arith.constant 384 : i32
        %dma_start3A_494 = arith.constant 0 : i32
        %dma_start3A_495 = tpu.memref_slice %arg7[%dma_start3A_493, %dma_start3A_494] : memref<512x16xf32, #tpu.memory_space<vmem>> -> memref<128x16xf32, #tpu.memory_space<vmem>>
        %dma_start3A_496 = arith.constant 0 : i32
        %dma_start3A_497 = tpu.memref_slice %arg5[%run_scoped3A_322, %dma_start3A_496] : memref<8x128xi32, #tpu.memory_space<vmem>> -> memref<1x128xi32, #tpu.memory_space<vmem>>
        %dma_start3A_498 = tpu.memref_squeeze %dma_start3A_497 : memref<1x128xi32, #tpu.memory_space<vmem>> -> memref<128xi32, #tpu.memory_space<vmem>>
        %dma_start3A_499 = arith.constant 0 : i32
        %dma_start3A_500 = arith.constant 0 : i32
        %dma_start3A_501 = tpu.memref_slice %arg9[%dma_start3A_499, %dma_start3A_500] : memref<106496x16xf32, #tpu.memory_space<vmem_shared>> -> memref<106496x16xf32, #tpu.memory_space<vmem_shared>>
        tpu.enqueue_indirect_dma source(%dma_start3A_495 : memref<128x16xf32, #tpu.memory_space<vmem>>) target(%dma_start3A_501 : memref<106496x16xf32, #tpu.memory_space<vmem_shared>>) offsets(%dma_start3A_498 : memref<128xi32, #tpu.memory_space<vmem>>) semaphore(%run_scoped3A_492 : memref<!tpu.dma_semaphore, #tpu.memory_space<semaphore_mem>>) {add = true}
        %dma_wait3A_502 = arith.constant 384 : i32
        %dma_wait3A_503 = arith.constant 0 : i32
        %dma_wait3A_504 = tpu.memref_slice %arg7[%dma_wait3A_502, %dma_wait3A_503] : memref<512x16xf32, #tpu.memory_space<vmem>> -> memref<128x16xf32, #tpu.memory_space<vmem>>
        %dma_wait3A_505 = arith.constant 0 : i32
        %dma_wait3A_506 = tpu.memref_slice %arg5[%run_scoped3A_322, %dma_wait3A_505] : memref<8x128xi32, #tpu.memory_space<vmem>> -> memref<1x128xi32, #tpu.memory_space<vmem>>
        %dma_wait3A_507 = tpu.memref_squeeze %dma_wait3A_506 : memref<1x128xi32, #tpu.memory_space<vmem>> -> memref<128xi32, #tpu.memory_space<vmem>>
        %dma_wait3A_508 = arith.constant 0 : i32
        %dma_wait3A_509 = arith.constant 0 : i32
        %dma_wait3A_510 = tpu.memref_slice %arg9[%dma_wait3A_508, %dma_wait3A_509] : memref<106496x16xf32, #tpu.memory_space<vmem_shared>> -> memref<106496x16xf32, #tpu.memory_space<vmem_shared>>
        tpu.wait_indirect_dma semaphore(%run_scoped3A_492 : memref<!tpu.dma_semaphore, #tpu.memory_space<semaphore_mem>>) src(%dma_wait3A_504 : memref<128x16xf32, #tpu.memory_space<vmem>>) dst(%dma_wait3A_510 : memref<106496x16xf32, #tpu.memory_space<vmem_shared>>)
        tpu.yield
      }) : () -> ()
      %mul3A_323 = arith.constant 2 : i32
      %mul3A_324 = arith.muli %mul3A_323, %scan3A_176 : i32
      %add3A_325 = arith.constant 2 : i32
      %add3A_326 = arith.addi %mul3A_324, %add3A_325 : i32
      %add3A_327 = arith.addi %mul3A_2, %add3A_326 : i32
      %mul3A_328 = arith.constant 8 : i32
      %mul3A_329 = arith.muli %add3A_327, %mul3A_328 : i32
      %dma_start3A_330 = arith.constant 0 : i32
      %dma_start3A_331 = tpu.memref_slice %arg3[%mul3A_329, %dma_start3A_330] : memref<50192x128xi32, #tpu.memory_space<hbm>> -> memref<8x128xi32, #tpu.memory_space<hbm>>
      %dma_start3A_332 = arith.constant 0 : i32
      %dma_start3A_333 = tpu.memref_slice %arg3[%mul3A_329, %dma_start3A_332] : memref<50192x128xi32, #tpu.memory_space<hbm>> -> memref<8x128xi32, #tpu.memory_space<hbm>>
      tpu.enqueue_dma source(%dma_start3A_333 : memref<8x128xi32, #tpu.memory_space<hbm>>) target(%arg5 : memref<8x128xi32, #tpu.memory_space<vmem>>) target_semaphore(%arg12 : memref<!tpu.dma_semaphore, #tpu.memory_space<semaphore_mem>>)
      %dma_wait3A_334 = arith.constant 0 : i32
      %dma_wait3A_335 = arith.constant 0 : i32
      %dma_wait3A_336 = tpu.memref_slice %arg8[%dma_wait3A_334, %dma_wait3A_335] : memref<512x16xf32, #tpu.memory_space<vmem>> -> memref<128x16xf32, #tpu.memory_space<vmem>>
      %dma_wait3A_337 = arith.constant 0 : i32
      %dma_wait3A_338 = arith.constant 0 : i32
      %dma_wait3A_339 = tpu.memref_slice %arg2[%scan3A, %dma_wait3A_337, %dma_wait3A_338] : memref<2x106496x16xf32, #tpu.memory_space<hbm>> -> memref<1x106496x16xf32, #tpu.memory_space<hbm>>
      %dma_wait3A_340 = tpu.memref_squeeze %dma_wait3A_339 : memref<1x106496x16xf32, #tpu.memory_space<hbm>> -> memref<106496x16xf32, #tpu.memory_space<hbm>>
      %dma_wait3A_341 = arith.constant 0 : i32
      %dma_wait3A_342 = arith.constant 0 : i32
      %dma_wait3A_343 = tpu.memref_slice %dma_wait3A_340[%dma_wait3A_341, %dma_wait3A_342] : memref<106496x16xf32, #tpu.memory_space<hbm>> -> memref<128x16xf32, #tpu.memory_space<hbm>>
      %dma_wait3A_344 = arith.constant 0 : i32
      %dma_wait3A_345 = arith.constant 0 : i32
      %dma_wait3A_346 = tpu.memref_slice %arg8[%dma_wait3A_344, %dma_wait3A_345] : memref<512x16xf32, #tpu.memory_space<vmem>> -> memref<128x16xf32, #tpu.memory_space<vmem>>
      %dma_wait3A_347 = arith.constant 0 : i32
      %dma_wait3A_348 = arith.constant 0 : i32
      %dma_wait3A_349 = tpu.memref_slice %arg2[%scan3A, %dma_wait3A_347, %dma_wait3A_348] : memref<2x106496x16xf32, #tpu.memory_space<hbm>> -> memref<1x106496x16xf32, #tpu.memory_space<hbm>>
      %dma_wait3A_350 = tpu.memref_squeeze %dma_wait3A_349 : memref<1x106496x16xf32, #tpu.memory_space<hbm>> -> memref<106496x16xf32, #tpu.memory_space<hbm>>
      %dma_wait3A_351 = arith.constant 0 : i32
      %dma_wait3A_352 = arith.constant 0 : i32
      %dma_wait3A_353 = tpu.memref_slice %dma_wait3A_350[%dma_wait3A_351, %dma_wait3A_352] : memref<106496x16xf32, #tpu.memory_space<hbm>> -> memref<128x16xf32, #tpu.memory_space<hbm>>
      tpu.wait_dma2 semaphore(%arg11 : memref<!tpu.dma_semaphore, #tpu.memory_space<semaphore_mem>>) src(%dma_wait3A_353 : memref<128x16xf32, #tpu.memory_space<hbm>>) dst(%dma_wait3A_346 : memref<128x16xf32, #tpu.memory_space<vmem>>)
      %dma_wait3A_354 = arith.constant 128 : i32
      %dma_wait3A_355 = arith.constant 0 : i32
      %dma_wait3A_356 = tpu.memref_slice %arg8[%dma_wait3A_354, %dma_wait3A_355] : memref<512x16xf32, #tpu.memory_space<vmem>> -> memref<128x16xf32, #tpu.memory_space<vmem>>
      %dma_wait3A_357 = arith.constant 0 : i32
      %dma_wait3A_358 = arith.constant 0 : i32
      %dma_wait3A_359 = tpu.memref_slice %arg2[%scan3A, %dma_wait3A_357, %dma_wait3A_358] : memref<2x106496x16xf32, #tpu.memory_space<hbm>> -> memref<1x106496x16xf32, #tpu.memory_space<hbm>>
      %dma_wait3A_360 = tpu.memref_squeeze %dma_wait3A_359 : memref<1x106496x16xf32, #tpu.memory_space<hbm>> -> memref<106496x16xf32, #tpu.memory_space<hbm>>
      %dma_wait3A_361 = arith.constant 0 : i32
      %dma_wait3A_362 = arith.constant 0 : i32
      %dma_wait3A_363 = tpu.memref_slice %dma_wait3A_360[%dma_wait3A_361, %dma_wait3A_362] : memref<106496x16xf32, #tpu.memory_space<hbm>> -> memref<128x16xf32, #tpu.memory_space<hbm>>
      %dma_wait3A_364 = arith.constant 128 : i32
      %dma_wait3A_365 = arith.constant 0 : i32
      %dma_wait3A_366 = tpu.memref_slice %arg8[%dma_wait3A_364, %dma_wait3A_365] : memref<512x16xf32, #tpu.memory_space<vmem>> -> memref<128x16xf32, #tpu.memory_space<vmem>>
      %dma_wait3A_367 = arith.constant 0 : i32
      %dma_wait3A_368 = arith.constant 0 : i32
      %dma_wait3A_369 = tpu.memref_slice %arg2[%scan3A, %dma_wait3A_367, %dma_wait3A_368] : memref<2x106496x16xf32, #tpu.memory_space<hbm>> -> memref<1x106496x16xf32, #tpu.memory_space<hbm>>
      %dma_wait3A_370 = tpu.memref_squeeze %dma_wait3A_369 : memref<1x106496x16xf32, #tpu.memory_space<hbm>> -> memref<106496x16xf32, #tpu.memory_space<hbm>>
      %dma_wait3A_371 = arith.constant 0 : i32
      %dma_wait3A_372 = arith.constant 0 : i32
      %dma_wait3A_373 = tpu.memref_slice %dma_wait3A_370[%dma_wait3A_371, %dma_wait3A_372] : memref<106496x16xf32, #tpu.memory_space<hbm>> -> memref<128x16xf32, #tpu.memory_space<hbm>>
      tpu.wait_dma2 semaphore(%arg11 : memref<!tpu.dma_semaphore, #tpu.memory_space<semaphore_mem>>) src(%dma_wait3A_373 : memref<128x16xf32, #tpu.memory_space<hbm>>) dst(%dma_wait3A_366 : memref<128x16xf32, #tpu.memory_space<vmem>>)
      %dma_wait3A_374 = arith.constant 256 : i32
      %dma_wait3A_375 = arith.constant 0 : i32
      %dma_wait3A_376 = tpu.memref_slice %arg8[%dma_wait3A_374, %dma_wait3A_375] : memref<512x16xf32, #tpu.memory_space<vmem>> -> memref<128x16xf32, #tpu.memory_space<vmem>>
      %dma_wait3A_377 = arith.constant 0 : i32
      %dma_wait3A_378 = arith.constant 0 : i32
      %dma_wait3A_379 = tpu.memref_slice %arg2[%scan3A, %dma_wait3A_377, %dma_wait3A_378] : memref<2x106496x16xf32, #tpu.memory_space<hbm>> -> memref<1x106496x16xf32, #tpu.memory_space<hbm>>
      %dma_wait3A_380 = tpu.memref_squeeze %dma_wait3A_379 : memref<1x106496x16xf32, #tpu.memory_space<hbm>> -> memref<106496x16xf32, #tpu.memory_space<hbm>>
      %dma_wait3A_381 = arith.constant 0 : i32
      %dma_wait3A_382 = arith.constant 0 : i32
      %dma_wait3A_383 = tpu.memref_slice %dma_wait3A_380[%dma_wait3A_381, %dma_wait3A_382] : memref<106496x16xf32, #tpu.memory_space<hbm>> -> memref<128x16xf32, #tpu.memory_space<hbm>>
      %dma_wait3A_384 = arith.constant 256 : i32
      %dma_wait3A_385 = arith.constant 0 : i32
      %dma_wait3A_386 = tpu.memref_slice %arg8[%dma_wait3A_384, %dma_wait3A_385] : memref<512x16xf32, #tpu.memory_space<vmem>> -> memref<128x16xf32, #tpu.memory_space<vmem>>
      %dma_wait3A_387 = arith.constant 0 : i32
      %dma_wait3A_388 = arith.constant 0 : i32
      %dma_wait3A_389 = tpu.memref_slice %arg2[%scan3A, %dma_wait3A_387, %dma_wait3A_388] : memref<2x106496x16xf32, #tpu.memory_space<hbm>> -> memref<1x106496x16xf32, #tpu.memory_space<hbm>>
      %dma_wait3A_390 = tpu.memref_squeeze %dma_wait3A_389 : memref<1x106496x16xf32, #tpu.memory_space<hbm>> -> memref<106496x16xf32, #tpu.memory_space<hbm>>
      %dma_wait3A_391 = arith.constant 0 : i32
      %dma_wait3A_392 = arith.constant 0 : i32
      %dma_wait3A_393 = tpu.memref_slice %dma_wait3A_390[%dma_wait3A_391, %dma_wait3A_392] : memref<106496x16xf32, #tpu.memory_space<hbm>> -> memref<128x16xf32, #tpu.memory_space<hbm>>
      tpu.wait_dma2 semaphore(%arg11 : memref<!tpu.dma_semaphore, #tpu.memory_space<semaphore_mem>>) src(%dma_wait3A_393 : memref<128x16xf32, #tpu.memory_space<hbm>>) dst(%dma_wait3A_386 : memref<128x16xf32, #tpu.memory_space<vmem>>)
      %dma_wait3A_394 = arith.constant 384 : i32
      %dma_wait3A_395 = arith.constant 0 : i32
      %dma_wait3A_396 = tpu.memref_slice %arg8[%dma_wait3A_394, %dma_wait3A_395] : memref<512x16xf32, #tpu.memory_space<vmem>> -> memref<128x16xf32, #tpu.memory_space<vmem>>
      %dma_wait3A_397 = arith.constant 0 : i32
      %dma_wait3A_398 = arith.constant 0 : i32
      %dma_wait3A_399 = tpu.memref_slice %arg2[%scan3A, %dma_wait3A_397, %dma_wait3A_398] : memref<2x106496x16xf32, #tpu.memory_space<hbm>> -> memref<1x106496x16xf32, #tpu.memory_space<hbm>>
      %dma_wait3A_400 = tpu.memref_squeeze %dma_wait3A_399 : memref<1x106496x16xf32, #tpu.memory_space<hbm>> -> memref<106496x16xf32, #tpu.memory_space<hbm>>
      %dma_wait3A_401 = arith.constant 0 : i32
      %dma_wait3A_402 = arith.constant 0 : i32
      %dma_wait3A_403 = tpu.memref_slice %dma_wait3A_400[%dma_wait3A_401, %dma_wait3A_402] : memref<106496x16xf32, #tpu.memory_space<hbm>> -> memref<128x16xf32, #tpu.memory_space<hbm>>
      %dma_wait3A_404 = arith.constant 384 : i32
      %dma_wait3A_405 = arith.constant 0 : i32
      %dma_wait3A_406 = tpu.memref_slice %arg8[%dma_wait3A_404, %dma_wait3A_405] : memref<512x16xf32, #tpu.memory_space<vmem>> -> memref<128x16xf32, #tpu.memory_space<vmem>>
      %dma_wait3A_407 = arith.constant 0 : i32
      %dma_wait3A_408 = arith.constant 0 : i32
      %dma_wait3A_409 = tpu.memref_slice %arg2[%scan3A, %dma_wait3A_407, %dma_wait3A_408] : memref<2x106496x16xf32, #tpu.memory_space<hbm>> -> memref<1x106496x16xf32, #tpu.memory_space<hbm>>
      %dma_wait3A_410 = tpu.memref_squeeze %dma_wait3A_409 : memref<1x106496x16xf32, #tpu.memory_space<hbm>> -> memref<106496x16xf32, #tpu.memory_space<hbm>>
      %dma_wait3A_411 = arith.constant 0 : i32
      %dma_wait3A_412 = arith.constant 0 : i32
      %dma_wait3A_413 = tpu.memref_slice %dma_wait3A_410[%dma_wait3A_411, %dma_wait3A_412] : memref<106496x16xf32, #tpu.memory_space<hbm>> -> memref<128x16xf32, #tpu.memory_space<hbm>>
      tpu.wait_dma2 semaphore(%arg11 : memref<!tpu.dma_semaphore, #tpu.memory_space<semaphore_mem>>) src(%dma_wait3A_413 : memref<128x16xf32, #tpu.memory_space<hbm>>) dst(%dma_wait3A_406 : memref<128x16xf32, #tpu.memory_space<vmem>>)
      %run_scoped3A_414 = arith.constant 4 : i32
      "tpu.region"() ({
        %run_scoped3A_492 = tpu.sem_alloc : memref<!tpu.dma_semaphore, #tpu.memory_space<semaphore_mem>>
        %dma_start3A_493 = arith.constant 0 : i32
        %dma_start3A_494 = arith.constant 0 : i32
        %dma_start3A_495 = tpu.memref_slice %arg8[%dma_start3A_493, %dma_start3A_494] : memref<512x16xf32, #tpu.memory_space<vmem>> -> memref<128x16xf32, #tpu.memory_space<vmem>>
        %dma_start3A_496 = arith.constant 0 : i32
        %dma_start3A_497 = tpu.memref_slice %arg6[%run_scoped3A_414, %dma_start3A_496] : memref<8x128xi32, #tpu.memory_space<vmem>> -> memref<1x128xi32, #tpu.memory_space<vmem>>
        %dma_start3A_498 = tpu.memref_squeeze %dma_start3A_497 : memref<1x128xi32, #tpu.memory_space<vmem>> -> memref<128xi32, #tpu.memory_space<vmem>>
        %dma_start3A_499 = arith.constant 0 : i32
        %dma_start3A_500 = arith.constant 0 : i32
        %dma_start3A_501 = tpu.memref_slice %arg9[%dma_start3A_499, %dma_start3A_500] : memref<106496x16xf32, #tpu.memory_space<vmem_shared>> -> memref<106496x16xf32, #tpu.memory_space<vmem_shared>>
        tpu.enqueue_indirect_dma source(%dma_start3A_495 : memref<128x16xf32, #tpu.memory_space<vmem>>) target(%dma_start3A_501 : memref<106496x16xf32, #tpu.memory_space<vmem_shared>>) offsets(%dma_start3A_498 : memref<128xi32, #tpu.memory_space<vmem>>) semaphore(%run_scoped3A_492 : memref<!tpu.dma_semaphore, #tpu.memory_space<semaphore_mem>>) {add = true}
        %dma_wait3A_502 = arith.constant 0 : i32
        %dma_wait3A_503 = arith.constant 0 : i32
        %dma_wait3A_504 = tpu.memref_slice %arg8[%dma_wait3A_502, %dma_wait3A_503] : memref<512x16xf32, #tpu.memory_space<vmem>> -> memref<128x16xf32, #tpu.memory_space<vmem>>
        %dma_wait3A_505 = arith.constant 0 : i32
        %dma_wait3A_506 = tpu.memref_slice %arg6[%run_scoped3A_414, %dma_wait3A_505] : memref<8x128xi32, #tpu.memory_space<vmem>> -> memref<1x128xi32, #tpu.memory_space<vmem>>
        %dma_wait3A_507 = tpu.memref_squeeze %dma_wait3A_506 : memref<1x128xi32, #tpu.memory_space<vmem>> -> memref<128xi32, #tpu.memory_space<vmem>>
        %dma_wait3A_508 = arith.constant 0 : i32
        %dma_wait3A_509 = arith.constant 0 : i32
        %dma_wait3A_510 = tpu.memref_slice %arg9[%dma_wait3A_508, %dma_wait3A_509] : memref<106496x16xf32, #tpu.memory_space<vmem_shared>> -> memref<106496x16xf32, #tpu.memory_space<vmem_shared>>
        tpu.wait_indirect_dma semaphore(%run_scoped3A_492 : memref<!tpu.dma_semaphore, #tpu.memory_space<semaphore_mem>>) src(%dma_wait3A_504 : memref<128x16xf32, #tpu.memory_space<vmem>>) dst(%dma_wait3A_510 : memref<106496x16xf32, #tpu.memory_space<vmem_shared>>)
        tpu.yield
      }) : () -> ()
      %run_scoped3A_415 = arith.constant 5 : i32
      "tpu.region"() ({
        %run_scoped3A_492 = tpu.sem_alloc : memref<!tpu.dma_semaphore, #tpu.memory_space<semaphore_mem>>
        %dma_start3A_493 = arith.constant 128 : i32
        %dma_start3A_494 = arith.constant 0 : i32
        %dma_start3A_495 = tpu.memref_slice %arg8[%dma_start3A_493, %dma_start3A_494] : memref<512x16xf32, #tpu.memory_space<vmem>> -> memref<128x16xf32, #tpu.memory_space<vmem>>
        %dma_start3A_496 = arith.constant 0 : i32
        %dma_start3A_497 = tpu.memref_slice %arg6[%run_scoped3A_415, %dma_start3A_496] : memref<8x128xi32, #tpu.memory_space<vmem>> -> memref<1x128xi32, #tpu.memory_space<vmem>>
        %dma_start3A_498 = tpu.memref_squeeze %dma_start3A_497 : memref<1x128xi32, #tpu.memory_space<vmem>> -> memref<128xi32, #tpu.memory_space<vmem>>
        %dma_start3A_499 = arith.constant 0 : i32
        %dma_start3A_500 = arith.constant 0 : i32
        %dma_start3A_501 = tpu.memref_slice %arg9[%dma_start3A_499, %dma_start3A_500] : memref<106496x16xf32, #tpu.memory_space<vmem_shared>> -> memref<106496x16xf32, #tpu.memory_space<vmem_shared>>
        tpu.enqueue_indirect_dma source(%dma_start3A_495 : memref<128x16xf32, #tpu.memory_space<vmem>>) target(%dma_start3A_501 : memref<106496x16xf32, #tpu.memory_space<vmem_shared>>) offsets(%dma_start3A_498 : memref<128xi32, #tpu.memory_space<vmem>>) semaphore(%run_scoped3A_492 : memref<!tpu.dma_semaphore, #tpu.memory_space<semaphore_mem>>) {add = true}
        %dma_wait3A_502 = arith.constant 128 : i32
        %dma_wait3A_503 = arith.constant 0 : i32
        %dma_wait3A_504 = tpu.memref_slice %arg8[%dma_wait3A_502, %dma_wait3A_503] : memref<512x16xf32, #tpu.memory_space<vmem>> -> memref<128x16xf32, #tpu.memory_space<vmem>>
        %dma_wait3A_505 = arith.constant 0 : i32
        %dma_wait3A_506 = tpu.memref_slice %arg6[%run_scoped3A_415, %dma_wait3A_505] : memref<8x128xi32, #tpu.memory_space<vmem>> -> memref<1x128xi32, #tpu.memory_space<vmem>>
        %dma_wait3A_507 = tpu.memref_squeeze %dma_wait3A_506 : memref<1x128xi32, #tpu.memory_space<vmem>> -> memref<128xi32, #tpu.memory_space<vmem>>
        %dma_wait3A_508 = arith.constant 0 : i32
        %dma_wait3A_509 = arith.constant 0 : i32
        %dma_wait3A_510 = tpu.memref_slice %arg9[%dma_wait3A_508, %dma_wait3A_509] : memref<106496x16xf32, #tpu.memory_space<vmem_shared>> -> memref<106496x16xf32, #tpu.memory_space<vmem_shared>>
        tpu.wait_indirect_dma semaphore(%run_scoped3A_492 : memref<!tpu.dma_semaphore, #tpu.memory_space<semaphore_mem>>) src(%dma_wait3A_504 : memref<128x16xf32, #tpu.memory_space<vmem>>) dst(%dma_wait3A_510 : memref<106496x16xf32, #tpu.memory_space<vmem_shared>>)
        tpu.yield
      }) : () -> ()
      %run_scoped3A_416 = arith.constant 6 : i32
      "tpu.region"() ({
        %run_scoped3A_492 = tpu.sem_alloc : memref<!tpu.dma_semaphore, #tpu.memory_space<semaphore_mem>>
        %dma_start3A_493 = arith.constant 256 : i32
        %dma_start3A_494 = arith.constant 0 : i32
        %dma_start3A_495 = tpu.memref_slice %arg8[%dma_start3A_493, %dma_start3A_494] : memref<512x16xf32, #tpu.memory_space<vmem>> -> memref<128x16xf32, #tpu.memory_space<vmem>>
        %dma_start3A_496 = arith.constant 0 : i32
        %dma_start3A_497 = tpu.memref_slice %arg6[%run_scoped3A_416, %dma_start3A_496] : memref<8x128xi32, #tpu.memory_space<vmem>> -> memref<1x128xi32, #tpu.memory_space<vmem>>
        %dma_start3A_498 = tpu.memref_squeeze %dma_start3A_497 : memref<1x128xi32, #tpu.memory_space<vmem>> -> memref<128xi32, #tpu.memory_space<vmem>>
        %dma_start3A_499 = arith.constant 0 : i32
        %dma_start3A_500 = arith.constant 0 : i32
        %dma_start3A_501 = tpu.memref_slice %arg9[%dma_start3A_499, %dma_start3A_500] : memref<106496x16xf32, #tpu.memory_space<vmem_shared>> -> memref<106496x16xf32, #tpu.memory_space<vmem_shared>>
        tpu.enqueue_indirect_dma source(%dma_start3A_495 : memref<128x16xf32, #tpu.memory_space<vmem>>) target(%dma_start3A_501 : memref<106496x16xf32, #tpu.memory_space<vmem_shared>>) offsets(%dma_start3A_498 : memref<128xi32, #tpu.memory_space<vmem>>) semaphore(%run_scoped3A_492 : memref<!tpu.dma_semaphore, #tpu.memory_space<semaphore_mem>>) {add = true}
        %dma_wait3A_502 = arith.constant 256 : i32
        %dma_wait3A_503 = arith.constant 0 : i32
        %dma_wait3A_504 = tpu.memref_slice %arg8[%dma_wait3A_502, %dma_wait3A_503] : memref<512x16xf32, #tpu.memory_space<vmem>> -> memref<128x16xf32, #tpu.memory_space<vmem>>
        %dma_wait3A_505 = arith.constant 0 : i32
        %dma_wait3A_506 = tpu.memref_slice %arg6[%run_scoped3A_416, %dma_wait3A_505] : memref<8x128xi32, #tpu.memory_space<vmem>> -> memref<1x128xi32, #tpu.memory_space<vmem>>
        %dma_wait3A_507 = tpu.memref_squeeze %dma_wait3A_506 : memref<1x128xi32, #tpu.memory_space<vmem>> -> memref<128xi32, #tpu.memory_space<vmem>>
        %dma_wait3A_508 = arith.constant 0 : i32
        %dma_wait3A_509 = arith.constant 0 : i32
        %dma_wait3A_510 = tpu.memref_slice %arg9[%dma_wait3A_508, %dma_wait3A_509] : memref<106496x16xf32, #tpu.memory_space<vmem_shared>> -> memref<106496x16xf32, #tpu.memory_space<vmem_shared>>
        tpu.wait_indirect_dma semaphore(%run_scoped3A_492 : memref<!tpu.dma_semaphore, #tpu.memory_space<semaphore_mem>>) src(%dma_wait3A_504 : memref<128x16xf32, #tpu.memory_space<vmem>>) dst(%dma_wait3A_510 : memref<106496x16xf32, #tpu.memory_space<vmem_shared>>)
        tpu.yield
      }) : () -> ()
      %run_scoped3A_417 = arith.constant 7 : i32
      "tpu.region"() ({
        %run_scoped3A_492 = tpu.sem_alloc : memref<!tpu.dma_semaphore, #tpu.memory_space<semaphore_mem>>
        %dma_start3A_493 = arith.constant 384 : i32
        %dma_start3A_494 = arith.constant 0 : i32
        %dma_start3A_495 = tpu.memref_slice %arg8[%dma_start3A_493, %dma_start3A_494] : memref<512x16xf32, #tpu.memory_space<vmem>> -> memref<128x16xf32, #tpu.memory_space<vmem>>
        %dma_start3A_496 = arith.constant 0 : i32
        %dma_start3A_497 = tpu.memref_slice %arg6[%run_scoped3A_417, %dma_start3A_496] : memref<8x128xi32, #tpu.memory_space<vmem>> -> memref<1x128xi32, #tpu.memory_space<vmem>>
        %dma_start3A_498 = tpu.memref_squeeze %dma_start3A_497 : memref<1x128xi32, #tpu.memory_space<vmem>> -> memref<128xi32, #tpu.memory_space<vmem>>
        %dma_start3A_499 = arith.constant 0 : i32
        %dma_start3A_500 = arith.constant 0 : i32
        %dma_start3A_501 = tpu.memref_slice %arg9[%dma_start3A_499, %dma_start3A_500] : memref<106496x16xf32, #tpu.memory_space<vmem_shared>> -> memref<106496x16xf32, #tpu.memory_space<vmem_shared>>
        tpu.enqueue_indirect_dma source(%dma_start3A_495 : memref<128x16xf32, #tpu.memory_space<vmem>>) target(%dma_start3A_501 : memref<106496x16xf32, #tpu.memory_space<vmem_shared>>) offsets(%dma_start3A_498 : memref<128xi32, #tpu.memory_space<vmem>>) semaphore(%run_scoped3A_492 : memref<!tpu.dma_semaphore, #tpu.memory_space<semaphore_mem>>) {add = true}
        %dma_wait3A_502 = arith.constant 384 : i32
        %dma_wait3A_503 = arith.constant 0 : i32
        %dma_wait3A_504 = tpu.memref_slice %arg8[%dma_wait3A_502, %dma_wait3A_503] : memref<512x16xf32, #tpu.memory_space<vmem>> -> memref<128x16xf32, #tpu.memory_space<vmem>>
        %dma_wait3A_505 = arith.constant 0 : i32
        %dma_wait3A_506 = tpu.memref_slice %arg6[%run_scoped3A_417, %dma_wait3A_505] : memref<8x128xi32, #tpu.memory_space<vmem>> -> memref<1x128xi32, #tpu.memory_space<vmem>>
        %dma_wait3A_507 = tpu.memref_squeeze %dma_wait3A_506 : memref<1x128xi32, #tpu.memory_space<vmem>> -> memref<128xi32, #tpu.memory_space<vmem>>
        %dma_wait3A_508 = arith.constant 0 : i32
        %dma_wait3A_509 = arith.constant 0 : i32
        %dma_wait3A_510 = tpu.memref_slice %arg9[%dma_wait3A_508, %dma_wait3A_509] : memref<106496x16xf32, #tpu.memory_space<vmem_shared>> -> memref<106496x16xf32, #tpu.memory_space<vmem_shared>>
        tpu.wait_indirect_dma semaphore(%run_scoped3A_492 : memref<!tpu.dma_semaphore, #tpu.memory_space<semaphore_mem>>) src(%dma_wait3A_504 : memref<128x16xf32, #tpu.memory_space<vmem>>) dst(%dma_wait3A_510 : memref<106496x16xf32, #tpu.memory_space<vmem_shared>>)
        tpu.yield
      }) : () -> ()
      %dma_wait3A_418 = arith.constant 0 : i32
      %dma_wait3A_419 = arith.constant 0 : i32
      %dma_wait3A_420 = tpu.memref_slice %arg3[%dma_wait3A_418, %dma_wait3A_419] : memref<50192x128xi32, #tpu.memory_space<hbm>> -> memref<8x128xi32, #tpu.memory_space<hbm>>
      %dma_wait3A_421 = arith.constant 0 : i32
      %dma_wait3A_422 = arith.constant 0 : i32
      %dma_wait3A_423 = tpu.memref_slice %arg3[%dma_wait3A_421, %dma_wait3A_422] : memref<50192x128xi32, #tpu.memory_space<hbm>> -> memref<8x128xi32, #tpu.memory_space<hbm>>
      tpu.wait_dma2 semaphore(%arg12 : memref<!tpu.dma_semaphore, #tpu.memory_space<semaphore_mem>>) src(%dma_wait3A_423 : memref<8x128xi32, #tpu.memory_space<hbm>>) dst(%arg5 : memref<8x128xi32, #tpu.memory_space<vmem>>)
      %dma_start3A_424 = arith.constant 0 : i32
      %dma_start3A_425 = arith.constant 0 : i32
      %dma_start3A_426 = arith.constant 0 : i32
      %dma_start3A_427 = tpu.memref_slice %arg7[%dma_start3A_425, %dma_start3A_426] : memref<512x16xf32, #tpu.memory_space<vmem>> -> memref<128x16xf32, #tpu.memory_space<vmem>>
      %dma_start3A_428 = arith.constant 0 : i32
      %dma_start3A_429 = tpu.memref_slice %arg5[%dma_start3A_424, %dma_start3A_428] : memref<8x128xi32, #tpu.memory_space<vmem>> -> memref<1x128xi32, #tpu.memory_space<vmem>>
      %dma_start3A_430 = tpu.memref_squeeze %dma_start3A_429 : memref<1x128xi32, #tpu.memory_space<vmem>> -> memref<128xi32, #tpu.memory_space<vmem>>
      %dma_start3A_431 = arith.constant 0 : i32
      %dma_start3A_432 = arith.constant 0 : i32
      %dma_start3A_433 = tpu.memref_slice %arg2[%arg0, %dma_start3A_431, %dma_start3A_432] : memref<2x106496x16xf32, #tpu.memory_space<hbm>> -> memref<1x106496x16xf32, #tpu.memory_space<hbm>>
      %dma_start3A_434 = tpu.memref_squeeze %dma_start3A_433 : memref<1x106496x16xf32, #tpu.memory_space<hbm>> -> memref<106496x16xf32, #tpu.memory_space<hbm>>
      %dma_start3A_435 = arith.constant 0 : i32
      %dma_start3A_436 = arith.constant 0 : i32
      %dma_start3A_437 = tpu.memref_slice %dma_start3A_434[%dma_start3A_435, %dma_start3A_436] : memref<106496x16xf32, #tpu.memory_space<hbm>> -> memref<106496x16xf32, #tpu.memory_space<hbm>>
      tpu.enqueue_indirect_dma source(%dma_start3A_437 : memref<106496x16xf32, #tpu.memory_space<hbm>>) target(%dma_start3A_427 : memref<128x16xf32, #tpu.memory_space<vmem>>) offsets(%dma_start3A_430 : memref<128xi32, #tpu.memory_space<vmem>>) semaphore(%arg10 : memref<!tpu.dma_semaphore, #tpu.memory_space<semaphore_mem>>)
      %dma_start3A_438 = arith.constant 1 : i32
      %dma_start3A_439 = arith.constant 128 : i32
      %dma_start3A_440 = arith.constant 0 : i32
      %dma_start3A_441 = tpu.memref_slice %arg7[%dma_start3A_439, %dma_start3A_440] : memref<512x16xf32, #tpu.memory_space<vmem>> -> memref<128x16xf32, #tpu.memory_space<vmem>>
      %dma_start3A_442 = arith.constant 0 : i32
      %dma_start3A_443 = tpu.memref_slice %arg5[%dma_start3A_438, %dma_start3A_442] : memref<8x128xi32, #tpu.memory_space<vmem>> -> memref<1x128xi32, #tpu.memory_space<vmem>>
      %dma_start3A_444 = tpu.memref_squeeze %dma_start3A_443 : memref<1x128xi32, #tpu.memory_space<vmem>> -> memref<128xi32, #tpu.memory_space<vmem>>
      %dma_start3A_445 = arith.constant 0 : i32
      %dma_start3A_446 = arith.constant 0 : i32
      %dma_start3A_447 = tpu.memref_slice %arg2[%arg0, %dma_start3A_445, %dma_start3A_446] : memref<2x106496x16xf32, #tpu.memory_space<hbm>> -> memref<1x106496x16xf32, #tpu.memory_space<hbm>>
      %dma_start3A_448 = tpu.memref_squeeze %dma_start3A_447 : memref<1x106496x16xf32, #tpu.memory_space<hbm>> -> memref<106496x16xf32, #tpu.memory_space<hbm>>
      %dma_start3A_449 = arith.constant 0 : i32
      %dma_start3A_450 = arith.constant 0 : i32
      %dma_start3A_451 = tpu.memref_slice %dma_start3A_448[%dma_start3A_449, %dma_start3A_450] : memref<106496x16xf32, #tpu.memory_space<hbm>> -> memref<106496x16xf32, #tpu.memory_space<hbm>>
      tpu.enqueue_indirect_dma source(%dma_start3A_451 : memref<106496x16xf32, #tpu.memory_space<hbm>>) target(%dma_start3A_441 : memref<128x16xf32, #tpu.memory_space<vmem>>) offsets(%dma_start3A_444 : memref<128xi32, #tpu.memory_space<vmem>>) semaphore(%arg10 : memref<!tpu.dma_semaphore, #tpu.memory_space<semaphore_mem>>)
      %dma_start3A_452 = arith.constant 2 : i32
      %dma_start3A_453 = arith.constant 256 : i32
      %dma_start3A_454 = arith.constant 0 : i32
      %dma_start3A_455 = tpu.memref_slice %arg7[%dma_start3A_453, %dma_start3A_454] : memref<512x16xf32, #tpu.memory_space<vmem>> -> memref<128x16xf32, #tpu.memory_space<vmem>>
      %dma_start3A_456 = arith.constant 0 : i32
      %dma_start3A_457 = tpu.memref_slice %arg5[%dma_start3A_452, %dma_start3A_456] : memref<8x128xi32, #tpu.memory_space<vmem>> -> memref<1x128xi32, #tpu.memory_space<vmem>>
      %dma_start3A_458 = tpu.memref_squeeze %dma_start3A_457 : memref<1x128xi32, #tpu.memory_space<vmem>> -> memref<128xi32, #tpu.memory_space<vmem>>
      %dma_start3A_459 = arith.constant 0 : i32
      %dma_start3A_460 = arith.constant 0 : i32
      %dma_start3A_461 = tpu.memref_slice %arg2[%arg0, %dma_start3A_459, %dma_start3A_460] : memref<2x106496x16xf32, #tpu.memory_space<hbm>> -> memref<1x106496x16xf32, #tpu.memory_space<hbm>>
      %dma_start3A_462 = tpu.memref_squeeze %dma_start3A_461 : memref<1x106496x16xf32, #tpu.memory_space<hbm>> -> memref<106496x16xf32, #tpu.memory_space<hbm>>
      %dma_start3A_463 = arith.constant 0 : i32
      %dma_start3A_464 = arith.constant 0 : i32
      %dma_start3A_465 = tpu.memref_slice %dma_start3A_462[%dma_start3A_463, %dma_start3A_464] : memref<106496x16xf32, #tpu.memory_space<hbm>> -> memref<106496x16xf32, #tpu.memory_space<hbm>>
      tpu.enqueue_indirect_dma source(%dma_start3A_465 : memref<106496x16xf32, #tpu.memory_space<hbm>>) target(%dma_start3A_455 : memref<128x16xf32, #tpu.memory_space<vmem>>) offsets(%dma_start3A_458 : memref<128xi32, #tpu.memory_space<vmem>>) semaphore(%arg10 : memref<!tpu.dma_semaphore, #tpu.memory_space<semaphore_mem>>)
      %dma_start3A_466 = arith.constant 3 : i32
      %dma_start3A_467 = arith.constant 384 : i32
      %dma_start3A_468 = arith.constant 0 : i32
      %dma_start3A_469 = tpu.memref_slice %arg7[%dma_start3A_467, %dma_start3A_468] : memref<512x16xf32, #tpu.memory_space<vmem>> -> memref<128x16xf32, #tpu.memory_space<vmem>>
      %dma_start3A_470 = arith.constant 0 : i32
      %dma_start3A_471 = tpu.memref_slice %arg5[%dma_start3A_466, %dma_start3A_470] : memref<8x128xi32, #tpu.memory_space<vmem>> -> memref<1x128xi32, #tpu.memory_space<vmem>>
      %dma_start3A_472 = tpu.memref_squeeze %dma_start3A_471 : memref<1x128xi32, #tpu.memory_space<vmem>> -> memref<128xi32, #tpu.memory_space<vmem>>
      %dma_start3A_473 = arith.constant 0 : i32
      %dma_start3A_474 = arith.constant 0 : i32
      %dma_start3A_475 = tpu.memref_slice %arg2[%arg0, %dma_start3A_473, %dma_start3A_474] : memref<2x106496x16xf32, #tpu.memory_space<hbm>> -> memref<1x106496x16xf32, #tpu.memory_space<hbm>>
      %dma_start3A_476 = tpu.memref_squeeze %dma_start3A_475 : memref<1x106496x16xf32, #tpu.memory_space<hbm>> -> memref<106496x16xf32, #tpu.memory_space<hbm>>
      %dma_start3A_477 = arith.constant 0 : i32
      %dma_start3A_478 = arith.constant 0 : i32
      %dma_start3A_479 = tpu.memref_slice %dma_start3A_476[%dma_start3A_477, %dma_start3A_478] : memref<106496x16xf32, #tpu.memory_space<hbm>> -> memref<106496x16xf32, #tpu.memory_space<hbm>>
      tpu.enqueue_indirect_dma source(%dma_start3A_479 : memref<106496x16xf32, #tpu.memory_space<hbm>>) target(%dma_start3A_469 : memref<128x16xf32, #tpu.memory_space<vmem>>) offsets(%dma_start3A_472 : memref<128xi32, #tpu.memory_space<vmem>>) semaphore(%arg10 : memref<!tpu.dma_semaphore, #tpu.memory_space<semaphore_mem>>)
      %mul3A_480 = arith.constant 2 : i32
      %mul3A_481 = arith.muli %mul3A_480, %scan3A_176 : i32
      %add3A_482 = arith.constant 3 : i32
      %add3A_483 = arith.addi %mul3A_481, %add3A_482 : i32
      %add3A_484 = arith.addi %mul3A_2, %add3A_483 : i32
      %mul3A_485 = arith.constant 8 : i32
      %mul3A_486 = arith.muli %add3A_484, %mul3A_485 : i32
      %dma_start3A_487 = arith.constant 0 : i32
      %dma_start3A_488 = tpu.memref_slice %arg3[%mul3A_486, %dma_start3A_487] : memref<50192x128xi32, #tpu.memory_space<hbm>> -> memref<8x128xi32, #tpu.memory_space<hbm>>
      %dma_start3A_489 = arith.constant 0 : i32
      %dma_start3A_490 = tpu.memref_slice %arg3[%mul3A_486, %dma_start3A_489] : memref<50192x128xi32, #tpu.memory_space<hbm>> -> memref<8x128xi32, #tpu.memory_space<hbm>>
      tpu.enqueue_dma source(%dma_start3A_490 : memref<8x128xi32, #tpu.memory_space<hbm>>) target(%arg6 : memref<8x128xi32, #tpu.memory_space<vmem>>) target_semaphore(%arg13 : memref<!tpu.dma_semaphore, #tpu.memory_space<semaphore_mem>>)
      %scan3A_491 = arith.constant 0 : i32
      scf.yield %scan3A_491 : i32
    }
    %scan3A_84 = arith.constant 196 : i32
    %dma_wait3A_85 = arith.constant 0 : i32
    %dma_wait3A_86 = arith.constant 0 : i32
    %dma_wait3A_87 = arith.constant 0 : i32
    %dma_wait3A_88 = tpu.memref_slice %arg7[%dma_wait3A_86, %dma_wait3A_87] : memref<512x16xf32, #tpu.memory_space<vmem>> -> memref<128x16xf32, #tpu.memory_space<vmem>>
    %dma_wait3A_89 = arith.constant 0 : i32
    %dma_wait3A_90 = arith.constant 0 : i32
    %dma_wait3A_91 = tpu.memref_slice %arg2[%dma_wait3A_85, %dma_wait3A_89, %dma_wait3A_90] : memref<2x106496x16xf32, #tpu.memory_space<hbm>> -> memref<1x106496x16xf32, #tpu.memory_space<hbm>>
    %dma_wait3A_92 = tpu.memref_squeeze %dma_wait3A_91 : memref<1x106496x16xf32, #tpu.memory_space<hbm>> -> memref<106496x16xf32, #tpu.memory_space<hbm>>
    %dma_wait3A_93 = arith.constant 0 : i32
    %dma_wait3A_94 = arith.constant 0 : i32
    %dma_wait3A_95 = tpu.memref_slice %dma_wait3A_92[%dma_wait3A_93, %dma_wait3A_94] : memref<106496x16xf32, #tpu.memory_space<hbm>> -> memref<128x16xf32, #tpu.memory_space<hbm>>
    %dma_wait3A_96 = arith.constant 0 : i32
    %dma_wait3A_97 = arith.constant 0 : i32
    %dma_wait3A_98 = tpu.memref_slice %arg7[%dma_wait3A_96, %dma_wait3A_97] : memref<512x16xf32, #tpu.memory_space<vmem>> -> memref<128x16xf32, #tpu.memory_space<vmem>>
    %dma_wait3A_99 = arith.constant 0 : i32
    %dma_wait3A_100 = arith.constant 0 : i32
    %dma_wait3A_101 = tpu.memref_slice %arg2[%dma_wait3A_85, %dma_wait3A_99, %dma_wait3A_100] : memref<2x106496x16xf32, #tpu.memory_space<hbm>> -> memref<1x106496x16xf32, #tpu.memory_space<hbm>>
    %dma_wait3A_102 = tpu.memref_squeeze %dma_wait3A_101 : memref<1x106496x16xf32, #tpu.memory_space<hbm>> -> memref<106496x16xf32, #tpu.memory_space<hbm>>
    %dma_wait3A_103 = arith.constant 0 : i32
    %dma_wait3A_104 = arith.constant 0 : i32
    %dma_wait3A_105 = tpu.memref_slice %dma_wait3A_102[%dma_wait3A_103, %dma_wait3A_104] : memref<106496x16xf32, #tpu.memory_space<hbm>> -> memref<128x16xf32, #tpu.memory_space<hbm>>
    tpu.wait_dma2 semaphore(%arg10 : memref<!tpu.dma_semaphore, #tpu.memory_space<semaphore_mem>>) src(%dma_wait3A_105 : memref<128x16xf32, #tpu.memory_space<hbm>>) dst(%dma_wait3A_98 : memref<128x16xf32, #tpu.memory_space<vmem>>)
    %dma_wait3A_106 = arith.constant 0 : i32
    %dma_wait3A_107 = arith.constant 128 : i32
    %dma_wait3A_108 = arith.constant 0 : i32
    %dma_wait3A_109 = tpu.memref_slice %arg7[%dma_wait3A_107, %dma_wait3A_108] : memref<512x16xf32, #tpu.memory_space<vmem>> -> memref<128x16xf32, #tpu.memory_space<vmem>>
    %dma_wait3A_110 = arith.constant 0 : i32
    %dma_wait3A_111 = arith.constant 0 : i32
    %dma_wait3A_112 = tpu.memref_slice %arg2[%dma_wait3A_106, %dma_wait3A_110, %dma_wait3A_111] : memref<2x106496x16xf32, #tpu.memory_space<hbm>> -> memref<1x106496x16xf32, #tpu.memory_space<hbm>>
    %dma_wait3A_113 = tpu.memref_squeeze %dma_wait3A_112 : memref<1x106496x16xf32, #tpu.memory_space<hbm>> -> memref<106496x16xf32, #tpu.memory_space<hbm>>
    %dma_wait3A_114 = arith.constant 0 : i32
    %dma_wait3A_115 = arith.constant 0 : i32
    %dma_wait3A_116 = tpu.memref_slice %dma_wait3A_113[%dma_wait3A_114, %dma_wait3A_115] : memref<106496x16xf32, #tpu.memory_space<hbm>> -> memref<128x16xf32, #tpu.memory_space<hbm>>
    %dma_wait3A_117 = arith.constant 128 : i32
    %dma_wait3A_118 = arith.constant 0 : i32
    %dma_wait3A_119 = tpu.memref_slice %arg7[%dma_wait3A_117, %dma_wait3A_118] : memref<512x16xf32, #tpu.memory_space<vmem>> -> memref<128x16xf32, #tpu.memory_space<vmem>>
    %dma_wait3A_120 = arith.constant 0 : i32
    %dma_wait3A_121 = arith.constant 0 : i32
    %dma_wait3A_122 = tpu.memref_slice %arg2[%dma_wait3A_106, %dma_wait3A_120, %dma_wait3A_121] : memref<2x106496x16xf32, #tpu.memory_space<hbm>> -> memref<1x106496x16xf32, #tpu.memory_space<hbm>>
    %dma_wait3A_123 = tpu.memref_squeeze %dma_wait3A_122 : memref<1x106496x16xf32, #tpu.memory_space<hbm>> -> memref<106496x16xf32, #tpu.memory_space<hbm>>
    %dma_wait3A_124 = arith.constant 0 : i32
    %dma_wait3A_125 = arith.constant 0 : i32
    %dma_wait3A_126 = tpu.memref_slice %dma_wait3A_123[%dma_wait3A_124, %dma_wait3A_125] : memref<106496x16xf32, #tpu.memory_space<hbm>> -> memref<128x16xf32, #tpu.memory_space<hbm>>
    tpu.wait_dma2 semaphore(%arg10 : memref<!tpu.dma_semaphore, #tpu.memory_space<semaphore_mem>>) src(%dma_wait3A_126 : memref<128x16xf32, #tpu.memory_space<hbm>>) dst(%dma_wait3A_119 : memref<128x16xf32, #tpu.memory_space<vmem>>)
    %dma_wait3A_127 = arith.constant 0 : i32
    %dma_wait3A_128 = arith.constant 256 : i32
    %dma_wait3A_129 = arith.constant 0 : i32
    %dma_wait3A_130 = tpu.memref_slice %arg7[%dma_wait3A_128, %dma_wait3A_129] : memref<512x16xf32, #tpu.memory_space<vmem>> -> memref<128x16xf32, #tpu.memory_space<vmem>>
    %dma_wait3A_131 = arith.constant 0 : i32
    %dma_wait3A_132 = arith.constant 0 : i32
    %dma_wait3A_133 = tpu.memref_slice %arg2[%dma_wait3A_127, %dma_wait3A_131, %dma_wait3A_132] : memref<2x106496x16xf32, #tpu.memory_space<hbm>> -> memref<1x106496x16xf32, #tpu.memory_space<hbm>>
    %dma_wait3A_134 = tpu.memref_squeeze %dma_wait3A_133 : memref<1x106496x16xf32, #tpu.memory_space<hbm>> -> memref<106496x16xf32, #tpu.memory_space<hbm>>
    %dma_wait3A_135 = arith.constant 0 : i32
    %dma_wait3A_136 = arith.constant 0 : i32
    %dma_wait3A_137 = tpu.memref_slice %dma_wait3A_134[%dma_wait3A_135, %dma_wait3A_136] : memref<106496x16xf32, #tpu.memory_space<hbm>> -> memref<128x16xf32, #tpu.memory_space<hbm>>
    %dma_wait3A_138 = arith.constant 256 : i32
    %dma_wait3A_139 = arith.constant 0 : i32
    %dma_wait3A_140 = tpu.memref_slice %arg7[%dma_wait3A_138, %dma_wait3A_139] : memref<512x16xf32, #tpu.memory_space<vmem>> -> memref<128x16xf32, #tpu.memory_space<vmem>>
    %dma_wait3A_141 = arith.constant 0 : i32
    %dma_wait3A_142 = arith.constant 0 : i32
    %dma_wait3A_143 = tpu.memref_slice %arg2[%dma_wait3A_127, %dma_wait3A_141, %dma_wait3A_142] : memref<2x106496x16xf32, #tpu.memory_space<hbm>> -> memref<1x106496x16xf32, #tpu.memory_space<hbm>>
    %dma_wait3A_144 = tpu.memref_squeeze %dma_wait3A_143 : memref<1x106496x16xf32, #tpu.memory_space<hbm>> -> memref<106496x16xf32, #tpu.memory_space<hbm>>
    %dma_wait3A_145 = arith.constant 0 : i32
    %dma_wait3A_146 = arith.constant 0 : i32
    %dma_wait3A_147 = tpu.memref_slice %dma_wait3A_144[%dma_wait3A_145, %dma_wait3A_146] : memref<106496x16xf32, #tpu.memory_space<hbm>> -> memref<128x16xf32, #tpu.memory_space<hbm>>
    tpu.wait_dma2 semaphore(%arg10 : memref<!tpu.dma_semaphore, #tpu.memory_space<semaphore_mem>>) src(%dma_wait3A_147 : memref<128x16xf32, #tpu.memory_space<hbm>>) dst(%dma_wait3A_140 : memref<128x16xf32, #tpu.memory_space<vmem>>)
    %dma_wait3A_148 = arith.constant 0 : i32
    %dma_wait3A_149 = arith.constant 384 : i32
    %dma_wait3A_150 = arith.constant 0 : i32
    %dma_wait3A_151 = tpu.memref_slice %arg7[%dma_wait3A_149, %dma_wait3A_150] : memref<512x16xf32, #tpu.memory_space<vmem>> -> memref<128x16xf32, #tpu.memory_space<vmem>>
    %dma_wait3A_152 = arith.constant 0 : i32
    %dma_wait3A_153 = arith.constant 0 : i32
    %dma_wait3A_154 = tpu.memref_slice %arg2[%dma_wait3A_148, %dma_wait3A_152, %dma_wait3A_153] : memref<2x106496x16xf32, #tpu.memory_space<hbm>> -> memref<1x106496x16xf32, #tpu.memory_space<hbm>>
    %dma_wait3A_155 = tpu.memref_squeeze %dma_wait3A_154 : memref<1x106496x16xf32, #tpu.memory_space<hbm>> -> memref<106496x16xf32, #tpu.memory_space<hbm>>
    %dma_wait3A_156 = arith.constant 0 : i32
    %dma_wait3A_157 = arith.constant 0 : i32
    %dma_wait3A_158 = tpu.memref_slice %dma_wait3A_155[%dma_wait3A_156, %dma_wait3A_157] : memref<106496x16xf32, #tpu.memory_space<hbm>> -> memref<128x16xf32, #tpu.memory_space<hbm>>
    %dma_wait3A_159 = arith.constant 384 : i32
    %dma_wait3A_160 = arith.constant 0 : i32
    %dma_wait3A_161 = tpu.memref_slice %arg7[%dma_wait3A_159, %dma_wait3A_160] : memref<512x16xf32, #tpu.memory_space<vmem>> -> memref<128x16xf32, #tpu.memory_space<vmem>>
    %dma_wait3A_162 = arith.constant 0 : i32
    %dma_wait3A_163 = arith.constant 0 : i32
    %dma_wait3A_164 = tpu.memref_slice %arg2[%dma_wait3A_148, %dma_wait3A_162, %dma_wait3A_163] : memref<2x106496x16xf32, #tpu.memory_space<hbm>> -> memref<1x106496x16xf32, #tpu.memory_space<hbm>>
    %dma_wait3A_165 = tpu.memref_squeeze %dma_wait3A_164 : memref<1x106496x16xf32, #tpu.memory_space<hbm>> -> memref<106496x16xf32, #tpu.memory_space<hbm>>
    %dma_wait3A_166 = arith.constant 0 : i32
    %dma_wait3A_167 = arith.constant 0 : i32
    %dma_wait3A_168 = tpu.memref_slice %dma_wait3A_165[%dma_wait3A_166, %dma_wait3A_167] : memref<106496x16xf32, #tpu.memory_space<hbm>> -> memref<128x16xf32, #tpu.memory_space<hbm>>
    tpu.wait_dma2 semaphore(%arg10 : memref<!tpu.dma_semaphore, #tpu.memory_space<semaphore_mem>>) src(%dma_wait3A_168 : memref<128x16xf32, #tpu.memory_space<hbm>>) dst(%dma_wait3A_161 : memref<128x16xf32, #tpu.memory_space<vmem>>)
    %dma_wait3A_169 = arith.constant 0 : i32
    %dma_wait3A_170 = arith.constant 0 : i32
    %dma_wait3A_171 = tpu.memref_slice %arg3[%dma_wait3A_169, %dma_wait3A_170] : memref<50192x128xi32, #tpu.memory_space<hbm>> -> memref<8x128xi32, #tpu.memory_space<hbm>>
    %dma_wait3A_172 = arith.constant 0 : i32
    %dma_wait3A_173 = arith.constant 0 : i32
    %dma_wait3A_174 = tpu.memref_slice %arg3[%dma_wait3A_172, %dma_wait3A_173] : memref<50192x128xi32, #tpu.memory_space<hbm>> -> memref<8x128xi32, #tpu.memory_space<hbm>>
    tpu.wait_dma2 semaphore(%arg13 : memref<!tpu.dma_semaphore, #tpu.memory_space<semaphore_mem>>) src(%dma_wait3A_174 : memref<8x128xi32, #tpu.memory_space<hbm>>) dst(%arg6 : memref<8x128xi32, #tpu.memory_space<vmem>>)
    %barrier3A_175 = arith.constant 0 : index
    tpu.barrier barrier_id(%barrier3A_175)
    "tpu.region"() ({
      %run_scoped3A = tpu.sem_alloc : memref<!tpu.dma_semaphore, #tpu.memory_space<semaphore_mem>>
      %dma_start3A_176 = arith.constant 0 : i32
      %dma_start3A_177 = arith.constant 0 : i32
      %dma_start3A_178 = tpu.memref_slice %arg4[%arg0, %dma_start3A_176, %dma_start3A_177] : memref<2x106496x16xf32, #tpu.memory_space<hbm>> -> memref<1x106496x16xf32, #tpu.memory_space<hbm>>
      %dma_start3A_179 = tpu.memref_squeeze %dma_start3A_178 : memref<1x106496x16xf32, #tpu.memory_space<hbm>> -> memref<106496x16xf32, #tpu.memory_space<hbm>>
      %dma_start3A_180 = arith.constant 0 : i32
      %dma_start3A_181 = tpu.memref_slice %dma_start3A_179[%mul3A_0, %dma_start3A_180] : memref<106496x16xf32, #tpu.memory_space<hbm>> -> memref<6656x16xf32, #tpu.memory_space<hbm>>
      %dma_start3A_182 = arith.constant 0 : i32
      %dma_start3A_183 = tpu.memref_slice %arg9[%mul3A_0, %dma_start3A_182] : memref<106496x16xf32, #tpu.memory_space<vmem_shared>> -> memref<6656x16xf32, #tpu.memory_space<vmem_shared>>
      tpu.enqueue_dma source(%dma_start3A_183 : memref<6656x16xf32, #tpu.memory_space<vmem_shared>>) target(%dma_start3A_181 : memref<6656x16xf32, #tpu.memory_space<hbm>>) target_semaphore(%run_scoped3A : memref<!tpu.dma_semaphore, #tpu.memory_space<semaphore_mem>>)
      %dma_wait3A_184 = arith.constant 0 : i32
      %dma_wait3A_185 = arith.constant 0 : i32
      %dma_wait3A_186 = tpu.memref_slice %arg4[%arg0, %dma_wait3A_184, %dma_wait3A_185] : memref<2x106496x16xf32, #tpu.memory_space<hbm>> -> memref<1x106496x16xf32, #tpu.memory_space<hbm>>
      %dma_wait3A_187 = tpu.memref_squeeze %dma_wait3A_186 : memref<1x106496x16xf32, #tpu.memory_space<hbm>> -> memref<106496x16xf32, #tpu.memory_space<hbm>>
      %dma_wait3A_188 = arith.constant 0 : i32
      %dma_wait3A_189 = tpu.memref_slice %dma_wait3A_187[%mul3A_0, %dma_wait3A_188] : memref<106496x16xf32, #tpu.memory_space<hbm>> -> memref<6656x16xf32, #tpu.memory_space<hbm>>
      %dma_wait3A_190 = arith.constant 0 : i32
      %dma_wait3A_191 = tpu.memref_slice %arg9[%mul3A_0, %dma_wait3A_190] : memref<106496x16xf32, #tpu.memory_space<vmem_shared>> -> memref<6656x16xf32, #tpu.memory_space<vmem_shared>>
      tpu.wait_dma2 semaphore(%run_scoped3A : memref<!tpu.dma_semaphore, #tpu.memory_space<semaphore_mem>>) src(%dma_wait3A_191 : memref<6656x16xf32, #tpu.memory_space<vmem_shared>>) dst(%dma_wait3A_189 : memref<6656x16xf32, #tpu.memory_space<hbm>>)
      tpu.yield
    }) : () -> ()
    return
  }
}

module attributes {stable_mosaic.version = 14 : i64} {
  func.func @_tc0(%arg0: i32, %arg1: memref<2x8192xf32, #tpu.memory_space<vmem>>, %arg2: memref<4x8192xf32, #tpu.memory_space<vmem>>, %arg3: memref<1x8192xf32, #tpu.memory_space<vmem>>, %arg4: memref<16x8192xf32, #tpu.memory_space<vmem>>) attributes {dimension_semantics = [#tpu.dimension_semantics<arbitrary>], iteration_bounds = array<i64: 13>, scalar_prefetch = 0 : i64, scratch_operands = 0 : i64, tpu.core_type = #tpu.core_type<tc>, window_params = [{transform_indices = @transform_0, window_bounds = array<i64: 2, 8192>}, {transform_indices = @transform_1, window_bounds = array<i64: 4, 8192>}, {transform_indices = @transform_2, window_bounds = array<i64: 1, 8192>}, {transform_indices = @transform_3, window_bounds = array<i64: 16, 8192>}]} {
    %get3A = arith.constant 0 : index
    %get3A_0 = arith.constant 0 : index
    %get3A_1 = vector.load %arg1[%get3A, %get3A_0] : memref<2x8192xf32, #tpu.memory_space<vmem>>, vector<1x8192xf32>
    %get3A_2 = vector.shape_cast %get3A_1 : vector<1x8192xf32> to vector<8192xf32>
    %add3A = arith.constant 1.000000e+00 : f32
    %add3A_3 = vector.broadcast %add3A : f32 to vector<8192xf32>
    %add3A_4 = arith.addf %add3A_3, %get3A_2 : vector<8192xf32>
    %get3A_5 = arith.constant 1 : index
    %get3A_6 = arith.constant 0 : index
    %get3A_7 = vector.load %arg1[%get3A_5, %get3A_6] : memref<2x8192xf32, #tpu.memory_space<vmem>>, vector<1x8192xf32>
    %get3A_8 = vector.shape_cast %get3A_7 : vector<1x8192xf32> to vector<8192xf32>
    %add3A_9 = arith.addf %add3A_4, %get3A_8 : vector<8192xf32>
    %rsqrt3A = math.rsqrt %add3A_9 : vector<8192xf32>
    %broadcast_in_dim3A = vector.shape_cast %rsqrt3A : vector<8192xf32> to vector<1x8192xf32>
    %swap3A = arith.constant 0 : index
    %swap3A_10 = arith.constant 0 : index
    %swap3A_11 = vector.load %arg3[%swap3A, %swap3A_10] : memref<1x8192xf32, #tpu.memory_space<vmem>>, vector<1x8192xf32>
    tpu.vector_store %arg3[%swap3A, %swap3A_10], %broadcast_in_dim3A {strides = array<i32>} : memref<1x8192xf32, #tpu.memory_space<vmem>>, vector<1x8192xf32>,
    %broadcast_in_dim3A_12 = vector.shape_cast %rsqrt3A : vector<8192xf32> to vector<1x8192xf32>
    %get3A_13 = arith.constant 0 : index
    %get3A_14 = arith.constant 0 : index
    %get3A_15 = vector.load %arg2[%get3A_13, %get3A_14] : memref<4x8192xf32, #tpu.memory_space<vmem>>, vector<4x8192xf32>
    %mul3A = vector.broadcast %broadcast_in_dim3A_12 : vector<1x8192xf32> to vector<4x8192xf32>
    %mul3A_16 = arith.mulf %mul3A, %get3A_15 : vector<4x8192xf32>
    %broadcast_in_dim3A_17 = arith.constant 0.000000e+00 : f32
    %broadcast_in_dim3A_18 = vector.broadcast %broadcast_in_dim3A_17 : f32 to vector<12x8192xf32>
    %concatenate3A = tpu.concatenate %mul3A_16, %broadcast_in_dim3A_18 in 0 : vector<4x8192xf32>, vector<12x8192xf32> -> vector<16x8192xf32>
    %swap3A_19 = arith.constant 0 : index
    %swap3A_20 = arith.constant 0 : index
    %swap3A_21 = vector.load %arg4[%swap3A_19, %swap3A_20] : memref<16x8192xf32, #tpu.memory_space<vmem>>, vector<16x8192xf32>
    tpu.vector_store %arg4[%swap3A_19, %swap3A_20], %concatenate3A {strides = array<i32>} : memref<16x8192xf32, #tpu.memory_space<vmem>>, vector<16x8192xf32>,
    return
  }
  func.func @transform_0(%arg0: i32) -> (i32, i32) {
    %c0_i32 = arith.constant 0 : i32
    %c0_i32_0 = arith.constant 0 : i32
    return %c0_i32, %arg0 : i32, i32
  }
  func.func @transform_1(%arg0: i32) -> (i32, i32) {
    %c0_i32 = arith.constant 0 : i32
    %c0_i32_0 = arith.constant 0 : i32
    return %c0_i32, %arg0 : i32, i32
  }
  func.func @transform_2(%arg0: i32) -> (i32, i32) {
    %c0_i32 = arith.constant 0 : i32
    %c0_i32_0 = arith.constant 0 : i32
    return %c0_i32, %arg0 : i32, i32
  }
  func.func @transform_3(%arg0: i32) -> (i32, i32) {
    %c0_i32 = arith.constant 0 : i32
    %c0_i32_0 = arith.constant 0 : i32
    return %c0_i32, %arg0 : i32, i32
  }
}

module attributes {stable_mosaic.version = 14 : i64} {
  func.func @_tc1(%arg0: i32, %arg1: memref<2x16x8192xf32, #tpu.memory_space<vmem>>, %arg2: memref<1x8192xf32, #tpu.memory_space<vmem>>, %arg3: memref<32x4xf32, #tpu.memory_space<vmem>>, %arg4: memref<32x1xf32, #tpu.memory_space<vmem>>, %arg5: memref<2x16x8192xf32, #tpu.memory_space<vmem>>) attributes {dimension_semantics = [#tpu.dimension_semantics<arbitrary>], iteration_bounds = array<i64: 13>, scalar_prefetch = 0 : i64, scratch_operands = 0 : i64, tpu.core_type = #tpu.core_type<tc>, window_params = [{transform_indices = @transform_0, window_bounds = array<i64: 2, 16, 8192>}, {transform_indices = @transform_1, window_bounds = array<i64: 1, 8192>}, {pipeline_mode = #tpu.pipeline_mode<synchronous>, transform_indices = @transform_2, window_bounds = array<i64: 32, 4>}, {pipeline_mode = #tpu.pipeline_mode<synchronous>, transform_indices = @transform_3, window_bounds = array<i64: 32, 1>}, {transform_indices = @transform_4, window_bounds = array<i64: 2, 16, 8192>}]} {
    %get3A = arith.constant 0 : index
    %get3A_0 = arith.constant 0 : index
    %get3A_1 = vector.load %arg2[%get3A, %get3A_0] : memref<1x8192xf32, #tpu.memory_space<vmem>>, vector<1x8192xf32>
    %get3A_2 = arith.constant 0 : index
    %get3A_3 = arith.constant 0 : index
    %get3A_4 = arith.constant 0 : index
    %get3A_5 = vector.load %arg1[%get3A_2, %get3A_3, %get3A_4] : memref<2x16x8192xf32, #tpu.memory_space<vmem>>, vector<1x16x8192xf32>
    %get3A_6 = vector.shape_cast %get3A_5 : vector<1x16x8192xf32> to vector<16x8192xf32>
    %get3A_7 = arith.constant 1 : index
    %get3A_8 = arith.constant 0 : index
    %get3A_9 = arith.constant 0 : index
    %get3A_10 = vector.load %arg1[%get3A_7, %get3A_8, %get3A_9] : memref<2x16x8192xf32, #tpu.memory_space<vmem>>, vector<1x16x8192xf32>
    %get3A_11 = vector.shape_cast %get3A_10 : vector<1x16x8192xf32> to vector<16x8192xf32>
    %add3A = arith.addf %get3A_6, %get3A_11 : vector<16x8192xf32>
    %mul3A = vector.broadcast %get3A_1 : vector<1x8192xf32> to vector<16x8192xf32>
    %mul3A_12 = arith.mulf %mul3A, %add3A : vector<16x8192xf32>
    %slice3A = vector.extract_strided_slice %mul3A_12 {offsets = [0, 0], sizes = [4, 8192], strides = [1, 1]} : vector<16x8192xf32> to vector<4x8192xf32>
    %get3A_13 = arith.constant 0 : index
    %get3A_14 = arith.constant 0 : index
    %get3A_15 = vector.load %arg3[%get3A_13, %get3A_14] : memref<32x4xf32, #tpu.memory_space<vmem>>, vector<32x4xf32>
    %dot_general3A = arith.constant dense<0.000000e+00> : vector<32x8192xf32>
    %dot_general3A_16 = tpu.matmul %get3A_15, %slice3A, %dot_general3A {dimension_numbers = #tpu.dot_dimension_numbers<[1], [0], [0], [1], [0, 0, 1, 1], [], []>, transpose_lhs_hint = false} : vector<32x4xf32>, vector<4x8192xf32>, vector<32x8192xf32> -> vector<32x8192xf32>
    %get3A_17 = arith.constant 0 : index
    %get3A_18 = arith.constant 0 : index
    %get3A_19 = vector.load %arg4[%get3A_17, %get3A_18] : memref<32x1xf32, #tpu.memory_space<vmem>>, vector<32x1xf32>
    %add3A_20 = vector.broadcast %get3A_19 : vector<32x1xf32> to vector<32x8192xf32>
    %add3A_21 = arith.addf %dot_general3A_16, %add3A_20 : vector<32x8192xf32>
    %max3A = arith.constant 0.000000e+00 : f32
    %max3A_22 = vector.broadcast %max3A : f32 to vector<32x8192xf32>
    %max3A_23 = arith.maximumf %add3A_21, %max3A_22 : vector<32x8192xf32>
    %mul3A_24 = vector.broadcast %get3A_1 : vector<1x8192xf32> to vector<32x8192xf32>
    %mul3A_25 = arith.mulf %mul3A_24, %max3A_23 : vector<32x8192xf32>
    %slice3A_26 = vector.extract_strided_slice %mul3A_25 {offsets = [0, 0], sizes = [16, 8192], strides = [1, 1]} : vector<32x8192xf32> to vector<16x8192xf32>
    %swap3A = arith.constant 0 : index
    %swap3A_27 = arith.constant 0 : index
    %swap3A_28 = arith.constant 0 : index
    %swap3A_29 = vector.load %arg5[%swap3A, %swap3A_27, %swap3A_28] : memref<2x16x8192xf32, #tpu.memory_space<vmem>>, vector<1x16x8192xf32>
    %swap3A_30 = vector.shape_cast %swap3A_29 : vector<1x16x8192xf32> to vector<16x8192xf32>
    %swap3A_31 = vector.shape_cast %slice3A_26 : vector<16x8192xf32> to vector<1x16x8192xf32>
    tpu.vector_store %arg5[%swap3A, %swap3A_27, %swap3A_28], %swap3A_31 {strides = array<i32>} : memref<2x16x8192xf32, #tpu.memory_space<vmem>>, vector<1x16x8192xf32>,
    %slice3A_32 = vector.extract_strided_slice %mul3A_25 {offsets = [16, 0], sizes = [16, 8192], strides = [1, 1]} : vector<32x8192xf32> to vector<16x8192xf32>
    %swap3A_33 = arith.constant 1 : index
    %swap3A_34 = arith.constant 0 : index
    %swap3A_35 = arith.constant 0 : index
    %swap3A_36 = vector.load %arg5[%swap3A_33, %swap3A_34, %swap3A_35] : memref<2x16x8192xf32, #tpu.memory_space<vmem>>, vector<1x16x8192xf32>
    %swap3A_37 = vector.shape_cast %swap3A_36 : vector<1x16x8192xf32> to vector<16x8192xf32>
    %swap3A_38 = vector.shape_cast %slice3A_32 : vector<16x8192xf32> to vector<1x16x8192xf32>
    tpu.vector_store %arg5[%swap3A_33, %swap3A_34, %swap3A_35], %swap3A_38 {strides = array<i32>} : memref<2x16x8192xf32, #tpu.memory_space<vmem>>, vector<1x16x8192xf32>,
    return
  }
  func.func @transform_0(%arg0: i32) -> (i32, i32, i32) {
    %c0_i32 = arith.constant 0 : i32
    %c0_i32_0 = arith.constant 0 : i32
    %c0_i32_1 = arith.constant 0 : i32
    return %c0_i32, %c0_i32_0, %arg0 : i32, i32, i32
  }
  func.func @transform_1(%arg0: i32) -> (i32, i32) {
    %c0_i32 = arith.constant 0 : i32
    %c0_i32_0 = arith.constant 0 : i32
    return %c0_i32, %arg0 : i32, i32
  }
  func.func @transform_2(%arg0: i32) -> (i32, i32) {
    %c0_i32 = arith.constant 0 : i32
    %c0_i32_0 = arith.constant 0 : i32
    %c0_i32_1 = arith.constant 0 : i32
    return %c0_i32, %c0_i32_0 : i32, i32
  }
  func.func @transform_3(%arg0: i32) -> (i32, i32) {
    %c0_i32 = arith.constant 0 : i32
    %c0_i32_0 = arith.constant 0 : i32
    %c0_i32_1 = arith.constant 0 : i32
    return %c0_i32, %c0_i32_0 : i32, i32
  }
  func.func @transform_4(%arg0: i32) -> (i32, i32, i32) {
    %c0_i32 = arith.constant 0 : i32
    %c0_i32_0 = arith.constant 0 : i32
    %c0_i32_1 = arith.constant 0 : i32
    return %c0_i32, %c0_i32_0, %arg0 : i32, i32, i32
  }
}

module attributes {stable_mosaic.version = 14 : i64} {
  func.func @_tc2(%arg0: i32, %arg1: memref<2x16x8192xf32, #tpu.memory_space<vmem>>, %arg2: memref<1x8192xf32, #tpu.memory_space<vmem>>, %arg3: memref<32x32xf32, #tpu.memory_space<vmem>>, %arg4: memref<32x1xf32, #tpu.memory_space<vmem>>, %arg5: memref<1x32xf32, #tpu.memory_space<vmem>>, %arg6: memref<1x8192xf32, #tpu.memory_space<vmem>>) attributes {dimension_semantics = [#tpu.dimension_semantics<arbitrary>], iteration_bounds = array<i64: 13>, scalar_prefetch = 0 : i64, scratch_operands = 0 : i64, tpu.core_type = #tpu.core_type<tc>, window_params = [{transform_indices = @transform_0, window_bounds = array<i64: 2, 16, 8192>}, {transform_indices = @transform_1, window_bounds = array<i64: 1, 8192>}, {pipeline_mode = #tpu.pipeline_mode<synchronous>, transform_indices = @transform_2, window_bounds = array<i64: 32, 32>}, {pipeline_mode = #tpu.pipeline_mode<synchronous>, transform_indices = @transform_3, window_bounds = array<i64: 32, 1>}, {pipeline_mode = #tpu.pipeline_mode<synchronous>, transform_indices = @transform_4, window_bounds = array<i64: 1, 32>}, {transform_indices = @transform_5, window_bounds = array<i64: 1, 8192>}]} {
    %get3A = arith.constant 0 : index
    %get3A_0 = arith.constant 0 : index
    %get3A_1 = vector.load %arg2[%get3A, %get3A_0] : memref<1x8192xf32, #tpu.memory_space<vmem>>, vector<1x8192xf32>
    %get3A_2 = arith.constant 0 : index
    %get3A_3 = arith.constant 0 : index
    %get3A_4 = arith.constant 0 : index
    %get3A_5 = vector.load %arg1[%get3A_2, %get3A_3, %get3A_4] : memref<2x16x8192xf32, #tpu.memory_space<vmem>>, vector<1x16x8192xf32>
    %get3A_6 = vector.shape_cast %get3A_5 : vector<1x16x8192xf32> to vector<16x8192xf32>
    %get3A_7 = arith.constant 1 : index
    %get3A_8 = arith.constant 0 : index
    %get3A_9 = arith.constant 0 : index
    %get3A_10 = vector.load %arg1[%get3A_7, %get3A_8, %get3A_9] : memref<2x16x8192xf32, #tpu.memory_space<vmem>>, vector<1x16x8192xf32>
    %get3A_11 = vector.shape_cast %get3A_10 : vector<1x16x8192xf32> to vector<16x8192xf32>
    %concatenate3A = tpu.concatenate %get3A_6, %get3A_11 in 0 : vector<16x8192xf32>, vector<16x8192xf32> -> vector<32x8192xf32>
    %mul3A = vector.broadcast %get3A_1 : vector<1x8192xf32> to vector<32x8192xf32>
    %mul3A_12 = arith.mulf %mul3A, %concatenate3A : vector<32x8192xf32>
    %get3A_13 = arith.constant 0 : index
    %get3A_14 = arith.constant 0 : index
    %get3A_15 = vector.load %arg3[%get3A_13, %get3A_14] : memref<32x32xf32, #tpu.memory_space<vmem>>, vector<32x32xf32>
    %dot_general3A = arith.constant dense<0.000000e+00> : vector<32x8192xf32>
    %dot_general3A_16 = tpu.matmul %get3A_15, %mul3A_12, %dot_general3A {dimension_numbers = #tpu.dot_dimension_numbers<[1], [0], [0], [1], [0, 0, 1, 1], [], []>, transpose_lhs_hint = false} : vector<32x32xf32>, vector<32x8192xf32>, vector<32x8192xf32> -> vector<32x8192xf32>
    %get3A_17 = arith.constant 0 : index
    %get3A_18 = arith.constant 0 : index
    %get3A_19 = vector.load %arg4[%get3A_17, %get3A_18] : memref<32x1xf32, #tpu.memory_space<vmem>>, vector<32x1xf32>
    %add3A = vector.broadcast %get3A_19 : vector<32x1xf32> to vector<32x8192xf32>
    %add3A_20 = arith.addf %dot_general3A_16, %add3A : vector<32x8192xf32>
    %max3A = arith.constant 0.000000e+00 : f32
    %max3A_21 = vector.broadcast %max3A : f32 to vector<32x8192xf32>
    %max3A_22 = arith.maximumf %add3A_20, %max3A_21 : vector<32x8192xf32>
    %get3A_23 = arith.constant 0 : index
    %get3A_24 = arith.constant 0 : index
    %get3A_25 = vector.load %arg5[%get3A_23, %get3A_24] : memref<1x32xf32, #tpu.memory_space<vmem>>, vector<1x32xf32>
    %dot_general3A_26 = arith.constant dense<0.000000e+00> : vector<1x8192xf32>
    %dot_general3A_27 = tpu.matmul %get3A_25, %max3A_22, %dot_general3A_26 {dimension_numbers = #tpu.dot_dimension_numbers<[1], [0], [0], [1], [0, 0, 1, 1], [], []>, transpose_lhs_hint = false} : vector<1x32xf32>, vector<32x8192xf32>, vector<1x8192xf32> -> vector<1x8192xf32>
    %mul3A_28 = arith.mulf %get3A_1, %dot_general3A_27 : vector<1x8192xf32>
    %swap3A = arith.constant 0 : index
    %swap3A_29 = arith.constant 0 : index
    %swap3A_30 = vector.load %arg6[%swap3A, %swap3A_29] : memref<1x8192xf32, #tpu.memory_space<vmem>>, vector<1x8192xf32>
    tpu.vector_store %arg6[%swap3A, %swap3A_29], %mul3A_28 {strides = array<i32>} : memref<1x8192xf32, #tpu.memory_space<vmem>>, vector<1x8192xf32>,
    return
  }
  func.func @transform_0(%arg0: i32) -> (i32, i32, i32) {
    %c0_i32 = arith.constant 0 : i32
    %c0_i32_0 = arith.constant 0 : i32
    %c0_i32_1 = arith.constant 0 : i32
    return %c0_i32, %c0_i32_0, %arg0 : i32, i32, i32
  }
  func.func @transform_1(%arg0: i32) -> (i32, i32) {
    %c0_i32 = arith.constant 0 : i32
    %c0_i32_0 = arith.constant 0 : i32
    return %c0_i32, %arg0 : i32, i32
  }
  func.func @transform_2(%arg0: i32) -> (i32, i32) {
    %c0_i32 = arith.constant 0 : i32
    %c0_i32_0 = arith.constant 0 : i32
    %c0_i32_1 = arith.constant 0 : i32
    return %c0_i32, %c0_i32_0 : i32, i32
  }
  func.func @transform_3(%arg0: i32) -> (i32, i32) {
    %c0_i32 = arith.constant 0 : i32
    %c0_i32_0 = arith.constant 0 : i32
    %c0_i32_1 = arith.constant 0 : i32
    return %c0_i32, %c0_i32_0 : i32, i32
  }
  func.func @transform_4(%arg0: i32) -> (i32, i32) {
    %c0_i32 = arith.constant 0 : i32
    %c0_i32_0 = arith.constant 0 : i32
    %c0_i32_1 = arith.constant 0 : i32
    return %c0_i32, %c0_i32_0 : i32, i32
  }
  func.func @transform_5(%arg0: i32) -> (i32, i32) {
    %c0_i32 = arith.constant 0 : i32
    %c0_i32_0 = arith.constant 0 : i32
    return %c0_i32, %arg0 : i32, i32
  }
}

module attributes {stable_mosaic.version = 14 : i64} {
  func.func @_tc3(%arg0: i32, %arg1: memref<2x8192xf32, #tpu.memory_space<vmem>>, %arg2: memref<1x8192xf32, #tpu.memory_space<vmem>>, %arg3: memref<1x1xf32, #tpu.memory_space<vmem>>, %arg4: memref<1x8192xf32, #tpu.memory_space<vmem>>) attributes {dimension_semantics = [#tpu.dimension_semantics<arbitrary>], iteration_bounds = array<i64: 13>, scalar_prefetch = 0 : i64, scratch_operands = 0 : i64, tpu.core_type = #tpu.core_type<tc>, window_params = [{transform_indices = @transform_0, window_bounds = array<i64: 2, 8192>}, {transform_indices = @transform_1, window_bounds = array<i64: 1, 8192>}, {pipeline_mode = #tpu.pipeline_mode<synchronous>, transform_indices = @transform_2, window_bounds = array<i64: 1, 1>}, {transform_indices = @transform_3, window_bounds = array<i64: 1, 8192>}]} {
    %get3A = arith.constant 0 : index
    %get3A_0 = arith.constant 0 : index
    %get3A_1 = vector.load %arg2[%get3A, %get3A_0] : memref<1x8192xf32, #tpu.memory_space<vmem>>, vector<1x8192xf32>
    %get3A_2 = arith.constant 0 : index
    %get3A_3 = arith.constant 0 : index
    %get3A_4 = vector.load %arg1[%get3A_2, %get3A_3] : memref<2x8192xf32, #tpu.memory_space<vmem>>, vector<1x8192xf32>
    %get3A_5 = vector.shape_cast %get3A_4 : vector<1x8192xf32> to vector<8192xf32>
    %get3A_6 = arith.constant 1 : index
    %get3A_7 = arith.constant 0 : index
    %get3A_8 = vector.load %arg1[%get3A_6, %get3A_7] : memref<2x8192xf32, #tpu.memory_space<vmem>>, vector<1x8192xf32>
    %get3A_9 = vector.shape_cast %get3A_8 : vector<1x8192xf32> to vector<8192xf32>
    %add3A = arith.addf %get3A_5, %get3A_9 : vector<8192xf32>
    %broadcast_in_dim3A = vector.shape_cast %add3A : vector<8192xf32> to vector<1x8192xf32>
    %mul3A = arith.mulf %get3A_1, %broadcast_in_dim3A : vector<1x8192xf32>
    %get3A_10 = arith.constant 0 : index
    %get3A_11 = arith.constant 0 : index
    %get3A_12 = vector.load %arg3[%get3A_10, %get3A_11] : memref<1x1xf32, #tpu.memory_space<vmem>>, vector<1x1xf32>
    %add3A_13 = vector.broadcast %get3A_12 : vector<1x1xf32> to vector<1x8192xf32>
    %add3A_14 = arith.addf %mul3A, %add3A_13 : vector<1x8192xf32>
    %swap3A = arith.constant 0 : index
    %swap3A_15 = arith.constant 0 : index
    %swap3A_16 = vector.load %arg4[%swap3A, %swap3A_15] : memref<1x8192xf32, #tpu.memory_space<vmem>>, vector<1x8192xf32>
    tpu.vector_store %arg4[%swap3A, %swap3A_15], %add3A_14 {strides = array<i32>} : memref<1x8192xf32, #tpu.memory_space<vmem>>, vector<1x8192xf32>,
    return
  }
  func.func @transform_0(%arg0: i32) -> (i32, i32) {
    %c0_i32 = arith.constant 0 : i32
    %c0_i32_0 = arith.constant 0 : i32
    return %c0_i32, %arg0 : i32, i32
  }
  func.func @transform_1(%arg0: i32) -> (i32, i32) {
    %c0_i32 = arith.constant 0 : i32
    %c0_i32_0 = arith.constant 0 : i32
    return %c0_i32, %arg0 : i32, i32
  }
  func.func @transform_2(%arg0: i32) -> (i32, i32) {
    %c0_i32 = arith.constant 0 : i32
    %c0_i32_0 = arith.constant 0 : i32
    %c0_i32_1 = arith.constant 0 : i32
    return %c0_i32, %c0_i32_0 : i32, i32
  }
  func.func @transform_3(%arg0: i32) -> (i32, i32) {
    %c0_i32 = arith.constant 0 : i32
    %c0_i32_0 = arith.constant 0 : i32
    return %c0_i32, %arg0 : i32, i32
  }
}

</mosaic_0001>

<sc_bundles>
// kernel: kernel.10.cloned.1.call-start
scs
__scs_entry_jumppad:
0x0: {  	(pc) =	sbr.rel $0x88, $3  }
0x1: {  	(tag) =	ssettag $0x0;
	lr =	simm.s32 $0x1  }
0x2: {  	[smem:$0x3F99] =	sst lr;
	_ =	strace $0xD0000000  }
0x3: {  	_ = 	snop  }
0x4: {  	_ = 	snop  }
0x5: {  	_ = 	snop  }
0x6: {  	_ = 	snop  }
0x7: {  	_ = 	snop  }
__scs_overlays_trampoline_lowered:
0x8: {  	[smem:$0x3FA8] =	sst s0  }
0x9: {  	[smem:$0x3FA9] =	sst s1  }
0xa: {  	[smem:$0x3FAA] =	sst s2  }
0xb: {  	[smem:$0x3FAB] =	sst s3  }
0xc: {  	[smem:$0x3FAC] =	sst s4  }
0xd: {  	[smem:$0x3FAD] =	sst s5  }
0xe: {  	[smem:$0x3FAE] =	sst s6  }
0xf: {  	[smem:$0x3FAF] =	sst s7  }
0x10: {  	[smem:$0x3FB0] =	sst s8  }
0x11: {  	[smem:$0x3FB1] =	sst s9;
	s0 =	simm.s32 @!p0 $0x0  }
0x12: {  	s1 =	sld [smem:$0x3F97];
	s0 =	simm.s32 @p0 $0x1  }
0x13: {  	[smem:$0x3FB2] =	sst s0;
	s0 =	simm.s32 @!p1 $0x0  }
0x14: {  	s2 =	sld [smem:$0x3F96];
	s0 =	simm.s32 @p1 $0x1  }
0x15: {  	[smem:$0x3FB3] =	sst s0;
	s0 =	simm.s32 @!p2 $0x0  }
0x16: {  	s3 =	sld [smem:$0x3FDB];
	s0 =	simm.s32 @p2 $0x1  }
0x17: {  	s4 =	simm.s32 $0x1BF5;
	[smem:$0x3FB5] =	sst s0  }
0x18: {  	s0 =	sld [smem:$0x3F98];
	_ =	swait.ge [sflag:s4], $0x0  }
0x19: {  	s7 =	sld [smem:$0x3F99]  }
0x1a: {  	s8 =	sadd.s32 $0xFFFFE003, lr  }
0x1b: {  	s9 =	sadd.s32 $0xFFFFFEF7, lr;
	s5 =	simm.s32 $0xFFFFFFFF;
	p2 =	slt.u32 s8, $0xFFFFF086  }
0x1c: {  	p1 =	slt.u32 s9, $0xF7A;
	s5 =	simm.s32 @!p2 $0x0  }
0x1d: {  	s5 =	simm.s32 @p1 $0x1;
	p0 =	seq.s32 s7, s2  }
0x1e: {  	s7 =	smul.u32 @!p0 $0xF7A, s2;
	p2 =	seq.s32 @!p0 s5, $0x0  }
0x1f: {  	s9 =	smul.u32 $0xF7A, s1;
	s8 =	simm.s32 @!p0 $0x1BF5;
	p2 =	por !p2, p0  }
0x20: {  	[sflag:s8] =	ssyncset.s32 @!p0 $0xFFFFF086;
	s6 =	sadd.s32 @!p0 s3, s7;
	s7 =	simm.s32 @!p0 $0x108  }
0x21: {  	s3 =	sadd.s32 s3, s9;
	s6 =	sadd.s32 @!p0 $0x88, s6;
	s7 =	simm.s32 @p2 $0x1082  }
0x22: {  	[simem:s7], [sflag:s8] =	dma.local @!p0 [hbm:s6], $0xF7A  }
0x23: {  	s9 =	sor.u32 $0xD0000000, s2;
	s6 =	simm.s32 $0x108;
	_ =	swait.ge @!p0 [sflag:s8], $0x0  }
0x24: {  	s3 =	sadd.s32 $0x88, s3;
	s6 =	simm.s32 @!p1 $0x1082;
	[sflag:s4] =	ssyncset.s32 $0xFFFFF086  }
0x25: {  	[simem:s6], [sflag:s4] =	dma.local [hbm:s3], $0xF7A  }
0x26: {  	[smem:$0x3F99] =	sst s1;
	(tag) =	ssettag s2;
	_ =	strace s9  }
0x27: {  	s1 =	sld [smem:$0x3FA9]  }
0x28: {  	s2 =	sld [smem:$0x3FAA]  }
0x29: {  	s4 =	sld [smem:$0x3FAC]  }
0x2a: {  	p0 =	seq.s32 s5, $0x0;
	s5 =	sld [smem:$0x3FAD]  }
0x2b: {  	s6 =	sld [smem:$0x3FAE]  }
0x2c: {  	s7 =	sld [smem:$0x3FAF]  }
0x2d: {  	s3 =	simm.s32 $0x108;
	s8 =	sld [smem:$0x3FB0]  }
0x2e: {  	s3 =	simm.s32 @!p0 $0x1082;
	s9 =	sld [smem:$0x3FB1]  }
0x2f: {  	lr =	sadd.s32 s0, s3;
	s0 =	sld [smem:$0x3FA8]  }
0x30: {  	s3 =	sld [smem:$0x3FAB]  }
0x31: {  	[smem:$0x3FB4] =	sst s10  }
0x32: {  	s10 =	sld [smem:$0x3FB2];
	_ =	sdelay $0x3  }
0x33: {  	p0 =	seq.s32 s10, $0x1;
	s10 =	sld [smem:$0x3FB4];
	_ =	sdelay $0x3  }
0x34: {  	[smem:$0x3FB4] =	sst s10  }
0x35: {  	s10 =	sld [smem:$0x3FB3];
	_ =	sdelay $0x3  }
0x36: {  	p1 =	seq.s32 s10, $0x1;
	s10 =	sld [smem:$0x3FB4];
	_ =	sdelay $0x3  }
0x37: {  	[smem:$0x3FB4] =	sst s10  }
0x38: {  	s10 =	sld [smem:$0x3FB5]  }
0x39: {  	_ = 	snop;
	(pc) =	sbr.ind lr, $3  }
0x3a: {  	_ = 	snop  }
0x3b: {  	_ = 	snop  }
0x3c: {  	p2 =	seq.s32 s10, $0x1;
	s10 =	sld [smem:$0x3FB4]  }
0x3d: {  	_ =	shalt  }
0x3e: {  	_ =	shalt  }
0x3f: {  	_ =	shalt  }
0x40: {  	_ =	shalt  }
0x41: {  	_ =	shalt  }
0x42: {  	_ =	shalt  }
0x43: {  	_ =	shalt  }
0x44: {  	_ =	shalt  }
0x45: {  	_ =	shalt  }
0x46: {  	_ =	shalt  }
0x47: {  	_ =	shalt  }
0x48: {  	_ =	shalt  }
0x49: {  	_ =	shalt  }
0x4a: {  	_ =	shalt  }
0x4b: {  	_ =	shalt  }
0x4c: {  	_ =	shalt  }
0x4d: {  	_ =	shalt  }
0x4e: {  	_ =	shalt  }
0x4f: {  	_ =	shalt  }
0x50: {  	_ =	shalt  }
0x51: {  	_ =	shalt  }
0x52: {  	_ =	shalt  }
0x53: {  	_ =	shalt  }
0x54: {  	_ =	shalt  }
0x55: {  	_ =	shalt  }
0x56: {  	_ =	shalt  }
0x57: {  	_ =	shalt  }
0x58: {  	_ =	shalt  }
0x59: {  	_ =	shalt  }
0x5a: {  	_ =	shalt  }
0x5b: {  	_ =	shalt  }
0x5c: {  	_ =	shalt  }
0x5d: {  	_ =	shalt  }
0x5e: {  	_ =	shalt  }
0x5f: {  	_ =	shalt  }
0x60: {  	_ =	shalt  }
0x61: {  	_ =	shalt  }
0x62: {  	_ =	shalt  }
0x63: {  	_ =	shalt  }
0x64: {  	_ =	shalt  }
0x65: {  	_ =	shalt  }
0x66: {  	_ =	shalt  }
0x67: {  	_ =	shalt  }
0x68: {  	_ =	shalt  }
0x69: {  	_ =	shalt  }
0x6a: {  	_ =	shalt  }
0x6b: {  	_ =	shalt  }
0x6c: {  	_ =	shalt  }
0x6d: {  	_ =	shalt  }
0x6e: {  	_ =	shalt  }
0x6f: {  	_ =	shalt  }
0x70: {  	_ =	shalt  }
0x71: {  	_ =	shalt  }
0x72: {  	_ =	shalt  }
0x73: {  	_ =	shalt  }
0x74: {  	_ =	shalt  }
0x75: {  	_ =	shalt  }
0x76: {  	_ =	shalt  }
0x77: {  	_ =	shalt  }
0x78: {  	_ =	shalt  }
0x79: {  	_ =	shalt  }
0x7a: {  	_ =	shalt  }
0x7b: {  	_ =	shalt  }
0x7c: {  	_ =	shalt  }
0x7d: {  	_ =	shalt  }
0x7e: {  	_ =	shalt  }
0x7f: {  	_ =	shalt  }
0x80: {  	_ =	shalt  }
0x81: {  	_ =	shalt  }
0x82: {  	_ =	shalt  }
0x83: {  	_ =	shalt  }
0x84: {  	_ =	shalt  }
0x85: {  	_ =	shalt  }
0x86: {  	_ =	shalt  }
0x87: {  	_ =	shalt  }
.Lfunc_end0:
.L_simem_size_0:
called_computation_lowered:
.L_overlay_start_0:
0x88: {  	s2 =	sld [smem:$0x3FD9]  }
0x89: {  	s3 =	sld [smem:$0x3FFE];
	_ =	sdelay $0x1  }
0x8a: {  	s1 =	srdreg.scid  }
0x8b: {  	s0 =	sand.u32 $0x1, s1  }
0x8c: {  	s16 =	sshll.u32 s0, $0xA;
	s2 =	sadd.s32 s3, s2  }
0x8d: {  	s2 =	sadd.s32 s2, s16  }
0x8e: {  	[smem:$0x3FC0] =	sst s2  }
0x8f: {  	_ = 	snop  }
0x90: {  	(tm) =	ssettm $0x1  }
0x91: {  	s17 =	sld [smem:$0x3FFB];
	_ =	sdelay $0x3  }
0x92: {  	_ =	strace s17  }
0x93: {  	s2 =	sld [smem:$0x3FFC];
	_ =	sdelay $0x3  }
0x94: {  	_ =	strace s2  }
0x95: {  	s2 =	sld [smem:$0x3FFD];
	_ =	sdelay $0x3  }
0x96: {  	_ =	strace s2  }
0x97: {  	_ =	strace $0x8FFFFFFF  }
0x98: {  	s18 =	sld [smem:$0x3FDB];
	_ =	sdelay $0x1  }
0x99: {  	s19 =	simm.s32 $_scs_section_size  }
0x9a: {  	s4 =	simm.s32 $_size__tile_overlayer_lowered;
	s5 =	simm.s32 $_tile_overlayer_lowered  }
0x9b: {  	s22 =	simm.s32 $0x1BFF;
	s21 =	sshll.u32 s5, $0x1;
	s2 =	sadd.s32 s19, s18  }
0x9c: {  	s6 =	simm.s32 $0x0;
	s20 =	sshll.u32 s4, $0x1;
	s4 =	sadd.s32 s21, s2  }
0x9d: {  	[timem:s6], [sflag:s22] =	dma.local [hbm:s4], s20  }
0x9e: {  	_ =	swait.ge [sflag:s22], s20  }
0x9f: {  	s3 =	ssub.s32 $0x0, s20;
	[sflag:s22] =	ssyncset.done $0x0  }
0xa0: {  	[sflag:s22] =	ssyncadd.s32 s3;
	_ =	sdelay $0x1  }
0xa1: {  	s23 =	simm.s32 $0x1B8B  }
0xa2: {  	_ =	swait.ge [sflag:s23], $0x1  }
0xa3: {  	[sflag:s23] =	ssyncset.done $0x0  }
0xa4: {  	s25 =	simm.s32 $0x1B8E;
	s24 =	sld [smem:$0x3FFE];
	[sflag:s23] =	ssyncadd.s32 $0xFFFFFFFF  }
0xa5: {  	s26 =	simm.s32 $execute0_lowered;
	[smem:$0x3FD2] =	sst s25  }
0xa6: {  	s4 =	sshll.u32 s26, $0x1;
	_ =	strace $0x80000046;
	[dreg:$0x1] =	wrdreg $0xFFFFFFFF  }
0xa7: {  	s28 =	simm.s32 $_size_execute0_lowered;
	s2 =	sadd.s32 s2, s4;
	[dreg:$0x0] =	wrdreg $0x0  }
0xa8: {  	s4 =	sshll.u32 s28, $0x1;
	[dreg:$0x2] =	wrdreg s2  }
0xa9: {  	[dreg:$0x3] =	wrdreg s4  }
0xaa: {  	[dreg:$0x4] =	wrdreg $0xC0  }
0xab: {  	_ =	task [dreg:s6], $0x5FFFF  }
0xac: {  	[dreg:$0x1] =	wrdreg $0xFFFFFFFF  }
0xad: {  	[dreg:$0x0] =	wrdreg $0x60  }
0xae: {  	[dreg:$0x2] =	wrdreg s24  }
0xaf: {  	[dreg:$0x3] =	wrdreg $0x6000  }
0xb0: {  	[dreg:$0x4] =	wrdreg $0x9  }
0xb1: {  	_ =	task.clear_ibuf [dreg:s6], $0x5FFFF;
	_ =	strace $0x90000046  }
0xb2: {  	s29 =	simm.s32 $0x9;
	_ =	strace $0x80000048  }
0xb3: {  	_ =	swait.ge [sflag:s29], $0x1  }
0xb4: {  	[sflag:s29] =	ssyncadd.s32 $0xFFFFFFFF  }
0xb5: {  	_ =	strace $0x90000048  }
0xb6: {  	_ =	sfence  }
0xb7: {  	s30 =	sld [smem:$0x0];
	_ =	sdelay $0x2  }
0xb8: {  	s31 =	sshll.u32 s1, $0xD;
	s1 =	sshrl.u32 s1, $0x2  }
0xb9: {  	s3 =	sand.u32 $0x4000, s31;
	s1 =	sadd.s32 s1, s30  }
0xba: {  	s0 =	sor.u32 s3, s0;
	s1 =	sshll.u32 s1, $0x11  }
0xbb: {  	s0 =	sor.u32 s1, s0  }
0xbc: {  	s0 =	sadd.s32 $0x8F2B, s0  }
0xbd: {  	[sflag:s0] =	ssyncadd.remote.s32 $0x1  }
0xbe: {  	_ =	sfence.sel $0xFFFF  }
0xbf: {  	[dreg:$0x0] =	wrdreg $0xFFFFFFFF;
	(pc) =	sbr.abs _section_cstart, $3  }
0xc0: {  	[dreg:$0x1] =	wrdreg $0xFFFFFFFF  }
0xc1: {  	_ =	task.clear_ibuf [dreg:s6], $0x2FFFF;
	_ =	strace $0x9FFFFFFF  }
0xc2: {  	(tm) =	ssettm $0x7FFFFFFF  }
0xc3: {  	_ =	shalt  }
tec
execute0_lowered:
.L_overlay_start_1:
0x0: {  	(tag) =	ssettag $0x1  }
0x1: {  	s0 =	rddreg [dreg:$0x0]  }
0x2: {  	s1 =	rddreg [dreg:$0x1];
	s2 =	simm.s32 $0x0;
	s3 =	srdreg.scid  }
0x3: {  	s9 =	stileid.u32;
	s28 =	simm.s32 $0x2;
	s29 =	simm.s32 $0x80  }
0x4: {  	s30 =	simm.s32 $0x480;
	s31 =	simm.s32 $0x100;
	[smem:$0x7FF] =	sst s2  }
0x5: {  	s3 =	sand.u32 $0x1, s3;
	s6 =	smul.u32 $0x1A00, s9;
	s7 =	sadd.s32 $0x64600, s0  }
0x6: {  	s4 =	smul.u32 $0x3400, s3;
	_ =	strace $0x80000047;
	s5 =	ssub.s32 $0x2, s3  }
0x7: {  	s8 =	sshll.u32 s3, $0x4;
	s3 =	smul.u32 $0xC40, s3;
	s19 =	sshrl.u32 s5, $0x1  }
0x8: {  	s8 =	sor.u32 s9, s8;
	s9 =	smul.u32 $0xC4, s9;
	s0 =	sadd.s32 s4, s0  }
0x9: {  	s5 =	ssub.s32 s5, s19;
	s4 =	sadd.s32 s6, s1;
	s8 =	smul.u32 $0x3100, s8  }
0xa: {  	s6 =	sshrl.u32 s6, $0x3;
	s10 =	sadd.s32 $0x200, s4;
	s20 =	sadd.s32 $0x400, s4  }
0xb: {  	s21 =	sadd.s32 $0x600, s4;
	s22 =	sadd.s32 $0x800, s4;
	[dreg:$0x3] =	wrdreg s10  }
0xc: {  	s23 =	sadd.s32 $0xA00, s4;
	s24 =	sadd.s32 $0xC00, s4;
	[dreg:$0x4] =	wrdreg s20  }
0xd: {  	s25 =	sadd.s32 $0xE00, s4;
	s26 =	sadd.s32 $0x1000, s4;
	[dreg:$0x5] =	wrdreg s21  }
0xe: {  	s13 =	sadd.s32 $0x1200, s4;
	s14 =	sadd.s32 $0x1400, s4;
	[dreg:$0x6] =	wrdreg s22  }
0xf: {  	s15 =	sadd.s32 $0x1600, s4;
	s16 =	sadd.s32 $0x1800, s4;
	[dreg:$0x7] =	wrdreg s23  }
0x10: {  	s3 =	sadd.s32 s9, s3;
	s0 =	sadd.s32 $0x2A00, s0;
	[dreg:$0x8] =	wrdreg s24  }
0x11: {  	s19 =	smax.u32 s5, $0x1;
	s5 =	simm.s32 $0x580;
	[dreg:$0x9] =	wrdreg s25  }
0x12: {  	s9 =	simm.s32 $0x0;
	[dreg:$0xa] =	wrdreg s26;
	s17 =	sadd.s32 s7, s8  }
0x13: {  	s3 =	sshll.u32 s3, $0x6;
	s22 =	simm.s32 $0x400;
	s23 =	simm.s32 $0x3  }
0x14: {  	s24 =	sadd.s32 s6, s0;
	s25 =	simm.s32 $0x1;
	s26 =	simm.s32 $0x200  }
0x15: {  	s0 =	simm.s32 $0x500;
	s6 =	simm.s32 $0x280;
	s8 =	simm.s32 $0x380  }
0x16: {  	s18 =	sadd.s32 $0x40, s17;
	s3 =	sadd.s32 s3, s7;
	s7 =	simm.s32 $0x300  }
0x17: {  	v0 =	vimm.f32 $0.0e+00;
	v1 =	vimm.f32 $1.000000000e+00;
	s20 =	sadd.s32 $0xC0, s3;
	s21 =	sadd.s32 $0x80, s3;
	s3 =	simm.s32 $0x180  }
.LBB2_1:
0x18: {  	[tilespmem:$0x400] =	vst v0  }
0x19: {  	[tilespmem:$0x410] =	vst v0  }
0x1a: {  	[tilespmem:$0x420] =	vst v0  }
0x1b: {  	[tilespmem:$0x430] =	vst v0  }
0x1c: {  	[tilespmem:$0x440] =	vst v0  }
0x1d: {  	[tilespmem:$0x450] =	vst v0  }
0x1e: {  	[tilespmem:$0x460] =	vst v0  }
0x1f: {  	[tilespmem:$0x470] =	vst v0  }
0x20: {  	[tilespmem:$0x480] =	vst v0  }
0x21: {  	[tilespmem:$0x490] =	vst v0  }
0x22: {  	[tilespmem:$0x4A0] =	vst v0  }
0x23: {  	[tilespmem:$0x4B0] =	vst v0  }
0x24: {  	[tilespmem:$0x4C0] =	vst v0  }
0x25: {  	[tilespmem:$0x4D0] =	vst v0  }
0x26: {  	[tilespmem:$0x4E0] =	vst v0  }
0x27: {  	[tilespmem:$0x4F0] =	vst v0  }
0x28: {  	[tilespmem:$0x500] =	vst v0  }
0x29: {  	[tilespmem:$0x510] =	vst v0  }
0x2a: {  	[tilespmem:$0x520] =	vst v0  }
0x2b: {  	[tilespmem:$0x530] =	vst v0  }
0x2c: {  	[tilespmem:$0x540] =	vst v0  }
0x2d: {  	[tilespmem:$0x550] =	vst v0  }
0x2e: {  	[tilespmem:$0x560] =	vst v0  }
0x2f: {  	[tilespmem:$0x570] =	vst v0  }
0x30: {  	[tilespmem:$0x580] =	vst v0  }
0x31: {  	[tilespmem:$0x590] =	vst v0  }
0x32: {  	[tilespmem:$0x5A0] =	vst v0  }
0x33: {  	[tilespmem:$0x5B0] =	vst v0  }
0x34: {  	[tilespmem:$0x5C0] =	vst v0  }
0x35: {  	[tilespmem:$0x5D0] =	vst v0  }
0x36: {  	[tilespmem:$0x5E0] =	vst v0  }
0x37: {  	[tilespmem:$0x5F0] =	vst v0  }
0x38: {  	[spmem:s4] =	stream.linear.scatter [tilespmem:s22], [sflag:$0x3], $0x200, $0x38;
	[tilespmem:$0x2000] =	vst v63  }
0x39: {  	_ =	swait.ge [sflag:s23], $0x200  }
0x3a: {  	[sflag:s23] =	ssyncset.done $0x0  }
0x3b: {  	s10 =	rddreg [dreg:$0x3];
	[sflag:s23] =	ssyncadd.s32 $0xFFFFFE00  }
0x3c: {  	[spmem:s10] =	stream.linear.scatter [tilespmem:s22], [sflag:$0x3], $0x200, $0x38;
	[tilespmem:$0x2000] =	vst v63  }
0x3d: {  	_ =	swait.ge [sflag:s23], $0x200  }
0x3e: {  	[sflag:s23] =	ssyncset.done $0x0  }
0x3f: {  	s11 =	rddreg [dreg:$0x4];
	[sflag:s23] =	ssyncadd.s32 $0xFFFFFE00  }
0x40: {  	[spmem:s11] =	stream.linear.scatter [tilespmem:s22], [sflag:$0x3], $0x200, $0x38;
	[tilespmem:$0x2000] =	vst v63  }
0x41: {  	_ =	swait.ge [sflag:s23], $0x200  }
0x42: {  	[sflag:s23] =	ssyncset.done $0x0  }
0x43: {  	s12 =	rddreg [dreg:$0x5];
	[sflag:s23] =	ssyncadd.s32 $0xFFFFFE00  }
0x44: {  	[spmem:s12] =	stream.linear.scatter [tilespmem:s22], [sflag:$0x3], $0x200, $0x38;
	[tilespmem:$0x2000] =	vst v63  }
0x45: {  	_ =	swait.ge [sflag:s23], $0x200  }
0x46: {  	[sflag:s23] =	ssyncset.done $0x0  }
0x47: {  	s11 =	rddreg [dreg:$0x6];
	[sflag:s23] =	ssyncadd.s32 $0xFFFFFE00  }
0x48: {  	[spmem:s11] =	stream.linear.scatter [tilespmem:s22], [sflag:$0x3], $0x200, $0x38;
	[tilespmem:$0x2000] =	vst v63  }
0x49: {  	_ =	swait.ge [sflag:s23], $0x200  }
0x4a: {  	[sflag:s23] =	ssyncset.done $0x0  }
0x4b: {  	s12 =	rddreg [dreg:$0x7];
	[sflag:s23] =	ssyncadd.s32 $0xFFFFFE00  }
0x4c: {  	[spmem:s12] =	stream.linear.scatter [tilespmem:s22], [sflag:$0x3], $0x200, $0x38;
	[tilespmem:$0x2000] =	vst v63  }
0x4d: {  	_ =	swait.ge [sflag:s23], $0x200  }
0x4e: {  	[sflag:s23] =	ssyncset.done $0x0  }
0x4f: {  	s11 =	rddreg [dreg:$0x8];
	[sflag:s23] =	ssyncadd.s32 $0xFFFFFE00  }
0x50: {  	[spmem:s11] =	stream.linear.scatter [tilespmem:s22], [sflag:$0x3], $0x200, $0x38;
	[tilespmem:$0x2000] =	vst v63  }
0x51: {  	_ =	swait.ge [sflag:s23], $0x200  }
0x52: {  	[sflag:s23] =	ssyncset.done $0x0  }
0x53: {  	s12 =	rddreg [dreg:$0x9];
	[sflag:s23] =	ssyncadd.s32 $0xFFFFFE00  }
0x54: {  	[spmem:s12] =	stream.linear.scatter [tilespmem:s22], [sflag:$0x3], $0x200, $0x38;
	[tilespmem:$0x2000] =	vst v63  }
0x55: {  	_ =	swait.ge [sflag:s23], $0x200  }
0x56: {  	[sflag:s23] =	ssyncset.done $0x0  }
0x57: {  	s11 =	rddreg [dreg:$0xa];
	[sflag:s23] =	ssyncadd.s32 $0xFFFFFE00  }
0x58: {  	[spmem:s11] =	stream.linear.scatter [tilespmem:s22], [sflag:$0x3], $0x200, $0x38;
	[tilespmem:$0x2000] =	vst v63  }
0x59: {  	_ =	swait.ge [sflag:s23], $0x200  }
0x5a: {  	[sflag:s23] =	ssyncset.done $0x0  }
0x5b: {  	[sflag:s23] =	ssyncadd.s32 $0xFFFFFE00  }
0x5c: {  	[spmem:s13] =	stream.linear.scatter [tilespmem:s22], [sflag:$0x3], $0x200, $0x38;
	[tilespmem:$0x2000] =	vst v63  }
0x5d: {  	_ =	swait.ge [sflag:s23], $0x200  }
0x5e: {  	[sflag:s23] =	ssyncset.done $0x0  }
0x5f: {  	[sflag:s23] =	ssyncadd.s32 $0xFFFFFE00  }
0x60: {  	[spmem:s14] =	stream.linear.scatter [tilespmem:s22], [sflag:$0x3], $0x200, $0x38;
	[tilespmem:$0x2000] =	vst v63  }
0x61: {  	_ =	swait.ge [sflag:s23], $0x200  }
0x62: {  	[sflag:s23] =	ssyncset.done $0x0  }
0x63: {  	[sflag:s23] =	ssyncadd.s32 $0xFFFFFE00  }
0x64: {  	[spmem:s15] =	stream.linear.scatter [tilespmem:s22], [sflag:$0x3], $0x200, $0x38;
	[tilespmem:$0x2000] =	vst v63  }
0x65: {  	_ =	swait.ge [sflag:s23], $0x200  }
0x66: {  	[sflag:s23] =	ssyncset.done $0x0  }
0x67: {  	[sflag:s23] =	ssyncadd.s32 $0xFFFFFE00  }
0x68: {  	[spmem:s16] =	stream.linear.scatter [tilespmem:s22], [sflag:$0x3], $0x200, $0x38;
	[tilespmem:$0x2000] =	vst v63  }
0x69: {  	_ =	swait.ge [sflag:s23], $0x200  }
0x6a: {  	[sflag:s23] =	ssyncset.done $0x0  }
0x6b: {  	[sflag:s23] =	ssyncadd.s32 $0xFFFFFE00  }
0x6c: {  	[tilespmem:$0x400] =	vst v1  }
0x6d: {  	[tilespmem:$0x410] =	vst v1  }
0x6e: {  	[tilespmem:$0x420] =	vst v1  }
0x6f: {  	[tilespmem:$0x430] =	vst v1  }
0x70: {  	[tilespmem:$0x440] =	vst v1  }
0x71: {  	[tilespmem:$0x450] =	vst v1  }
0x72: {  	[tilespmem:$0x460] =	vst v1  }
0x73: {  	[tilespmem:$0x470] =	vst v1  }
0x74: {  	[tilespmem:$0x480] =	vst v1  }
0x75: {  	[tilespmem:$0x490] =	vst v1  }
0x76: {  	[tilespmem:$0x4A0] =	vst v1  }
0x77: {  	[tilespmem:$0x4B0] =	vst v1  }
0x78: {  	[tilespmem:$0x4C0] =	vst v1  }
0x79: {  	[tilespmem:$0x4D0] =	vst v1  }
0x7a: {  	[tilespmem:$0x4E0] =	vst v1  }
0x7b: {  	[tilespmem:$0x4F0] =	vst v1  }
0x7c: {  	[tilespmem:$0x500] =	vst v1  }
0x7d: {  	[tilespmem:$0x510] =	vst v1  }
0x7e: {  	[tilespmem:$0x520] =	vst v1  }
0x7f: {  	[tilespmem:$0x530] =	vst v1  }
0x80: {  	[tilespmem:$0x540] =	vst v1  }
0x81: {  	[tilespmem:$0x550] =	vst v1  }
0x82: {  	[tilespmem:$0x560] =	vst v1  }
0x83: {  	[tilespmem:$0x570] =	vst v1  }
0x84: {  	[tilespmem:$0x580] =	vst v1  }
0x85: {  	[tilespmem:$0x590] =	vst v1  }
0x86: {  	[tilespmem:$0x5A0] =	vst v1  }
0x87: {  	[tilespmem:$0x5B0] =	vst v1  }
0x88: {  	[tilespmem:$0x5C0] =	vst v1  }
0x89: {  	[tilespmem:$0x5D0] =	vst v1  }
0x8a: {  	[tilespmem:$0x5E0] =	vst v1  }
0x8b: {  	[tilespmem:$0x5F0] =	vst v1  }
0x8c: {  	[bflag:$0x0] =	sbarrier.arrive $0xFFFF  }
0x8d: {  	[tilespmem:s2], [sflag:$0x1] =	stream.linear.gather [hbm4b:s17+s2], $0x200, $0x38;
	[tilespmem:$0x2000] =	vst v63  }
0x8e: {  	_ =	swait.ge [sflag:s25], $0x200  }
0x8f: {  	[sflag:s25] =	ssyncset.done $0x0  }
0x90: {  	[sflag:s25] =	ssyncadd.s32 $0xFFFFFE00  }
0x91: {  	[tilespmem:s26], [sflag:$0x2] =	stream.linear.gather [hbm4b:s18+s2], $0x200, $0x38;
	[tilespmem:$0x2000] =	vst v63  }
0x92: {  	_ =	swait.ge [sflag:s28], $0x200  }
0x93: {  	[sflag:s28] =	ssyncset.done $0x0  }
0x94: {  	[sflag:s28] =	ssyncadd.s32 $0xFFFFFE00  }
0x95: {  	[spmem:s1] =	stream.indirect.scatter.add.f32 [tilespmem:s22], [sflag:$0x3], $0x1, s2, s29, $0xb8;
	[tilespmem:$0x2000] =	vst v63  }
0x96: {  	_ =	swait.ge [sflag:s23], $0x80  }
0x97: {  	[sflag:s23] =	ssyncset.done $0x0  }
0x98: {  	[sflag:s23] =	ssyncadd.s32 $0xFFFFFF80  }
0x99: {  	[spmem:s1] =	stream.indirect.scatter.add.f32 [tilespmem:s30], [sflag:$0x3], $0x1, s29, s29, $0xb8;
	[tilespmem:$0x2000] =	vst v63  }
0x9a: {  	_ =	swait.ge [sflag:s23], $0x80  }
0x9b: {  	[sflag:s23] =	ssyncset.done $0x0  }
0x9c: {  	[sflag:s23] =	ssyncadd.s32 $0xFFFFFF80  }
0x9d: {  	[spmem:s1] =	stream.indirect.scatter.add.f32 [tilespmem:s0], [sflag:$0x3], $0x1, s31, s29, $0xb8;
	[tilespmem:$0x2000] =	vst v63  }
0x9e: {  	_ =	swait.ge [sflag:s23], $0x80  }
0x9f: {  	[sflag:s23] =	ssyncset.done $0x0  }
0xa0: {  	[sflag:s23] =	ssyncadd.s32 $0xFFFFFF80  }
0xa1: {  	[spmem:s1] =	stream.indirect.scatter.add.f32 [tilespmem:s5], [sflag:$0x3], $0x1, s3, s29, $0xb8;
	[tilespmem:$0x2000] =	vst v63  }
0xa2: {  	_ =	swait.ge [sflag:s23], $0x80  }
0xa3: {  	[sflag:s23] =	ssyncset.done $0x0  }
0xa4: {  	s12 =	sadd.s32 $0x0, s21;
	[sflag:s23] =	ssyncadd.s32 $0xFFFFFF80  }
0xa5: {  	[tilespmem:s2], [sflag:$0x1] =	stream.linear.gather [hbm4b:s12+s2], $0x200, $0x38;
	[tilespmem:$0x2000] =	vst v63  }
0xa6: {  	_ = 	snop  }
0xa7: {  	[spmem:s1] =	stream.indirect.scatter.add.f32 [tilespmem:s22], [sflag:$0x3], $0x1, s26, s29, $0xb8;
	[tilespmem:$0x2000] =	vst v63  }
0xa8: {  	_ =	swait.ge [sflag:s23], $0x80  }
0xa9: {  	[sflag:s23] =	ssyncset.done $0x0  }
0xaa: {  	[sflag:s23] =	ssyncadd.s32 $0xFFFFFF80  }
0xab: {  	[spmem:s1] =	stream.indirect.scatter.add.f32 [tilespmem:s30], [sflag:$0x3], $0x1, s6, s29, $0xb8;
	[tilespmem:$0x2000] =	vst v63  }
0xac: {  	_ =	swait.ge [sflag:s23], $0x80  }
0xad: {  	[sflag:s23] =	ssyncset.done $0x0  }
0xae: {  	[sflag:s23] =	ssyncadd.s32 $0xFFFFFF80  }
0xaf: {  	[spmem:s1] =	stream.indirect.scatter.add.f32 [tilespmem:s0], [sflag:$0x3], $0x1, s7, s29, $0xb8;
	[tilespmem:$0x2000] =	vst v63  }
0xb0: {  	_ =	swait.ge [sflag:s23], $0x80  }
0xb1: {  	[sflag:s23] =	ssyncset.done $0x0  }
0xb2: {  	[sflag:s23] =	ssyncadd.s32 $0xFFFFFF80  }
0xb3: {  	[spmem:s1] =	stream.indirect.scatter.add.f32 [tilespmem:s5], [sflag:$0x3], $0x1, s8, s29, $0xb8;
	[tilespmem:$0x2000] =	vst v63  }
0xb4: {  	_ =	swait.ge [sflag:s23], $0x80  }
0xb5: {  	[sflag:s23] =	ssyncset.done $0x0  }
0xb6: {  	[sflag:s23] =	ssyncadd.s32 $0xFFFFFF80  }
0xb7: {  	_ =	swait.ge [sflag:s25], $0x200  }
0xb8: {  	[sflag:s25] =	ssyncset.done $0x0  }
0xb9: {  	s10 =	simm.s32 $0x80;
	s11 =	sadd.s32 $0x0, s20;
	[sflag:s25] =	ssyncadd.s32 $0xFFFFFE00  }
.LBB2_2:
0xba: {  	[tilespmem:s26], [sflag:$0x2] =	stream.linear.gather [hbm4b:s11+s2], $0x200, $0x38;
	[tilespmem:$0x2000] =	vst v63  }
0xbb: {  	s11 =	smov.u32 s10  }
0xbc: {  	p0 =	sne.s32 s10, $0x3080;
	s10 =	sadd.s32 $0x80, s10;
	_ =	swait.ge [sflag:s28], $0x200  }
0xbd: {  	[sflag:s28] =	ssyncset.done $0x0  }
0xbe: {  	[sflag:s28] =	ssyncadd.s32 $0xFFFFFE00  }
0xbf: {  	[spmem:s1] =	stream.indirect.scatter.add.f32 [tilespmem:s22], [sflag:$0x3], $0x1, s2, s29, $0xb8;
	[tilespmem:$0x2000] =	vst v63  }
0xc0: {  	_ =	swait.ge [sflag:s23], $0x80  }
0xc1: {  	[sflag:s23] =	ssyncset.done $0x0  }
0xc2: {  	[sflag:s23] =	ssyncadd.s32 $0xFFFFFF80  }
0xc3: {  	[spmem:s1] =	stream.indirect.scatter.add.f32 [tilespmem:s30], [sflag:$0x3], $0x1, s29, s29, $0xb8;
	[tilespmem:$0x2000] =	vst v63  }
0xc4: {  	_ =	swait.ge [sflag:s23], $0x80  }
0xc5: {  	[sflag:s23] =	ssyncset.done $0x0  }
0xc6: {  	[sflag:s23] =	ssyncadd.s32 $0xFFFFFF80  }
0xc7: {  	[spmem:s1] =	stream.indirect.scatter.add.f32 [tilespmem:s0], [sflag:$0x3], $0x1, s31, s29, $0xb8;
	[tilespmem:$0x2000] =	vst v63  }
0xc8: {  	_ =	swait.ge [sflag:s23], $0x80  }
0xc9: {  	[sflag:s23] =	ssyncset.done $0x0  }
0xca: {  	[sflag:s23] =	ssyncadd.s32 $0xFFFFFF80  }
0xcb: {  	[spmem:s1] =	stream.indirect.scatter.add.f32 [tilespmem:s5], [sflag:$0x3], $0x1, s3, s29, $0xb8;
	[tilespmem:$0x2000] =	vst v63  }
0xcc: {  	_ =	swait.ge [sflag:s23], $0x80  }
0xcd: {  	[sflag:s23] =	ssyncset.done $0x0  }
0xce: {  	s12 =	sadd.s32 s11, s21;
	[sflag:s23] =	ssyncadd.s32 $0xFFFFFF80  }
0xcf: {  	[tilespmem:s2], [sflag:$0x1] =	stream.linear.gather [hbm4b:s12+s2], $0x200, $0x38;
	[tilespmem:$0x2000] =	vst v63  }
0xd0: {  	_ = 	snop  }
0xd1: {  	[spmem:s1] =	stream.indirect.scatter.add.f32 [tilespmem:s22], [sflag:$0x3], $0x1, s26, s29, $0xb8;
	[tilespmem:$0x2000] =	vst v63  }
0xd2: {  	_ =	swait.ge [sflag:s23], $0x80  }
0xd3: {  	[sflag:s23] =	ssyncset.done $0x0  }
0xd4: {  	[sflag:s23] =	ssyncadd.s32 $0xFFFFFF80  }
0xd5: {  	[spmem:s1] =	stream.indirect.scatter.add.f32 [tilespmem:s30], [sflag:$0x3], $0x1, s6, s29, $0xb8;
	[tilespmem:$0x2000] =	vst v63  }
0xd6: {  	_ =	swait.ge [sflag:s23], $0x80  }
0xd7: {  	[sflag:s23] =	ssyncset.done $0x0  }
0xd8: {  	[sflag:s23] =	ssyncadd.s32 $0xFFFFFF80  }
0xd9: {  	[spmem:s1] =	stream.indirect.scatter.add.f32 [tilespmem:s0], [sflag:$0x3], $0x1, s7, s29, $0xb8;
	[tilespmem:$0x2000] =	vst v63  }
0xda: {  	_ =	swait.ge [sflag:s23], $0x80  }
0xdb: {  	[sflag:s23] =	ssyncset.done $0x0  }
0xdc: {  	[sflag:s23] =	ssyncadd.s32 $0xFFFFFF80  }
0xdd: {  	[spmem:s1] =	stream.indirect.scatter.add.f32 [tilespmem:s5], [sflag:$0x3], $0x1, s8, s29, $0xb8;
	[tilespmem:$0x2000] =	vst v63  }
0xde: {  	_ =	swait.ge [sflag:s23], $0x80  }
.Ltmp0:
0xdf: {  	[sflag:s23] =	ssyncset.done $0x0;
	(pc) =	sbr.rel @p0 .LBB2_2-.Ltmp0, $4  }
0xe0: {  	[sflag:s23] =	ssyncadd.s32 $0xFFFFFF80  }
0xe1: {  	_ =	swait.ge [sflag:s25], $0x200  }
0xe2: {  	[sflag:s25] =	ssyncset.done $0x0  }
0xe3: {  	s11 =	sadd.s32 s11, s20;
	[sflag:s25] =	ssyncadd.s32 $0xFFFFFE00  }
0xe4: {  	[tilespmem:s26], [sflag:$0x2] =	stream.linear.gather [hbm4b:s11+s2], $0x200, $0x38;
	[tilespmem:$0x2000] =	vst v63  }
0xe5: {  	s10 =	stileid.u32;
	_ =	swait.ge [sflag:s28], $0x200  }
0xe6: {  	s12 =	sshrl.u32 s4, $0x3;
	s9 =	sadd.s32 $0x1, s9;
	[sflag:s28] =	ssyncset.done $0x0  }
0xe7: {  	s10 =	sshll.u32 s10, $0x6;
	p0 =	sne.s32 s9, s19;
	[sflag:s28] =	ssyncadd.s32 $0xFFFFFE00  }
.Ltmp1:
0xe8: {  	s10 =	sor.u32 $0x1C03, s10;
	[bflag:$0x0] =	sbarrier.arrive $0xFFFF;
	(pc) =	sbr.rel @p0 .LBB2_1-.Ltmp1, $4  }
0xe9: {  	[hbm:s24], [sflag:s10] =	dma.local [spmem:s12], $0x340  }
0xea: {  	_ =	swait.ge [sflag:s23], $0x340  }
0xeb: {  	[sflag:s23] =	ssyncset.done $0x0  }
0xec: {  	[sflag:s23] =	ssyncadd.s32 $0xFFFFFCC0  }
0xed: {  	_ =	sfence.sel $0x180000  }
0xee: {  	[bflag:$0x0] =	sbarrier.arrive $0xFFFF  }
0xef: {  	_ =	strace $0x90000047  }
0xf0: {  	s0 =	stileid.u32;
	[bflag:$0x2] =	sbarrier.arrive $0xFFFF  }
0xf1: {  	p0 =	sne.s32 s0, $0x0;
	s0 =	rddreg [dreg:$0x2]  }
0xf2: {  	s0 =	sadd.s32 @!p0 $0x100000, s0  }
0xf3: {  	[sflag:s0] =	ssyncadd.tile.s32 @!p0 $0x1;
	_ =	shalt  }
.Lfunc_end2:
_tile_overlayer_lowered:
.L_overlay_start_2:
0xf4: {  	(tag) =	ssettag $0x2  }
0xf5: {  	s0 =	rddreg [dreg:$0x0];
	s2 =	stileid.u32  }
0xf6: {  	s1 =	rddreg [dreg:$0x1];
	p0 =	sne.s32 s2, $0x0  }
0xf7: {  	s3 =	rddreg [dreg:$0x2];
	[bflag:$0x3] =	sbarrier.arrive $0xFFFF;
	s2 =	simm.s32 @!p0 $0x1C03  }
0xf8: {  	[timem:s3], [sflag:s2] =	dma.local @!p0 [hbm:s0], s1  }
0xf9: {  	s0 =	simm.s32 @!p0 $0x3  }
0xfa: {  	_ =	swait.ge @!p0 [sflag:s0], s1  }
0xfb: {  	s1 =	ssub.s32 @!p0 $0x0, s1;
	[sflag:s0] =	ssyncset.done @!p0 $0x0  }
0xfc: {  	[sflag:s0] =	ssyncadd.s32 @!p0 s1  }
0xfd: {  	[bflag:$0x3] =	sbarrier.arrive $0xFFFF  }
0xfe: {  	_ =	shalt  }

// kernel: kernel.13.cloned.1.call-start
scs
__scs_entry_jumppad:
0x0: {  	(pc) =	sbr.rel $0x88, $3  }
0x1: {  	(tag) =	ssettag $0x0;
	lr =	simm.s32 $0x1  }
0x2: {  	[smem:$0x3F99] =	sst lr;
	_ =	strace $0xD0000000  }
0x3: {  	_ = 	snop  }
0x4: {  	_ = 	snop  }
0x5: {  	_ = 	snop  }
0x6: {  	_ = 	snop  }
0x7: {  	_ = 	snop  }
__scs_overlays_trampoline_lowered:
0x8: {  	[smem:$0x3FA8] =	sst s0  }
0x9: {  	[smem:$0x3FA9] =	sst s1  }
0xa: {  	[smem:$0x3FAA] =	sst s2  }
0xb: {  	[smem:$0x3FAB] =	sst s3  }
0xc: {  	[smem:$0x3FAC] =	sst s4  }
0xd: {  	[smem:$0x3FAD] =	sst s5  }
0xe: {  	[smem:$0x3FAE] =	sst s6  }
0xf: {  	[smem:$0x3FAF] =	sst s7  }
0x10: {  	[smem:$0x3FB0] =	sst s8  }
0x11: {  	[smem:$0x3FB1] =	sst s9;
	s0 =	simm.s32 @!p0 $0x0  }
0x12: {  	s1 =	sld [smem:$0x3F97];
	s0 =	simm.s32 @p0 $0x1  }
0x13: {  	[smem:$0x3FB2] =	sst s0;
	s0 =	simm.s32 @!p1 $0x0  }
0x14: {  	s2 =	sld [smem:$0x3F96];
	s0 =	simm.s32 @p1 $0x1  }
0x15: {  	[smem:$0x3FB3] =	sst s0;
	s0 =	simm.s32 @!p2 $0x0  }
0x16: {  	s3 =	sld [smem:$0x3FDB];
	s0 =	simm.s32 @p2 $0x1  }
0x17: {  	s4 =	simm.s32 $0x1BF5;
	[smem:$0x3FB5] =	sst s0  }
0x18: {  	s0 =	sld [smem:$0x3F98];
	_ =	swait.ge [sflag:s4], $0x0  }
0x19: {  	s7 =	sld [smem:$0x3F99]  }
0x1a: {  	s8 =	sadd.s32 $0xFFFFE003, lr  }
0x1b: {  	s9 =	sadd.s32 $0xFFFFFEF7, lr;
	s5 =	simm.s32 $0xFFFFFFFF;
	p2 =	slt.u32 s8, $0xFFFFF086  }
0x1c: {  	p1 =	slt.u32 s9, $0xF7A;
	s5 =	simm.s32 @!p2 $0x0  }
0x1d: {  	s5 =	simm.s32 @p1 $0x1;
	p0 =	seq.s32 s7, s2  }
0x1e: {  	s7 =	smul.u32 @!p0 $0xF7A, s2;
	p2 =	seq.s32 @!p0 s5, $0x0  }
0x1f: {  	s9 =	smul.u32 $0xF7A, s1;
	s8 =	simm.s32 @!p0 $0x1BF5;
	p2 =	por !p2, p0  }
0x20: {  	[sflag:s8] =	ssyncset.s32 @!p0 $0xFFFFF086;
	s6 =	sadd.s32 @!p0 s3, s7;
	s7 =	simm.s32 @!p0 $0x108  }
0x21: {  	s3 =	sadd.s32 s3, s9;
	s6 =	sadd.s32 @!p0 $0x88, s6;
	s7 =	simm.s32 @p2 $0x1082  }
0x22: {  	[simem:s7], [sflag:s8] =	dma.local @!p0 [hbm:s6], $0xF7A  }
0x23: {  	s9 =	sor.u32 $0xD0000000, s2;
	s6 =	simm.s32 $0x108;
	_ =	swait.ge @!p0 [sflag:s8], $0x0  }
0x24: {  	s3 =	sadd.s32 $0x88, s3;
	s6 =	simm.s32 @!p1 $0x1082;
	[sflag:s4] =	ssyncset.s32 $0xFFFFF086  }
0x25: {  	[simem:s6], [sflag:s4] =	dma.local [hbm:s3], $0xF7A  }
0x26: {  	[smem:$0x3F99] =	sst s1;
	(tag) =	ssettag s2;
	_ =	strace s9  }
0x27: {  	s1 =	sld [smem:$0x3FA9]  }
0x28: {  	s2 =	sld [smem:$0x3FAA]  }
0x29: {  	s4 =	sld [smem:$0x3FAC]  }
0x2a: {  	p0 =	seq.s32 s5, $0x0;
	s5 =	sld [smem:$0x3FAD]  }
0x2b: {  	s6 =	sld [smem:$0x3FAE]  }
0x2c: {  	s7 =	sld [smem:$0x3FAF]  }
0x2d: {  	s3 =	simm.s32 $0x108;
	s8 =	sld [smem:$0x3FB0]  }
0x2e: {  	s3 =	simm.s32 @!p0 $0x1082;
	s9 =	sld [smem:$0x3FB1]  }
0x2f: {  	lr =	sadd.s32 s0, s3;
	s0 =	sld [smem:$0x3FA8]  }
0x30: {  	s3 =	sld [smem:$0x3FAB]  }
0x31: {  	[smem:$0x3FB4] =	sst s10  }
0x32: {  	s10 =	sld [smem:$0x3FB2];
	_ =	sdelay $0x3  }
0x33: {  	p0 =	seq.s32 s10, $0x1;
	s10 =	sld [smem:$0x3FB4];
	_ =	sdelay $0x3  }
0x34: {  	[smem:$0x3FB4] =	sst s10  }
0x35: {  	s10 =	sld [smem:$0x3FB3];
	_ =	sdelay $0x3  }
0x36: {  	p1 =	seq.s32 s10, $0x1;
	s10 =	sld [smem:$0x3FB4];
	_ =	sdelay $0x3  }
0x37: {  	[smem:$0x3FB4] =	sst s10  }
0x38: {  	s10 =	sld [smem:$0x3FB5]  }
0x39: {  	_ = 	snop;
	(pc) =	sbr.ind lr, $3  }
0x3a: {  	_ = 	snop  }
0x3b: {  	_ = 	snop  }
0x3c: {  	p2 =	seq.s32 s10, $0x1;
	s10 =	sld [smem:$0x3FB4]  }
0x3d: {  	_ =	shalt  }
0x3e: {  	_ =	shalt  }
0x3f: {  	_ =	shalt  }
0x40: {  	_ =	shalt  }
0x41: {  	_ =	shalt  }
0x42: {  	_ =	shalt  }
0x43: {  	_ =	shalt  }
0x44: {  	_ =	shalt  }
0x45: {  	_ =	shalt  }
0x46: {  	_ =	shalt  }
0x47: {  	_ =	shalt  }
0x48: {  	_ =	shalt  }
0x49: {  	_ =	shalt  }
0x4a: {  	_ =	shalt  }
0x4b: {  	_ =	shalt  }
0x4c: {  	_ =	shalt  }
0x4d: {  	_ =	shalt  }
0x4e: {  	_ =	shalt  }
0x4f: {  	_ =	shalt  }
0x50: {  	_ =	shalt  }
0x51: {  	_ =	shalt  }
0x52: {  	_ =	shalt  }
0x53: {  	_ =	shalt  }
0x54: {  	_ =	shalt  }
0x55: {  	_ =	shalt  }
0x56: {  	_ =	shalt  }
0x57: {  	_ =	shalt  }
0x58: {  	_ =	shalt  }
0x59: {  	_ =	shalt  }
0x5a: {  	_ =	shalt  }
0x5b: {  	_ =	shalt  }
0x5c: {  	_ =	shalt  }
0x5d: {  	_ =	shalt  }
0x5e: {  	_ =	shalt  }
0x5f: {  	_ =	shalt  }
0x60: {  	_ =	shalt  }
0x61: {  	_ =	shalt  }
0x62: {  	_ =	shalt  }
0x63: {  	_ =	shalt  }
0x64: {  	_ =	shalt  }
0x65: {  	_ =	shalt  }
0x66: {  	_ =	shalt  }
0x67: {  	_ =	shalt  }
0x68: {  	_ =	shalt  }
0x69: {  	_ =	shalt  }
0x6a: {  	_ =	shalt  }
0x6b: {  	_ =	shalt  }
0x6c: {  	_ =	shalt  }
0x6d: {  	_ =	shalt  }
0x6e: {  	_ =	shalt  }
0x6f: {  	_ =	shalt  }
0x70: {  	_ =	shalt  }
0x71: {  	_ =	shalt  }
0x72: {  	_ =	shalt  }
0x73: {  	_ =	shalt  }
0x74: {  	_ =	shalt  }
0x75: {  	_ =	shalt  }
0x76: {  	_ =	shalt  }
0x77: {  	_ =	shalt  }
0x78: {  	_ =	shalt  }
0x79: {  	_ =	shalt  }
0x7a: {  	_ =	shalt  }
0x7b: {  	_ =	shalt  }
0x7c: {  	_ =	shalt  }
0x7d: {  	_ =	shalt  }
0x7e: {  	_ =	shalt  }
0x7f: {  	_ =	shalt  }
0x80: {  	_ =	shalt  }
0x81: {  	_ =	shalt  }
0x82: {  	_ =	shalt  }
0x83: {  	_ =	shalt  }
0x84: {  	_ =	shalt  }
0x85: {  	_ =	shalt  }
0x86: {  	_ =	shalt  }
0x87: {  	_ =	shalt  }
.Lfunc_end0:
.L_simem_size_0:
called_computation.1_lowered:
.L_overlay_start_0:
0x88: {  	s2 =	sld [smem:$0x3FD9]  }
0x89: {  	s3 =	sld [smem:$0x3FFE];
	_ =	sdelay $0x1  }
0x8a: {  	s1 =	srdreg.scid  }
0x8b: {  	s0 =	sand.u32 $0x1, s1  }
0x8c: {  	s16 =	sshll.u32 s0, $0xA;
	s2 =	sadd.s32 s3, s2  }
0x8d: {  	s2 =	sadd.s32 s2, s16  }
0x8e: {  	[smem:$0x3FC0] =	sst s2  }
0x8f: {  	_ = 	snop  }
0x90: {  	(tm) =	ssettm $0x1  }
0x91: {  	s17 =	sld [smem:$0x3FFB];
	_ =	sdelay $0x3  }
0x92: {  	_ =	strace s17  }
0x93: {  	s2 =	sld [smem:$0x3FFC];
	_ =	sdelay $0x3  }
0x94: {  	_ =	strace s2  }
0x95: {  	s2 =	sld [smem:$0x3FFD];
	_ =	sdelay $0x3  }
0x96: {  	_ =	strace s2  }
0x97: {  	_ =	strace $0x8FFFFFFF  }
0x98: {  	s18 =	sld [smem:$0x3FDB];
	_ =	sdelay $0x1  }
0x99: {  	s19 =	simm.s32 $_scs_section_size  }
0x9a: {  	s4 =	simm.s32 $_size__tile_overlayer_lowered;
	s5 =	simm.s32 $_tile_overlayer_lowered  }
0x9b: {  	s22 =	simm.s32 $0x1BFF;
	s21 =	sshll.u32 s5, $0x1;
	s2 =	sadd.s32 s19, s18  }
0x9c: {  	s6 =	simm.s32 $0x0;
	s20 =	sshll.u32 s4, $0x1;
	s4 =	sadd.s32 s21, s2  }
0x9d: {  	[timem:s6], [sflag:s22] =	dma.local [hbm:s4], s20  }
0x9e: {  	_ =	swait.ge [sflag:s22], s20  }
0x9f: {  	s3 =	ssub.s32 $0x0, s20;
	[sflag:s22] =	ssyncset.done $0x0  }
0xa0: {  	[sflag:s22] =	ssyncadd.s32 s3;
	_ =	sdelay $0x1  }
0xa1: {  	s23 =	simm.s32 $0x1B8B  }
0xa2: {  	_ =	swait.ge [sflag:s23], $0x1  }
0xa3: {  	[sflag:s23] =	ssyncset.done $0x0  }
0xa4: {  	s25 =	simm.s32 $0x1B8E;
	s24 =	sld [smem:$0x3FFE];
	[sflag:s23] =	ssyncadd.s32 $0xFFFFFFFF  }
0xa5: {  	s26 =	simm.s32 $execute0_lowered;
	[smem:$0x3FD2] =	sst s25  }
0xa6: {  	s4 =	sshll.u32 s26, $0x1;
	_ =	strace $0x80000049;
	[dreg:$0x1] =	wrdreg $0xFFFFFFFF  }
0xa7: {  	s28 =	simm.s32 $_size_execute0_lowered;
	s2 =	sadd.s32 s2, s4;
	[dreg:$0x0] =	wrdreg $0x0  }
0xa8: {  	s4 =	sshll.u32 s28, $0x1;
	[dreg:$0x2] =	wrdreg s2  }
0xa9: {  	[dreg:$0x3] =	wrdreg s4  }
0xaa: {  	[dreg:$0x4] =	wrdreg $0xC0  }
0xab: {  	_ =	task [dreg:s6], $0x5FFFF  }
0xac: {  	[dreg:$0x1] =	wrdreg $0xFFFFFFFF  }
0xad: {  	[dreg:$0x0] =	wrdreg $0x60  }
0xae: {  	[dreg:$0x2] =	wrdreg s24  }
0xaf: {  	[dreg:$0x3] =	wrdreg $0x48000  }
0xb0: {  	[dreg:$0x4] =	wrdreg $0x9  }
0xb1: {  	_ =	task.clear_ibuf [dreg:s6], $0x5FFFF;
	_ =	strace $0x90000049  }
0xb2: {  	s29 =	simm.s32 $0x9;
	_ =	strace $0x8000004B  }
0xb3: {  	_ =	swait.ge [sflag:s29], $0x1  }
0xb4: {  	[sflag:s29] =	ssyncadd.s32 $0xFFFFFFFF  }
0xb5: {  	_ =	strace $0x9000004B  }
0xb6: {  	_ =	sfence  }
0xb7: {  	s30 =	sld [smem:$0x0];
	_ =	sdelay $0x2  }
0xb8: {  	s31 =	sshll.u32 s1, $0xD;
	s1 =	sshrl.u32 s1, $0x2  }
0xb9: {  	s3 =	sand.u32 $0x4000, s31;
	s1 =	sadd.s32 s1, s30  }
0xba: {  	s0 =	sor.u32 s3, s0;
	s1 =	sshll.u32 s1, $0x11  }
0xbb: {  	s0 =	sor.u32 s1, s0  }
0xbc: {  	s0 =	sadd.s32 $0x8F2B, s0  }
0xbd: {  	[sflag:s0] =	ssyncadd.remote.s32 $0x1  }
0xbe: {  	_ =	sfence.sel $0xFFFF  }
0xbf: {  	[dreg:$0x0] =	wrdreg $0xFFFFFFFF;
	(pc) =	sbr.abs _section_cstart, $3  }
0xc0: {  	[dreg:$0x1] =	wrdreg $0xFFFFFFFF  }
0xc1: {  	_ =	task.clear_ibuf [dreg:s6], $0x2FFFF;
	_ =	strace $0x9FFFFFFF  }
0xc2: {  	(tm) =	ssettm $0x7FFFFFFF  }
0xc3: {  	_ =	shalt  }
tec
execute0_lowered:
.L_overlay_start_1:
0x0: {  	(tag) =	ssettag $0x1  }
0x1: {  	s0 =	rddreg [dreg:$0x0]  }
0x2: {  	s1 =	rddreg [dreg:$0x1]  }
0x3: {  	s2 =	simm.s32 $0x0;
	s3 =	srdreg.scid;
	s20 =	stileid.u32  }
0x4: {  	s28 =	simm.s32 $0x1000;
	s29 =	simm.s32 $0x100;
	s8 =	smul.u32 $0x68000, s20  }
0x5: {  	[smem:$0x7FF] =	sst s2;
	s3 =	sand.u32 $0x1, s3;
	s9 =	smul.u32 $0x1A000, s20  }
0x6: {  	s4 =	sadd.s32 $0x5E00, s0;
	s26 =	smul.u32 $0xC4, s20;
	_ =	strace $0x8000004A  }
0x7: {  	s24 =	smul.u32 $0xC40, s3;
	s19 =	sadd.s32 s9, s1;
	s9 =	sshrl.u32 s9, $0x3  }
0x8: {  	s8 =	sshrl.u32 s8, $0x2;
	[dreg:$0x9] =	wrdreg s19;
	s22 =	sadd.s32 s4, s9  }
0x9: {  	s30 =	simm.s32 $0x1800;
	s21 =	sadd.s32 s8, s1;
	[dreg:$0xb] =	wrdreg s22  }
0xa: {  	s8 =	sadd.s32 s26, s24;
	s24 =	simm.s32 $0x580;
	[dreg:$0xa] =	wrdreg s21  }
0xb: {  	s31 =	simm.s32 $0x180;
	s26 =	simm.s32 $0x200;
	[dreg:$0x7] =	wrdreg s24  }
0xc: {  	s6 =	sadd.s32 $0xC6800, s0;
	s23 =	sadd.s32 $0x2000, s21;
	[dreg:$0x8] =	wrdreg s26  }
0xd: {  	s5 =	smul.u32 $0x34000, s3;
	s10 =	sadd.s32 $0x4000, s21;
	[dreg:$0xc] =	wrdreg s23  }
0xe: {  	s7 =	ssub.s32 $0x2, s3;
	s25 =	sadd.s32 $0x6000, s21;
	[dreg:$0xd] =	wrdreg s10  }
0xf: {  	p0 =	seq.s32 s3, $0x1;
	s11 =	sadd.s32 $0x8000, s21;
	[dreg:$0xe] =	wrdreg s25  }
0x10: {  	s3 =	sshll.u32 s3, $0x4;
	s12 =	sadd.s32 $0xA000, s21;
	[dreg:$0xf] =	wrdreg s11  }
0x11: {  	s18 =	sshrl.u32 s7, $0x1;
	s13 =	sadd.s32 $0xC000, s21;
	[dreg:$0x10] =	wrdreg s12  }
0x12: {  	s3 =	sor.u32 s20, s3;
	s14 =	sadd.s32 $0xE000, s21;
	[dreg:$0x11] =	wrdreg s13  }
0x13: {  	s0 =	sadd.s32 s5, s0;
	s15 =	sadd.s32 $0x10000, s21;
	[dreg:$0x12] =	wrdreg s14  }
0x14: {  	s7 =	ssub.s32 s7, s18;
	s16 =	sadd.s32 $0x12000, s21;
	[dreg:$0x13] =	wrdreg s15  }
0x15: {  	s3 =	smul.u32 $0x6200, s3;
	s17 =	sadd.s32 $0x14000, s21;
	[dreg:$0x14] =	wrdreg s16  }
0x16: {  	s8 =	sshll.u32 s8, $0x7;
	s18 =	sadd.s32 $0x16000, s21;
	[dreg:$0x15] =	wrdreg s17  }
0x17: {  	s5 =	sadd.s32 $0x18000, s21;
	s22 =	simm.s32 $0x480;
	[dreg:$0x16] =	wrdreg s18  }
0x18: {  	s0 =	sadd.s32 $0x39E00, s0;
	s26 =	simm.s32 $0x800;
	[dreg:$0x17] =	wrdreg s5  }
0x19: {  	s8 =	sadd.s32 s8, s6;
	s21 =	sadd.s32 s6, s3;
	[dreg:$0x5] =	wrdreg s22  }
0x1a: {  	s23 =	simm.s32 $0x500;
	s25 =	smax.u32 s7, $0x1;
	s0 =	sadd.s32 s9, s0  }
0x1b: {  	s7 =	simm.s32 $0x400;
	s9 =	simm.s32 $0x2800;
	s10 =	simm.s32 $0x3000  }
0x1c: {  	s11 =	simm.s32 $0x3800;
	s12 =	simm.s32 $0x4000;
	s13 =	simm.s32 $0x1  }
0x1d: {  	s14 =	simm.s32 $0x5;
	s15 =	simm.s32 $0x280;
	s3 =	simm.s32 $0x300  }
0x1e: {  	s16 =	simm.s32 $0x380;
	s17 =	simm.s32 $0x2;
	[dreg:$0x18] =	wrdreg s21  }
0x1f: {  	s18 =	simm.s32 $0x600;
	s22 =	simm.s32 $0x780;
	[dreg:$0x6] =	wrdreg s23  }
0x20: {  	s6 =	simm.s32 $0x0;
	s19 =	sadd.s32 $0x180, s8;
	[dreg:$0x1a] =	wrdreg s25  }
0x21: {  	s8 =	sadd.s32 $0x100, s8;
	s5 =	sadd.s32 $0x80, s21;
	[dreg:$0x1b] =	wrdreg s0  }
0x22: {  	s23 =	simm.s32 $0x3;
	s25 =	simm.s32 $0x80;
	[dreg:$0x3] =	wrdreg s19  }
0x23: {  	s0 =	simm.s32 $0x2000;
	s21 =	simm.s32 $0x700;
	[dreg:$0x4] =	wrdreg s8  }
0x24: {  	v0 =	vimm.f32 $0.0e+00;
	[dreg:$0x19] =	wrdreg s5;
	s8 =	simm.s32 $0x4;
	s19 =	simm.s32 $0x680  }
.LBB2_1:
0x25: {  	[dreg:$0x1c] =	wrdreg s6;
	s6 =	simm.s32 $0x40;
	s24 =	simm.s32 $0x0  }
.LBB2_2:
0x26: {  	p1 =	sne.s32 s6, $0x7FC0;
	[tilespmem:s24+$0x800] =	vst v0;
	s24 =	smov.u32 s6;
	s6 =	sadd.s32 $0x40, s6  }
.Ltmp0:
0x27: {  	(pc) =	sbr.rel @p1 .LBB2_2-.Ltmp0, $2  }
0x28: {  	_ =	sdelay $0x2  }
0x29: {  	s24 =	sshra.s32 s24, $0x2  }
0x2a: {  	[tilespmem:s24+$0x800] =	vst v0;
	s6 =	simm.s32 @p0 $0x800;
	s5 =	rddreg [dreg:$0xa];
	s24 =	simm.s32 @p0 $0x5  }
0x2b: {  	[spmem:s5] =	stream.linear.scatter @p0 [tilespmem:s6], [sflag:$0x5], $0x2000, $0x38;
	[tilespmem:$0x1E800] =	vst v63  }
0x2c: {  	_ =	swait.ge @p0 [sflag:s24], $0x2000  }
0x2d: {  	[sflag:s24] =	ssyncset.done @p0 $0x0  }
0x2e: {  	s5 =	rddreg [dreg:$0xc];
	[sflag:s24] =	ssyncadd.s32 @p0 $0xFFFFE000  }
0x2f: {  	[spmem:s5] =	stream.linear.scatter @p0 [tilespmem:s6], [sflag:$0x5], $0x2000, $0x38;
	[tilespmem:$0x1E800] =	vst v63  }
0x30: {  	_ =	swait.ge @p0 [sflag:s24], $0x2000  }
0x31: {  	[sflag:s24] =	ssyncset.done @p0 $0x0  }
0x32: {  	s5 =	rddreg [dreg:$0xd];
	[sflag:s24] =	ssyncadd.s32 @p0 $0xFFFFE000  }
0x33: {  	[spmem:s5] =	stream.linear.scatter @p0 [tilespmem:s6], [sflag:$0x5], $0x2000, $0x38;
	[tilespmem:$0x1E800] =	vst v63  }
0x34: {  	_ =	swait.ge @p0 [sflag:s24], $0x2000  }
0x35: {  	[sflag:s24] =	ssyncset.done @p0 $0x0  }
0x36: {  	s5 =	rddreg [dreg:$0xe];
	[sflag:s24] =	ssyncadd.s32 @p0 $0xFFFFE000  }
0x37: {  	[spmem:s5] =	stream.linear.scatter @p0 [tilespmem:s6], [sflag:$0x5], $0x2000, $0x38;
	[tilespmem:$0x1E800] =	vst v63  }
0x38: {  	_ =	swait.ge @p0 [sflag:s24], $0x2000  }
0x39: {  	[sflag:s24] =	ssyncset.done @p0 $0x0  }
0x3a: {  	s5 =	rddreg [dreg:$0xf];
	[sflag:s24] =	ssyncadd.s32 @p0 $0xFFFFE000  }
0x3b: {  	[spmem:s5] =	stream.linear.scatter @p0 [tilespmem:s6], [sflag:$0x5], $0x2000, $0x38;
	[tilespmem:$0x1E800] =	vst v63  }
0x3c: {  	_ =	swait.ge @p0 [sflag:s24], $0x2000  }
0x3d: {  	[sflag:s24] =	ssyncset.done @p0 $0x0  }
0x3e: {  	s5 =	rddreg [dreg:$0x10];
	[sflag:s24] =	ssyncadd.s32 @p0 $0xFFFFE000  }
0x3f: {  	[spmem:s5] =	stream.linear.scatter @p0 [tilespmem:s6], [sflag:$0x5], $0x2000, $0x38;
	[tilespmem:$0x1E800] =	vst v63  }
0x40: {  	_ =	swait.ge @p0 [sflag:s24], $0x2000  }
0x41: {  	[sflag:s24] =	ssyncset.done @p0 $0x0  }
0x42: {  	s5 =	rddreg [dreg:$0x11];
	[sflag:s24] =	ssyncadd.s32 @p0 $0xFFFFE000  }
0x43: {  	[spmem:s5] =	stream.linear.scatter @p0 [tilespmem:s6], [sflag:$0x5], $0x2000, $0x38;
	[tilespmem:$0x1E800] =	vst v63  }
0x44: {  	_ =	swait.ge @p0 [sflag:s24], $0x2000  }
0x45: {  	[sflag:s24] =	ssyncset.done @p0 $0x0  }
0x46: {  	s5 =	rddreg [dreg:$0x12];
	[sflag:s24] =	ssyncadd.s32 @p0 $0xFFFFE000  }
0x47: {  	[spmem:s5] =	stream.linear.scatter @p0 [tilespmem:s6], [sflag:$0x5], $0x2000, $0x38;
	[tilespmem:$0x1E800] =	vst v63  }
0x48: {  	_ =	swait.ge @p0 [sflag:s24], $0x2000  }
0x49: {  	[sflag:s24] =	ssyncset.done @p0 $0x0  }
0x4a: {  	s5 =	rddreg [dreg:$0x13];
	[sflag:s24] =	ssyncadd.s32 @p0 $0xFFFFE000  }
0x4b: {  	[spmem:s5] =	stream.linear.scatter @p0 [tilespmem:s6], [sflag:$0x5], $0x2000, $0x38;
	[tilespmem:$0x1E800] =	vst v63  }
0x4c: {  	_ =	swait.ge @p0 [sflag:s24], $0x2000  }
0x4d: {  	[sflag:s24] =	ssyncset.done @p0 $0x0  }
0x4e: {  	s5 =	rddreg [dreg:$0x14];
	[sflag:s24] =	ssyncadd.s32 @p0 $0xFFFFE000  }
0x4f: {  	[spmem:s5] =	stream.linear.scatter @p0 [tilespmem:s6], [sflag:$0x5], $0x2000, $0x38;
	[tilespmem:$0x1E800] =	vst v63  }
0x50: {  	_ =	swait.ge @p0 [sflag:s24], $0x2000  }
0x51: {  	[sflag:s24] =	ssyncset.done @p0 $0x0  }
0x52: {  	s5 =	rddreg [dreg:$0x15];
	[sflag:s24] =	ssyncadd.s32 @p0 $0xFFFFE000  }
0x53: {  	[spmem:s5] =	stream.linear.scatter @p0 [tilespmem:s6], [sflag:$0x5], $0x2000, $0x38;
	[tilespmem:$0x1E800] =	vst v63  }
0x54: {  	_ =	swait.ge @p0 [sflag:s24], $0x2000  }
0x55: {  	[sflag:s24] =	ssyncset.done @p0 $0x0  }
0x56: {  	s5 =	rddreg [dreg:$0x16];
	[sflag:s24] =	ssyncadd.s32 @p0 $0xFFFFE000  }
0x57: {  	[spmem:s5] =	stream.linear.scatter @p0 [tilespmem:s6], [sflag:$0x5], $0x2000, $0x38;
	[tilespmem:$0x1E800] =	vst v63  }
0x58: {  	_ =	swait.ge @p0 [sflag:s24], $0x2000  }
0x59: {  	[sflag:s24] =	ssyncset.done @p0 $0x0  }
0x5a: {  	s5 =	rddreg [dreg:$0x17];
	[sflag:s24] =	ssyncadd.s32 @p0 $0xFFFFE000  }
0x5b: {  	[spmem:s5] =	stream.linear.scatter @p0 [tilespmem:s6], [sflag:$0x5], $0x2000, $0x38;
	[tilespmem:$0x1E800] =	vst v63  }
0x5c: {  	s6 =	sshll.u32 @!p0 s20, $0x6;
	_ =	swait.ge @p0 [sflag:s24], $0x2000  }
0x5d: {  	s6 =	sor.u32 @!p0 $0x1C05, s6;
	[sflag:s24] =	ssyncset.done @p0 $0x0;
	s5 =	rddreg [dreg:$0x9]  }
0x5e: {  	[sflag:s24] =	ssyncadd.s32 @p0 $0xFFFFE000;
	s24 =	sshrl.u32 @!p0 s5, $0x3;
	s5 =	rddreg [dreg:$0xb]  }
0x5f: {  	[spmem:s24], [sflag:s6] =	dma.local @!p0 [hbm:s5], $0x3400  }
0x60: {  	s6 =	simm.s32 @!p0 $0x5  }
0x61: {  	_ =	swait.ge @!p0 [sflag:s6], $0x3400  }
0x62: {  	[sflag:s6] =	ssyncset.done @!p0 $0x0  }
0x63: {  	[sflag:s6] =	ssyncadd.s32 @!p0 $0xFFFFCC00  }
0x64: {  	[bflag:$0x0] =	sbarrier.arrive $0xFFFF  }
0x65: {  	s6 =	simm.s32 $0x0;
	s24 =	rddreg [dreg:$0x18]  }
0x66: {  	[tilespmem:s6], [sflag:$0x3] =	stream.linear.gather [hbm4b:s24+s6], $0x400, $0x38;
	[tilespmem:$0x1E800] =	vst v63  }
0x67: {  	_ =	swait.ge [sflag:s23], $0x400  }
0x68: {  	[sflag:s23] =	ssyncset.done $0x0  }
0x69: {  	[sflag:s23] =	ssyncadd.s32 $0xFFFFFC00  }
0x6a: {  	[tilespmem:s26], [sflag:$0x1] =	stream.indirect.gather [hbm4b:s4+s25], $0x10, s6, s25, $0xb8;
	[tilespmem:$0x1E800] =	vst v63  }
0x6b: {  	_ = 	snop  }
0x6c: {  	[tilespmem:s28], [sflag:$0x1] =	stream.indirect.gather [hbm4b:s4+s25], $0x10, s25, s25, $0xb8;
	[tilespmem:$0x1E800] =	vst v63  }
0x6d: {  	_ = 	snop  }
0x6e: {  	[tilespmem:s30], [sflag:$0x1] =	stream.indirect.gather [hbm4b:s4+s25], $0x10, s29, s25, $0xb8;
	[tilespmem:$0x1E800] =	vst v63  }
0x6f: {  	_ = 	snop  }
0x70: {  	[tilespmem:s0], [sflag:$0x1] =	stream.indirect.gather [hbm4b:s4+s25], $0x10, s31, s25, $0xb8;
	[tilespmem:$0x1E800] =	vst v63  }
0x71: {  	s20 =	rddreg [dreg:$0x19]  }
0x72: {  	[tilespmem:s7], [sflag:$0x4] =	stream.linear.gather [hbm4b:s20+s6], $0x400, $0x38;
	[tilespmem:$0x1E800] =	vst v63  }
0x73: {  	_ =	swait.ge [sflag:s8], $0x400  }
0x74: {  	[sflag:s8] =	ssyncset.done $0x0  }
0x75: {  	[sflag:s8] =	ssyncadd.s32 $0xFFFFFC00  }
0x76: {  	[tilespmem:s9], [sflag:$0x2] =	stream.indirect.gather [hbm4b:s4+s25], $0x10, s7, s25, $0xb8;
	[tilespmem:$0x1E800] =	vst v63  }
0x77: {  	s24 =	rddreg [dreg:$0x5]  }
0x78: {  	[tilespmem:s10], [sflag:$0x2] =	stream.indirect.gather [hbm4b:s4+s25], $0x10, s24, s25, $0xb8;
	[tilespmem:$0x1E800] =	vst v63  }
0x79: {  	s5 =	rddreg [dreg:$0x6]  }
0x7a: {  	[tilespmem:s11], [sflag:$0x2] =	stream.indirect.gather [hbm4b:s4+s25], $0x10, s5, s25, $0xb8;
	[tilespmem:$0x1E800] =	vst v63  }
0x7b: {  	s20 =	rddreg [dreg:$0x7]  }
0x7c: {  	[tilespmem:s12], [sflag:$0x2] =	stream.indirect.gather [hbm4b:s4+s25], $0x10, s20, s25, $0xb8;
	[tilespmem:$0x1E800] =	vst v63  }
0x7d: {  	_ =	swait.ge [sflag:s13], $0x800  }
0x7e: {  	[sflag:s13] =	ssyncset.done $0x0  }
0x7f: {  	[sflag:s13] =	ssyncadd.s32 $0xFFFFF800  }
0x80: {  	_ =	swait.ge [sflag:s13], $0x800  }
0x81: {  	[sflag:s13] =	ssyncset.done $0x0  }
0x82: {  	[sflag:s13] =	ssyncadd.s32 $0xFFFFF800  }
0x83: {  	_ =	swait.ge [sflag:s13], $0x800  }
0x84: {  	[sflag:s13] =	ssyncset.done $0x0  }
0x85: {  	[sflag:s13] =	ssyncadd.s32 $0xFFFFF800  }
0x86: {  	_ =	swait.ge [sflag:s13], $0x800  }
0x87: {  	[sflag:s13] =	ssyncset.done $0x0  }
0x88: {  	s24 =	rddreg [dreg:$0x8];
	[sflag:s13] =	ssyncadd.s32 $0xFFFFF800  }
0x89: {  	[spmem:s1] =	stream.indirect.scatter.add.f32 [tilespmem:s26], [sflag:$0x5], $0x10, s24, s25, $0xb8;
	[tilespmem:$0x1E800] =	vst v63  }
0x8a: {  	_ =	swait.ge [sflag:s14], $0x800  }
0x8b: {  	[sflag:s14] =	ssyncset.done $0x0  }
0x8c: {  	[sflag:s14] =	ssyncadd.s32 $0xFFFFF800  }
0x8d: {  	[spmem:s1] =	stream.indirect.scatter.add.f32 [tilespmem:s28], [sflag:$0x5], $0x10, s15, s25, $0xb8;
	[tilespmem:$0x1E800] =	vst v63  }
0x8e: {  	_ =	swait.ge [sflag:s14], $0x800  }
0x8f: {  	[sflag:s14] =	ssyncset.done $0x0  }
0x90: {  	[sflag:s14] =	ssyncadd.s32 $0xFFFFF800  }
0x91: {  	[spmem:s1] =	stream.indirect.scatter.add.f32 [tilespmem:s30], [sflag:$0x5], $0x10, s3, s25, $0xb8;
	[tilespmem:$0x1E800] =	vst v63  }
0x92: {  	_ =	swait.ge [sflag:s14], $0x800  }
0x93: {  	[sflag:s14] =	ssyncset.done $0x0  }
0x94: {  	[sflag:s14] =	ssyncadd.s32 $0xFFFFF800  }
0x95: {  	[spmem:s1] =	stream.indirect.scatter.add.f32 [tilespmem:s0], [sflag:$0x5], $0x10, s16, s25, $0xb8;
	[tilespmem:$0x1E800] =	vst v63  }
0x96: {  	_ =	swait.ge [sflag:s14], $0x800  }
0x97: {  	s5 =	rddreg [dreg:$0x4];
	[sflag:s14] =	ssyncset.done $0x0  }
0x98: {  	[sflag:s14] =	ssyncadd.s32 $0xFFFFF800;
	s6 =	sadd.s32 $0x0, s5  }
0x99: {  	[tilespmem:s2], [sflag:$0x3] =	stream.linear.gather [hbm4b:s6+s2], $0x400, $0x38;
	[tilespmem:$0x1E800] =	vst v63  }
0x9a: {  	_ =	swait.ge [sflag:s17], $0x800  }
0x9b: {  	[sflag:s17] =	ssyncset.done $0x0  }
0x9c: {  	[sflag:s17] =	ssyncadd.s32 $0xFFFFF800  }
0x9d: {  	_ =	swait.ge [sflag:s17], $0x800  }
0x9e: {  	[sflag:s17] =	ssyncset.done $0x0  }
0x9f: {  	[sflag:s17] =	ssyncadd.s32 $0xFFFFF800  }
0xa0: {  	_ =	swait.ge [sflag:s17], $0x800  }
0xa1: {  	[sflag:s17] =	ssyncset.done $0x0  }
0xa2: {  	[sflag:s17] =	ssyncadd.s32 $0xFFFFF800  }
0xa3: {  	_ =	swait.ge [sflag:s17], $0x800  }
0xa4: {  	[sflag:s17] =	ssyncset.done $0x0  }
0xa5: {  	[sflag:s17] =	ssyncadd.s32 $0xFFFFF800  }
0xa6: {  	[spmem:s1] =	stream.indirect.scatter.add.f32 [tilespmem:s9], [sflag:$0x5], $0x10, s18, s25, $0xb8;
	[tilespmem:$0x1E800] =	vst v63  }
0xa7: {  	_ =	swait.ge [sflag:s14], $0x800  }
0xa8: {  	[sflag:s14] =	ssyncset.done $0x0  }
0xa9: {  	[sflag:s14] =	ssyncadd.s32 $0xFFFFF800  }
0xaa: {  	[spmem:s1] =	stream.indirect.scatter.add.f32 [tilespmem:s10], [sflag:$0x5], $0x10, s19, s25, $0xb8;
	[tilespmem:$0x1E800] =	vst v63  }
0xab: {  	_ =	swait.ge [sflag:s14], $0x800  }
0xac: {  	[sflag:s14] =	ssyncset.done $0x0  }
0xad: {  	[sflag:s14] =	ssyncadd.s32 $0xFFFFF800  }
0xae: {  	[spmem:s1] =	stream.indirect.scatter.add.f32 [tilespmem:s11], [sflag:$0x5], $0x10, s21, s25, $0xb8;
	[tilespmem:$0x1E800] =	vst v63  }
0xaf: {  	_ =	swait.ge [sflag:s14], $0x800  }
0xb0: {  	[sflag:s14] =	ssyncset.done $0x0  }
0xb1: {  	[sflag:s14] =	ssyncadd.s32 $0xFFFFF800  }
0xb2: {  	[spmem:s1] =	stream.indirect.scatter.add.f32 [tilespmem:s12], [sflag:$0x5], $0x10, s22, s25, $0xb8;
	[tilespmem:$0x1E800] =	vst v63  }
0xb3: {  	_ =	swait.ge [sflag:s14], $0x800  }
0xb4: {  	[sflag:s14] =	ssyncset.done $0x0  }
0xb5: {  	[sflag:s14] =	ssyncadd.s32 $0xFFFFF800  }
0xb6: {  	_ =	swait.ge [sflag:s23], $0x400  }
0xb7: {  	[sflag:s23] =	ssyncset.done $0x0  }
0xb8: {  	[sflag:s23] =	ssyncadd.s32 $0xFFFFFC00  }
0xb9: {  	[tilespmem:s26], [sflag:$0x1] =	stream.indirect.gather [hbm4b:s4+s25], $0x10, s2, s25, $0xb8;
	[tilespmem:$0x1E800] =	vst v63  }
0xba: {  	_ = 	snop  }
0xbb: {  	[tilespmem:s28], [sflag:$0x1] =	stream.indirect.gather [hbm4b:s4+s25], $0x10, s25, s25, $0xb8;
	[tilespmem:$0x1E800] =	vst v63  }
0xbc: {  	s20 =	rddreg [dreg:$0x3]  }
0xbd: {  	[tilespmem:s30], [sflag:$0x1] =	stream.indirect.gather [hbm4b:s4+s25], $0x10, s29, s25, $0xb8;
	[tilespmem:$0x1E800] =	vst v63  }
0xbe: {  	s24 =	simm.s32 $0x100;
	s6 =	sadd.s32 $0x0, s20  }
0xbf: {  	[tilespmem:s0], [sflag:$0x1] =	stream.indirect.gather [hbm4b:s4+s25], $0x10, s31, s25, $0xb8;
	[tilespmem:$0x1E800] =	vst v63  }
.LBB2_4:
0xc0: {  	[tilespmem:s7], [sflag:$0x4] =	stream.linear.gather [hbm4b:s6+s2], $0x400, $0x38;
	[tilespmem:$0x1E800] =	vst v63  }
0xc1: {  	_ =	swait.ge [sflag:s8], $0x400  }
0xc2: {  	[sflag:s8] =	ssyncset.done $0x0  }
0xc3: {  	[sflag:s8] =	ssyncadd.s32 $0xFFFFFC00  }
0xc4: {  	[tilespmem:s9], [sflag:$0x2] =	stream.indirect.gather [hbm4b:s4+s25], $0x10, s7, s25, $0xb8;
	[tilespmem:$0x1E800] =	vst v63  }
0xc5: {  	s5 =	rddreg [dreg:$0x5]  }
0xc6: {  	[tilespmem:s10], [sflag:$0x2] =	stream.indirect.gather [hbm4b:s4+s25], $0x10, s5, s25, $0xb8;
	[tilespmem:$0x1E800] =	vst v63  }
0xc7: {  	s20 =	rddreg [dreg:$0x6]  }
0xc8: {  	[tilespmem:s11], [sflag:$0x2] =	stream.indirect.gather [hbm4b:s4+s25], $0x10, s20, s25, $0xb8;
	[tilespmem:$0x1E800] =	vst v63  }
0xc9: {  	s5 =	rddreg [dreg:$0x7]  }
0xca: {  	[tilespmem:s12], [sflag:$0x2] =	stream.indirect.gather [hbm4b:s4+s25], $0x10, s5, s25, $0xb8;
	[tilespmem:$0x1E800] =	vst v63  }
0xcb: {  	_ =	swait.ge [sflag:s13], $0x800  }
0xcc: {  	[sflag:s13] =	ssyncset.done $0x0  }
0xcd: {  	[sflag:s13] =	ssyncadd.s32 $0xFFFFF800  }
0xce: {  	_ =	swait.ge [sflag:s13], $0x800  }
0xcf: {  	[sflag:s13] =	ssyncset.done $0x0  }
0xd0: {  	[sflag:s13] =	ssyncadd.s32 $0xFFFFF800  }
0xd1: {  	_ =	swait.ge [sflag:s13], $0x800  }
0xd2: {  	[sflag:s13] =	ssyncset.done $0x0  }
0xd3: {  	[sflag:s13] =	ssyncadd.s32 $0xFFFFF800  }
0xd4: {  	_ =	swait.ge [sflag:s13], $0x800  }
0xd5: {  	[sflag:s13] =	ssyncset.done $0x0  }
0xd6: {  	s20 =	rddreg [dreg:$0x8];
	[sflag:s13] =	ssyncadd.s32 $0xFFFFF800  }
0xd7: {  	[spmem:s1] =	stream.indirect.scatter.add.f32 [tilespmem:s26], [sflag:$0x5], $0x10, s20, s25, $0xb8;
	[tilespmem:$0x1E800] =	vst v63  }
0xd8: {  	_ =	swait.ge [sflag:s14], $0x800  }
0xd9: {  	[sflag:s14] =	ssyncset.done $0x0  }
0xda: {  	[sflag:s14] =	ssyncadd.s32 $0xFFFFF800  }
0xdb: {  	[spmem:s1] =	stream.indirect.scatter.add.f32 [tilespmem:s28], [sflag:$0x5], $0x10, s15, s25, $0xb8;
	[tilespmem:$0x1E800] =	vst v63  }
0xdc: {  	_ =	swait.ge [sflag:s14], $0x800  }
0xdd: {  	[sflag:s14] =	ssyncset.done $0x0  }
0xde: {  	[sflag:s14] =	ssyncadd.s32 $0xFFFFF800  }
0xdf: {  	[spmem:s1] =	stream.indirect.scatter.add.f32 [tilespmem:s30], [sflag:$0x5], $0x10, s3, s25, $0xb8;
	[tilespmem:$0x1E800] =	vst v63  }
0xe0: {  	_ =	swait.ge [sflag:s14], $0x800  }
0xe1: {  	[sflag:s14] =	ssyncset.done $0x0  }
0xe2: {  	[sflag:s14] =	ssyncadd.s32 $0xFFFFF800  }
0xe3: {  	[spmem:s1] =	stream.indirect.scatter.add.f32 [tilespmem:s0], [sflag:$0x5], $0x10, s16, s25, $0xb8;
	[tilespmem:$0x1E800] =	vst v63  }
0xe4: {  	_ =	swait.ge [sflag:s14], $0x800  }
0xe5: {  	s6 =	smov.u32 s24;
	s20 =	rddreg [dreg:$0x4];
	[sflag:s14] =	ssyncset.done $0x0  }
0xe6: {  	[sflag:s14] =	ssyncadd.s32 $0xFFFFF800;
	s5 =	sadd.s32 s6, s20  }
0xe7: {  	[tilespmem:s2], [sflag:$0x3] =	stream.linear.gather [hbm4b:s5+s2], $0x400, $0x38;
	[tilespmem:$0x1E800] =	vst v63  }
0xe8: {  	_ =	swait.ge [sflag:s17], $0x800  }
0xe9: {  	[sflag:s17] =	ssyncset.done $0x0  }
0xea: {  	[sflag:s17] =	ssyncadd.s32 $0xFFFFF800  }
0xeb: {  	_ =	swait.ge [sflag:s17], $0x800  }
0xec: {  	[sflag:s17] =	ssyncset.done $0x0  }
0xed: {  	[sflag:s17] =	ssyncadd.s32 $0xFFFFF800  }
0xee: {  	_ =	swait.ge [sflag:s17], $0x800  }
0xef: {  	[sflag:s17] =	ssyncset.done $0x0  }
0xf0: {  	[sflag:s17] =	ssyncadd.s32 $0xFFFFF800  }
0xf1: {  	_ =	swait.ge [sflag:s17], $0x800  }
0xf2: {  	[sflag:s17] =	ssyncset.done $0x0  }
0xf3: {  	[sflag:s17] =	ssyncadd.s32 $0xFFFFF800  }
0xf4: {  	[spmem:s1] =	stream.indirect.scatter.add.f32 [tilespmem:s9], [sflag:$0x5], $0x10, s18, s25, $0xb8;
	[tilespmem:$0x1E800] =	vst v63  }
0xf5: {  	_ =	swait.ge [sflag:s14], $0x800  }
0xf6: {  	[sflag:s14] =	ssyncset.done $0x0  }
0xf7: {  	[sflag:s14] =	ssyncadd.s32 $0xFFFFF800  }
0xf8: {  	[spmem:s1] =	stream.indirect.scatter.add.f32 [tilespmem:s10], [sflag:$0x5], $0x10, s19, s25, $0xb8;
	[tilespmem:$0x1E800] =	vst v63  }
0xf9: {  	_ =	swait.ge [sflag:s14], $0x800  }
0xfa: {  	[sflag:s14] =	ssyncset.done $0x0  }
0xfb: {  	[sflag:s14] =	ssyncadd.s32 $0xFFFFF800  }
0xfc: {  	[spmem:s1] =	stream.indirect.scatter.add.f32 [tilespmem:s11], [sflag:$0x5], $0x10, s21, s25, $0xb8;
	[tilespmem:$0x1E800] =	vst v63  }
0xfd: {  	_ =	swait.ge [sflag:s14], $0x800  }
0xfe: {  	[sflag:s14] =	ssyncset.done $0x0  }
0xff: {  	[sflag:s14] =	ssyncadd.s32 $0xFFFFF800  }
0x100: {  	[spmem:s1] =	stream.indirect.scatter.add.f32 [tilespmem:s12], [sflag:$0x5], $0x10, s22, s25, $0xb8;
	[tilespmem:$0x1E800] =	vst v63  }
0x101: {  	_ =	swait.ge [sflag:s14], $0x800  }
0x102: {  	[sflag:s14] =	ssyncset.done $0x0  }
0x103: {  	[sflag:s14] =	ssyncadd.s32 $0xFFFFF800  }
0x104: {  	_ =	swait.ge [sflag:s23], $0x400  }
0x105: {  	[sflag:s23] =	ssyncset.done $0x0  }
0x106: {  	[sflag:s23] =	ssyncadd.s32 $0xFFFFFC00  }
0x107: {  	[tilespmem:s26], [sflag:$0x1] =	stream.indirect.gather [hbm4b:s4+s25], $0x10, s2, s25, $0xb8;
	[tilespmem:$0x1E800] =	vst v63  }
0x108: {  	p1 =	sne.s32 s24, $0x6100  }
0x109: {  	[tilespmem:s28], [sflag:$0x1] =	stream.indirect.gather [hbm4b:s4+s25], $0x10, s25, s25, $0xb8;
	[tilespmem:$0x1E800] =	vst v63  }
.Ltmp1:
0x10a: {  	_ = 	snop;
	(pc) =	sbr.rel @p1 .LBB2_4-.Ltmp1, $4  }
0x10b: {  	s20 =	rddreg [dreg:$0x3]  }
0x10c: {  	[tilespmem:s30], [sflag:$0x1] =	stream.indirect.gather [hbm4b:s4+s25], $0x10, s29, s25, $0xb8;
	[tilespmem:$0x1E800] =	vst v63  }
0x10d: {  	s24 =	sadd.s32 $0x100, s24;
	s6 =	sadd.s32 s6, s20  }
0x10e: {  	[tilespmem:s0], [sflag:$0x1] =	stream.indirect.gather [hbm4b:s4+s25], $0x10, s31, s25, $0xb8;
	[tilespmem:$0x1E800] =	vst v63  }
0x10f: {  	[tilespmem:s7], [sflag:$0x4] =	stream.linear.gather [hbm4b:s6+s2], $0x400, $0x38;
	[tilespmem:$0x1E800] =	vst v63  }
0x110: {  	_ =	swait.ge [sflag:s13], $0x800  }
0x111: {  	[sflag:s13] =	ssyncset.done $0x0  }
0x112: {  	[sflag:s13] =	ssyncadd.s32 $0xFFFFF800  }
0x113: {  	_ =	swait.ge [sflag:s13], $0x800  }
0x114: {  	[sflag:s13] =	ssyncset.done $0x0  }
0x115: {  	[sflag:s13] =	ssyncadd.s32 $0xFFFFF800  }
0x116: {  	_ =	swait.ge [sflag:s13], $0x800  }
0x117: {  	[sflag:s13] =	ssyncset.done $0x0  }
0x118: {  	[sflag:s13] =	ssyncadd.s32 $0xFFFFF800  }
0x119: {  	_ =	swait.ge [sflag:s13], $0x800  }
0x11a: {  	[sflag:s13] =	ssyncset.done $0x0  }
0x11b: {  	[sflag:s13] =	ssyncadd.s32 $0xFFFFF800  }
0x11c: {  	_ =	swait.ge [sflag:s8], $0x400  }
0x11d: {  	[sflag:s8] =	ssyncset.done $0x0  }
0x11e: {  	[sflag:s8] =	ssyncadd.s32 $0xFFFFFC00  }
0x11f: {  	s20 =	stileid.u32;
	[bflag:$0x0] =	sbarrier.arrive $0xFFFF  }
0x120: {  	s5 =	sshll.u32 s20, $0x6;
	s24 =	rddreg [dreg:$0x9]  }
0x121: {  	s5 =	sor.u32 $0x1C05, s5;
	s6 =	sshrl.u32 s24, $0x3;
	s24 =	rddreg [dreg:$0x1b]  }
0x122: {  	[hbm:s24], [sflag:s5] =	dma.local [spmem:s6], $0x3400  }
0x123: {  	_ =	swait.ge [sflag:s14], $0x3400  }
0x124: {  	s5 =	rddreg [dreg:$0x1c]  }
0x125: {  	s24 =	rddreg [dreg:$0x1a];
	s6 =	sadd.s32 $0x1, s5  }
0x126: {  	p1 =	sne.s32 s6, s24  }
.Ltmp2:
0x127: {  	_ = 	snop;
	(pc) =	sbr.rel @p1 .LBB2_1-.Ltmp2, $3  }
0x128: {  	_ =	sdelay $0x1  }
0x129: {  	[sflag:s14] =	ssyncset.done $0x0  }
0x12a: {  	[sflag:s14] =	ssyncadd.s32 $0xFFFFCC00  }
0x12b: {  	_ =	sfence.sel $0x180000  }
0x12c: {  	[bflag:$0x0] =	sbarrier.arrive $0xFFFF  }
0x12d: {  	_ =	strace $0x9000004A  }
0x12e: {  	[bflag:$0x2] =	sbarrier.arrive $0xFFFF  }
0x12f: {  	p0 =	sne.s32 s20, $0x0;
	s0 =	rddreg [dreg:$0x2]  }
0x130: {  	s0 =	sadd.s32 @!p0 $0x100000, s0  }
0x131: {  	[sflag:s0] =	ssyncadd.tile.s32 @!p0 $0x1;
	_ =	shalt  }
.Lfunc_end2:
_tile_overlayer_lowered:
.L_overlay_start_2:
0x132: {  	(tag) =	ssettag $0x2  }
0x133: {  	s0 =	rddreg [dreg:$0x0];
	s2 =	stileid.u32  }
0x134: {  	s1 =	rddreg [dreg:$0x1];
	p0 =	sne.s32 s2, $0x0  }
0x135: {  	s3 =	rddreg [dreg:$0x2];
	[bflag:$0x3] =	sbarrier.arrive $0xFFFF;
	s2 =	simm.s32 @!p0 $0x1C05  }
0x136: {  	[timem:s3], [sflag:s2] =	dma.local @!p0 [hbm:s0], s1  }
0x137: {  	s0 =	simm.s32 @!p0 $0x5  }
0x138: {  	_ =	swait.ge @!p0 [sflag:s0], s1  }
0x139: {  	s1 =	ssub.s32 @!p0 $0x0, s1;
	[sflag:s0] =	ssyncset.done @!p0 $0x0  }
0x13a: {  	[sflag:s0] =	ssyncadd.s32 @!p0 s1  }
0x13b: {  	[bflag:$0x3] =	sbarrier.arrive $0xFFFF  }
0x13c: {  	_ =	shalt  }

// kernel: kernel.16.cloned.1.call-start
scs
__scs_entry_jumppad:
0x0: {  	(pc) =	sbr.rel $0x88, $3  }
0x1: {  	(tag) =	ssettag $0x0;
	lr =	simm.s32 $0x1  }
0x2: {  	[smem:$0x3F99] =	sst lr;
	_ =	strace $0xD0000000  }
0x3: {  	_ = 	snop  }
0x4: {  	_ = 	snop  }
0x5: {  	_ = 	snop  }
0x6: {  	_ = 	snop  }
0x7: {  	_ = 	snop  }
__scs_overlays_trampoline_lowered:
0x8: {  	[smem:$0x3FA8] =	sst s0  }
0x9: {  	[smem:$0x3FA9] =	sst s1  }
0xa: {  	[smem:$0x3FAA] =	sst s2  }
0xb: {  	[smem:$0x3FAB] =	sst s3  }
0xc: {  	[smem:$0x3FAC] =	sst s4  }
0xd: {  	[smem:$0x3FAD] =	sst s5  }
0xe: {  	[smem:$0x3FAE] =	sst s6  }
0xf: {  	[smem:$0x3FAF] =	sst s7  }
0x10: {  	[smem:$0x3FB0] =	sst s8  }
0x11: {  	[smem:$0x3FB1] =	sst s9;
	s0 =	simm.s32 @!p0 $0x0  }
0x12: {  	s1 =	sld [smem:$0x3F97];
	s0 =	simm.s32 @p0 $0x1  }
0x13: {  	[smem:$0x3FB2] =	sst s0;
	s0 =	simm.s32 @!p1 $0x0  }
0x14: {  	s2 =	sld [smem:$0x3F96];
	s0 =	simm.s32 @p1 $0x1  }
0x15: {  	[smem:$0x3FB3] =	sst s0;
	s0 =	simm.s32 @!p2 $0x0  }
0x16: {  	s3 =	sld [smem:$0x3FDB];
	s0 =	simm.s32 @p2 $0x1  }
0x17: {  	s4 =	simm.s32 $0x1BF5;
	[smem:$0x3FB5] =	sst s0  }
0x18: {  	s0 =	sld [smem:$0x3F98];
	_ =	swait.ge [sflag:s4], $0x0  }
0x19: {  	s7 =	sld [smem:$0x3F99]  }
0x1a: {  	s8 =	sadd.s32 $0xFFFFE003, lr  }
0x1b: {  	s9 =	sadd.s32 $0xFFFFFEF7, lr;
	s5 =	simm.s32 $0xFFFFFFFF;
	p2 =	slt.u32 s8, $0xFFFFF086  }
0x1c: {  	p1 =	slt.u32 s9, $0xF7A;
	s5 =	simm.s32 @!p2 $0x0  }
0x1d: {  	s5 =	simm.s32 @p1 $0x1;
	p0 =	seq.s32 s7, s2  }
0x1e: {  	s7 =	smul.u32 @!p0 $0xF7A, s2;
	p2 =	seq.s32 @!p0 s5, $0x0  }
0x1f: {  	s9 =	smul.u32 $0xF7A, s1;
	s8 =	simm.s32 @!p0 $0x1BF5;
	p2 =	por !p2, p0  }
0x20: {  	[sflag:s8] =	ssyncset.s32 @!p0 $0xFFFFF086;
	s6 =	sadd.s32 @!p0 s3, s7;
	s7 =	simm.s32 @!p0 $0x108  }
0x21: {  	s3 =	sadd.s32 s3, s9;
	s6 =	sadd.s32 @!p0 $0x88, s6;
	s7 =	simm.s32 @p2 $0x1082  }
0x22: {  	[simem:s7], [sflag:s8] =	dma.local @!p0 [hbm:s6], $0xF7A  }
0x23: {  	s9 =	sor.u32 $0xD0000000, s2;
	s6 =	simm.s32 $0x108;
	_ =	swait.ge @!p0 [sflag:s8], $0x0  }
0x24: {  	s3 =	sadd.s32 $0x88, s3;
	s6 =	simm.s32 @!p1 $0x1082;
	[sflag:s4] =	ssyncset.s32 $0xFFFFF086  }
0x25: {  	[simem:s6], [sflag:s4] =	dma.local [hbm:s3], $0xF7A  }
0x26: {  	[smem:$0x3F99] =	sst s1;
	(tag) =	ssettag s2;
	_ =	strace s9  }
0x27: {  	s1 =	sld [smem:$0x3FA9]  }
0x28: {  	s2 =	sld [smem:$0x3FAA]  }
0x29: {  	s4 =	sld [smem:$0x3FAC]  }
0x2a: {  	p0 =	seq.s32 s5, $0x0;
	s5 =	sld [smem:$0x3FAD]  }
0x2b: {  	s6 =	sld [smem:$0x3FAE]  }
0x2c: {  	s7 =	sld [smem:$0x3FAF]  }
0x2d: {  	s3 =	simm.s32 $0x108;
	s8 =	sld [smem:$0x3FB0]  }
0x2e: {  	s3 =	simm.s32 @!p0 $0x1082;
	s9 =	sld [smem:$0x3FB1]  }
0x2f: {  	lr =	sadd.s32 s0, s3;
	s0 =	sld [smem:$0x3FA8]  }
0x30: {  	s3 =	sld [smem:$0x3FAB]  }
0x31: {  	[smem:$0x3FB4] =	sst s10  }
0x32: {  	s10 =	sld [smem:$0x3FB2];
	_ =	sdelay $0x3  }
0x33: {  	p0 =	seq.s32 s10, $0x1;
	s10 =	sld [smem:$0x3FB4];
	_ =	sdelay $0x3  }
0x34: {  	[smem:$0x3FB4] =	sst s10  }
0x35: {  	s10 =	sld [smem:$0x3FB3];
	_ =	sdelay $0x3  }
0x36: {  	p1 =	seq.s32 s10, $0x1;
	s10 =	sld [smem:$0x3FB4];
	_ =	sdelay $0x3  }
0x37: {  	[smem:$0x3FB4] =	sst s10  }
0x38: {  	s10 =	sld [smem:$0x3FB5]  }
0x39: {  	_ = 	snop;
	(pc) =	sbr.ind lr, $3  }
0x3a: {  	_ = 	snop  }
0x3b: {  	_ = 	snop  }
0x3c: {  	p2 =	seq.s32 s10, $0x1;
	s10 =	sld [smem:$0x3FB4]  }
0x3d: {  	_ =	shalt  }
0x3e: {  	_ =	shalt  }
0x3f: {  	_ =	shalt  }
0x40: {  	_ =	shalt  }
0x41: {  	_ =	shalt  }
0x42: {  	_ =	shalt  }
0x43: {  	_ =	shalt  }
0x44: {  	_ =	shalt  }
0x45: {  	_ =	shalt  }
0x46: {  	_ =	shalt  }
0x47: {  	_ =	shalt  }
0x48: {  	_ =	shalt  }
0x49: {  	_ =	shalt  }
0x4a: {  	_ =	shalt  }
0x4b: {  	_ =	shalt  }
0x4c: {  	_ =	shalt  }
0x4d: {  	_ =	shalt  }
0x4e: {  	_ =	shalt  }
0x4f: {  	_ =	shalt  }
0x50: {  	_ =	shalt  }
0x51: {  	_ =	shalt  }
0x52: {  	_ =	shalt  }
0x53: {  	_ =	shalt  }
0x54: {  	_ =	shalt  }
0x55: {  	_ =	shalt  }
0x56: {  	_ =	shalt  }
0x57: {  	_ =	shalt  }
0x58: {  	_ =	shalt  }
0x59: {  	_ =	shalt  }
0x5a: {  	_ =	shalt  }
0x5b: {  	_ =	shalt  }
0x5c: {  	_ =	shalt  }
0x5d: {  	_ =	shalt  }
0x5e: {  	_ =	shalt  }
0x5f: {  	_ =	shalt  }
0x60: {  	_ =	shalt  }
0x61: {  	_ =	shalt  }
0x62: {  	_ =	shalt  }
0x63: {  	_ =	shalt  }
0x64: {  	_ =	shalt  }
0x65: {  	_ =	shalt  }
0x66: {  	_ =	shalt  }
0x67: {  	_ =	shalt  }
0x68: {  	_ =	shalt  }
0x69: {  	_ =	shalt  }
0x6a: {  	_ =	shalt  }
0x6b: {  	_ =	shalt  }
0x6c: {  	_ =	shalt  }
0x6d: {  	_ =	shalt  }
0x6e: {  	_ =	shalt  }
0x6f: {  	_ =	shalt  }
0x70: {  	_ =	shalt  }
0x71: {  	_ =	shalt  }
0x72: {  	_ =	shalt  }
0x73: {  	_ =	shalt  }
0x74: {  	_ =	shalt  }
0x75: {  	_ =	shalt  }
0x76: {  	_ =	shalt  }
0x77: {  	_ =	shalt  }
0x78: {  	_ =	shalt  }
0x79: {  	_ =	shalt  }
0x7a: {  	_ =	shalt  }
0x7b: {  	_ =	shalt  }
0x7c: {  	_ =	shalt  }
0x7d: {  	_ =	shalt  }
0x7e: {  	_ =	shalt  }
0x7f: {  	_ =	shalt  }
0x80: {  	_ =	shalt  }
0x81: {  	_ =	shalt  }
0x82: {  	_ =	shalt  }
0x83: {  	_ =	shalt  }
0x84: {  	_ =	shalt  }
0x85: {  	_ =	shalt  }
0x86: {  	_ =	shalt  }
0x87: {  	_ =	shalt  }
.Lfunc_end0:
.L_simem_size_0:
called_computation.2_lowered:
.L_overlay_start_0:
0x88: {  	s2 =	sld [smem:$0x3FD9]  }
0x89: {  	s3 =	sld [smem:$0x3FFE];
	_ =	sdelay $0x1  }
0x8a: {  	s1 =	srdreg.scid  }
0x8b: {  	s0 =	sand.u32 $0x1, s1  }
0x8c: {  	s16 =	sshll.u32 s0, $0xA;
	s2 =	sadd.s32 s3, s2  }
0x8d: {  	s2 =	sadd.s32 s2, s16  }
0x8e: {  	[smem:$0x3FC0] =	sst s2  }
0x8f: {  	_ = 	snop  }
0x90: {  	(tm) =	ssettm $0x1  }
0x91: {  	s17 =	sld [smem:$0x3FFB];
	_ =	sdelay $0x3  }
0x92: {  	_ =	strace s17  }
0x93: {  	s2 =	sld [smem:$0x3FFC];
	_ =	sdelay $0x3  }
0x94: {  	_ =	strace s2  }
0x95: {  	s2 =	sld [smem:$0x3FFD];
	_ =	sdelay $0x3  }
0x96: {  	_ =	strace s2  }
0x97: {  	_ =	strace $0x8FFFFFFF  }
0x98: {  	s18 =	sld [smem:$0x3FDB];
	_ =	sdelay $0x1  }
0x99: {  	s19 =	simm.s32 $_scs_section_size  }
0x9a: {  	s4 =	simm.s32 $_size__tile_overlayer_lowered;
	s5 =	simm.s32 $_tile_overlayer_lowered  }
0x9b: {  	s22 =	simm.s32 $0x1BFF;
	s21 =	sshll.u32 s5, $0x1;
	s2 =	sadd.s32 s19, s18  }
0x9c: {  	s6 =	simm.s32 $0x0;
	s20 =	sshll.u32 s4, $0x1;
	s4 =	sadd.s32 s21, s2  }
0x9d: {  	[timem:s6], [sflag:s22] =	dma.local [hbm:s4], s20  }
0x9e: {  	_ =	swait.ge [sflag:s22], s20  }
0x9f: {  	s3 =	ssub.s32 $0x0, s20;
	[sflag:s22] =	ssyncset.done $0x0  }
0xa0: {  	[sflag:s22] =	ssyncadd.s32 s3;
	_ =	sdelay $0x1  }
0xa1: {  	s23 =	simm.s32 $0x1B8B  }
0xa2: {  	_ =	swait.ge [sflag:s23], $0x1  }
0xa3: {  	[sflag:s23] =	ssyncset.done $0x0  }
0xa4: {  	s25 =	simm.s32 $0x1B8E;
	s24 =	sld [smem:$0x3FFE];
	[sflag:s23] =	ssyncadd.s32 $0xFFFFFFFF  }
0xa5: {  	s26 =	simm.s32 $execute0_lowered;
	[smem:$0x3FD2] =	sst s25  }
0xa6: {  	s4 =	sshll.u32 s26, $0x1;
	_ =	strace $0x8000004C;
	[dreg:$0x1] =	wrdreg $0xFFFFFFFF  }
0xa7: {  	s28 =	simm.s32 $_size_execute0_lowered;
	s2 =	sadd.s32 s2, s4;
	[dreg:$0x0] =	wrdreg $0x0  }
0xa8: {  	s4 =	sshll.u32 s28, $0x1;
	[dreg:$0x2] =	wrdreg s2  }
0xa9: {  	[dreg:$0x3] =	wrdreg s4  }
0xaa: {  	[dreg:$0x4] =	wrdreg $0xC0  }
0xab: {  	_ =	task [dreg:s6], $0x5FFFF  }
0xac: {  	[dreg:$0x1] =	wrdreg $0xFFFFFFFF  }
0xad: {  	[dreg:$0x0] =	wrdreg $0x60  }
0xae: {  	[dreg:$0x2] =	wrdreg s24  }
0xaf: {  	[dreg:$0x3] =	wrdreg $0x48000  }
0xb0: {  	[dreg:$0x4] =	wrdreg $0x9  }
0xb1: {  	_ =	task.clear_ibuf [dreg:s6], $0x5FFFF;
	_ =	strace $0x9000004C  }
0xb2: {  	s29 =	simm.s32 $0x9;
	_ =	strace $0x8000004E  }
0xb3: {  	_ =	swait.ge [sflag:s29], $0x1  }
0xb4: {  	[sflag:s29] =	ssyncadd.s32 $0xFFFFFFFF  }
0xb5: {  	_ =	strace $0x9000004E  }
0xb6: {  	_ =	sfence  }
0xb7: {  	s30 =	sld [smem:$0x0];
	_ =	sdelay $0x2  }
0xb8: {  	s31 =	sshll.u32 s1, $0xD;
	s1 =	sshrl.u32 s1, $0x2  }
0xb9: {  	s3 =	sand.u32 $0x4000, s31;
	s1 =	sadd.s32 s1, s30  }
0xba: {  	s0 =	sor.u32 s3, s0;
	s1 =	sshll.u32 s1, $0x11  }
0xbb: {  	s0 =	sor.u32 s1, s0  }
0xbc: {  	s0 =	sadd.s32 $0x8F2B, s0  }
0xbd: {  	[sflag:s0] =	ssyncadd.remote.s32 $0x1  }
0xbe: {  	_ =	sfence.sel $0xFFFF  }
0xbf: {  	[dreg:$0x0] =	wrdreg $0xFFFFFFFF;
	(pc) =	sbr.abs _section_cstart, $3  }
0xc0: {  	[dreg:$0x1] =	wrdreg $0xFFFFFFFF  }
0xc1: {  	_ =	task.clear_ibuf [dreg:s6], $0x2FFFF;
	_ =	strace $0x9FFFFFFF  }
0xc2: {  	(tm) =	ssettm $0x7FFFFFFF  }
0xc3: {  	_ =	shalt  }
tec
execute0_lowered:
.L_overlay_start_1:
0x0: {  	(tag) =	ssettag $0x1  }
0x1: {  	s0 =	rddreg [dreg:$0x0]  }
0x2: {  	s2 =	rddreg [dreg:$0x1];
	s7 =	stileid.u32  }
0x3: {  	s1 =	srdreg.scid;
	s3 =	simm.s32 $0x0;
	s11 =	simm.s32 $0x5  }
0x4: {  	s12 =	simm.s32 $0x3;
	s13 =	simm.s32 $0x80;
	s14 =	simm.s32 $0x800  }
0x5: {  	s15 =	simm.s32 $0x1000;
	s21 =	simm.s32 $0x480;
	s16 =	simm.s32 $0x100  }
0x6: {  	s22 =	simm.s32 $0x500;
	s23 =	simm.s32 $0x580;
	s24 =	simm.s32 $0x200  }
0x7: {  	s25 =	simm.s32 $0x280;
	s26 =	simm.s32 $0x300;
	s28 =	simm.s32 $0x1  }
0x8: {  	s29 =	simm.s32 $0x380;
	s30 =	simm.s32 $0x2;
	[smem:$0x7FF] =	sst s3  }
0x9: {  	s31 =	simm.s32 $0x600;
	_ =	strace $0x8000004D;
	[dreg:$0x3] =	wrdreg s21  }
0xa: {  	s4 =	smul.u32 $0xC400, s7;
	s1 =	sand.u32 $0x1, s1;
	[dreg:$0x4] =	wrdreg s22  }
0xb: {  	s6 =	smul.u32 $0x1A000, s7;
	s19 =	sshll.u32 s7, $0x6;
	[dreg:$0x5] =	wrdreg s23  }
0xc: {  	s5 =	smul.u32 $0x34000, s1;
	s1 =	ssub.s32 $0x2, s1;
	[dreg:$0x6] =	wrdreg s24  }
0xd: {  	s10 =	sor.u32 $0x1C05, s19;
	s19 =	simm.s32 $0x2000;
	[dreg:$0x7] =	wrdreg s25  }
0xe: {  	s21 =	simm.s32 $0x4;
	s22 =	simm.s32 $0x2800;
	[dreg:$0x8] =	wrdreg s26  }
0xf: {  	s23 =	simm.s32 $0x3000;
	s25 =	simm.s32 $0x3800;
	s26 =	simm.s32 $0x4000  }
0x10: {  	s8 =	sadd.s32 s4, s0;
	s17 =	sshrl.u32 s1, $0x1;
	s9 =	sadd.s32 s6, s2  }
0x11: {  	[dreg:$0xa] =	wrdreg s10;
	s0 =	sadd.s32 s5, s0;
	s1 =	ssub.s32 s1, s17  }
0x12: {  	s5 =	sshrl.u32 s6, $0x3;
	s7 =	sadd.s32 $0xC6800, s8;
	s20 =	sadd.s32 $0xC6880, s8  }
0x13: {  	s9 =	sshrl.u32 s9, $0x3;
	s17 =	simm.s32 $0x1800;
	s8 =	simm.s32 $0x0  }
0x14: {  	s4 =	sadd.s32 $0x5E00, s0;
	[dreg:$0xb] =	wrdreg s20;
	s0 =	sadd.s32 $0x18AA00, s0  }
0x15: {  	s1 =	smax.u32 s1, $0x1;
	s20 =	simm.s32 $0x400;
	[dreg:$0xd] =	wrdreg s9  }
0x16: {  	s18 =	sadd.s32 s5, s4;
	[dreg:$0xc] =	wrdreg s1;
	s0 =	sadd.s32 s5, s0  }
0x17: {  	s1 =	simm.s32 $0x700;
	s5 =	simm.s32 $0x780;
	[dreg:$0x9] =	wrdreg s18  }
0x18: {  	s18 =	simm.s32 $0x180;
	[dreg:$0xe] =	wrdreg s0;
	s0 =	simm.s32 $0x680  }
.LBB2_1:
0x19: {  	s6 =	rddreg [dreg:$0x9]  }
0x1a: {  	[spmem:s9], [sflag:s10] =	dma.local [hbm:s6], $0x3400  }
0x1b: {  	_ =	swait.ge [sflag:s11], $0x3400  }
0x1c: {  	[sflag:s11] =	ssyncset.done $0x0  }
0x1d: {  	[sflag:s11] =	ssyncadd.s32 $0xFFFFCC00  }
0x1e: {  	[bflag:$0x0] =	sbarrier.arrive $0xFFFF  }
0x1f: {  	[tilespmem:s3], [sflag:$0x3] =	stream.linear.gather [hbm4b:s7+s3], $0x400, $0x38;
	[tilespmem:$0x1E800] =	vst v63  }
0x20: {  	_ =	swait.ge [sflag:s12], $0x400  }
0x21: {  	[sflag:s12] =	ssyncset.done $0x0  }
0x22: {  	[sflag:s12] =	ssyncadd.s32 $0xFFFFFC00  }
0x23: {  	[tilespmem:s14], [sflag:$0x1] =	stream.indirect.gather [hbm4b:s4+s13], $0x10, s3, s13, $0xb8;
	[tilespmem:$0x1E800] =	vst v63  }
0x24: {  	_ = 	snop  }
0x25: {  	[tilespmem:s15], [sflag:$0x1] =	stream.indirect.gather [hbm4b:s4+s13], $0x10, s13, s13, $0xb8;
	[tilespmem:$0x1E800] =	vst v63  }
0x26: {  	_ = 	snop  }
0x27: {  	[tilespmem:s17], [sflag:$0x1] =	stream.indirect.gather [hbm4b:s4+s13], $0x10, s16, s13, $0xb8;
	[tilespmem:$0x1E800] =	vst v63  }
0x28: {  	_ = 	snop  }
0x29: {  	[tilespmem:s19], [sflag:$0x1] =	stream.indirect.gather [hbm4b:s4+s13], $0x10, s18, s13, $0xb8;
	[tilespmem:$0x1E800] =	vst v63  }
0x2a: {  	s24 =	rddreg [dreg:$0xb]  }
0x2b: {  	[tilespmem:s20], [sflag:$0x4] =	stream.linear.gather [hbm4b:s24+s3], $0x400, $0x38;
	[tilespmem:$0x1E800] =	vst v63  }
0x2c: {  	_ =	swait.ge [sflag:s21], $0x400  }
0x2d: {  	[sflag:s21] =	ssyncset.done $0x0  }
0x2e: {  	[sflag:s21] =	ssyncadd.s32 $0xFFFFFC00  }
0x2f: {  	[tilespmem:s22], [sflag:$0x2] =	stream.indirect.gather [hbm4b:s4+s13], $0x10, s20, s13, $0xb8;
	[tilespmem:$0x1E800] =	vst v63  }
0x30: {  	s6 =	rddreg [dreg:$0x3]  }
0x31: {  	[tilespmem:s23], [sflag:$0x2] =	stream.indirect.gather [hbm4b:s4+s13], $0x10, s6, s13, $0xb8;
	[tilespmem:$0x1E800] =	vst v63  }
0x32: {  	s24 =	rddreg [dreg:$0x4]  }
0x33: {  	[tilespmem:s25], [sflag:$0x2] =	stream.indirect.gather [hbm4b:s4+s13], $0x10, s24, s13, $0xb8;
	[tilespmem:$0x1E800] =	vst v63  }
0x34: {  	s10 =	rddreg [dreg:$0x5]  }
0x35: {  	[tilespmem:s26], [sflag:$0x2] =	stream.indirect.gather [hbm4b:s4+s13], $0x10, s10, s13, $0xb8;
	[tilespmem:$0x1E800] =	vst v63  }
0x36: {  	_ =	swait.ge [sflag:s28], $0x800  }
0x37: {  	[sflag:s28] =	ssyncset.done $0x0  }
0x38: {  	[sflag:s28] =	ssyncadd.s32 $0xFFFFF800  }
0x39: {  	_ =	swait.ge [sflag:s28], $0x800  }
0x3a: {  	[sflag:s28] =	ssyncset.done $0x0  }
0x3b: {  	[sflag:s28] =	ssyncadd.s32 $0xFFFFF800  }
0x3c: {  	_ =	swait.ge [sflag:s28], $0x800  }
0x3d: {  	[sflag:s28] =	ssyncset.done $0x0  }
0x3e: {  	[sflag:s28] =	ssyncadd.s32 $0xFFFFF800  }
0x3f: {  	_ =	swait.ge [sflag:s28], $0x800  }
0x40: {  	[sflag:s28] =	ssyncset.done $0x0  }
0x41: {  	s6 =	rddreg [dreg:$0x6];
	[sflag:s28] =	ssyncadd.s32 $0xFFFFF800  }
0x42: {  	[spmem:s2] =	stream.indirect.scatter.add.f32 [tilespmem:s14], [sflag:$0x5], $0x10, s6, s13, $0xb8;
	[tilespmem:$0x1E800] =	vst v63  }
0x43: {  	_ =	swait.ge [sflag:s11], $0x800  }
0x44: {  	[sflag:s11] =	ssyncset.done $0x0  }
0x45: {  	s10 =	rddreg [dreg:$0x7];
	[sflag:s11] =	ssyncadd.s32 $0xFFFFF800  }
0x46: {  	[spmem:s2] =	stream.indirect.scatter.add.f32 [tilespmem:s15], [sflag:$0x5], $0x10, s10, s13, $0xb8;
	[tilespmem:$0x1E800] =	vst v63  }
0x47: {  	_ =	swait.ge [sflag:s11], $0x800  }
0x48: {  	[sflag:s11] =	ssyncset.done $0x0  }
0x49: {  	s24 =	rddreg [dreg:$0x8];
	[sflag:s11] =	ssyncadd.s32 $0xFFFFF800  }
0x4a: {  	[spmem:s2] =	stream.indirect.scatter.add.f32 [tilespmem:s17], [sflag:$0x5], $0x10, s24, s13, $0xb8;
	[tilespmem:$0x1E800] =	vst v63  }
0x4b: {  	_ =	swait.ge [sflag:s11], $0x800  }
0x4c: {  	[sflag:s11] =	ssyncset.done $0x0  }
0x4d: {  	[sflag:s11] =	ssyncadd.s32 $0xFFFFF800  }
0x4e: {  	[spmem:s2] =	stream.indirect.scatter.add.f32 [tilespmem:s19], [sflag:$0x5], $0x10, s29, s13, $0xb8;
	[tilespmem:$0x1E800] =	vst v63  }
0x4f: {  	_ =	swait.ge [sflag:s11], $0x800  }
0x50: {  	s6 =	sadd.s32 $0xFFFF3C00, s7;
	[sflag:s11] =	ssyncset.done $0x0  }
0x51: {  	s10 =	sadd.s32 $0xC500, s6;
	[sflag:s11] =	ssyncadd.s32 $0xFFFFF800  }
0x52: {  	[tilespmem:s3], [sflag:$0x3] =	stream.linear.gather [hbm4b:s10+s3], $0x400, $0x38;
	[tilespmem:$0x1E800] =	vst v63  }
0x53: {  	_ =	swait.ge [sflag:s30], $0x800  }
0x54: {  	[sflag:s30] =	ssyncset.done $0x0  }
0x55: {  	[sflag:s30] =	ssyncadd.s32 $0xFFFFF800  }
0x56: {  	_ =	swait.ge [sflag:s30], $0x800  }
0x57: {  	[sflag:s30] =	ssyncset.done $0x0  }
0x58: {  	[sflag:s30] =	ssyncadd.s32 $0xFFFFF800  }
0x59: {  	_ =	swait.ge [sflag:s30], $0x800  }
0x5a: {  	[sflag:s30] =	ssyncset.done $0x0  }
0x5b: {  	[sflag:s30] =	ssyncadd.s32 $0xFFFFF800  }
0x5c: {  	_ =	swait.ge [sflag:s30], $0x800  }
0x5d: {  	[sflag:s30] =	ssyncset.done $0x0  }
0x5e: {  	[sflag:s30] =	ssyncadd.s32 $0xFFFFF800  }
0x5f: {  	[spmem:s2] =	stream.indirect.scatter.add.f32 [tilespmem:s22], [sflag:$0x5], $0x10, s31, s13, $0xb8;
	[tilespmem:$0x1E800] =	vst v63  }
0x60: {  	_ =	swait.ge [sflag:s11], $0x800  }
0x61: {  	[sflag:s11] =	ssyncset.done $0x0  }
0x62: {  	[sflag:s11] =	ssyncadd.s32 $0xFFFFF800  }
0x63: {  	[spmem:s2] =	stream.indirect.scatter.add.f32 [tilespmem:s23], [sflag:$0x5], $0x10, s0, s13, $0xb8;
	[tilespmem:$0x1E800] =	vst v63  }
0x64: {  	_ =	swait.ge [sflag:s11], $0x800  }
0x65: {  	[sflag:s11] =	ssyncset.done $0x0  }
0x66: {  	[sflag:s11] =	ssyncadd.s32 $0xFFFFF800  }
0x67: {  	[spmem:s2] =	stream.indirect.scatter.add.f32 [tilespmem:s25], [sflag:$0x5], $0x10, s1, s13, $0xb8;
	[tilespmem:$0x1E800] =	vst v63  }
0x68: {  	_ =	swait.ge [sflag:s11], $0x800  }
0x69: {  	[sflag:s11] =	ssyncset.done $0x0  }
0x6a: {  	[sflag:s11] =	ssyncadd.s32 $0xFFFFF800  }
0x6b: {  	[spmem:s2] =	stream.indirect.scatter.add.f32 [tilespmem:s26], [sflag:$0x5], $0x10, s5, s13, $0xb8;
	[tilespmem:$0x1E800] =	vst v63  }
0x6c: {  	_ =	swait.ge [sflag:s11], $0x800  }
0x6d: {  	[sflag:s11] =	ssyncset.done $0x0  }
0x6e: {  	[sflag:s11] =	ssyncadd.s32 $0xFFFFF800  }
0x6f: {  	_ =	swait.ge [sflag:s12], $0x400  }
0x70: {  	[sflag:s12] =	ssyncset.done $0x0  }
0x71: {  	[sflag:s12] =	ssyncadd.s32 $0xFFFFFC00  }
0x72: {  	[tilespmem:s14], [sflag:$0x1] =	stream.indirect.gather [hbm4b:s4+s13], $0x10, s3, s13, $0xb8;
	[tilespmem:$0x1E800] =	vst v63  }
0x73: {  	_ = 	snop  }
0x74: {  	[tilespmem:s15], [sflag:$0x1] =	stream.indirect.gather [hbm4b:s4+s13], $0x10, s13, s13, $0xb8;
	[tilespmem:$0x1E800] =	vst v63  }
0x75: {  	_ = 	snop  }
0x76: {  	[tilespmem:s17], [sflag:$0x1] =	stream.indirect.gather [hbm4b:s4+s13], $0x10, s16, s13, $0xb8;
	[tilespmem:$0x1E800] =	vst v63  }
0x77: {  	s9 =	simm.s32 $0xFFFF3D00;
	s24 =	sadd.s32 $0xC580, s6  }
0x78: {  	[tilespmem:s19], [sflag:$0x1] =	stream.indirect.gather [hbm4b:s4+s13], $0x10, s18, s13, $0xb8;
	[tilespmem:$0x1E800] =	vst v63  }
.LBB2_2:
0x79: {  	[tilespmem:s20], [sflag:$0x4] =	stream.linear.gather [hbm4b:s24+s3], $0x400, $0x38;
	[tilespmem:$0x1E800] =	vst v63  }
0x7a: {  	_ =	swait.ge [sflag:s21], $0x400  }
0x7b: {  	[sflag:s21] =	ssyncset.done $0x0  }
0x7c: {  	[sflag:s21] =	ssyncadd.s32 $0xFFFFFC00  }
0x7d: {  	[tilespmem:s22], [sflag:$0x2] =	stream.indirect.gather [hbm4b:s4+s13], $0x10, s20, s13, $0xb8;
	[tilespmem:$0x1E800] =	vst v63  }
0x7e: {  	s6 =	rddreg [dreg:$0x3]  }
0x7f: {  	[tilespmem:s23], [sflag:$0x2] =	stream.indirect.gather [hbm4b:s4+s13], $0x10, s6, s13, $0xb8;
	[tilespmem:$0x1E800] =	vst v63  }
0x80: {  	s10 =	rddreg [dreg:$0x4]  }
0x81: {  	[tilespmem:s25], [sflag:$0x2] =	stream.indirect.gather [hbm4b:s4+s13], $0x10, s10, s13, $0xb8;
	[tilespmem:$0x1E800] =	vst v63  }
0x82: {  	s6 =	rddreg [dreg:$0x5]  }
0x83: {  	[tilespmem:s26], [sflag:$0x2] =	stream.indirect.gather [hbm4b:s4+s13], $0x10, s6, s13, $0xb8;
	[tilespmem:$0x1E800] =	vst v63  }
0x84: {  	_ =	swait.ge [sflag:s28], $0x800  }
0x85: {  	[sflag:s28] =	ssyncset.done $0x0  }
0x86: {  	[sflag:s28] =	ssyncadd.s32 $0xFFFFF800  }
0x87: {  	_ =	swait.ge [sflag:s28], $0x800  }
0x88: {  	[sflag:s28] =	ssyncset.done $0x0  }
0x89: {  	[sflag:s28] =	ssyncadd.s32 $0xFFFFF800  }
0x8a: {  	_ =	swait.ge [sflag:s28], $0x800  }
0x8b: {  	[sflag:s28] =	ssyncset.done $0x0  }
0x8c: {  	[sflag:s28] =	ssyncadd.s32 $0xFFFFF800  }
0x8d: {  	_ =	swait.ge [sflag:s28], $0x800  }
0x8e: {  	[sflag:s28] =	ssyncset.done $0x0  }
0x8f: {  	s10 =	rddreg [dreg:$0x6];
	[sflag:s28] =	ssyncadd.s32 $0xFFFFF800  }
0x90: {  	[spmem:s2] =	stream.indirect.scatter.add.f32 [tilespmem:s14], [sflag:$0x5], $0x10, s10, s13, $0xb8;
	[tilespmem:$0x1E800] =	vst v63  }
0x91: {  	_ =	swait.ge [sflag:s11], $0x800  }
0x92: {  	[sflag:s11] =	ssyncset.done $0x0  }
0x93: {  	s10 =	rddreg [dreg:$0x7];
	[sflag:s11] =	ssyncadd.s32 $0xFFFFF800  }
0x94: {  	[spmem:s2] =	stream.indirect.scatter.add.f32 [tilespmem:s15], [sflag:$0x5], $0x10, s10, s13, $0xb8;
	[tilespmem:$0x1E800] =	vst v63  }
0x95: {  	_ =	swait.ge [sflag:s11], $0x800  }
0x96: {  	[sflag:s11] =	ssyncset.done $0x0  }
0x97: {  	s10 =	rddreg [dreg:$0x8];
	[sflag:s11] =	ssyncadd.s32 $0xFFFFF800  }
0x98: {  	[spmem:s2] =	stream.indirect.scatter.add.f32 [tilespmem:s17], [sflag:$0x5], $0x10, s10, s13, $0xb8;
	[tilespmem:$0x1E800] =	vst v63  }
0x99: {  	_ =	swait.ge [sflag:s11], $0x800  }
0x9a: {  	[sflag:s11] =	ssyncset.done $0x0  }
0x9b: {  	[sflag:s11] =	ssyncadd.s32 $0xFFFFF800  }
0x9c: {  	[spmem:s2] =	stream.indirect.scatter.add.f32 [tilespmem:s19], [sflag:$0x5], $0x10, s29, s13, $0xb8;
	[tilespmem:$0x1E800] =	vst v63  }
0x9d: {  	s24 =	smov.u32 s9;
	_ =	swait.ge [sflag:s11], $0x800  }
0x9e: {  	s24 =	sadd.s32 s24, s7;
	[sflag:s11] =	ssyncset.done $0x0  }
0x9f: {  	s10 =	sadd.s32 $0xC500, s24;
	[sflag:s11] =	ssyncadd.s32 $0xFFFFF800  }
0xa0: {  	[tilespmem:s3], [sflag:$0x3] =	stream.linear.gather [hbm4b:s10+s3], $0x400, $0x38;
	[tilespmem:$0x1E800] =	vst v63  }
0xa1: {  	_ =	swait.ge [sflag:s30], $0x800  }
0xa2: {  	[sflag:s30] =	ssyncset.done $0x0  }
0xa3: {  	[sflag:s30] =	ssyncadd.s32 $0xFFFFF800  }
0xa4: {  	_ =	swait.ge [sflag:s30], $0x800  }
0xa5: {  	[sflag:s30] =	ssyncset.done $0x0  }
0xa6: {  	[sflag:s30] =	ssyncadd.s32 $0xFFFFF800  }
0xa7: {  	_ =	swait.ge [sflag:s30], $0x800  }
0xa8: {  	[sflag:s30] =	ssyncset.done $0x0  }
0xa9: {  	[sflag:s30] =	ssyncadd.s32 $0xFFFFF800  }
0xaa: {  	_ =	swait.ge [sflag:s30], $0x800  }
0xab: {  	[sflag:s30] =	ssyncset.done $0x0  }
0xac: {  	[sflag:s30] =	ssyncadd.s32 $0xFFFFF800  }
0xad: {  	[spmem:s2] =	stream.indirect.scatter.add.f32 [tilespmem:s22], [sflag:$0x5], $0x10, s31, s13, $0xb8;
	[tilespmem:$0x1E800] =	vst v63  }
0xae: {  	_ =	swait.ge [sflag:s11], $0x800  }
0xaf: {  	[sflag:s11] =	ssyncset.done $0x0  }
0xb0: {  	[sflag:s11] =	ssyncadd.s32 $0xFFFFF800  }
0xb1: {  	[spmem:s2] =	stream.indirect.scatter.add.f32 [tilespmem:s23], [sflag:$0x5], $0x10, s0, s13, $0xb8;
	[tilespmem:$0x1E800] =	vst v63  }
0xb2: {  	_ =	swait.ge [sflag:s11], $0x800  }
0xb3: {  	[sflag:s11] =	ssyncset.done $0x0  }
0xb4: {  	[sflag:s11] =	ssyncadd.s32 $0xFFFFF800  }
0xb5: {  	[spmem:s2] =	stream.indirect.scatter.add.f32 [tilespmem:s25], [sflag:$0x5], $0x10, s1, s13, $0xb8;
	[tilespmem:$0x1E800] =	vst v63  }
0xb6: {  	_ =	swait.ge [sflag:s11], $0x800  }
0xb7: {  	[sflag:s11] =	ssyncset.done $0x0  }
0xb8: {  	[sflag:s11] =	ssyncadd.s32 $0xFFFFF800  }
0xb9: {  	[spmem:s2] =	stream.indirect.scatter.add.f32 [tilespmem:s26], [sflag:$0x5], $0x10, s5, s13, $0xb8;
	[tilespmem:$0x1E800] =	vst v63  }
0xba: {  	_ =	swait.ge [sflag:s11], $0x800  }
0xbb: {  	[sflag:s11] =	ssyncset.done $0x0  }
0xbc: {  	[sflag:s11] =	ssyncadd.s32 $0xFFFFF800  }
0xbd: {  	_ =	swait.ge [sflag:s12], $0x400  }
0xbe: {  	[sflag:s12] =	ssyncset.done $0x0  }
0xbf: {  	[sflag:s12] =	ssyncadd.s32 $0xFFFFFC00  }
0xc0: {  	[tilespmem:s14], [sflag:$0x1] =	stream.indirect.gather [hbm4b:s4+s13], $0x10, s3, s13, $0xb8;
	[tilespmem:$0x1E800] =	vst v63  }
0xc1: {  	p0 =	sne.s32 s9, $0xFFFFFF00  }
0xc2: {  	[tilespmem:s15], [sflag:$0x1] =	stream.indirect.gather [hbm4b:s4+s13], $0x10, s13, s13, $0xb8;
	[tilespmem:$0x1E800] =	vst v63  }
.Ltmp0:
0xc3: {  	_ = 	snop;
	(pc) =	sbr.rel @p0 .LBB2_2-.Ltmp0, $4  }
0xc4: {  	_ = 	snop  }
0xc5: {  	[tilespmem:s17], [sflag:$0x1] =	stream.indirect.gather [hbm4b:s4+s13], $0x10, s16, s13, $0xb8;
	[tilespmem:$0x1E800] =	vst v63  }
0xc6: {  	s9 =	sadd.s32 $0x100, s9;
	s24 =	sadd.s32 $0xC580, s24  }
0xc7: {  	[tilespmem:s19], [sflag:$0x1] =	stream.indirect.gather [hbm4b:s4+s13], $0x10, s18, s13, $0xb8;
	[tilespmem:$0x1E800] =	vst v63  }
0xc8: {  	[tilespmem:s20], [sflag:$0x4] =	stream.linear.gather [hbm4b:s24+s3], $0x400, $0x38;
	[tilespmem:$0x1E800] =	vst v63  }
0xc9: {  	_ =	swait.ge [sflag:s28], $0x800  }
0xca: {  	[sflag:s28] =	ssyncset.done $0x0  }
0xcb: {  	[sflag:s28] =	ssyncadd.s32 $0xFFFFF800  }
0xcc: {  	_ =	swait.ge [sflag:s28], $0x800  }
0xcd: {  	[sflag:s28] =	ssyncset.done $0x0  }
0xce: {  	[sflag:s28] =	ssyncadd.s32 $0xFFFFF800  }
0xcf: {  	_ =	swait.ge [sflag:s28], $0x800  }
0xd0: {  	[sflag:s28] =	ssyncset.done $0x0  }
0xd1: {  	[sflag:s28] =	ssyncadd.s32 $0xFFFFF800  }
0xd2: {  	_ =	swait.ge [sflag:s28], $0x800  }
0xd3: {  	[sflag:s28] =	ssyncset.done $0x0  }
0xd4: {  	[sflag:s28] =	ssyncadd.s32 $0xFFFFF800  }
0xd5: {  	_ =	swait.ge [sflag:s21], $0x400  }
0xd6: {  	[sflag:s21] =	ssyncset.done $0x0  }
0xd7: {  	[sflag:s21] =	ssyncadd.s32 $0xFFFFFC00  }
0xd8: {  	[bflag:$0x0] =	sbarrier.arrive $0xFFFF  }
0xd9: {  	s10 =	rddreg [dreg:$0xa]  }
0xda: {  	s9 =	rddreg [dreg:$0xd]  }
0xdb: {  	s6 =	rddreg [dreg:$0xe]  }
0xdc: {  	[hbm:s6], [sflag:s10] =	dma.local [spmem:s9], $0x3400  }
0xdd: {  	_ =	swait.ge [sflag:s11], $0x3400  }
0xde: {  	s8 =	sadd.s32 $0x1, s8;
	s24 =	rddreg [dreg:$0xc]  }
0xdf: {  	p0 =	sne.s32 s8, s24  }
.Ltmp1:
0xe0: {  	_ = 	snop;
	(pc) =	sbr.rel @p0 .LBB2_1-.Ltmp1, $3  }
0xe1: {  	_ =	sdelay $0x1  }
0xe2: {  	[sflag:s11] =	ssyncset.done $0x0  }
0xe3: {  	[sflag:s11] =	ssyncadd.s32 $0xFFFFCC00  }
0xe4: {  	_ =	sfence.sel $0x180000  }
0xe5: {  	[bflag:$0x0] =	sbarrier.arrive $0xFFFF  }
0xe6: {  	_ =	strace $0x9000004D  }
0xe7: {  	s0 =	stileid.u32;
	[bflag:$0x2] =	sbarrier.arrive $0xFFFF  }
0xe8: {  	p0 =	sne.s32 s0, $0x0;
	s0 =	rddreg [dreg:$0x2]  }
0xe9: {  	s0 =	sadd.s32 @!p0 $0x100000, s0  }
0xea: {  	[sflag:s0] =	ssyncadd.tile.s32 @!p0 $0x1;
	_ =	shalt  }
.Lfunc_end2:
_tile_overlayer_lowered:
.L_overlay_start_2:
0xeb: {  	(tag) =	ssettag $0x2  }
0xec: {  	s0 =	rddreg [dreg:$0x0];
	s2 =	stileid.u32  }
0xed: {  	s1 =	rddreg [dreg:$0x1];
	p0 =	sne.s32 s2, $0x0  }
0xee: {  	s3 =	rddreg [dreg:$0x2];
	[bflag:$0x3] =	sbarrier.arrive $0xFFFF;
	s2 =	simm.s32 @!p0 $0x1C05  }
0xef: {  	[timem:s3], [sflag:s2] =	dma.local @!p0 [hbm:s0], s1  }
0xf0: {  	s0 =	simm.s32 @!p0 $0x5  }
0xf1: {  	_ =	swait.ge @!p0 [sflag:s0], s1  }
0xf2: {  	s1 =	ssub.s32 @!p0 $0x0, s1;
	[sflag:s0] =	ssyncset.done @!p0 $0x0  }
0xf3: {  	[sflag:s0] =	ssyncadd.s32 @!p0 s1  }
0xf4: {  	[bflag:$0x3] =	sbarrier.arrive $0xFFFF  }
0xf5: {  	_ =	shalt  }

// kernel: kernel.19.cloned.1.call-start
scs
__scs_entry_jumppad:
0x0: {  	(pc) =	sbr.rel $0x88, $3  }
0x1: {  	(tag) =	ssettag $0x0;
	lr =	simm.s32 $0x1  }
0x2: {  	[smem:$0x3F99] =	sst lr;
	_ =	strace $0xD0000000  }
0x3: {  	_ = 	snop  }
0x4: {  	_ = 	snop  }
0x5: {  	_ = 	snop  }
0x6: {  	_ = 	snop  }
0x7: {  	_ = 	snop  }
__scs_overlays_trampoline_lowered:
0x8: {  	[smem:$0x3FA8] =	sst s0  }
0x9: {  	[smem:$0x3FA9] =	sst s1  }
0xa: {  	[smem:$0x3FAA] =	sst s2  }
0xb: {  	[smem:$0x3FAB] =	sst s3  }
0xc: {  	[smem:$0x3FAC] =	sst s4  }
0xd: {  	[smem:$0x3FAD] =	sst s5  }
0xe: {  	[smem:$0x3FAE] =	sst s6  }
0xf: {  	[smem:$0x3FAF] =	sst s7  }
0x10: {  	[smem:$0x3FB0] =	sst s8  }
0x11: {  	[smem:$0x3FB1] =	sst s9;
	s0 =	simm.s32 @!p0 $0x0  }
0x12: {  	s1 =	sld [smem:$0x3F97];
	s0 =	simm.s32 @p0 $0x1  }
0x13: {  	[smem:$0x3FB2] =	sst s0;
	s0 =	simm.s32 @!p1 $0x0  }
0x14: {  	s2 =	sld [smem:$0x3F96];
	s0 =	simm.s32 @p1 $0x1  }
0x15: {  	[smem:$0x3FB3] =	sst s0;
	s0 =	simm.s32 @!p2 $0x0  }
0x16: {  	s3 =	sld [smem:$0x3FDB];
	s0 =	simm.s32 @p2 $0x1  }
0x17: {  	s4 =	simm.s32 $0x1BF5;
	[smem:$0x3FB5] =	sst s0  }
0x18: {  	s0 =	sld [smem:$0x3F98];
	_ =	swait.ge [sflag:s4], $0x0  }
0x19: {  	s7 =	sld [smem:$0x3F99]  }
0x1a: {  	s8 =	sadd.s32 $0xFFFFE003, lr  }
0x1b: {  	s9 =	sadd.s32 $0xFFFFFEF7, lr;
	s5 =	simm.s32 $0xFFFFFFFF;
	p2 =	slt.u32 s8, $0xFFFFF086  }
0x1c: {  	p1 =	slt.u32 s9, $0xF7A;
	s5 =	simm.s32 @!p2 $0x0  }
0x1d: {  	s5 =	simm.s32 @p1 $0x1;
	p0 =	seq.s32 s7, s2  }
0x1e: {  	s7 =	smul.u32 @!p0 $0xF7A, s2;
	p2 =	seq.s32 @!p0 s5, $0x0  }
0x1f: {  	s9 =	smul.u32 $0xF7A, s1;
	s8 =	simm.s32 @!p0 $0x1BF5;
	p2 =	por !p2, p0  }
0x20: {  	[sflag:s8] =	ssyncset.s32 @!p0 $0xFFFFF086;
	s6 =	sadd.s32 @!p0 s3, s7;
	s7 =	simm.s32 @!p0 $0x108  }
0x21: {  	s3 =	sadd.s32 s3, s9;
	s6 =	sadd.s32 @!p0 $0x88, s6;
	s7 =	simm.s32 @p2 $0x1082  }
0x22: {  	[simem:s7], [sflag:s8] =	dma.local @!p0 [hbm:s6], $0xF7A  }
0x23: {  	s9 =	sor.u32 $0xD0000000, s2;
	s6 =	simm.s32 $0x108;
	_ =	swait.ge @!p0 [sflag:s8], $0x0  }
0x24: {  	s3 =	sadd.s32 $0x88, s3;
	s6 =	simm.s32 @!p1 $0x1082;
	[sflag:s4] =	ssyncset.s32 $0xFFFFF086  }
0x25: {  	[simem:s6], [sflag:s4] =	dma.local [hbm:s3], $0xF7A  }
0x26: {  	[smem:$0x3F99] =	sst s1;
	(tag) =	ssettag s2;
	_ =	strace s9  }
0x27: {  	s1 =	sld [smem:$0x3FA9]  }
0x28: {  	s2 =	sld [smem:$0x3FAA]  }
0x29: {  	s4 =	sld [smem:$0x3FAC]  }
0x2a: {  	p0 =	seq.s32 s5, $0x0;
	s5 =	sld [smem:$0x3FAD]  }
0x2b: {  	s6 =	sld [smem:$0x3FAE]  }
0x2c: {  	s7 =	sld [smem:$0x3FAF]  }
0x2d: {  	s3 =	simm.s32 $0x108;
	s8 =	sld [smem:$0x3FB0]  }
0x2e: {  	s3 =	simm.s32 @!p0 $0x1082;
	s9 =	sld [smem:$0x3FB1]  }
0x2f: {  	lr =	sadd.s32 s0, s3;
	s0 =	sld [smem:$0x3FA8]  }
0x30: {  	s3 =	sld [smem:$0x3FAB]  }
0x31: {  	[smem:$0x3FB4] =	sst s10  }
0x32: {  	s10 =	sld [smem:$0x3FB2];
	_ =	sdelay $0x3  }
0x33: {  	p0 =	seq.s32 s10, $0x1;
	s10 =	sld [smem:$0x3FB4];
	_ =	sdelay $0x3  }
0x34: {  	[smem:$0x3FB4] =	sst s10  }
0x35: {  	s10 =	sld [smem:$0x3FB3];
	_ =	sdelay $0x3  }
0x36: {  	p1 =	seq.s32 s10, $0x1;
	s10 =	sld [smem:$0x3FB4];
	_ =	sdelay $0x3  }
0x37: {  	[smem:$0x3FB4] =	sst s10  }
0x38: {  	s10 =	sld [smem:$0x3FB5]  }
0x39: {  	_ = 	snop;
	(pc) =	sbr.ind lr, $3  }
0x3a: {  	_ = 	snop  }
0x3b: {  	_ = 	snop  }
0x3c: {  	p2 =	seq.s32 s10, $0x1;
	s10 =	sld [smem:$0x3FB4]  }
0x3d: {  	_ =	shalt  }
0x3e: {  	_ =	shalt  }
0x3f: {  	_ =	shalt  }
0x40: {  	_ =	shalt  }
0x41: {  	_ =	shalt  }
0x42: {  	_ =	shalt  }
0x43: {  	_ =	shalt  }
0x44: {  	_ =	shalt  }
0x45: {  	_ =	shalt  }
0x46: {  	_ =	shalt  }
0x47: {  	_ =	shalt  }
0x48: {  	_ =	shalt  }
0x49: {  	_ =	shalt  }
0x4a: {  	_ =	shalt  }
0x4b: {  	_ =	shalt  }
0x4c: {  	_ =	shalt  }
0x4d: {  	_ =	shalt  }
0x4e: {  	_ =	shalt  }
0x4f: {  	_ =	shalt  }
0x50: {  	_ =	shalt  }
0x51: {  	_ =	shalt  }
0x52: {  	_ =	shalt  }
0x53: {  	_ =	shalt  }
0x54: {  	_ =	shalt  }
0x55: {  	_ =	shalt  }
0x56: {  	_ =	shalt  }
0x57: {  	_ =	shalt  }
0x58: {  	_ =	shalt  }
0x59: {  	_ =	shalt  }
0x5a: {  	_ =	shalt  }
0x5b: {  	_ =	shalt  }
0x5c: {  	_ =	shalt  }
0x5d: {  	_ =	shalt  }
0x5e: {  	_ =	shalt  }
0x5f: {  	_ =	shalt  }
0x60: {  	_ =	shalt  }
0x61: {  	_ =	shalt  }
0x62: {  	_ =	shalt  }
0x63: {  	_ =	shalt  }
0x64: {  	_ =	shalt  }
0x65: {  	_ =	shalt  }
0x66: {  	_ =	shalt  }
0x67: {  	_ =	shalt  }
0x68: {  	_ =	shalt  }
0x69: {  	_ =	shalt  }
0x6a: {  	_ =	shalt  }
0x6b: {  	_ =	shalt  }
0x6c: {  	_ =	shalt  }
0x6d: {  	_ =	shalt  }
0x6e: {  	_ =	shalt  }
0x6f: {  	_ =	shalt  }
0x70: {  	_ =	shalt  }
0x71: {  	_ =	shalt  }
0x72: {  	_ =	shalt  }
0x73: {  	_ =	shalt  }
0x74: {  	_ =	shalt  }
0x75: {  	_ =	shalt  }
0x76: {  	_ =	shalt  }
0x77: {  	_ =	shalt  }
0x78: {  	_ =	shalt  }
0x79: {  	_ =	shalt  }
0x7a: {  	_ =	shalt  }
0x7b: {  	_ =	shalt  }
0x7c: {  	_ =	shalt  }
0x7d: {  	_ =	shalt  }
0x7e: {  	_ =	shalt  }
0x7f: {  	_ =	shalt  }
0x80: {  	_ =	shalt  }
0x81: {  	_ =	shalt  }
0x82: {  	_ =	shalt  }
0x83: {  	_ =	shalt  }
0x84: {  	_ =	shalt  }
0x85: {  	_ =	shalt  }
0x86: {  	_ =	shalt  }
0x87: {  	_ =	shalt  }
.Lfunc_end0:
.L_simem_size_0:
called_computation.3_lowered:
.L_overlay_start_0:
0x88: {  	s2 =	sld [smem:$0x3FD9]  }
0x89: {  	s3 =	sld [smem:$0x3FFE];
	_ =	sdelay $0x1  }
0x8a: {  	s1 =	srdreg.scid  }
0x8b: {  	s0 =	sand.u32 $0x1, s1  }
0x8c: {  	s16 =	sshll.u32 s0, $0xA;
	s2 =	sadd.s32 s3, s2  }
0x8d: {  	s2 =	sadd.s32 s2, s16  }
0x8e: {  	[smem:$0x3FC0] =	sst s2  }
0x8f: {  	_ = 	snop  }
0x90: {  	(tm) =	ssettm $0x1  }
0x91: {  	s17 =	sld [smem:$0x3FFB];
	_ =	sdelay $0x3  }
0x92: {  	_ =	strace s17  }
0x93: {  	s2 =	sld [smem:$0x3FFC];
	_ =	sdelay $0x3  }
0x94: {  	_ =	strace s2  }
0x95: {  	s2 =	sld [smem:$0x3FFD];
	_ =	sdelay $0x3  }
0x96: {  	_ =	strace s2  }
0x97: {  	_ =	strace $0x8FFFFFFF  }
0x98: {  	s18 =	sld [smem:$0x3FDB];
	_ =	sdelay $0x1  }
0x99: {  	s19 =	simm.s32 $_scs_section_size  }
0x9a: {  	s4 =	simm.s32 $_size__tile_overlayer_lowered;
	s5 =	simm.s32 $_tile_overlayer_lowered  }
0x9b: {  	s22 =	simm.s32 $0x1BFF;
	s21 =	sshll.u32 s5, $0x1;
	s2 =	sadd.s32 s19, s18  }
0x9c: {  	s6 =	simm.s32 $0x0;
	s20 =	sshll.u32 s4, $0x1;
	s4 =	sadd.s32 s21, s2  }
0x9d: {  	[timem:s6], [sflag:s22] =	dma.local [hbm:s4], s20  }
0x9e: {  	_ =	swait.ge [sflag:s22], s20  }
0x9f: {  	s3 =	ssub.s32 $0x0, s20;
	[sflag:s22] =	ssyncset.done $0x0  }
0xa0: {  	[sflag:s22] =	ssyncadd.s32 s3;
	_ =	sdelay $0x1  }
0xa1: {  	s23 =	simm.s32 $0x1B8B  }
0xa2: {  	_ =	swait.ge [sflag:s23], $0x1  }
0xa3: {  	[sflag:s23] =	ssyncset.done $0x0  }
0xa4: {  	s25 =	simm.s32 $0x1B8E;
	s24 =	sld [smem:$0x3FFE];
	[sflag:s23] =	ssyncadd.s32 $0xFFFFFFFF  }
0xa5: {  	s26 =	simm.s32 $execute0_lowered;
	[smem:$0x3FD2] =	sst s25  }
0xa6: {  	s4 =	sshll.u32 s26, $0x1;
	_ =	strace $0x8000004F;
	[dreg:$0x1] =	wrdreg $0xFFFFFFFF  }
0xa7: {  	s28 =	simm.s32 $_size_execute0_lowered;
	s2 =	sadd.s32 s2, s4;
	[dreg:$0x0] =	wrdreg $0x0  }
0xa8: {  	s4 =	sshll.u32 s28, $0x1;
	[dreg:$0x2] =	wrdreg s2  }
0xa9: {  	[dreg:$0x3] =	wrdreg s4  }
0xaa: {  	[dreg:$0x4] =	wrdreg $0xC0  }
0xab: {  	_ =	task [dreg:s6], $0x5FFFF  }
0xac: {  	[dreg:$0x1] =	wrdreg $0xFFFFFFFF  }
0xad: {  	[dreg:$0x0] =	wrdreg $0x60  }
0xae: {  	[dreg:$0x2] =	wrdreg s24  }
0xaf: {  	[dreg:$0x3] =	wrdreg $0xC000  }
0xb0: {  	[dreg:$0x4] =	wrdreg $0x9  }
0xb1: {  	_ =	task.clear_ibuf [dreg:s6], $0x5FFFF;
	_ =	strace $0x9000004F  }
0xb2: {  	s29 =	simm.s32 $0x9;
	_ =	strace $0x80000051  }
0xb3: {  	_ =	swait.ge [sflag:s29], $0x1  }
0xb4: {  	[sflag:s29] =	ssyncadd.s32 $0xFFFFFFFF  }
0xb5: {  	_ =	strace $0x90000051  }
0xb6: {  	_ =	sfence  }
0xb7: {  	s30 =	sld [smem:$0x0];
	_ =	sdelay $0x2  }
0xb8: {  	s31 =	sshll.u32 s1, $0xD;
	s1 =	sshrl.u32 s1, $0x2  }
0xb9: {  	s3 =	sand.u32 $0x4000, s31;
	s1 =	sadd.s32 s1, s30  }
0xba: {  	s0 =	sor.u32 s3, s0;
	s1 =	sshll.u32 s1, $0x11  }
0xbb: {  	s0 =	sor.u32 s1, s0  }
0xbc: {  	s0 =	sadd.s32 $0x8F2B, s0  }
0xbd: {  	[sflag:s0] =	ssyncadd.remote.s32 $0x1  }
0xbe: {  	_ =	sfence.sel $0xFFFF  }
0xbf: {  	[dreg:$0x0] =	wrdreg $0xFFFFFFFF;
	(pc) =	sbr.abs _section_cstart, $3  }
0xc0: {  	[dreg:$0x1] =	wrdreg $0xFFFFFFFF  }
0xc1: {  	_ =	task.clear_ibuf [dreg:s6], $0x2FFFF;
	_ =	strace $0x9FFFFFFF  }
0xc2: {  	(tm) =	ssettm $0x7FFFFFFF  }
0xc3: {  	_ =	shalt  }
tec
execute0_lowered:
.L_overlay_start_1:
0x0: {  	(tag) =	ssettag $0x1  }
0x1: {  	s0 =	rddreg [dreg:$0x0]  }
0x2: {  	s1 =	rddreg [dreg:$0x1];
	s2 =	simm.s32 $0x0;
	s3 =	srdreg.scid  }
0x3: {  	s11 =	stileid.u32;
	s28 =	simm.s32 $0x100;
	s29 =	simm.s32 $0x900  }
0x4: {  	s30 =	simm.s32 $0x180;
	s31 =	simm.s32 $0x980;
	[smem:$0x7FF] =	sst s2  }
0x5: {  	s3 =	sand.u32 $0x1, s3;
	s4 =	sadd.s32 $0x2A00, s0;
	s8 =	smul.u32 $0x1A00, s11  }
0x6: {  	s9 =	sadd.s32 $0xC6800, s0;
	s10 =	smul.u32 $0xC4, s11;
	_ =	strace $0x80000050  }
0x7: {  	s5 =	smul.u32 $0x3400, s3;
	s6 =	ssub.s32 $0x2, s3;
	s24 =	sadd.s32 s8, s1  }
0x8: {  	p0 =	seq.s32 s3, $0x1;
	s20 =	sadd.s32 $0x200, s24;
	[dreg:$0x9] =	wrdreg s24  }
0x9: {  	s21 =	smul.u32 $0xC40, s3;
	s22 =	sadd.s32 $0x400, s24;
	[dreg:$0xb] =	wrdreg s20  }
0xa: {  	s3 =	sshll.u32 s3, $0x4;
	s23 =	sadd.s32 $0x600, s24;
	[dreg:$0xc] =	wrdreg s22  }
0xb: {  	s7 =	sshrl.u32 s6, $0x1;
	s25 =	sadd.s32 $0x800, s24;
	[dreg:$0xd] =	wrdreg s23  }
0xc: {  	s3 =	sor.u32 s11, s3;
	s26 =	sadd.s32 $0xA00, s24;
	[dreg:$0xe] =	wrdreg s25  }
0xd: {  	s11 =	simm.s32 $0x5;
	s12 =	sadd.s32 $0xC00, s24;
	[dreg:$0xf] =	wrdreg s26  }
0xe: {  	s0 =	sadd.s32 s5, s0;
	s13 =	sadd.s32 $0xE00, s24;
	[dreg:$0x10] =	wrdreg s12  }
0xf: {  	s6 =	ssub.s32 s6, s7;
	s14 =	sadd.s32 $0x1000, s24;
	[dreg:$0x11] =	wrdreg s13  }
0x10: {  	s7 =	sshrl.u32 s8, $0x3;
	s15 =	sadd.s32 $0x1200, s24;
	[dreg:$0x12] =	wrdreg s14  }
0x11: {  	s8 =	sadd.s32 s10, s21;
	s16 =	sadd.s32 $0x1400, s24;
	[dreg:$0x13] =	wrdreg s15  }
0x12: {  	s17 =	sadd.s32 $0x1600, s24;
	s3 =	smul.u32 $0x6200, s3;
	[dreg:$0x14] =	wrdreg s16  }
0x13: {  	s21 =	simm.s32 $0x480;
	s10 =	simm.s32 $0xB80;
	[dreg:$0x15] =	wrdreg s17  }
0x14: {  	s19 =	sadd.s32 s4, s7;
	s8 =	sshll.u32 s8, $0x7;
	[dreg:$0x5] =	wrdreg s21  }
0x15: {  	s22 =	simm.s32 $0x500;
	s0 =	sadd.s32 $0x5E00, s0;
	s23 =	simm.s32 $0x580  }
0x16: {  	s25 =	smax.u32 s6, $0x1;
	s26 =	simm.s32 $0x200;
	s6 =	simm.s32 $0x4  }
0x17: {  	s12 =	simm.s32 $0x280;
	s13 =	simm.s32 $0x300;
	[dreg:$0xa] =	wrdreg s19  }
0x18: {  	s14 =	simm.s32 $0x380;
	s15 =	simm.s32 $0x2;
	[dreg:$0x6] =	wrdreg s22  }
0x19: {  	s16 =	simm.s32 $0x600;
	s17 =	simm.s32 $0x680;
	[dreg:$0x19] =	wrdreg s25  }
0x1a: {  	s8 =	sadd.s32 s8, s9;
	s19 =	sadd.s32 $0x1800, s24;
	[dreg:$0x7] =	wrdreg s23  }
0x1b: {  	s20 =	sadd.s32 s9, s3;
	s22 =	simm.s32 $0x3;
	[dreg:$0x8] =	wrdreg s26  }
0x1c: {  	s23 =	simm.s32 $0x80;
	s0 =	sadd.s32 s7, s0;
	s25 =	simm.s32 $0x800  }
0x1d: {  	s26 =	simm.s32 $0x880;
	s7 =	simm.s32 $0xA00;
	[dreg:$0x16] =	wrdreg s19  }
0x1e: {  	s9 =	simm.s32 $0xB00;
	s3 =	simm.s32 $0x1;
	[dreg:$0x17] =	wrdreg s20  }
0x1f: {  	s18 =	sadd.s32 $0x180, s8;
	s8 =	sadd.s32 $0x100, s8;
	[dreg:$0x1a] =	wrdreg s0  }
0x20: {  	s5 =	sadd.s32 $0x80, s20;
	s0 =	simm.s32 $0x400;
	[dreg:$0x3] =	wrdreg s18  }
0x21: {  	s20 =	simm.s32 $0x780;
	s19 =	simm.s32 $0x0;
	[dreg:$0x4] =	wrdreg s8  }
0x22: {  	v0 =	vimm.f32 $0.0e+00;
	[dreg:$0x18] =	wrdreg s5;
	s8 =	simm.s32 $0xA80;
	s18 =	simm.s32 $0x700  }
.LBB2_1:
0x23: {  	[tilespmem:$0x800] =	vst v0  }
0x24: {  	[tilespmem:$0x810] =	vst v0  }
0x25: {  	[tilespmem:$0x820] =	vst v0  }
0x26: {  	[tilespmem:$0x830] =	vst v0  }
0x27: {  	[tilespmem:$0x840] =	vst v0  }
0x28: {  	[tilespmem:$0x850] =	vst v0  }
0x29: {  	[tilespmem:$0x860] =	vst v0  }
0x2a: {  	[tilespmem:$0x870] =	vst v0  }
0x2b: {  	[tilespmem:$0x880] =	vst v0  }
0x2c: {  	[tilespmem:$0x890] =	vst v0  }
0x2d: {  	[tilespmem:$0x8A0] =	vst v0  }
0x2e: {  	[tilespmem:$0x8B0] =	vst v0  }
0x2f: {  	[tilespmem:$0x8C0] =	vst v0  }
0x30: {  	[tilespmem:$0x8D0] =	vst v0  }
0x31: {  	[tilespmem:$0x8E0] =	vst v0  }
0x32: {  	[tilespmem:$0x8F0] =	vst v0  }
0x33: {  	[tilespmem:$0x900] =	vst v0  }
0x34: {  	[tilespmem:$0x910] =	vst v0  }
0x35: {  	[tilespmem:$0x920] =	vst v0  }
0x36: {  	[tilespmem:$0x930] =	vst v0  }
0x37: {  	[tilespmem:$0x940] =	vst v0  }
0x38: {  	[tilespmem:$0x950] =	vst v0  }
0x39: {  	[tilespmem:$0x960] =	vst v0  }
0x3a: {  	[tilespmem:$0x970] =	vst v0  }
0x3b: {  	[tilespmem:$0x980] =	vst v0  }
0x3c: {  	[tilespmem:$0x990] =	vst v0  }
0x3d: {  	[tilespmem:$0x9A0] =	vst v0  }
0x3e: {  	[tilespmem:$0x9B0] =	vst v0  }
0x3f: {  	[tilespmem:$0x9C0] =	vst v0  }
0x40: {  	[tilespmem:$0x9D0] =	vst v0  }
0x41: {  	[tilespmem:$0x9E0] =	vst v0  }
0x42: {  	[dreg:$0x1b] =	wrdreg s19;
	[tilespmem:$0x9F0] =	vst v0;
	s19 =	simm.s32 @p0 $0x800  }
0x43: {  	[spmem:s24] =	stream.linear.scatter @p0 [tilespmem:s19], [sflag:$0x5], $0x200, $0x38;
	[tilespmem:$0x2600] =	vst v63  }
0x44: {  	s5 =	smov.u32 s24;
	s24 =	simm.s32 @p0 $0x5  }
0x45: {  	_ =	swait.ge @p0 [sflag:s24], $0x200  }
0x46: {  	[sflag:s24] =	ssyncset.done @p0 $0x0  }
0x47: {  	s21 =	rddreg [dreg:$0xb];
	[sflag:s24] =	ssyncadd.s32 @p0 $0xFFFFFE00  }
0x48: {  	[spmem:s21] =	stream.linear.scatter @p0 [tilespmem:s19], [sflag:$0x5], $0x200, $0x38;
	[tilespmem:$0x2600] =	vst v63  }
0x49: {  	_ =	swait.ge @p0 [sflag:s24], $0x200  }
0x4a: {  	[sflag:s24] =	ssyncset.done @p0 $0x0  }
0x4b: {  	s21 =	rddreg [dreg:$0xc];
	[sflag:s24] =	ssyncadd.s32 @p0 $0xFFFFFE00  }
0x4c: {  	[spmem:s21] =	stream.linear.scatter @p0 [tilespmem:s19], [sflag:$0x5], $0x200, $0x38;
	[tilespmem:$0x2600] =	vst v63  }
0x4d: {  	_ =	swait.ge @p0 [sflag:s24], $0x200  }
0x4e: {  	[sflag:s24] =	ssyncset.done @p0 $0x0  }
0x4f: {  	s21 =	rddreg [dreg:$0xd];
	[sflag:s24] =	ssyncadd.s32 @p0 $0xFFFFFE00  }
0x50: {  	[spmem:s21] =	stream.linear.scatter @p0 [tilespmem:s19], [sflag:$0x5], $0x200, $0x38;
	[tilespmem:$0x2600] =	vst v63  }
0x51: {  	_ =	swait.ge @p0 [sflag:s24], $0x200  }
0x52: {  	[sflag:s24] =	ssyncset.done @p0 $0x0  }
0x53: {  	s21 =	rddreg [dreg:$0xe];
	[sflag:s24] =	ssyncadd.s32 @p0 $0xFFFFFE00  }
0x54: {  	[spmem:s21] =	stream.linear.scatter @p0 [tilespmem:s19], [sflag:$0x5], $0x200, $0x38;
	[tilespmem:$0x2600] =	vst v63  }
0x55: {  	_ =	swait.ge @p0 [sflag:s24], $0x200  }
0x56: {  	[sflag:s24] =	ssyncset.done @p0 $0x0  }
0x57: {  	s21 =	rddreg [dreg:$0xf];
	[sflag:s24] =	ssyncadd.s32 @p0 $0xFFFFFE00  }
0x58: {  	[spmem:s21] =	stream.linear.scatter @p0 [tilespmem:s19], [sflag:$0x5], $0x200, $0x38;
	[tilespmem:$0x2600] =	vst v63  }
0x59: {  	_ =	swait.ge @p0 [sflag:s24], $0x200  }
0x5a: {  	[sflag:s24] =	ssyncset.done @p0 $0x0  }
0x5b: {  	s21 =	rddreg [dreg:$0x10];
	[sflag:s24] =	ssyncadd.s32 @p0 $0xFFFFFE00  }
0x5c: {  	[spmem:s21] =	stream.linear.scatter @p0 [tilespmem:s19], [sflag:$0x5], $0x200, $0x38;
	[tilespmem:$0x2600] =	vst v63  }
0x5d: {  	_ =	swait.ge @p0 [sflag:s24], $0x200  }
0x5e: {  	[sflag:s24] =	ssyncset.done @p0 $0x0  }
0x5f: {  	s21 =	rddreg [dreg:$0x11];
	[sflag:s24] =	ssyncadd.s32 @p0 $0xFFFFFE00  }
0x60: {  	[spmem:s21] =	stream.linear.scatter @p0 [tilespmem:s19], [sflag:$0x5], $0x200, $0x38;
	[tilespmem:$0x2600] =	vst v63  }
0x61: {  	_ =	swait.ge @p0 [sflag:s24], $0x200  }
0x62: {  	[sflag:s24] =	ssyncset.done @p0 $0x0  }
0x63: {  	s21 =	rddreg [dreg:$0x12];
	[sflag:s24] =	ssyncadd.s32 @p0 $0xFFFFFE00  }
0x64: {  	[spmem:s21] =	stream.linear.scatter @p0 [tilespmem:s19], [sflag:$0x5], $0x200, $0x38;
	[tilespmem:$0x2600] =	vst v63  }
0x65: {  	_ =	swait.ge @p0 [sflag:s24], $0x200  }
0x66: {  	[sflag:s24] =	ssyncset.done @p0 $0x0  }
0x67: {  	s21 =	rddreg [dreg:$0x13];
	[sflag:s24] =	ssyncadd.s32 @p0 $0xFFFFFE00  }
0x68: {  	[spmem:s21] =	stream.linear.scatter @p0 [tilespmem:s19], [sflag:$0x5], $0x200, $0x38;
	[tilespmem:$0x2600] =	vst v63  }
0x69: {  	_ =	swait.ge @p0 [sflag:s24], $0x200  }
0x6a: {  	[sflag:s24] =	ssyncset.done @p0 $0x0  }
0x6b: {  	s21 =	rddreg [dreg:$0x14];
	[sflag:s24] =	ssyncadd.s32 @p0 $0xFFFFFE00  }
0x6c: {  	[spmem:s21] =	stream.linear.scatter @p0 [tilespmem:s19], [sflag:$0x5], $0x200, $0x38;
	[tilespmem:$0x2600] =	vst v63  }
0x6d: {  	_ =	swait.ge @p0 [sflag:s24], $0x200  }
0x6e: {  	[sflag:s24] =	ssyncset.done @p0 $0x0  }
0x6f: {  	s21 =	rddreg [dreg:$0x15];
	[sflag:s24] =	ssyncadd.s32 @p0 $0xFFFFFE00  }
0x70: {  	[spmem:s21] =	stream.linear.scatter @p0 [tilespmem:s19], [sflag:$0x5], $0x200, $0x38;
	[tilespmem:$0x2600] =	vst v63  }
0x71: {  	_ =	swait.ge @p0 [sflag:s24], $0x200  }
0x72: {  	[sflag:s24] =	ssyncset.done @p0 $0x0  }
0x73: {  	s21 =	rddreg [dreg:$0x16];
	[sflag:s24] =	ssyncadd.s32 @p0 $0xFFFFFE00  }
0x74: {  	[spmem:s21] =	stream.linear.scatter @p0 [tilespmem:s19], [sflag:$0x5], $0x200, $0x38;
	[tilespmem:$0x2600] =	vst v63  }
0x75: {  	s19 =	stileid.u32  }
0x76: {  	_ =	swait.ge @p0 [sflag:s24], $0x200;
	s19 =	sshll.u32 @!p0 s19, $0x6  }
0x77: {  	[sflag:s24] =	ssyncset.done @p0 $0x0;
	s19 =	sor.u32 @!p0 $0x1C05, s19  }
0x78: {  	[sflag:s24] =	ssyncadd.s32 @p0 $0xFFFFFE00;
	s24 =	sshrl.u32 @!p0 s5, $0x3;
	s5 =	rddreg [dreg:$0xa]  }
0x79: {  	[spmem:s24], [sflag:s19] =	dma.local @!p0 [hbm:s5], $0x340  }
0x7a: {  	s19 =	simm.s32 @!p0 $0x5  }
0x7b: {  	_ =	swait.ge @!p0 [sflag:s19], $0x340  }
0x7c: {  	[sflag:s19] =	ssyncset.done @!p0 $0x0  }
0x7d: {  	[sflag:s19] =	ssyncadd.s32 @!p0 $0xFFFFFCC0  }
0x7e: {  	[bflag:$0x0] =	sbarrier.arrive $0xFFFF  }
0x7f: {  	s19 =	rddreg [dreg:$0x17]  }
0x80: {  	[tilespmem:s2], [sflag:$0x3] =	stream.linear.gather [hbm4b:s19+s2], $0x400, $0x38;
	[tilespmem:$0x2600] =	vst v63  }
0x81: {  	_ =	swait.ge [sflag:s22], $0x400  }
0x82: {  	[sflag:s22] =	ssyncset.done $0x0  }
0x83: {  	[sflag:s22] =	ssyncadd.s32 $0xFFFFFC00  }
0x84: {  	[tilespmem:s25], [sflag:$0x1] =	stream.indirect.gather [hbm4b:s4+s23], $0x1, s2, s23, $0xb8;
	[tilespmem:$0x2600] =	vst v63  }
0x85: {  	_ = 	snop  }
0x86: {  	[tilespmem:s26], [sflag:$0x1] =	stream.indirect.gather [hbm4b:s4+s23], $0x1, s23, s23, $0xb8;
	[tilespmem:$0x2600] =	vst v63  }
0x87: {  	_ = 	snop  }
0x88: {  	[tilespmem:s29], [sflag:$0x1] =	stream.indirect.gather [hbm4b:s4+s23], $0x1, s28, s23, $0xb8;
	[tilespmem:$0x2600] =	vst v63  }
0x89: {  	_ = 	snop  }
0x8a: {  	[tilespmem:s31], [sflag:$0x1] =	stream.indirect.gather [hbm4b:s4+s23], $0x1, s30, s23, $0xb8;
	[tilespmem:$0x2600] =	vst v63  }
0x8b: {  	s21 =	rddreg [dreg:$0x18]  }
0x8c: {  	[tilespmem:s0], [sflag:$0x4] =	stream.linear.gather [hbm4b:s21+s2], $0x400, $0x38;
	[tilespmem:$0x2600] =	vst v63  }
0x8d: {  	_ =	swait.ge [sflag:s6], $0x400  }
0x8e: {  	[sflag:s6] =	ssyncset.done $0x0  }
0x8f: {  	[sflag:s6] =	ssyncadd.s32 $0xFFFFFC00  }
0x90: {  	[tilespmem:s7], [sflag:$0x2] =	stream.indirect.gather [hbm4b:s4+s23], $0x1, s0, s23, $0xb8;
	[tilespmem:$0x2600] =	vst v63  }
0x91: {  	s24 =	rddreg [dreg:$0x5]  }
0x92: {  	[tilespmem:s8], [sflag:$0x2] =	stream.indirect.gather [hbm4b:s4+s23], $0x1, s24, s23, $0xb8;
	[tilespmem:$0x2600] =	vst v63  }
0x93: {  	s5 =	rddreg [dreg:$0x6]  }
0x94: {  	[tilespmem:s9], [sflag:$0x2] =	stream.indirect.gather [hbm4b:s4+s23], $0x1, s5, s23, $0xb8;
	[tilespmem:$0x2600] =	vst v63  }
0x95: {  	s21 =	rddreg [dreg:$0x7]  }
0x96: {  	[tilespmem:s10], [sflag:$0x2] =	stream.indirect.gather [hbm4b:s4+s23], $0x1, s21, s23, $0xb8;
	[tilespmem:$0x2600] =	vst v63  }
0x97: {  	_ =	swait.ge [sflag:s3], $0x80  }
0x98: {  	[sflag:s3] =	ssyncset.done $0x0  }
0x99: {  	[sflag:s3] =	ssyncadd.s32 $0xFFFFFF80  }
0x9a: {  	_ =	swait.ge [sflag:s3], $0x80  }
0x9b: {  	[sflag:s3] =	ssyncset.done $0x0  }
0x9c: {  	[sflag:s3] =	ssyncadd.s32 $0xFFFFFF80  }
0x9d: {  	_ =	swait.ge [sflag:s3], $0x80  }
0x9e: {  	[sflag:s3] =	ssyncset.done $0x0  }
0x9f: {  	[sflag:s3] =	ssyncadd.s32 $0xFFFFFF80  }
0xa0: {  	_ =	swait.ge [sflag:s3], $0x80  }
0xa1: {  	[sflag:s3] =	ssyncset.done $0x0  }
0xa2: {  	s24 =	rddreg [dreg:$0x8];
	[sflag:s3] =	ssyncadd.s32 $0xFFFFFF80  }
0xa3: {  	[spmem:s1] =	stream.indirect.scatter.add.f32 [tilespmem:s25], [sflag:$0x5], $0x1, s24, s23, $0xb8;
	[tilespmem:$0x2600] =	vst v63  }
0xa4: {  	_ =	swait.ge [sflag:s11], $0x80  }
0xa5: {  	[sflag:s11] =	ssyncset.done $0x0  }
0xa6: {  	[sflag:s11] =	ssyncadd.s32 $0xFFFFFF80  }
0xa7: {  	[spmem:s1] =	stream.indirect.scatter.add.f32 [tilespmem:s26], [sflag:$0x5], $0x1, s12, s23, $0xb8;
	[tilespmem:$0x2600] =	vst v63  }
0xa8: {  	_ =	swait.ge [sflag:s11], $0x80  }
0xa9: {  	[sflag:s11] =	ssyncset.done $0x0  }
0xaa: {  	[sflag:s11] =	ssyncadd.s32 $0xFFFFFF80  }
0xab: {  	[spmem:s1] =	stream.indirect.scatter.add.f32 [tilespmem:s29], [sflag:$0x5], $0x1, s13, s23, $0xb8;
	[tilespmem:$0x2600] =	vst v63  }
0xac: {  	_ =	swait.ge [sflag:s11], $0x80  }
0xad: {  	[sflag:s11] =	ssyncset.done $0x0  }
0xae: {  	[sflag:s11] =	ssyncadd.s32 $0xFFFFFF80  }
0xaf: {  	[spmem:s1] =	stream.indirect.scatter.add.f32 [tilespmem:s31], [sflag:$0x5], $0x1, s14, s23, $0xb8;
	[tilespmem:$0x2600] =	vst v63  }
0xb0: {  	_ =	swait.ge [sflag:s11], $0x80  }
0xb1: {  	s5 =	rddreg [dreg:$0x4];
	[sflag:s11] =	ssyncset.done $0x0  }
0xb2: {  	[sflag:s11] =	ssyncadd.s32 $0xFFFFFF80;
	s19 =	sadd.s32 $0x0, s5  }
0xb3: {  	[tilespmem:s2], [sflag:$0x3] =	stream.linear.gather [hbm4b:s19+s2], $0x400, $0x38;
	[tilespmem:$0x2600] =	vst v63  }
0xb4: {  	_ =	swait.ge [sflag:s15], $0x80  }
0xb5: {  	[sflag:s15] =	ssyncset.done $0x0  }
0xb6: {  	[sflag:s15] =	ssyncadd.s32 $0xFFFFFF80  }
0xb7: {  	_ =	swait.ge [sflag:s15], $0x80  }
0xb8: {  	[sflag:s15] =	ssyncset.done $0x0  }
0xb9: {  	[sflag:s15] =	ssyncadd.s32 $0xFFFFFF80  }
0xba: {  	_ =	swait.ge [sflag:s15], $0x80  }
0xbb: {  	[sflag:s15] =	ssyncset.done $0x0  }
0xbc: {  	[sflag:s15] =	ssyncadd.s32 $0xFFFFFF80  }
0xbd: {  	_ =	swait.ge [sflag:s15], $0x80  }
0xbe: {  	[sflag:s15] =	ssyncset.done $0x0  }
0xbf: {  	[sflag:s15] =	ssyncadd.s32 $0xFFFFFF80  }
0xc0: {  	[spmem:s1] =	stream.indirect.scatter.add.f32 [tilespmem:s7], [sflag:$0x5], $0x1, s16, s23, $0xb8;
	[tilespmem:$0x2600] =	vst v63  }
0xc1: {  	_ =	swait.ge [sflag:s11], $0x80  }
0xc2: {  	[sflag:s11] =	ssyncset.done $0x0  }
0xc3: {  	[sflag:s11] =	ssyncadd.s32 $0xFFFFFF80  }
0xc4: {  	[spmem:s1] =	stream.indirect.scatter.add.f32 [tilespmem:s8], [sflag:$0x5], $0x1, s17, s23, $0xb8;
	[tilespmem:$0x2600] =	vst v63  }
0xc5: {  	_ =	swait.ge [sflag:s11], $0x80  }
0xc6: {  	[sflag:s11] =	ssyncset.done $0x0  }
0xc7: {  	[sflag:s11] =	ssyncadd.s32 $0xFFFFFF80  }
0xc8: {  	[spmem:s1] =	stream.indirect.scatter.add.f32 [tilespmem:s9], [sflag:$0x5], $0x1, s18, s23, $0xb8;
	[tilespmem:$0x2600] =	vst v63  }
0xc9: {  	_ =	swait.ge [sflag:s11], $0x80  }
0xca: {  	[sflag:s11] =	ssyncset.done $0x0  }
0xcb: {  	[sflag:s11] =	ssyncadd.s32 $0xFFFFFF80  }
0xcc: {  	[spmem:s1] =	stream.indirect.scatter.add.f32 [tilespmem:s10], [sflag:$0x5], $0x1, s20, s23, $0xb8;
	[tilespmem:$0x2600] =	vst v63  }
0xcd: {  	_ =	swait.ge [sflag:s11], $0x80  }
0xce: {  	[sflag:s11] =	ssyncset.done $0x0  }
0xcf: {  	[sflag:s11] =	ssyncadd.s32 $0xFFFFFF80  }
0xd0: {  	_ =	swait.ge [sflag:s22], $0x400  }
0xd1: {  	[sflag:s22] =	ssyncset.done $0x0  }
0xd2: {  	[sflag:s22] =	ssyncadd.s32 $0xFFFFFC00  }
0xd3: {  	[tilespmem:s25], [sflag:$0x1] =	stream.indirect.gather [hbm4b:s4+s23], $0x1, s2, s23, $0xb8;
	[tilespmem:$0x2600] =	vst v63  }
0xd4: {  	_ = 	snop  }
0xd5: {  	[tilespmem:s26], [sflag:$0x1] =	stream.indirect.gather [hbm4b:s4+s23], $0x1, s23, s23, $0xb8;
	[tilespmem:$0x2600] =	vst v63  }
0xd6: {  	s21 =	rddreg [dreg:$0x3]  }
0xd7: {  	[tilespmem:s29], [sflag:$0x1] =	stream.indirect.gather [hbm4b:s4+s23], $0x1, s28, s23, $0xb8;
	[tilespmem:$0x2600] =	vst v63  }
0xd8: {  	s19 =	simm.s32 $0x100;
	s24 =	sadd.s32 $0x0, s21  }
0xd9: {  	[tilespmem:s31], [sflag:$0x1] =	stream.indirect.gather [hbm4b:s4+s23], $0x1, s30, s23, $0xb8;
	[tilespmem:$0x2600] =	vst v63  }
.LBB2_2:
0xda: {  	[tilespmem:s0], [sflag:$0x4] =	stream.linear.gather [hbm4b:s24+s2], $0x400, $0x38;
	[tilespmem:$0x2600] =	vst v63  }
0xdb: {  	_ =	swait.ge [sflag:s6], $0x400  }
0xdc: {  	[sflag:s6] =	ssyncset.done $0x0  }
0xdd: {  	[sflag:s6] =	ssyncadd.s32 $0xFFFFFC00  }
0xde: {  	[tilespmem:s7], [sflag:$0x2] =	stream.indirect.gather [hbm4b:s4+s23], $0x1, s0, s23, $0xb8;
	[tilespmem:$0x2600] =	vst v63  }
0xdf: {  	s5 =	rddreg [dreg:$0x5]  }
0xe0: {  	[tilespmem:s8], [sflag:$0x2] =	stream.indirect.gather [hbm4b:s4+s23], $0x1, s5, s23, $0xb8;
	[tilespmem:$0x2600] =	vst v63  }
0xe1: {  	s21 =	rddreg [dreg:$0x6]  }
0xe2: {  	[tilespmem:s9], [sflag:$0x2] =	stream.indirect.gather [hbm4b:s4+s23], $0x1, s21, s23, $0xb8;
	[tilespmem:$0x2600] =	vst v63  }
0xe3: {  	s5 =	rddreg [dreg:$0x7]  }
0xe4: {  	[tilespmem:s10], [sflag:$0x2] =	stream.indirect.gather [hbm4b:s4+s23], $0x1, s5, s23, $0xb8;
	[tilespmem:$0x2600] =	vst v63  }
0xe5: {  	_ =	swait.ge [sflag:s3], $0x80  }
0xe6: {  	[sflag:s3] =	ssyncset.done $0x0  }
0xe7: {  	[sflag:s3] =	ssyncadd.s32 $0xFFFFFF80  }
0xe8: {  	_ =	swait.ge [sflag:s3], $0x80  }
0xe9: {  	[sflag:s3] =	ssyncset.done $0x0  }
0xea: {  	[sflag:s3] =	ssyncadd.s32 $0xFFFFFF80  }
0xeb: {  	_ =	swait.ge [sflag:s3], $0x80  }
0xec: {  	[sflag:s3] =	ssyncset.done $0x0  }
0xed: {  	[sflag:s3] =	ssyncadd.s32 $0xFFFFFF80  }
0xee: {  	_ =	swait.ge [sflag:s3], $0x80  }
0xef: {  	[sflag:s3] =	ssyncset.done $0x0  }
0xf0: {  	s21 =	rddreg [dreg:$0x8];
	[sflag:s3] =	ssyncadd.s32 $0xFFFFFF80  }
0xf1: {  	[spmem:s1] =	stream.indirect.scatter.add.f32 [tilespmem:s25], [sflag:$0x5], $0x1, s21, s23, $0xb8;
	[tilespmem:$0x2600] =	vst v63  }
0xf2: {  	_ =	swait.ge [sflag:s11], $0x80  }
0xf3: {  	[sflag:s11] =	ssyncset.done $0x0  }
0xf4: {  	[sflag:s11] =	ssyncadd.s32 $0xFFFFFF80  }
0xf5: {  	[spmem:s1] =	stream.indirect.scatter.add.f32 [tilespmem:s26], [sflag:$0x5], $0x1, s12, s23, $0xb8;
	[tilespmem:$0x2600] =	vst v63  }
0xf6: {  	_ =	swait.ge [sflag:s11], $0x80  }
0xf7: {  	[sflag:s11] =	ssyncset.done $0x0  }
0xf8: {  	[sflag:s11] =	ssyncadd.s32 $0xFFFFFF80  }
0xf9: {  	[spmem:s1] =	stream.indirect.scatter.add.f32 [tilespmem:s29], [sflag:$0x5], $0x1, s13, s23, $0xb8;
	[tilespmem:$0x2600] =	vst v63  }
0xfa: {  	_ =	swait.ge [sflag:s11], $0x80  }
0xfb: {  	[sflag:s11] =	ssyncset.done $0x0  }
0xfc: {  	[sflag:s11] =	ssyncadd.s32 $0xFFFFFF80  }
0xfd: {  	[spmem:s1] =	stream.indirect.scatter.add.f32 [tilespmem:s31], [sflag:$0x5], $0x1, s14, s23, $0xb8;
	[tilespmem:$0x2600] =	vst v63  }
0xfe: {  	_ =	swait.ge [sflag:s11], $0x80  }
0xff: {  	s24 =	smov.u32 s19;
	s21 =	rddreg [dreg:$0x4];
	[sflag:s11] =	ssyncset.done $0x0  }
0x100: {  	[sflag:s11] =	ssyncadd.s32 $0xFFFFFF80;
	s5 =	sadd.s32 s24, s21  }
0x101: {  	[tilespmem:s2], [sflag:$0x3] =	stream.linear.gather [hbm4b:s5+s2], $0x400, $0x38;
	[tilespmem:$0x2600] =	vst v63  }
0x102: {  	_ =	swait.ge [sflag:s15], $0x80  }
0x103: {  	[sflag:s15] =	ssyncset.done $0x0  }
0x104: {  	[sflag:s15] =	ssyncadd.s32 $0xFFFFFF80  }
0x105: {  	_ =	swait.ge [sflag:s15], $0x80  }
0x106: {  	[sflag:s15] =	ssyncset.done $0x0  }
0x107: {  	[sflag:s15] =	ssyncadd.s32 $0xFFFFFF80  }
0x108: {  	_ =	swait.ge [sflag:s15], $0x80  }
0x109: {  	[sflag:s15] =	ssyncset.done $0x0  }
0x10a: {  	[sflag:s15] =	ssyncadd.s32 $0xFFFFFF80  }
0x10b: {  	_ =	swait.ge [sflag:s15], $0x80  }
0x10c: {  	[sflag:s15] =	ssyncset.done $0x0  }
0x10d: {  	[sflag:s15] =	ssyncadd.s32 $0xFFFFFF80  }
0x10e: {  	[spmem:s1] =	stream.indirect.scatter.add.f32 [tilespmem:s7], [sflag:$0x5], $0x1, s16, s23, $0xb8;
	[tilespmem:$0x2600] =	vst v63  }
0x10f: {  	_ =	swait.ge [sflag:s11], $0x80  }
0x110: {  	[sflag:s11] =	ssyncset.done $0x0  }
0x111: {  	[sflag:s11] =	ssyncadd.s32 $0xFFFFFF80  }
0x112: {  	[spmem:s1] =	stream.indirect.scatter.add.f32 [tilespmem:s8], [sflag:$0x5], $0x1, s17, s23, $0xb8;
	[tilespmem:$0x2600] =	vst v63  }
0x113: {  	_ =	swait.ge [sflag:s11], $0x80  }
0x114: {  	[sflag:s11] =	ssyncset.done $0x0  }
0x115: {  	[sflag:s11] =	ssyncadd.s32 $0xFFFFFF80  }
0x116: {  	[spmem:s1] =	stream.indirect.scatter.add.f32 [tilespmem:s9], [sflag:$0x5], $0x1, s18, s23, $0xb8;
	[tilespmem:$0x2600] =	vst v63  }
0x117: {  	_ =	swait.ge [sflag:s11], $0x80  }
0x118: {  	[sflag:s11] =	ssyncset.done $0x0  }
0x119: {  	[sflag:s11] =	ssyncadd.s32 $0xFFFFFF80  }
0x11a: {  	[spmem:s1] =	stream.indirect.scatter.add.f32 [tilespmem:s10], [sflag:$0x5], $0x1, s20, s23, $0xb8;
	[tilespmem:$0x2600] =	vst v63  }
0x11b: {  	_ =	swait.ge [sflag:s11], $0x80  }
0x11c: {  	[sflag:s11] =	ssyncset.done $0x0  }
0x11d: {  	[sflag:s11] =	ssyncadd.s32 $0xFFFFFF80  }
0x11e: {  	_ =	swait.ge [sflag:s22], $0x400  }
0x11f: {  	[sflag:s22] =	ssyncset.done $0x0  }
0x120: {  	[sflag:s22] =	ssyncadd.s32 $0xFFFFFC00  }
0x121: {  	[tilespmem:s25], [sflag:$0x1] =	stream.indirect.gather [hbm4b:s4+s23], $0x1, s2, s23, $0xb8;
	[tilespmem:$0x2600] =	vst v63  }
0x122: {  	p1 =	sne.s32 s19, $0x6100  }
0x123: {  	[tilespmem:s26], [sflag:$0x1] =	stream.indirect.gather [hbm4b:s4+s23], $0x1, s23, s23, $0xb8;
	[tilespmem:$0x2600] =	vst v63  }
.Ltmp0:
0x124: {  	_ = 	snop;
	(pc) =	sbr.rel @p1 .LBB2_2-.Ltmp0, $4  }
0x125: {  	s21 =	rddreg [dreg:$0x3]  }
0x126: {  	[tilespmem:s29], [sflag:$0x1] =	stream.indirect.gather [hbm4b:s4+s23], $0x1, s28, s23, $0xb8;
	[tilespmem:$0x2600] =	vst v63  }
0x127: {  	s19 =	sadd.s32 $0x100, s19;
	s24 =	sadd.s32 s24, s21  }
0x128: {  	[tilespmem:s31], [sflag:$0x1] =	stream.indirect.gather [hbm4b:s4+s23], $0x1, s30, s23, $0xb8;
	[tilespmem:$0x2600] =	vst v63  }
0x129: {  	[tilespmem:s0], [sflag:$0x4] =	stream.linear.gather [hbm4b:s24+s2], $0x400, $0x38;
	[tilespmem:$0x2600] =	vst v63  }
0x12a: {  	_ =	swait.ge [sflag:s3], $0x80  }
0x12b: {  	[sflag:s3] =	ssyncset.done $0x0  }
0x12c: {  	[sflag:s3] =	ssyncadd.s32 $0xFFFFFF80  }
0x12d: {  	_ =	swait.ge [sflag:s3], $0x80  }
0x12e: {  	[sflag:s3] =	ssyncset.done $0x0  }
0x12f: {  	[sflag:s3] =	ssyncadd.s32 $0xFFFFFF80  }
0x130: {  	_ =	swait.ge [sflag:s3], $0x80  }
0x131: {  	[sflag:s3] =	ssyncset.done $0x0  }
0x132: {  	[sflag:s3] =	ssyncadd.s32 $0xFFFFFF80  }
0x133: {  	_ =	swait.ge [sflag:s3], $0x80  }
0x134: {  	[sflag:s3] =	ssyncset.done $0x0  }
0x135: {  	[sflag:s3] =	ssyncadd.s32 $0xFFFFFF80  }
0x136: {  	_ =	swait.ge [sflag:s6], $0x400  }
0x137: {  	[sflag:s6] =	ssyncset.done $0x0  }
0x138: {  	[sflag:s6] =	ssyncadd.s32 $0xFFFFFC00  }
0x139: {  	s5 =	stileid.u32;
	[bflag:$0x0] =	sbarrier.arrive $0xFFFF  }
0x13a: {  	s5 =	sshll.u32 s5, $0x6;
	s24 =	rddreg [dreg:$0x9]  }
0x13b: {  	s5 =	sor.u32 $0x1C05, s5;
	s21 =	rddreg [dreg:$0x1a];
	s19 =	sshrl.u32 s24, $0x3  }
0x13c: {  	[hbm:s21], [sflag:s5] =	dma.local [spmem:s19], $0x340  }
0x13d: {  	_ =	swait.ge [sflag:s11], $0x340  }
0x13e: {  	s5 =	rddreg [dreg:$0x1b]  }
0x13f: {  	s21 =	rddreg [dreg:$0x19];
	s19 =	sadd.s32 $0x1, s5  }
0x140: {  	p1 =	sne.s32 s19, s21  }
.Ltmp1:
0x141: {  	_ = 	snop;
	(pc) =	sbr.rel @p1 .LBB2_1-.Ltmp1, $3  }
0x142: {  	_ =	sdelay $0x1  }
0x143: {  	[sflag:s11] =	ssyncset.done $0x0  }
0x144: {  	[sflag:s11] =	ssyncadd.s32 $0xFFFFFCC0  }
0x145: {  	_ =	sfence.sel $0x180000  }
0x146: {  	[bflag:$0x0] =	sbarrier.arrive $0xFFFF  }
0x147: {  	_ =	strace $0x90000050  }
0x148: {  	s0 =	stileid.u32;
	[bflag:$0x2] =	sbarrier.arrive $0xFFFF  }
0x149: {  	p0 =	sne.s32 s0, $0x0;
	s0 =	rddreg [dreg:$0x2]  }
0x14a: {  	s0 =	sadd.s32 @!p0 $0x100000, s0  }
0x14b: {  	[sflag:s0] =	ssyncadd.tile.s32 @!p0 $0x1;
	_ =	shalt  }
.Lfunc_end2:
_tile_overlayer_lowered:
.L_overlay_start_2:
0x14c: {  	(tag) =	ssettag $0x2  }
0x14d: {  	s0 =	rddreg [dreg:$0x0];
	s2 =	stileid.u32  }
0x14e: {  	s1 =	rddreg [dreg:$0x1];
	p0 =	sne.s32 s2, $0x0  }
0x14f: {  	s3 =	rddreg [dreg:$0x2];
	[bflag:$0x3] =	sbarrier.arrive $0xFFFF;
	s2 =	simm.s32 @!p0 $0x1C05  }
0x150: {  	[timem:s3], [sflag:s2] =	dma.local @!p0 [hbm:s0], s1  }
0x151: {  	s0 =	simm.s32 @!p0 $0x5  }
0x152: {  	_ =	swait.ge @!p0 [sflag:s0], s1  }
0x153: {  	s1 =	ssub.s32 @!p0 $0x0, s1;
	[sflag:s0] =	ssyncset.done @!p0 $0x0  }
0x154: {  	[sflag:s0] =	ssyncadd.s32 @!p0 s1  }
0x155: {  	[bflag:$0x3] =	sbarrier.arrive $0xFFFF  }
0x156: {  	_ =	shalt  }

</sc_bundles>
